<compile_context>
chip_gen: v7x
topology: tpu7x:2x2x1
jax: 0.10.2.dev20260603
libtpu: 0.0.44.dev20260713+nightly
codegen_flags: <defaults>
</compile_context>

<pallas_src>
import functools

import jax
import jax.numpy as jnp
from jax import lax
from jax.experimental import pallas as pl
from jax.experimental.pallas import tpu as pltpu
from jax.experimental.pallas import tpu_sc as plsc

_KS2INV = 1.0 / (0.2 * 0.2)


def _b16(a):
    return a.astype(jnp.bfloat16)


def _dot16(a, b):
    return lax.dot_general(_b16(a), _b16(b), (((1,), (0,)), ((), ())),
                           preferred_element_type=jnp.float32)
_NC = 2
_NS = 16
_NW = _NC * _NS
_TW = 128


def _cdiv(a, b):
    return -(-a // b)


def _sc_gather(table, idx2d, np_rows):
    k = idx2d.shape[1]
    bpw = np_rows * k // _NW
    ch = 128
    nc = _cdiv(bpw, ch)
    b_pad = _NW * nc * ch

    flat = jnp.pad(idx2d.astype(jnp.int32), ((0, np_rows - idx2d.shape[0]), (0, 0))).reshape(-1)
    flat = jnp.pad(flat, (0, b_pad - flat.shape[0]))

    mesh = plsc.VectorSubcoreMesh(core_axis_name="c", subcore_axis_name="s")

    @functools.partial(
        pl.kernel, mesh=mesh,
        out_type=jax.ShapeDtypeStruct((b_pad, _TW), jnp.float32),
        scratch_types=[
            pltpu.VMEM((ch,), jnp.int32),
            pltpu.VMEM((ch, _TW), jnp.float32),
            pltpu.SemaphoreType.DMA,
        ],
    )
    def gather_k(idx_hbm, table_hbm, out_hbm, idx_v, rows_v, sem):
        wid = lax.axis_index("s") * _NC + lax.axis_index("c")
        base = wid * (nc * ch)

        def body(c, carry):
            off = base + c * ch
            pltpu.sync_copy(idx_hbm.at[pl.ds(off, ch)], idx_v)
            pltpu.async_copy(table_hbm.at[idx_v], rows_v, sem).wait()
            pltpu.sync_copy(rows_v, out_hbm.at[pl.ds(off, ch)])
            return carry

        lax.fori_loop(0, nc, body, 0)

    return gather_k(flat, table)


def _gib_tc(rows, dst, obs, W, b, c_in, feat_off, nb, k, s_mode="2x8"):
    np_rows = dst.shape[0]
    c_out = W.shape[1]
    grid = np_rows // nb

    def body(rows_ref, dst_ref, obs_ref, w_ref, b_ref, out_ref):
        r3 = rows_ref[...].reshape(nb, k, _TW)
        nbc = r3[:, :, 0:3]
        nbf = r3[:, :, feat_off:feat_off + c_in]
        dstb = dst_ref[...]
        rel = (nbc - dstb[:, None, 0:3]).reshape(nb * k, 3)
        proj = lax.dot_general(_b16(rel), _b16(obs_ref[...]), (((1,), (1,)), ((), ())),
                               preferred_element_type=jnp.float32)
        logit = (-_KS2INV) * proj * proj
        l3 = logit.reshape(nb, k, 8)
        m = jnp.max(l3, axis=1, keepdims=True)
        e = jnp.exp(l3 - m)
        if s_mode == "2x8":
            h1 = e[:, 0, :]
            for kk in range(1, 8):
                h1 = h1 + e[:, kk, :]
            h2 = e[:, 8, :]
            for kk in range(9, 16):
                h2 = h2 + e[:, kk, :]
            s = (h1 + h2)[:, None, :]
        else:
            h1 = e[:, 0, :]
            for kk in range(1, 16):
                h1 = h1 + e[:, kk, :]
            s = h1[:, None, :]
        wgt = _b16(e / s).astype(jnp.float32)
        nbf16 = _b16(nbf).astype(jnp.float32)
        parts = [jnp.sum(wgt[:, :, o:o + 1] * nbf16, axis=1) for o in range(8)]
        agg = jnp.concatenate(parts, axis=-1)
        outf = _dot16(agg, w_ref[...]) + b_ref[...]
        outf = jnp.maximum(outf, 0.0)
        pad = jnp.zeros((nb, _TW - 16 - c_out), jnp.float32)
        out_ref[...] = jnp.concatenate([dstb[:, 0:16], outf, pad], axis=-1)

    return pl.pallas_call(
        body,
        grid=(grid,),
        in_specs=[
            pl.BlockSpec((nb * k, _TW), lambda i: (i, 0)),
            pl.BlockSpec((nb, _TW), lambda i: (i, 0)),
            pl.BlockSpec((8, 3), lambda i: (0, 0)),
            pl.BlockSpec(W.shape, lambda i: (0, 0)),
            pl.BlockSpec((1, c_out), lambda i: (0, 0)),
        ],
        out_specs=pl.BlockSpec((nb, _TW), lambda i: (i, 0)),
        out_shape=jax.ShapeDtypeStruct((np_rows, _TW), jnp.float32),
    )(rows, dst, obs, W, b.reshape(1, c_out))


def _dec_tc(rows, skip, c_in, c_skip, Wd, bd, nb):
    np_rows = skip.shape[0]
    c_out = Wd.shape[1]
    grid = np_rows // nb

    def body(rows_ref, skip_ref, wd_ref, bd_ref, out_ref):
        r3 = rows_ref[...].reshape(nb, 3, _TW)
        nbc = r3[:, :, 0:3]
        nbf = r3[:, :, 16:16 + c_in]
        skipb = skip_ref[...]
        rel = nbc - skipb[:, None, 0:3]
        sq = rel * rel
        dist = jnp.sqrt((sq[:, :, 0] + sq[:, :, 1]) + sq[:, :, 2] + 1e-12)
        w = 1.0 / (dist + 1e-8)
        ws = (w[:, 0] + w[:, 1]) + w[:, 2]
        w = w / ws[:, None]
        pu = w[:, :, None] * nbf
        upf = (pu[:, 0, :] + pu[:, 1, :]) + pu[:, 2, :]
        cat = jnp.concatenate([upf, skipb[:, 16:16 + c_skip]], axis=-1)
        h = _dot16(cat, wd_ref[...]) + bd_ref[...]
        h = jnp.maximum(h, 0.0)
        pad = jnp.zeros((nb, _TW - 16 - c_out), jnp.float32)
        out_ref[...] = jnp.concatenate([skipb[:, 0:16], h, pad], axis=-1)

    return pl.pallas_call(
        body,
        grid=(grid,),
        in_specs=[
            pl.BlockSpec((nb * 3, _TW), lambda i: (i, 0)),
            pl.BlockSpec((nb, _TW), lambda i: (i, 0)),
            pl.BlockSpec(Wd.shape, lambda i: (0, 0)),
            pl.BlockSpec((1, c_out), lambda i: (0, 0)),
        ],
        out_specs=pl.BlockSpec((nb, _TW), lambda i: (i, 0)),
        out_shape=jax.ShapeDtypeStruct((np_rows, _TW), jnp.float32),
    )(rows, skip, Wd, bd.reshape(1, c_out))


def _head_tc(t_d0, Wh1, bh1, gamma, beta, Wh2, bh2, n_valid, nb):
    np_rows = t_d0.shape[0]
    grid = np_rows // nb

    def body1(d0_ref, w_ref, b_ref, h_ref, st_ref):
        i = pl.program_id(0)
        hb = _dot16(d0_ref[...][:, 16:48], w_ref[...]) + b_ref[...]
        h_ref[...] = hb
        ridx = lax.broadcasted_iota(jnp.int32, (nb, 1), 0) + i * nb
        hm = jnp.where(ridx < n_valid, hb, 0.0)
        st = jnp.concatenate([jnp.sum(hm, axis=0, keepdims=True),
                              jnp.sum(hm * hm, axis=0, keepdims=True)], axis=0)

        @pl.when(i == 0)
        def _():
            st_ref[...] = jnp.zeros_like(st_ref)

        st_ref[...] += st

    h, st = pl.pallas_call(
        body1,
        grid=(grid,),
        in_specs=[
            pl.BlockSpec((nb, _TW), lambda i: (i, 0)),
            pl.BlockSpec(Wh1.shape, lambda i: (0, 0)),
            pl.BlockSpec((1, 32), lambda i: (0, 0)),
        ],
        out_specs=[
            pl.BlockSpec((nb, 32), lambda i: (i, 0)),
            pl.BlockSpec((2, 32), lambda i: (0, 0)),
        ],
        out_shape=[
            jax.ShapeDtypeStruct((np_rows, 32), jnp.float32),
            jax.ShapeDtypeStruct((2, 32), jnp.float32),
        ],
    )(t_d0, Wh1, bh1.reshape(1, 32))

    def body2(h_ref, st_ref, g_ref, be_ref, w2_ref, b2_ref, out_ref):
        stv = st_ref[...]
        mu = stv[0:1, :] * (1.0 / n_valid)
        ex2 = stv[1:2, :] * (1.0 / n_valid)
        var = ex2 - mu * mu
        hn = g_ref[...] * (h_ref[...] - mu) / jnp.sqrt(var + 1e-5) + be_ref[...]
        hn = jnp.maximum(hn, 0.0)
        out_ref[...] = _dot16(hn, w2_ref[...]) + b2_ref[...]

    return pl.pallas_call(
        body2,
        grid=(grid,),
        in_specs=[
            pl.BlockSpec((nb, 32), lambda i: (i, 0)),
            pl.BlockSpec((2, 32), lambda i: (0, 0)),
            pl.BlockSpec((1, 32), lambda i: (0, 0)),
            pl.BlockSpec((1, 32), lambda i: (0, 0)),
            pl.BlockSpec(Wh2.shape, lambda i: (0, 0)),
            pl.BlockSpec((1, 13), lambda i: (0, 0)),
        ],
        out_specs=pl.BlockSpec((nb, 13), lambda i: (i, 0)),
        out_shape=jax.ShapeDtypeStruct((np_rows, 13), jnp.float32),
    )(h, st, gamma.reshape(1, 32), beta.reshape(1, 32), Wh2, bh2.reshape(1, 13))


def _padtab(coords, np_rows):
    return jnp.pad(coords, ((0, np_rows - coords.shape[0]), (0, _TW - coords.shape[1])))


def kernel(x, points1, points2, nbr0, nbr1, nbr2, sub0, sub1, up0, up1, obs, We0_0, be0_0, We1_0, be1_0, We1_1, be1_1, We2_0, be2_0, We2_1, be2_1, We2_2, be2_2, Wp0, bp0, Wp1, bp1, Wd1, bd1, Wr1, br1, Wd0, bd0, Wr0, br0, Wh1, bh1, gamma, beta, Wh2, bh2):
    n0, n1, n2 = x.shape[0], points1.shape[0], points2.shape[0]
    nb0, nb1, nb2 = 256, 256, 128
    n0p = _cdiv(n0, nb0) * nb0
    n1p = _cdiv(n1, nb1) * nb1
    n2p = _cdiv(n2, nb2) * nb2

    dst0 = _padtab(x[:, :3], n0p)
    dst1 = _padtab(points1, n1p)
    dst2 = _padtab(points2, n2p)

    g = _sc_gather(dst0, nbr0, n0p)
    t_f0 = _gib_tc(g, dst0, obs, We0_0, be0_0, 3, 0, nb0, 16)

    g = _sc_gather(t_f0, sub0, n1p)
    t_p1 = _gib_tc(g, dst1, obs, Wp0, bp0, 32, 16, nb1, 16)

    g = _sc_gather(t_p1, nbr1, n1p)
    t_f1a = _gib_tc(g, dst1, obs, We1_0, be1_0, 32, 16, nb1, 16)

    g = _sc_gather(t_f1a, nbr1, n1p)
    t_f1 = _gib_tc(g, dst1, obs, We1_1, be1_1, 64, 16, nb1, 16)

    g = _sc_gather(t_f1, sub1, n2p)
    t_p2 = _gib_tc(g, dst2, obs, Wp1, bp1, 64, 16, nb2, 16)

    g = _sc_gather(t_p2, nbr2, n2p)
    t_f2a = _gib_tc(g, dst2, obs, We2_0, be2_0, 64, 16, nb2, 16)

    g = _sc_gather(t_f2a, nbr2, n2p)
    t_f2b = _gib_tc(g, dst2, obs, We2_1, be2_1, 96, 16, nb2, 16)

    g = _sc_gather(t_f2b, nbr2, n2p)
    t_f2 = _gib_tc(g, dst2, obs, We2_2, be2_2, 96, 16, nb2, 16)

    g = _sc_gather(t_f2, up1, n1p)
    t_h1 = _dec_tc(g, t_f1, 96, 64, Wd1, bd1, nb1)
    g = _sc_gather(t_h1, nbr1, n1p)
    t_d1 = _gib_tc(g, dst1, obs, Wr1, br1, 64, 16, nb1, 16)

    g = _sc_gather(t_d1, up0, n0p)
    t_h0 = _dec_tc(g, t_f0, 64, 32, Wd0, bd0, nb0)
    g = _sc_gather(t_h0, nbr0, n0p)
    t_d0 = _gib_tc(g, dst0, obs, Wr0, br0, 32, 16, nb0, 16)

    out = _head_tc(t_d0, Wh1, bh1, gamma, beta, Wh2, bh2, n0, nb0)
    return out[:n0]

# --- scband reference (transcript-rebuilt; emitter-appended) ---
"""Pipeline reference for scband-gibli-net-4337916970040 (READ-ONLY COPY).

The authoritative reference and input builder live on the scoring server;
editing this copy changes nothing except your own understanding.
"""

import jax, jax.numpy as jnp
import numpy as np

KS = 0.2

def _gib(coords, feats, nbr, obs, W, b):
    nbf = feats[nbr]
    nbc = coords[nbr]
    rel = nbc - coords[:, None, :]
    proj = jnp.einsum('nkd,od->nko', rel, obs)
    w = jax.nn.softmax(-(proj ** 2) / (KS ** 2), axis=1)
    agg = jnp.einsum('nko,nkc->noc', w, nbf)
    agg = agg.reshape(agg.shape[0], -1)
    return jax.nn.relu(agg @ W + b)

def _gib_strided(coords_src, feats_src, coords_dst, sub, obs, W, b):
    nbf = feats_src[sub]
    nbc = coords_src[sub]
    rel = nbc - coords_dst[:, None, :]
    proj = jnp.einsum('nkd,od->nko', rel, obs)
    w = jax.nn.softmax(-(proj ** 2) / (KS ** 2), axis=1)
    agg = jnp.einsum('nko,nkc->noc', w, nbf)
    agg = agg.reshape(agg.shape[0], -1)
    return jax.nn.relu(agg @ W + b)

def _decoder(curr_feats, curr_coords, skip_coords, skip_feats, up, nbr, obs, Wd, bd, Wr, br):
    nb = curr_feats[up]
    nbc = curr_coords[up]
    d = jnp.sqrt(jnp.sum((nbc - skip_coords[:, None, :]) ** 2, axis=-1) + 1e-12)
    w = 1.0 / (d + 1e-8)
    w = w / jnp.sum(w, axis=1, keepdims=True)
    upf = jnp.sum(w[..., None] * nb, axis=1)
    cat = jnp.concatenate([upf, skip_feats], axis=-1)
    h = jax.nn.relu(cat @ Wd + bd)
    return _gib(skip_coords, h, nbr, obs, Wr, br)

def setup_inputs(seed: int = 0):
    key = jax.random.key(seed)
    ks = [jax.random.fold_in(key, i) for i in range(32)]
    N0, N1, N2, K, O = 50000, 12500, 3125, 16, 8
    inp = {}
    inp['x'] = jax.random.uniform(ks[0], (N0, 3), dtype=jnp.float32)
    inp['points1'] = jax.random.uniform(ks[1], (N1, 3), dtype=jnp.float32)
    inp['points2'] = jax.random.uniform(ks[2], (N2, 3), dtype=jnp.float32)
    inp['nbr0'] = jax.random.randint(ks[3], (N0, K), 0, N0)
    inp['nbr1'] = jax.random.randint(ks[4], (N1, K), 0, N1)
    inp['nbr2'] = jax.random.randint(ks[5], (N2, K), 0, N2)
    inp['sub0'] = jax.random.randint(ks[6], (N1, K), 0, N0)
    inp['sub1'] = jax.random.randint(ks[7], (N2, K), 0, N1)
    inp['up0'] = jax.random.randint(ks[8], (N0, 3), 0, N1)
    inp['up1'] = jax.random.randint(ks[9], (N1, 3), 0, N2)
    def w(k, shape):
        return jax.random.normal(k, shape, dtype=jnp.float32) * 0.05
    inp['obs'] = w(ks[10], (O, 3))
    inp['We0_0'] = w(ks[11], (O * 3, 32)); inp['be0_0'] = jnp.zeros((32,), jnp.float32)
    inp['We1_0'] = w(ks[12], (O * 32, 64)); inp['be1_0'] = jnp.zeros((64,), jnp.float32)
    inp['We1_1'] = w(ks[13], (O * 64, 64)); inp['be1_1'] = jnp.zeros((64,), jnp.float32)
    inp['We2_0'] = w(ks[14], (O * 64, 96)); inp['be2_0'] = jnp.zeros((96,), jnp.float32)
    inp['We2_1'] = w(ks[15], (O * 96, 96)); inp['be2_1'] = jnp.zeros((96,), jnp.float32)
    inp['We2_2'] = w(ks[16], (O * 96, 96)); inp['be2_2'] = jnp.zeros((96,), jnp.float32)
    inp['Wp0'] = w(ks[17], (O * 32, 32)); inp['bp0'] = jnp.zeros((32,), jnp.float32)
    inp['Wp1'] = w(ks[18], (O * 64, 64)); inp['bp1'] = jnp.zeros((64,), jnp.float32)
    inp['Wd1'] = w(ks[19], (160, 64)); inp['bd1'] = jnp.zeros((64,), jnp.float32)
    inp['Wr1'] = w(ks[20], (O * 64, 64)); inp['br1'] = jnp.zeros((64,), jnp.float32)
    inp['Wd0'] = w(ks[21], (96, 32)); inp['bd0'] = jnp.zeros((32,), jnp.float32)
    inp['Wr0'] = w(ks[22], (O * 32, 32)); inp['br0'] = jnp.zeros((32,), jnp.float32)
    inp['Wh1'] = w(ks[23], (32, 32)); inp['bh1'] = jnp.zeros((32,), jnp.float32)
    inp['gamma'] = jnp.ones((32,), jnp.float32); inp['beta'] = jnp.zeros((32,), jnp.float32)
    inp['Wh2'] = w(ks[24], (32, 13)); inp['bh2'] = jnp.zeros((13,), jnp.float32)
    return inp

def reference(x, points1, points2, nbr0, nbr1, nbr2, sub0, sub1, up0, up1, obs, We0_0, be0_0, We1_0, be1_0, We1_1, be1_1, We2_0, be2_0, We2_1, be2_1, We2_2, be2_2, Wp0, bp0, Wp1, bp1, Wd1, bd1, Wr1, br1, Wd0, bd0, Wr0, br0, Wh1, bh1, gamma, beta, Wh2, bh2):
    coords0 = x[:, :3]
    f0 = _gib(coords0, x, nbr0, obs, We0_0, be0_0)
    p1 = _gib_strided(coords0, f0, points1, sub0, obs, Wp0, bp0)
    f1 = _gib(points1, p1, nbr1, obs, We1_0, be1_0)
    f1 = _gib(points1, f1, nbr1, obs, We1_1, be1_1)
    p2 = _gib_strided(points1, f1, points2, sub1, obs, Wp1, bp1)
    f2 = _gib(points2, p2, nbr2, obs, We2_0, be2_0)
    f2 = _gib(points2, f2, nbr2, obs, We2_1, be2_1)
    f2 = _gib(points2, f2, nbr2, obs, We2_2, be2_2)
    d1 = _decoder(f2, points2, points1, f1, up1, nbr1, obs, Wd1, bd1, Wr1, br1)
    d0 = _decoder(d1, points1, coords0, f0, up0, nbr0, obs, Wd0, bd0, Wr0, br0)
    h = d0 @ Wh1 + bh1
    mu = jnp.mean(h, axis=0)
    var = jnp.var(h, axis=0)
    h = gamma * (h - mu) / jnp.sqrt(var + 1e-5) + beta
    h = jax.nn.relu(h)
    return h @ Wh2 + bh2

if __name__ == "__main__":
    import jax
    _d = setup_inputs()
    print(jax.jit(kernel)(*tuple(_d.values())))

</pallas_src>

<mosaic_0001>
#map = affine_map<(d0, d1) -> (0)>
#map1 = affine_map<(d0, d1) -> (0, 0)>
module attributes {stable_mosaic.version = 14 : i64} {
  func.func @gather_k(%arg0: i32, %arg1: i32, %arg2: memref<200704xi32, #tpu.memory_space<hbm>>, %arg3: memref<50176x128xf32, #tpu.memory_space<hbm>>, %arg4: memref<200704x128xf32, #tpu.memory_space<hbm>>, %arg5: memref<128xi32, #tpu.memory_space<vmem>>, %arg6: memref<128x128xf32, #tpu.memory_space<vmem>>, %arg7: memref<!tpu.dma_semaphore, #tpu.memory_space<semaphore_mem>>) attributes {dimension_semantics = [#tpu.dimension_semantics<core_parallel>, #tpu.dimension_semantics<subcore_parallel>], iteration_bounds = array<i64: 2, 16>, scalar_prefetch = 0 : i64, scratch_operands = 3 : i64, tpu.core_type = #tpu.core_type<sc_vector_subcore>, window_params = [{transform_indices = #map}, {transform_indices = #map1}, {transform_indices = #map1}]} {
    %mul3A = arith.constant 2 : i32
    %mul3A_0 = arith.muli %arg1, %mul3A : i32
    %add3A = arith.addi %mul3A_0, %arg0 : i32
    %mul3A_1 = arith.constant 6272 : i32
    %mul3A_2 = arith.muli %add3A, %mul3A_1 : i32
    %scan3A = arith.constant 0 : i32
    %scan3A_3 = arith.constant 0 : i32
    %scan3A_4 = arith.constant 49 : i32
    %scan3A_5 = arith.addi %scan3A_3, %scan3A_4 : i32
    %scan3A_6 = arith.constant 1 : i32
    scf.for %scan3A_8 = %scan3A_3 to %scan3A_5 step %scan3A_6  : i32 {
      %mul3A_9 = arith.constant 128 : i32
      %mul3A_10 = arith.muli %scan3A_8, %mul3A_9 : i32
      %add3A_11 = arith.addi %mul3A_2, %mul3A_10 : i32
      "tpu.region"() ({
        %run_scoped3A = tpu.sem_alloc : memref<!tpu.dma_semaphore, #tpu.memory_space<semaphore_mem>>
        %dma_start3A_16 = tpu.memref_slice %arg2[%add3A_11] : memref<200704xi32, #tpu.memory_space<hbm>> -> memref<128xi32, #tpu.memory_space<hbm>>
        %dma_start3A_17 = tpu.memref_slice %arg2[%add3A_11] : memref<200704xi32, #tpu.memory_space<hbm>> -> memref<128xi32, #tpu.memory_space<hbm>>
        tpu.enqueue_dma source(%dma_start3A_17 : memref<128xi32, #tpu.memory_space<hbm>>) target(%arg5 : memref<128xi32, #tpu.memory_space<vmem>>) target_semaphore(%run_scoped3A : memref<!tpu.dma_semaphore, #tpu.memory_space<semaphore_mem>>)
        %dma_wait3A_18 = tpu.memref_slice %arg2[%add3A_11] : memref<200704xi32, #tpu.memory_space<hbm>> -> memref<128xi32, #tpu.memory_space<hbm>>
        %dma_wait3A_19 = tpu.memref_slice %arg2[%add3A_11] : memref<200704xi32, #tpu.memory_space<hbm>> -> memref<128xi32, #tpu.memory_space<hbm>>
        tpu.wait_dma2 semaphore(%run_scoped3A : memref<!tpu.dma_semaphore, #tpu.memory_space<semaphore_mem>>) src(%dma_wait3A_19 : memref<128xi32, #tpu.memory_space<hbm>>) dst(%arg5 : memref<128xi32, #tpu.memory_space<vmem>>)
        tpu.yield
      }) : () -> ()
      %dma_start3A = arith.constant 0 : i32
      %dma_start3A_12 = arith.constant 0 : i32
      %dma_start3A_13 = tpu.memref_slice %arg3[%dma_start3A, %dma_start3A_12] : memref<50176x128xf32, #tpu.memory_space<hbm>> -> memref<50176x128xf32, #tpu.memory_space<hbm>>
      tpu.enqueue_indirect_dma source(%dma_start3A_13 : memref<50176x128xf32, #tpu.memory_space<hbm>>) target(%arg6 : memref<128x128xf32, #tpu.memory_space<vmem>>) offsets(%arg5 : memref<128xi32, #tpu.memory_space<vmem>>) semaphore(%arg7 : memref<!tpu.dma_semaphore, #tpu.memory_space<semaphore_mem>>)
      %dma_wait3A = arith.constant 0 : i32
      %dma_wait3A_14 = arith.constant 0 : i32
      %dma_wait3A_15 = tpu.memref_slice %arg3[%dma_wait3A, %dma_wait3A_14] : memref<50176x128xf32, #tpu.memory_space<hbm>> -> memref<50176x128xf32, #tpu.memory_space<hbm>>
      tpu.wait_indirect_dma semaphore(%arg7 : memref<!tpu.dma_semaphore, #tpu.memory_space<semaphore_mem>>) src(%dma_wait3A_15 : memref<50176x128xf32, #tpu.memory_space<hbm>>) dst(%arg6 : memref<128x128xf32, #tpu.memory_space<vmem>>)
      "tpu.region"() ({
        %run_scoped3A = tpu.sem_alloc : memref<!tpu.dma_semaphore, #tpu.memory_space<semaphore_mem>>
        %dma_start3A_16 = arith.constant 0 : i32
        %dma_start3A_17 = tpu.memref_slice %arg4[%add3A_11, %dma_start3A_16] : memref<200704x128xf32, #tpu.memory_space<hbm>> -> memref<128x128xf32, #tpu.memory_space<hbm>>
        %dma_start3A_18 = arith.constant 0 : i32
        %dma_start3A_19 = tpu.memref_slice %arg4[%add3A_11, %dma_start3A_18] : memref<200704x128xf32, #tpu.memory_space<hbm>> -> memref<128x128xf32, #tpu.memory_space<hbm>>
        tpu.enqueue_dma source(%arg6 : memref<128x128xf32, #tpu.memory_space<vmem>>) target(%dma_start3A_19 : memref<128x128xf32, #tpu.memory_space<hbm>>) target_semaphore(%run_scoped3A : memref<!tpu.dma_semaphore, #tpu.memory_space<semaphore_mem>>)
        %dma_wait3A_20 = arith.constant 0 : i32
        %dma_wait3A_21 = tpu.memref_slice %arg4[%add3A_11, %dma_wait3A_20] : memref<200704x128xf32, #tpu.memory_space<hbm>> -> memref<128x128xf32, #tpu.memory_space<hbm>>
        %dma_wait3A_22 = arith.constant 0 : i32
        %dma_wait3A_23 = tpu.memref_slice %arg4[%add3A_11, %dma_wait3A_22] : memref<200704x128xf32, #tpu.memory_space<hbm>> -> memref<128x128xf32, #tpu.memory_space<hbm>>
        tpu.wait_dma2 semaphore(%run_scoped3A : memref<!tpu.dma_semaphore, #tpu.memory_space<semaphore_mem>>) src(%arg6 : memref<128x128xf32, #tpu.memory_space<vmem>>) dst(%dma_wait3A_23 : memref<128x128xf32, #tpu.memory_space<hbm>>)
        tpu.yield
      }) : () -> ()
    }
    %scan3A_7 = arith.constant 49 : i32
    return
  }
}

#map = affine_map<(d0, d1) -> (0)>
#map1 = affine_map<(d0, d1) -> (0, 0)>
module attributes {stable_mosaic.version = 14 : i64} {
  func.func @gather_k(%arg0: i32, %arg1: i32, %arg2: memref<802816xi32, #tpu.memory_space<hbm>>, %arg3: memref<50176x128xf32, #tpu.memory_space<hbm>>, %arg4: memref<802816x128xf32, #tpu.memory_space<hbm>>, %arg5: memref<128xi32, #tpu.memory_space<vmem>>, %arg6: memref<128x128xf32, #tpu.memory_space<vmem>>, %arg7: memref<!tpu.dma_semaphore, #tpu.memory_space<semaphore_mem>>) attributes {dimension_semantics = [#tpu.dimension_semantics<core_parallel>, #tpu.dimension_semantics<subcore_parallel>], iteration_bounds = array<i64: 2, 16>, scalar_prefetch = 0 : i64, scratch_operands = 3 : i64, tpu.core_type = #tpu.core_type<sc_vector_subcore>, window_params = [{transform_indices = #map}, {transform_indices = #map1}, {transform_indices = #map1}]} {
    %mul3A = arith.constant 2 : i32
    %mul3A_0 = arith.muli %arg1, %mul3A : i32
    %add3A = arith.addi %mul3A_0, %arg0 : i32
    %mul3A_1 = arith.constant 25088 : i32
    %mul3A_2 = arith.muli %add3A, %mul3A_1 : i32
    %scan3A = arith.constant 0 : i32
    %scan3A_3 = arith.constant 0 : i32
    %scan3A_4 = arith.constant 196 : i32
    %scan3A_5 = arith.addi %scan3A_3, %scan3A_4 : i32
    %scan3A_6 = arith.constant 1 : i32
    scf.for %scan3A_8 = %scan3A_3 to %scan3A_5 step %scan3A_6  : i32 {
      %mul3A_9 = arith.constant 128 : i32
      %mul3A_10 = arith.muli %scan3A_8, %mul3A_9 : i32
      %add3A_11 = arith.addi %mul3A_2, %mul3A_10 : i32
      "tpu.region"() ({
        %run_scoped3A = tpu.sem_alloc : memref<!tpu.dma_semaphore, #tpu.memory_space<semaphore_mem>>
        %dma_start3A_16 = tpu.memref_slice %arg2[%add3A_11] : memref<802816xi32, #tpu.memory_space<hbm>> -> memref<128xi32, #tpu.memory_space<hbm>>
        %dma_start3A_17 = tpu.memref_slice %arg2[%add3A_11] : memref<802816xi32, #tpu.memory_space<hbm>> -> memref<128xi32, #tpu.memory_space<hbm>>
        tpu.enqueue_dma source(%dma_start3A_17 : memref<128xi32, #tpu.memory_space<hbm>>) target(%arg5 : memref<128xi32, #tpu.memory_space<vmem>>) target_semaphore(%run_scoped3A : memref<!tpu.dma_semaphore, #tpu.memory_space<semaphore_mem>>)
        %dma_wait3A_18 = tpu.memref_slice %arg2[%add3A_11] : memref<802816xi32, #tpu.memory_space<hbm>> -> memref<128xi32, #tpu.memory_space<hbm>>
        %dma_wait3A_19 = tpu.memref_slice %arg2[%add3A_11] : memref<802816xi32, #tpu.memory_space<hbm>> -> memref<128xi32, #tpu.memory_space<hbm>>
        tpu.wait_dma2 semaphore(%run_scoped3A : memref<!tpu.dma_semaphore, #tpu.memory_space<semaphore_mem>>) src(%dma_wait3A_19 : memref<128xi32, #tpu.memory_space<hbm>>) dst(%arg5 : memref<128xi32, #tpu.memory_space<vmem>>)
        tpu.yield
      }) : () -> ()
      %dma_start3A = arith.constant 0 : i32
      %dma_start3A_12 = arith.constant 0 : i32
      %dma_start3A_13 = tpu.memref_slice %arg3[%dma_start3A, %dma_start3A_12] : memref<50176x128xf32, #tpu.memory_space<hbm>> -> memref<50176x128xf32, #tpu.memory_space<hbm>>
      tpu.enqueue_indirect_dma source(%dma_start3A_13 : memref<50176x128xf32, #tpu.memory_space<hbm>>) target(%arg6 : memref<128x128xf32, #tpu.memory_space<vmem>>) offsets(%arg5 : memref<128xi32, #tpu.memory_space<vmem>>) semaphore(%arg7 : memref<!tpu.dma_semaphore, #tpu.memory_space<semaphore_mem>>)
      %dma_wait3A = arith.constant 0 : i32
      %dma_wait3A_14 = arith.constant 0 : i32
      %dma_wait3A_15 = tpu.memref_slice %arg3[%dma_wait3A, %dma_wait3A_14] : memref<50176x128xf32, #tpu.memory_space<hbm>> -> memref<50176x128xf32, #tpu.memory_space<hbm>>
      tpu.wait_indirect_dma semaphore(%arg7 : memref<!tpu.dma_semaphore, #tpu.memory_space<semaphore_mem>>) src(%dma_wait3A_15 : memref<50176x128xf32, #tpu.memory_space<hbm>>) dst(%arg6 : memref<128x128xf32, #tpu.memory_space<vmem>>)
      "tpu.region"() ({
        %run_scoped3A = tpu.sem_alloc : memref<!tpu.dma_semaphore, #tpu.memory_space<semaphore_mem>>
        %dma_start3A_16 = arith.constant 0 : i32
        %dma_start3A_17 = tpu.memref_slice %arg4[%add3A_11, %dma_start3A_16] : memref<802816x128xf32, #tpu.memory_space<hbm>> -> memref<128x128xf32, #tpu.memory_space<hbm>>
        %dma_start3A_18 = arith.constant 0 : i32
        %dma_start3A_19 = tpu.memref_slice %arg4[%add3A_11, %dma_start3A_18] : memref<802816x128xf32, #tpu.memory_space<hbm>> -> memref<128x128xf32, #tpu.memory_space<hbm>>
        tpu.enqueue_dma source(%arg6 : memref<128x128xf32, #tpu.memory_space<vmem>>) target(%dma_start3A_19 : memref<128x128xf32, #tpu.memory_space<hbm>>) target_semaphore(%run_scoped3A : memref<!tpu.dma_semaphore, #tpu.memory_space<semaphore_mem>>)
        %dma_wait3A_20 = arith.constant 0 : i32
        %dma_wait3A_21 = tpu.memref_slice %arg4[%add3A_11, %dma_wait3A_20] : memref<802816x128xf32, #tpu.memory_space<hbm>> -> memref<128x128xf32, #tpu.memory_space<hbm>>
        %dma_wait3A_22 = arith.constant 0 : i32
        %dma_wait3A_23 = tpu.memref_slice %arg4[%add3A_11, %dma_wait3A_22] : memref<802816x128xf32, #tpu.memory_space<hbm>> -> memref<128x128xf32, #tpu.memory_space<hbm>>
        tpu.wait_dma2 semaphore(%run_scoped3A : memref<!tpu.dma_semaphore, #tpu.memory_space<semaphore_mem>>) src(%arg6 : memref<128x128xf32, #tpu.memory_space<vmem>>) dst(%dma_wait3A_23 : memref<128x128xf32, #tpu.memory_space<hbm>>)
        tpu.yield
      }) : () -> ()
    }
    %scan3A_7 = arith.constant 196 : i32
    return
  }
}

#map = affine_map<(d0, d1) -> (0)>
#map1 = affine_map<(d0, d1) -> (0, 0)>
module attributes {stable_mosaic.version = 14 : i64} {
  func.func @gather_k(%arg0: i32, %arg1: i32, %arg2: memref<200704xi32, #tpu.memory_space<hbm>>, %arg3: memref<12544x128xf32, #tpu.memory_space<hbm>>, %arg4: memref<200704x128xf32, #tpu.memory_space<hbm>>, %arg5: memref<128xi32, #tpu.memory_space<vmem>>, %arg6: memref<128x128xf32, #tpu.memory_space<vmem>>, %arg7: memref<!tpu.dma_semaphore, #tpu.memory_space<semaphore_mem>>) attributes {dimension_semantics = [#tpu.dimension_semantics<core_parallel>, #tpu.dimension_semantics<subcore_parallel>], iteration_bounds = array<i64: 2, 16>, scalar_prefetch = 0 : i64, scratch_operands = 3 : i64, tpu.core_type = #tpu.core_type<sc_vector_subcore>, window_params = [{transform_indices = #map}, {transform_indices = #map1}, {transform_indices = #map1}]} {
    %mul3A = arith.constant 2 : i32
    %mul3A_0 = arith.muli %arg1, %mul3A : i32
    %add3A = arith.addi %mul3A_0, %arg0 : i32
    %mul3A_1 = arith.constant 6272 : i32
    %mul3A_2 = arith.muli %add3A, %mul3A_1 : i32
    %scan3A = arith.constant 0 : i32
    %scan3A_3 = arith.constant 0 : i32
    %scan3A_4 = arith.constant 49 : i32
    %scan3A_5 = arith.addi %scan3A_3, %scan3A_4 : i32
    %scan3A_6 = arith.constant 1 : i32
    scf.for %scan3A_8 = %scan3A_3 to %scan3A_5 step %scan3A_6  : i32 {
      %mul3A_9 = arith.constant 128 : i32
      %mul3A_10 = arith.muli %scan3A_8, %mul3A_9 : i32
      %add3A_11 = arith.addi %mul3A_2, %mul3A_10 : i32
      "tpu.region"() ({
        %run_scoped3A = tpu.sem_alloc : memref<!tpu.dma_semaphore, #tpu.memory_space<semaphore_mem>>
        %dma_start3A_16 = tpu.memref_slice %arg2[%add3A_11] : memref<200704xi32, #tpu.memory_space<hbm>> -> memref<128xi32, #tpu.memory_space<hbm>>
        %dma_start3A_17 = tpu.memref_slice %arg2[%add3A_11] : memref<200704xi32, #tpu.memory_space<hbm>> -> memref<128xi32, #tpu.memory_space<hbm>>
        tpu.enqueue_dma source(%dma_start3A_17 : memref<128xi32, #tpu.memory_space<hbm>>) target(%arg5 : memref<128xi32, #tpu.memory_space<vmem>>) target_semaphore(%run_scoped3A : memref<!tpu.dma_semaphore, #tpu.memory_space<semaphore_mem>>)
        %dma_wait3A_18 = tpu.memref_slice %arg2[%add3A_11] : memref<200704xi32, #tpu.memory_space<hbm>> -> memref<128xi32, #tpu.memory_space<hbm>>
        %dma_wait3A_19 = tpu.memref_slice %arg2[%add3A_11] : memref<200704xi32, #tpu.memory_space<hbm>> -> memref<128xi32, #tpu.memory_space<hbm>>
        tpu.wait_dma2 semaphore(%run_scoped3A : memref<!tpu.dma_semaphore, #tpu.memory_space<semaphore_mem>>) src(%dma_wait3A_19 : memref<128xi32, #tpu.memory_space<hbm>>) dst(%arg5 : memref<128xi32, #tpu.memory_space<vmem>>)
        tpu.yield
      }) : () -> ()
      %dma_start3A = arith.constant 0 : i32
      %dma_start3A_12 = arith.constant 0 : i32
      %dma_start3A_13 = tpu.memref_slice %arg3[%dma_start3A, %dma_start3A_12] : memref<12544x128xf32, #tpu.memory_space<hbm>> -> memref<12544x128xf32, #tpu.memory_space<hbm>>
      tpu.enqueue_indirect_dma source(%dma_start3A_13 : memref<12544x128xf32, #tpu.memory_space<hbm>>) target(%arg6 : memref<128x128xf32, #tpu.memory_space<vmem>>) offsets(%arg5 : memref<128xi32, #tpu.memory_space<vmem>>) semaphore(%arg7 : memref<!tpu.dma_semaphore, #tpu.memory_space<semaphore_mem>>)
      %dma_wait3A = arith.constant 0 : i32
      %dma_wait3A_14 = arith.constant 0 : i32
      %dma_wait3A_15 = tpu.memref_slice %arg3[%dma_wait3A, %dma_wait3A_14] : memref<12544x128xf32, #tpu.memory_space<hbm>> -> memref<12544x128xf32, #tpu.memory_space<hbm>>
      tpu.wait_indirect_dma semaphore(%arg7 : memref<!tpu.dma_semaphore, #tpu.memory_space<semaphore_mem>>) src(%dma_wait3A_15 : memref<12544x128xf32, #tpu.memory_space<hbm>>) dst(%arg6 : memref<128x128xf32, #tpu.memory_space<vmem>>)
      "tpu.region"() ({
        %run_scoped3A = tpu.sem_alloc : memref<!tpu.dma_semaphore, #tpu.memory_space<semaphore_mem>>
        %dma_start3A_16 = arith.constant 0 : i32
        %dma_start3A_17 = tpu.memref_slice %arg4[%add3A_11, %dma_start3A_16] : memref<200704x128xf32, #tpu.memory_space<hbm>> -> memref<128x128xf32, #tpu.memory_space<hbm>>
        %dma_start3A_18 = arith.constant 0 : i32
        %dma_start3A_19 = tpu.memref_slice %arg4[%add3A_11, %dma_start3A_18] : memref<200704x128xf32, #tpu.memory_space<hbm>> -> memref<128x128xf32, #tpu.memory_space<hbm>>
        tpu.enqueue_dma source(%arg6 : memref<128x128xf32, #tpu.memory_space<vmem>>) target(%dma_start3A_19 : memref<128x128xf32, #tpu.memory_space<hbm>>) target_semaphore(%run_scoped3A : memref<!tpu.dma_semaphore, #tpu.memory_space<semaphore_mem>>)
        %dma_wait3A_20 = arith.constant 0 : i32
        %dma_wait3A_21 = tpu.memref_slice %arg4[%add3A_11, %dma_wait3A_20] : memref<200704x128xf32, #tpu.memory_space<hbm>> -> memref<128x128xf32, #tpu.memory_space<hbm>>
        %dma_wait3A_22 = arith.constant 0 : i32
        %dma_wait3A_23 = tpu.memref_slice %arg4[%add3A_11, %dma_wait3A_22] : memref<200704x128xf32, #tpu.memory_space<hbm>> -> memref<128x128xf32, #tpu.memory_space<hbm>>
        tpu.wait_dma2 semaphore(%run_scoped3A : memref<!tpu.dma_semaphore, #tpu.memory_space<semaphore_mem>>) src(%arg6 : memref<128x128xf32, #tpu.memory_space<vmem>>) dst(%dma_wait3A_23 : memref<128x128xf32, #tpu.memory_space<hbm>>)
        tpu.yield
      }) : () -> ()
    }
    %scan3A_7 = arith.constant 49 : i32
    return
  }
}

#map = affine_map<(d0, d1) -> (0)>
#map1 = affine_map<(d0, d1) -> (0, 0)>
module attributes {stable_mosaic.version = 14 : i64} {
  func.func @gather_k(%arg0: i32, %arg1: i32, %arg2: memref<200704xi32, #tpu.memory_space<hbm>>, %arg3: memref<12544x128xf32, #tpu.memory_space<hbm>>, %arg4: memref<200704x128xf32, #tpu.memory_space<hbm>>, %arg5: memref<128xi32, #tpu.memory_space<vmem>>, %arg6: memref<128x128xf32, #tpu.memory_space<vmem>>, %arg7: memref<!tpu.dma_semaphore, #tpu.memory_space<semaphore_mem>>) attributes {dimension_semantics = [#tpu.dimension_semantics<core_parallel>, #tpu.dimension_semantics<subcore_parallel>], iteration_bounds = array<i64: 2, 16>, scalar_prefetch = 0 : i64, scratch_operands = 3 : i64, tpu.core_type = #tpu.core_type<sc_vector_subcore>, window_params = [{transform_indices = #map}, {transform_indices = #map1}, {transform_indices = #map1}]} {
    %mul3A = arith.constant 2 : i32
    %mul3A_0 = arith.muli %arg1, %mul3A : i32
    %add3A = arith.addi %mul3A_0, %arg0 : i32
    %mul3A_1 = arith.constant 6272 : i32
    %mul3A_2 = arith.muli %add3A, %mul3A_1 : i32
    %scan3A = arith.constant 0 : i32
    %scan3A_3 = arith.constant 0 : i32
    %scan3A_4 = arith.constant 49 : i32
    %scan3A_5 = arith.addi %scan3A_3, %scan3A_4 : i32
    %scan3A_6 = arith.constant 1 : i32
    scf.for %scan3A_8 = %scan3A_3 to %scan3A_5 step %scan3A_6  : i32 {
      %mul3A_9 = arith.constant 128 : i32
      %mul3A_10 = arith.muli %scan3A_8, %mul3A_9 : i32
      %add3A_11 = arith.addi %mul3A_2, %mul3A_10 : i32
      "tpu.region"() ({
        %run_scoped3A = tpu.sem_alloc : memref<!tpu.dma_semaphore, #tpu.memory_space<semaphore_mem>>
        %dma_start3A_16 = tpu.memref_slice %arg2[%add3A_11] : memref<200704xi32, #tpu.memory_space<hbm>> -> memref<128xi32, #tpu.memory_space<hbm>>
        %dma_start3A_17 = tpu.memref_slice %arg2[%add3A_11] : memref<200704xi32, #tpu.memory_space<hbm>> -> memref<128xi32, #tpu.memory_space<hbm>>
        tpu.enqueue_dma source(%dma_start3A_17 : memref<128xi32, #tpu.memory_space<hbm>>) target(%arg5 : memref<128xi32, #tpu.memory_space<vmem>>) target_semaphore(%run_scoped3A : memref<!tpu.dma_semaphore, #tpu.memory_space<semaphore_mem>>)
        %dma_wait3A_18 = tpu.memref_slice %arg2[%add3A_11] : memref<200704xi32, #tpu.memory_space<hbm>> -> memref<128xi32, #tpu.memory_space<hbm>>
        %dma_wait3A_19 = tpu.memref_slice %arg2[%add3A_11] : memref<200704xi32, #tpu.memory_space<hbm>> -> memref<128xi32, #tpu.memory_space<hbm>>
        tpu.wait_dma2 semaphore(%run_scoped3A : memref<!tpu.dma_semaphore, #tpu.memory_space<semaphore_mem>>) src(%dma_wait3A_19 : memref<128xi32, #tpu.memory_space<hbm>>) dst(%arg5 : memref<128xi32, #tpu.memory_space<vmem>>)
        tpu.yield
      }) : () -> ()
      %dma_start3A = arith.constant 0 : i32
      %dma_start3A_12 = arith.constant 0 : i32
      %dma_start3A_13 = tpu.memref_slice %arg3[%dma_start3A, %dma_start3A_12] : memref<12544x128xf32, #tpu.memory_space<hbm>> -> memref<12544x128xf32, #tpu.memory_space<hbm>>
      tpu.enqueue_indirect_dma source(%dma_start3A_13 : memref<12544x128xf32, #tpu.memory_space<hbm>>) target(%arg6 : memref<128x128xf32, #tpu.memory_space<vmem>>) offsets(%arg5 : memref<128xi32, #tpu.memory_space<vmem>>) semaphore(%arg7 : memref<!tpu.dma_semaphore, #tpu.memory_space<semaphore_mem>>)
      %dma_wait3A = arith.constant 0 : i32
      %dma_wait3A_14 = arith.constant 0 : i32
      %dma_wait3A_15 = tpu.memref_slice %arg3[%dma_wait3A, %dma_wait3A_14] : memref<12544x128xf32, #tpu.memory_space<hbm>> -> memref<12544x128xf32, #tpu.memory_space<hbm>>
      tpu.wait_indirect_dma semaphore(%arg7 : memref<!tpu.dma_semaphore, #tpu.memory_space<semaphore_mem>>) src(%dma_wait3A_15 : memref<12544x128xf32, #tpu.memory_space<hbm>>) dst(%arg6 : memref<128x128xf32, #tpu.memory_space<vmem>>)
      "tpu.region"() ({
        %run_scoped3A = tpu.sem_alloc : memref<!tpu.dma_semaphore, #tpu.memory_space<semaphore_mem>>
        %dma_start3A_16 = arith.constant 0 : i32
        %dma_start3A_17 = tpu.memref_slice %arg4[%add3A_11, %dma_start3A_16] : memref<200704x128xf32, #tpu.memory_space<hbm>> -> memref<128x128xf32, #tpu.memory_space<hbm>>
        %dma_start3A_18 = arith.constant 0 : i32
        %dma_start3A_19 = tpu.memref_slice %arg4[%add3A_11, %dma_start3A_18] : memref<200704x128xf32, #tpu.memory_space<hbm>> -> memref<128x128xf32, #tpu.memory_space<hbm>>
        tpu.enqueue_dma source(%arg6 : memref<128x128xf32, #tpu.memory_space<vmem>>) target(%dma_start3A_19 : memref<128x128xf32, #tpu.memory_space<hbm>>) target_semaphore(%run_scoped3A : memref<!tpu.dma_semaphore, #tpu.memory_space<semaphore_mem>>)
        %dma_wait3A_20 = arith.constant 0 : i32
        %dma_wait3A_21 = tpu.memref_slice %arg4[%add3A_11, %dma_wait3A_20] : memref<200704x128xf32, #tpu.memory_space<hbm>> -> memref<128x128xf32, #tpu.memory_space<hbm>>
        %dma_wait3A_22 = arith.constant 0 : i32
        %dma_wait3A_23 = tpu.memref_slice %arg4[%add3A_11, %dma_wait3A_22] : memref<200704x128xf32, #tpu.memory_space<hbm>> -> memref<128x128xf32, #tpu.memory_space<hbm>>
        tpu.wait_dma2 semaphore(%run_scoped3A : memref<!tpu.dma_semaphore, #tpu.memory_space<semaphore_mem>>) src(%arg6 : memref<128x128xf32, #tpu.memory_space<vmem>>) dst(%dma_wait3A_23 : memref<128x128xf32, #tpu.memory_space<hbm>>)
        tpu.yield
      }) : () -> ()
    }
    %scan3A_7 = arith.constant 49 : i32
    return
  }
}

#map = affine_map<(d0, d1) -> (0)>
#map1 = affine_map<(d0, d1) -> (0, 0)>
module attributes {stable_mosaic.version = 14 : i64} {
  func.func @gather_k(%arg0: i32, %arg1: i32, %arg2: memref<53248xi32, #tpu.memory_space<hbm>>, %arg3: memref<12544x128xf32, #tpu.memory_space<hbm>>, %arg4: memref<53248x128xf32, #tpu.memory_space<hbm>>, %arg5: memref<128xi32, #tpu.memory_space<vmem>>, %arg6: memref<128x128xf32, #tpu.memory_space<vmem>>, %arg7: memref<!tpu.dma_semaphore, #tpu.memory_space<semaphore_mem>>) attributes {dimension_semantics = [#tpu.dimension_semantics<core_parallel>, #tpu.dimension_semantics<subcore_parallel>], iteration_bounds = array<i64: 2, 16>, scalar_prefetch = 0 : i64, scratch_operands = 3 : i64, tpu.core_type = #tpu.core_type<sc_vector_subcore>, window_params = [{transform_indices = #map}, {transform_indices = #map1}, {transform_indices = #map1}]} {
    %mul3A = arith.constant 2 : i32
    %mul3A_0 = arith.muli %arg1, %mul3A : i32
    %add3A = arith.addi %mul3A_0, %arg0 : i32
    %mul3A_1 = arith.constant 1664 : i32
    %mul3A_2 = arith.muli %add3A, %mul3A_1 : i32
    %scan3A = arith.constant 0 : i32
    %scan3A_3 = arith.constant 0 : i32
    %scan3A_4 = arith.constant 13 : i32
    %scan3A_5 = arith.addi %scan3A_3, %scan3A_4 : i32
    %scan3A_6 = arith.constant 1 : i32
    scf.for %scan3A_8 = %scan3A_3 to %scan3A_5 step %scan3A_6  : i32 {
      %mul3A_9 = arith.constant 128 : i32
      %mul3A_10 = arith.muli %scan3A_8, %mul3A_9 : i32
      %add3A_11 = arith.addi %mul3A_2, %mul3A_10 : i32
      "tpu.region"() ({
        %run_scoped3A = tpu.sem_alloc : memref<!tpu.dma_semaphore, #tpu.memory_space<semaphore_mem>>
        %dma_start3A_16 = tpu.memref_slice %arg2[%add3A_11] : memref<53248xi32, #tpu.memory_space<hbm>> -> memref<128xi32, #tpu.memory_space<hbm>>
        %dma_start3A_17 = tpu.memref_slice %arg2[%add3A_11] : memref<53248xi32, #tpu.memory_space<hbm>> -> memref<128xi32, #tpu.memory_space<hbm>>
        tpu.enqueue_dma source(%dma_start3A_17 : memref<128xi32, #tpu.memory_space<hbm>>) target(%arg5 : memref<128xi32, #tpu.memory_space<vmem>>) target_semaphore(%run_scoped3A : memref<!tpu.dma_semaphore, #tpu.memory_space<semaphore_mem>>)
        %dma_wait3A_18 = tpu.memref_slice %arg2[%add3A_11] : memref<53248xi32, #tpu.memory_space<hbm>> -> memref<128xi32, #tpu.memory_space<hbm>>
        %dma_wait3A_19 = tpu.memref_slice %arg2[%add3A_11] : memref<53248xi32, #tpu.memory_space<hbm>> -> memref<128xi32, #tpu.memory_space<hbm>>
        tpu.wait_dma2 semaphore(%run_scoped3A : memref<!tpu.dma_semaphore, #tpu.memory_space<semaphore_mem>>) src(%dma_wait3A_19 : memref<128xi32, #tpu.memory_space<hbm>>) dst(%arg5 : memref<128xi32, #tpu.memory_space<vmem>>)
        tpu.yield
      }) : () -> ()
      %dma_start3A = arith.constant 0 : i32
      %dma_start3A_12 = arith.constant 0 : i32
      %dma_start3A_13 = tpu.memref_slice %arg3[%dma_start3A, %dma_start3A_12] : memref<12544x128xf32, #tpu.memory_space<hbm>> -> memref<12544x128xf32, #tpu.memory_space<hbm>>
      tpu.enqueue_indirect_dma source(%dma_start3A_13 : memref<12544x128xf32, #tpu.memory_space<hbm>>) target(%arg6 : memref<128x128xf32, #tpu.memory_space<vmem>>) offsets(%arg5 : memref<128xi32, #tpu.memory_space<vmem>>) semaphore(%arg7 : memref<!tpu.dma_semaphore, #tpu.memory_space<semaphore_mem>>)
      %dma_wait3A = arith.constant 0 : i32
      %dma_wait3A_14 = arith.constant 0 : i32
      %dma_wait3A_15 = tpu.memref_slice %arg3[%dma_wait3A, %dma_wait3A_14] : memref<12544x128xf32, #tpu.memory_space<hbm>> -> memref<12544x128xf32, #tpu.memory_space<hbm>>
      tpu.wait_indirect_dma semaphore(%arg7 : memref<!tpu.dma_semaphore, #tpu.memory_space<semaphore_mem>>) src(%dma_wait3A_15 : memref<12544x128xf32, #tpu.memory_space<hbm>>) dst(%arg6 : memref<128x128xf32, #tpu.memory_space<vmem>>)
      "tpu.region"() ({
        %run_scoped3A = tpu.sem_alloc : memref<!tpu.dma_semaphore, #tpu.memory_space<semaphore_mem>>
        %dma_start3A_16 = arith.constant 0 : i32
        %dma_start3A_17 = tpu.memref_slice %arg4[%add3A_11, %dma_start3A_16] : memref<53248x128xf32, #tpu.memory_space<hbm>> -> memref<128x128xf32, #tpu.memory_space<hbm>>
        %dma_start3A_18 = arith.constant 0 : i32
        %dma_start3A_19 = tpu.memref_slice %arg4[%add3A_11, %dma_start3A_18] : memref<53248x128xf32, #tpu.memory_space<hbm>> -> memref<128x128xf32, #tpu.memory_space<hbm>>
        tpu.enqueue_dma source(%arg6 : memref<128x128xf32, #tpu.memory_space<vmem>>) target(%dma_start3A_19 : memref<128x128xf32, #tpu.memory_space<hbm>>) target_semaphore(%run_scoped3A : memref<!tpu.dma_semaphore, #tpu.memory_space<semaphore_mem>>)
        %dma_wait3A_20 = arith.constant 0 : i32
        %dma_wait3A_21 = tpu.memref_slice %arg4[%add3A_11, %dma_wait3A_20] : memref<53248x128xf32, #tpu.memory_space<hbm>> -> memref<128x128xf32, #tpu.memory_space<hbm>>
        %dma_wait3A_22 = arith.constant 0 : i32
        %dma_wait3A_23 = tpu.memref_slice %arg4[%add3A_11, %dma_wait3A_22] : memref<53248x128xf32, #tpu.memory_space<hbm>> -> memref<128x128xf32, #tpu.memory_space<hbm>>
        tpu.wait_dma2 semaphore(%run_scoped3A : memref<!tpu.dma_semaphore, #tpu.memory_space<semaphore_mem>>) src(%arg6 : memref<128x128xf32, #tpu.memory_space<vmem>>) dst(%dma_wait3A_23 : memref<128x128xf32, #tpu.memory_space<hbm>>)
        tpu.yield
      }) : () -> ()
    }
    %scan3A_7 = arith.constant 13 : i32
    return
  }
}

#map = affine_map<(d0, d1) -> (0)>
#map1 = affine_map<(d0, d1) -> (0, 0)>
module attributes {stable_mosaic.version = 14 : i64} {
  func.func @gather_k(%arg0: i32, %arg1: i32, %arg2: memref<53248xi32, #tpu.memory_space<hbm>>, %arg3: memref<3200x128xf32, #tpu.memory_space<hbm>>, %arg4: memref<53248x128xf32, #tpu.memory_space<hbm>>, %arg5: memref<128xi32, #tpu.memory_space<vmem>>, %arg6: memref<128x128xf32, #tpu.memory_space<vmem>>, %arg7: memref<!tpu.dma_semaphore, #tpu.memory_space<semaphore_mem>>) attributes {dimension_semantics = [#tpu.dimension_semantics<core_parallel>, #tpu.dimension_semantics<subcore_parallel>], iteration_bounds = array<i64: 2, 16>, scalar_prefetch = 0 : i64, scratch_operands = 3 : i64, tpu.core_type = #tpu.core_type<sc_vector_subcore>, window_params = [{transform_indices = #map}, {transform_indices = #map1}, {transform_indices = #map1}]} {
    %mul3A = arith.constant 2 : i32
    %mul3A_0 = arith.muli %arg1, %mul3A : i32
    %add3A = arith.addi %mul3A_0, %arg0 : i32
    %mul3A_1 = arith.constant 1664 : i32
    %mul3A_2 = arith.muli %add3A, %mul3A_1 : i32
    %scan3A = arith.constant 0 : i32
    %scan3A_3 = arith.constant 0 : i32
    %scan3A_4 = arith.constant 13 : i32
    %scan3A_5 = arith.addi %scan3A_3, %scan3A_4 : i32
    %scan3A_6 = arith.constant 1 : i32
    scf.for %scan3A_8 = %scan3A_3 to %scan3A_5 step %scan3A_6  : i32 {
      %mul3A_9 = arith.constant 128 : i32
      %mul3A_10 = arith.muli %scan3A_8, %mul3A_9 : i32
      %add3A_11 = arith.addi %mul3A_2, %mul3A_10 : i32
      "tpu.region"() ({
        %run_scoped3A = tpu.sem_alloc : memref<!tpu.dma_semaphore, #tpu.memory_space<semaphore_mem>>
        %dma_start3A_16 = tpu.memref_slice %arg2[%add3A_11] : memref<53248xi32, #tpu.memory_space<hbm>> -> memref<128xi32, #tpu.memory_space<hbm>>
        %dma_start3A_17 = tpu.memref_slice %arg2[%add3A_11] : memref<53248xi32, #tpu.memory_space<hbm>> -> memref<128xi32, #tpu.memory_space<hbm>>
        tpu.enqueue_dma source(%dma_start3A_17 : memref<128xi32, #tpu.memory_space<hbm>>) target(%arg5 : memref<128xi32, #tpu.memory_space<vmem>>) target_semaphore(%run_scoped3A : memref<!tpu.dma_semaphore, #tpu.memory_space<semaphore_mem>>)
        %dma_wait3A_18 = tpu.memref_slice %arg2[%add3A_11] : memref<53248xi32, #tpu.memory_space<hbm>> -> memref<128xi32, #tpu.memory_space<hbm>>
        %dma_wait3A_19 = tpu.memref_slice %arg2[%add3A_11] : memref<53248xi32, #tpu.memory_space<hbm>> -> memref<128xi32, #tpu.memory_space<hbm>>
        tpu.wait_dma2 semaphore(%run_scoped3A : memref<!tpu.dma_semaphore, #tpu.memory_space<semaphore_mem>>) src(%dma_wait3A_19 : memref<128xi32, #tpu.memory_space<hbm>>) dst(%arg5 : memref<128xi32, #tpu.memory_space<vmem>>)
        tpu.yield
      }) : () -> ()
      %dma_start3A = arith.constant 0 : i32
      %dma_start3A_12 = arith.constant 0 : i32
      %dma_start3A_13 = tpu.memref_slice %arg3[%dma_start3A, %dma_start3A_12] : memref<3200x128xf32, #tpu.memory_space<hbm>> -> memref<3200x128xf32, #tpu.memory_space<hbm>>
      tpu.enqueue_indirect_dma source(%dma_start3A_13 : memref<3200x128xf32, #tpu.memory_space<hbm>>) target(%arg6 : memref<128x128xf32, #tpu.memory_space<vmem>>) offsets(%arg5 : memref<128xi32, #tpu.memory_space<vmem>>) semaphore(%arg7 : memref<!tpu.dma_semaphore, #tpu.memory_space<semaphore_mem>>)
      %dma_wait3A = arith.constant 0 : i32
      %dma_wait3A_14 = arith.constant 0 : i32
      %dma_wait3A_15 = tpu.memref_slice %arg3[%dma_wait3A, %dma_wait3A_14] : memref<3200x128xf32, #tpu.memory_space<hbm>> -> memref<3200x128xf32, #tpu.memory_space<hbm>>
      tpu.wait_indirect_dma semaphore(%arg7 : memref<!tpu.dma_semaphore, #tpu.memory_space<semaphore_mem>>) src(%dma_wait3A_15 : memref<3200x128xf32, #tpu.memory_space<hbm>>) dst(%arg6 : memref<128x128xf32, #tpu.memory_space<vmem>>)
      "tpu.region"() ({
        %run_scoped3A = tpu.sem_alloc : memref<!tpu.dma_semaphore, #tpu.memory_space<semaphore_mem>>
        %dma_start3A_16 = arith.constant 0 : i32
        %dma_start3A_17 = tpu.memref_slice %arg4[%add3A_11, %dma_start3A_16] : memref<53248x128xf32, #tpu.memory_space<hbm>> -> memref<128x128xf32, #tpu.memory_space<hbm>>
        %dma_start3A_18 = arith.constant 0 : i32
        %dma_start3A_19 = tpu.memref_slice %arg4[%add3A_11, %dma_start3A_18] : memref<53248x128xf32, #tpu.memory_space<hbm>> -> memref<128x128xf32, #tpu.memory_space<hbm>>
        tpu.enqueue_dma source(%arg6 : memref<128x128xf32, #tpu.memory_space<vmem>>) target(%dma_start3A_19 : memref<128x128xf32, #tpu.memory_space<hbm>>) target_semaphore(%run_scoped3A : memref<!tpu.dma_semaphore, #tpu.memory_space<semaphore_mem>>)
        %dma_wait3A_20 = arith.constant 0 : i32
        %dma_wait3A_21 = tpu.memref_slice %arg4[%add3A_11, %dma_wait3A_20] : memref<53248x128xf32, #tpu.memory_space<hbm>> -> memref<128x128xf32, #tpu.memory_space<hbm>>
        %dma_wait3A_22 = arith.constant 0 : i32
        %dma_wait3A_23 = tpu.memref_slice %arg4[%add3A_11, %dma_wait3A_22] : memref<53248x128xf32, #tpu.memory_space<hbm>> -> memref<128x128xf32, #tpu.memory_space<hbm>>
        tpu.wait_dma2 semaphore(%run_scoped3A : memref<!tpu.dma_semaphore, #tpu.memory_space<semaphore_mem>>) src(%arg6 : memref<128x128xf32, #tpu.memory_space<vmem>>) dst(%dma_wait3A_23 : memref<128x128xf32, #tpu.memory_space<hbm>>)
        tpu.yield
      }) : () -> ()
    }
    %scan3A_7 = arith.constant 13 : i32
    return
  }
}

#map = affine_map<(d0, d1) -> (0)>
#map1 = affine_map<(d0, d1) -> (0, 0)>
module attributes {stable_mosaic.version = 14 : i64} {
  func.func @gather_k(%arg0: i32, %arg1: i32, %arg2: memref<53248xi32, #tpu.memory_space<hbm>>, %arg3: memref<3200x128xf32, #tpu.memory_space<hbm>>, %arg4: memref<53248x128xf32, #tpu.memory_space<hbm>>, %arg5: memref<128xi32, #tpu.memory_space<vmem>>, %arg6: memref<128x128xf32, #tpu.memory_space<vmem>>, %arg7: memref<!tpu.dma_semaphore, #tpu.memory_space<semaphore_mem>>) attributes {dimension_semantics = [#tpu.dimension_semantics<core_parallel>, #tpu.dimension_semantics<subcore_parallel>], iteration_bounds = array<i64: 2, 16>, scalar_prefetch = 0 : i64, scratch_operands = 3 : i64, tpu.core_type = #tpu.core_type<sc_vector_subcore>, window_params = [{transform_indices = #map}, {transform_indices = #map1}, {transform_indices = #map1}]} {
    %mul3A = arith.constant 2 : i32
    %mul3A_0 = arith.muli %arg1, %mul3A : i32
    %add3A = arith.addi %mul3A_0, %arg0 : i32
    %mul3A_1 = arith.constant 1664 : i32
    %mul3A_2 = arith.muli %add3A, %mul3A_1 : i32
    %scan3A = arith.constant 0 : i32
    %scan3A_3 = arith.constant 0 : i32
    %scan3A_4 = arith.constant 13 : i32
    %scan3A_5 = arith.addi %scan3A_3, %scan3A_4 : i32
    %scan3A_6 = arith.constant 1 : i32
    scf.for %scan3A_8 = %scan3A_3 to %scan3A_5 step %scan3A_6  : i32 {
      %mul3A_9 = arith.constant 128 : i32
      %mul3A_10 = arith.muli %scan3A_8, %mul3A_9 : i32
      %add3A_11 = arith.addi %mul3A_2, %mul3A_10 : i32
      "tpu.region"() ({
        %run_scoped3A = tpu.sem_alloc : memref<!tpu.dma_semaphore, #tpu.memory_space<semaphore_mem>>
        %dma_start3A_16 = tpu.memref_slice %arg2[%add3A_11] : memref<53248xi32, #tpu.memory_space<hbm>> -> memref<128xi32, #tpu.memory_space<hbm>>
        %dma_start3A_17 = tpu.memref_slice %arg2[%add3A_11] : memref<53248xi32, #tpu.memory_space<hbm>> -> memref<128xi32, #tpu.memory_space<hbm>>
        tpu.enqueue_dma source(%dma_start3A_17 : memref<128xi32, #tpu.memory_space<hbm>>) target(%arg5 : memref<128xi32, #tpu.memory_space<vmem>>) target_semaphore(%run_scoped3A : memref<!tpu.dma_semaphore, #tpu.memory_space<semaphore_mem>>)
        %dma_wait3A_18 = tpu.memref_slice %arg2[%add3A_11] : memref<53248xi32, #tpu.memory_space<hbm>> -> memref<128xi32, #tpu.memory_space<hbm>>
        %dma_wait3A_19 = tpu.memref_slice %arg2[%add3A_11] : memref<53248xi32, #tpu.memory_space<hbm>> -> memref<128xi32, #tpu.memory_space<hbm>>
        tpu.wait_dma2 semaphore(%run_scoped3A : memref<!tpu.dma_semaphore, #tpu.memory_space<semaphore_mem>>) src(%dma_wait3A_19 : memref<128xi32, #tpu.memory_space<hbm>>) dst(%arg5 : memref<128xi32, #tpu.memory_space<vmem>>)
        tpu.yield
      }) : () -> ()
      %dma_start3A = arith.constant 0 : i32
      %dma_start3A_12 = arith.constant 0 : i32
      %dma_start3A_13 = tpu.memref_slice %arg3[%dma_start3A, %dma_start3A_12] : memref<3200x128xf32, #tpu.memory_space<hbm>> -> memref<3200x128xf32, #tpu.memory_space<hbm>>
      tpu.enqueue_indirect_dma source(%dma_start3A_13 : memref<3200x128xf32, #tpu.memory_space<hbm>>) target(%arg6 : memref<128x128xf32, #tpu.memory_space<vmem>>) offsets(%arg5 : memref<128xi32, #tpu.memory_space<vmem>>) semaphore(%arg7 : memref<!tpu.dma_semaphore, #tpu.memory_space<semaphore_mem>>)
      %dma_wait3A = arith.constant 0 : i32
      %dma_wait3A_14 = arith.constant 0 : i32
      %dma_wait3A_15 = tpu.memref_slice %arg3[%dma_wait3A, %dma_wait3A_14] : memref<3200x128xf32, #tpu.memory_space<hbm>> -> memref<3200x128xf32, #tpu.memory_space<hbm>>
      tpu.wait_indirect_dma semaphore(%arg7 : memref<!tpu.dma_semaphore, #tpu.memory_space<semaphore_mem>>) src(%dma_wait3A_15 : memref<3200x128xf32, #tpu.memory_space<hbm>>) dst(%arg6 : memref<128x128xf32, #tpu.memory_space<vmem>>)
      "tpu.region"() ({
        %run_scoped3A = tpu.sem_alloc : memref<!tpu.dma_semaphore, #tpu.memory_space<semaphore_mem>>
        %dma_start3A_16 = arith.constant 0 : i32
        %dma_start3A_17 = tpu.memref_slice %arg4[%add3A_11, %dma_start3A_16] : memref<53248x128xf32, #tpu.memory_space<hbm>> -> memref<128x128xf32, #tpu.memory_space<hbm>>
        %dma_start3A_18 = arith.constant 0 : i32
        %dma_start3A_19 = tpu.memref_slice %arg4[%add3A_11, %dma_start3A_18] : memref<53248x128xf32, #tpu.memory_space<hbm>> -> memref<128x128xf32, #tpu.memory_space<hbm>>
        tpu.enqueue_dma source(%arg6 : memref<128x128xf32, #tpu.memory_space<vmem>>) target(%dma_start3A_19 : memref<128x128xf32, #tpu.memory_space<hbm>>) target_semaphore(%run_scoped3A : memref<!tpu.dma_semaphore, #tpu.memory_space<semaphore_mem>>)
        %dma_wait3A_20 = arith.constant 0 : i32
        %dma_wait3A_21 = tpu.memref_slice %arg4[%add3A_11, %dma_wait3A_20] : memref<53248x128xf32, #tpu.memory_space<hbm>> -> memref<128x128xf32, #tpu.memory_space<hbm>>
        %dma_wait3A_22 = arith.constant 0 : i32
        %dma_wait3A_23 = tpu.memref_slice %arg4[%add3A_11, %dma_wait3A_22] : memref<53248x128xf32, #tpu.memory_space<hbm>> -> memref<128x128xf32, #tpu.memory_space<hbm>>
        tpu.wait_dma2 semaphore(%run_scoped3A : memref<!tpu.dma_semaphore, #tpu.memory_space<semaphore_mem>>) src(%arg6 : memref<128x128xf32, #tpu.memory_space<vmem>>) dst(%dma_wait3A_23 : memref<128x128xf32, #tpu.memory_space<hbm>>)
        tpu.yield
      }) : () -> ()
    }
    %scan3A_7 = arith.constant 13 : i32
    return
  }
}

#map = affine_map<(d0, d1) -> (0)>
#map1 = affine_map<(d0, d1) -> (0, 0)>
module attributes {stable_mosaic.version = 14 : i64} {
  func.func @gather_k(%arg0: i32, %arg1: i32, %arg2: memref<53248xi32, #tpu.memory_space<hbm>>, %arg3: memref<3200x128xf32, #tpu.memory_space<hbm>>, %arg4: memref<53248x128xf32, #tpu.memory_space<hbm>>, %arg5: memref<128xi32, #tpu.memory_space<vmem>>, %arg6: memref<128x128xf32, #tpu.memory_space<vmem>>, %arg7: memref<!tpu.dma_semaphore, #tpu.memory_space<semaphore_mem>>) attributes {dimension_semantics = [#tpu.dimension_semantics<core_parallel>, #tpu.dimension_semantics<subcore_parallel>], iteration_bounds = array<i64: 2, 16>, scalar_prefetch = 0 : i64, scratch_operands = 3 : i64, tpu.core_type = #tpu.core_type<sc_vector_subcore>, window_params = [{transform_indices = #map}, {transform_indices = #map1}, {transform_indices = #map1}]} {
    %mul3A = arith.constant 2 : i32
    %mul3A_0 = arith.muli %arg1, %mul3A : i32
    %add3A = arith.addi %mul3A_0, %arg0 : i32
    %mul3A_1 = arith.constant 1664 : i32
    %mul3A_2 = arith.muli %add3A, %mul3A_1 : i32
    %scan3A = arith.constant 0 : i32
    %scan3A_3 = arith.constant 0 : i32
    %scan3A_4 = arith.constant 13 : i32
    %scan3A_5 = arith.addi %scan3A_3, %scan3A_4 : i32
    %scan3A_6 = arith.constant 1 : i32
    scf.for %scan3A_8 = %scan3A_3 to %scan3A_5 step %scan3A_6  : i32 {
      %mul3A_9 = arith.constant 128 : i32
      %mul3A_10 = arith.muli %scan3A_8, %mul3A_9 : i32
      %add3A_11 = arith.addi %mul3A_2, %mul3A_10 : i32
      "tpu.region"() ({
        %run_scoped3A = tpu.sem_alloc : memref<!tpu.dma_semaphore, #tpu.memory_space<semaphore_mem>>
        %dma_start3A_16 = tpu.memref_slice %arg2[%add3A_11] : memref<53248xi32, #tpu.memory_space<hbm>> -> memref<128xi32, #tpu.memory_space<hbm>>
        %dma_start3A_17 = tpu.memref_slice %arg2[%add3A_11] : memref<53248xi32, #tpu.memory_space<hbm>> -> memref<128xi32, #tpu.memory_space<hbm>>
        tpu.enqueue_dma source(%dma_start3A_17 : memref<128xi32, #tpu.memory_space<hbm>>) target(%arg5 : memref<128xi32, #tpu.memory_space<vmem>>) target_semaphore(%run_scoped3A : memref<!tpu.dma_semaphore, #tpu.memory_space<semaphore_mem>>)
        %dma_wait3A_18 = tpu.memref_slice %arg2[%add3A_11] : memref<53248xi32, #tpu.memory_space<hbm>> -> memref<128xi32, #tpu.memory_space<hbm>>
        %dma_wait3A_19 = tpu.memref_slice %arg2[%add3A_11] : memref<53248xi32, #tpu.memory_space<hbm>> -> memref<128xi32, #tpu.memory_space<hbm>>
        tpu.wait_dma2 semaphore(%run_scoped3A : memref<!tpu.dma_semaphore, #tpu.memory_space<semaphore_mem>>) src(%dma_wait3A_19 : memref<128xi32, #tpu.memory_space<hbm>>) dst(%arg5 : memref<128xi32, #tpu.memory_space<vmem>>)
        tpu.yield
      }) : () -> ()
      %dma_start3A = arith.constant 0 : i32
      %dma_start3A_12 = arith.constant 0 : i32
      %dma_start3A_13 = tpu.memref_slice %arg3[%dma_start3A, %dma_start3A_12] : memref<3200x128xf32, #tpu.memory_space<hbm>> -> memref<3200x128xf32, #tpu.memory_space<hbm>>
      tpu.enqueue_indirect_dma source(%dma_start3A_13 : memref<3200x128xf32, #tpu.memory_space<hbm>>) target(%arg6 : memref<128x128xf32, #tpu.memory_space<vmem>>) offsets(%arg5 : memref<128xi32, #tpu.memory_space<vmem>>) semaphore(%arg7 : memref<!tpu.dma_semaphore, #tpu.memory_space<semaphore_mem>>)
      %dma_wait3A = arith.constant 0 : i32
      %dma_wait3A_14 = arith.constant 0 : i32
      %dma_wait3A_15 = tpu.memref_slice %arg3[%dma_wait3A, %dma_wait3A_14] : memref<3200x128xf32, #tpu.memory_space<hbm>> -> memref<3200x128xf32, #tpu.memory_space<hbm>>
      tpu.wait_indirect_dma semaphore(%arg7 : memref<!tpu.dma_semaphore, #tpu.memory_space<semaphore_mem>>) src(%dma_wait3A_15 : memref<3200x128xf32, #tpu.memory_space<hbm>>) dst(%arg6 : memref<128x128xf32, #tpu.memory_space<vmem>>)
      "tpu.region"() ({
        %run_scoped3A = tpu.sem_alloc : memref<!tpu.dma_semaphore, #tpu.memory_space<semaphore_mem>>
        %dma_start3A_16 = arith.constant 0 : i32
        %dma_start3A_17 = tpu.memref_slice %arg4[%add3A_11, %dma_start3A_16] : memref<53248x128xf32, #tpu.memory_space<hbm>> -> memref<128x128xf32, #tpu.memory_space<hbm>>
        %dma_start3A_18 = arith.constant 0 : i32
        %dma_start3A_19 = tpu.memref_slice %arg4[%add3A_11, %dma_start3A_18] : memref<53248x128xf32, #tpu.memory_space<hbm>> -> memref<128x128xf32, #tpu.memory_space<hbm>>
        tpu.enqueue_dma source(%arg6 : memref<128x128xf32, #tpu.memory_space<vmem>>) target(%dma_start3A_19 : memref<128x128xf32, #tpu.memory_space<hbm>>) target_semaphore(%run_scoped3A : memref<!tpu.dma_semaphore, #tpu.memory_space<semaphore_mem>>)
        %dma_wait3A_20 = arith.constant 0 : i32
        %dma_wait3A_21 = tpu.memref_slice %arg4[%add3A_11, %dma_wait3A_20] : memref<53248x128xf32, #tpu.memory_space<hbm>> -> memref<128x128xf32, #tpu.memory_space<hbm>>
        %dma_wait3A_22 = arith.constant 0 : i32
        %dma_wait3A_23 = tpu.memref_slice %arg4[%add3A_11, %dma_wait3A_22] : memref<53248x128xf32, #tpu.memory_space<hbm>> -> memref<128x128xf32, #tpu.memory_space<hbm>>
        tpu.wait_dma2 semaphore(%run_scoped3A : memref<!tpu.dma_semaphore, #tpu.memory_space<semaphore_mem>>) src(%arg6 : memref<128x128xf32, #tpu.memory_space<vmem>>) dst(%dma_wait3A_23 : memref<128x128xf32, #tpu.memory_space<hbm>>)
        tpu.yield
      }) : () -> ()
    }
    %scan3A_7 = arith.constant 13 : i32
    return
  }
}

#map = affine_map<(d0, d1) -> (0)>
#map1 = affine_map<(d0, d1) -> (0, 0)>
module attributes {stable_mosaic.version = 14 : i64} {
  func.func @gather_k(%arg0: i32, %arg1: i32, %arg2: memref<40960xi32, #tpu.memory_space<hbm>>, %arg3: memref<3200x128xf32, #tpu.memory_space<hbm>>, %arg4: memref<40960x128xf32, #tpu.memory_space<hbm>>, %arg5: memref<128xi32, #tpu.memory_space<vmem>>, %arg6: memref<128x128xf32, #tpu.memory_space<vmem>>, %arg7: memref<!tpu.dma_semaphore, #tpu.memory_space<semaphore_mem>>) attributes {dimension_semantics = [#tpu.dimension_semantics<core_parallel>, #tpu.dimension_semantics<subcore_parallel>], iteration_bounds = array<i64: 2, 16>, scalar_prefetch = 0 : i64, scratch_operands = 3 : i64, tpu.core_type = #tpu.core_type<sc_vector_subcore>, window_params = [{transform_indices = #map}, {transform_indices = #map1}, {transform_indices = #map1}]} {
    %mul3A = arith.constant 2 : i32
    %mul3A_0 = arith.muli %arg1, %mul3A : i32
    %add3A = arith.addi %mul3A_0, %arg0 : i32
    %mul3A_1 = arith.constant 1280 : i32
    %mul3A_2 = arith.muli %add3A, %mul3A_1 : i32
    %scan3A = arith.constant 0 : i32
    %scan3A_3 = arith.constant 0 : i32
    %scan3A_4 = arith.constant 10 : i32
    %scan3A_5 = arith.addi %scan3A_3, %scan3A_4 : i32
    %scan3A_6 = arith.constant 1 : i32
    scf.for %scan3A_8 = %scan3A_3 to %scan3A_5 step %scan3A_6  : i32 {
      %mul3A_9 = arith.constant 128 : i32
      %mul3A_10 = arith.muli %scan3A_8, %mul3A_9 : i32
      %add3A_11 = arith.addi %mul3A_2, %mul3A_10 : i32
      "tpu.region"() ({
        %run_scoped3A = tpu.sem_alloc : memref<!tpu.dma_semaphore, #tpu.memory_space<semaphore_mem>>
        %dma_start3A_16 = tpu.memref_slice %arg2[%add3A_11] : memref<40960xi32, #tpu.memory_space<hbm>> -> memref<128xi32, #tpu.memory_space<hbm>>
        %dma_start3A_17 = tpu.memref_slice %arg2[%add3A_11] : memref<40960xi32, #tpu.memory_space<hbm>> -> memref<128xi32, #tpu.memory_space<hbm>>
        tpu.enqueue_dma source(%dma_start3A_17 : memref<128xi32, #tpu.memory_space<hbm>>) target(%arg5 : memref<128xi32, #tpu.memory_space<vmem>>) target_semaphore(%run_scoped3A : memref<!tpu.dma_semaphore, #tpu.memory_space<semaphore_mem>>)
        %dma_wait3A_18 = tpu.memref_slice %arg2[%add3A_11] : memref<40960xi32, #tpu.memory_space<hbm>> -> memref<128xi32, #tpu.memory_space<hbm>>
        %dma_wait3A_19 = tpu.memref_slice %arg2[%add3A_11] : memref<40960xi32, #tpu.memory_space<hbm>> -> memref<128xi32, #tpu.memory_space<hbm>>
        tpu.wait_dma2 semaphore(%run_scoped3A : memref<!tpu.dma_semaphore, #tpu.memory_space<semaphore_mem>>) src(%dma_wait3A_19 : memref<128xi32, #tpu.memory_space<hbm>>) dst(%arg5 : memref<128xi32, #tpu.memory_space<vmem>>)
        tpu.yield
      }) : () -> ()
      %dma_start3A = arith.constant 0 : i32
      %dma_start3A_12 = arith.constant 0 : i32
      %dma_start3A_13 = tpu.memref_slice %arg3[%dma_start3A, %dma_start3A_12] : memref<3200x128xf32, #tpu.memory_space<hbm>> -> memref<3200x128xf32, #tpu.memory_space<hbm>>
      tpu.enqueue_indirect_dma source(%dma_start3A_13 : memref<3200x128xf32, #tpu.memory_space<hbm>>) target(%arg6 : memref<128x128xf32, #tpu.memory_space<vmem>>) offsets(%arg5 : memref<128xi32, #tpu.memory_space<vmem>>) semaphore(%arg7 : memref<!tpu.dma_semaphore, #tpu.memory_space<semaphore_mem>>)
      %dma_wait3A = arith.constant 0 : i32
      %dma_wait3A_14 = arith.constant 0 : i32
      %dma_wait3A_15 = tpu.memref_slice %arg3[%dma_wait3A, %dma_wait3A_14] : memref<3200x128xf32, #tpu.memory_space<hbm>> -> memref<3200x128xf32, #tpu.memory_space<hbm>>
      tpu.wait_indirect_dma semaphore(%arg7 : memref<!tpu.dma_semaphore, #tpu.memory_space<semaphore_mem>>) src(%dma_wait3A_15 : memref<3200x128xf32, #tpu.memory_space<hbm>>) dst(%arg6 : memref<128x128xf32, #tpu.memory_space<vmem>>)
      "tpu.region"() ({
        %run_scoped3A = tpu.sem_alloc : memref<!tpu.dma_semaphore, #tpu.memory_space<semaphore_mem>>
        %dma_start3A_16 = arith.constant 0 : i32
        %dma_start3A_17 = tpu.memref_slice %arg4[%add3A_11, %dma_start3A_16] : memref<40960x128xf32, #tpu.memory_space<hbm>> -> memref<128x128xf32, #tpu.memory_space<hbm>>
        %dma_start3A_18 = arith.constant 0 : i32
        %dma_start3A_19 = tpu.memref_slice %arg4[%add3A_11, %dma_start3A_18] : memref<40960x128xf32, #tpu.memory_space<hbm>> -> memref<128x128xf32, #tpu.memory_space<hbm>>
        tpu.enqueue_dma source(%arg6 : memref<128x128xf32, #tpu.memory_space<vmem>>) target(%dma_start3A_19 : memref<128x128xf32, #tpu.memory_space<hbm>>) target_semaphore(%run_scoped3A : memref<!tpu.dma_semaphore, #tpu.memory_space<semaphore_mem>>)
        %dma_wait3A_20 = arith.constant 0 : i32
        %dma_wait3A_21 = tpu.memref_slice %arg4[%add3A_11, %dma_wait3A_20] : memref<40960x128xf32, #tpu.memory_space<hbm>> -> memref<128x128xf32, #tpu.memory_space<hbm>>
        %dma_wait3A_22 = arith.constant 0 : i32
        %dma_wait3A_23 = tpu.memref_slice %arg4[%add3A_11, %dma_wait3A_22] : memref<40960x128xf32, #tpu.memory_space<hbm>> -> memref<128x128xf32, #tpu.memory_space<hbm>>
        tpu.wait_dma2 semaphore(%run_scoped3A : memref<!tpu.dma_semaphore, #tpu.memory_space<semaphore_mem>>) src(%arg6 : memref<128x128xf32, #tpu.memory_space<vmem>>) dst(%dma_wait3A_23 : memref<128x128xf32, #tpu.memory_space<hbm>>)
        tpu.yield
      }) : () -> ()
    }
    %scan3A_7 = arith.constant 10 : i32
    return
  }
}

#map = affine_map<(d0, d1) -> (0)>
#map1 = affine_map<(d0, d1) -> (0, 0)>
module attributes {stable_mosaic.version = 14 : i64} {
  func.func @gather_k(%arg0: i32, %arg1: i32, %arg2: memref<200704xi32, #tpu.memory_space<hbm>>, %arg3: memref<12544x128xf32, #tpu.memory_space<hbm>>, %arg4: memref<200704x128xf32, #tpu.memory_space<hbm>>, %arg5: memref<128xi32, #tpu.memory_space<vmem>>, %arg6: memref<128x128xf32, #tpu.memory_space<vmem>>, %arg7: memref<!tpu.dma_semaphore, #tpu.memory_space<semaphore_mem>>) attributes {dimension_semantics = [#tpu.dimension_semantics<core_parallel>, #tpu.dimension_semantics<subcore_parallel>], iteration_bounds = array<i64: 2, 16>, scalar_prefetch = 0 : i64, scratch_operands = 3 : i64, tpu.core_type = #tpu.core_type<sc_vector_subcore>, window_params = [{transform_indices = #map}, {transform_indices = #map1}, {transform_indices = #map1}]} {
    %mul3A = arith.constant 2 : i32
    %mul3A_0 = arith.muli %arg1, %mul3A : i32
    %add3A = arith.addi %mul3A_0, %arg0 : i32
    %mul3A_1 = arith.constant 6272 : i32
    %mul3A_2 = arith.muli %add3A, %mul3A_1 : i32
    %scan3A = arith.constant 0 : i32
    %scan3A_3 = arith.constant 0 : i32
    %scan3A_4 = arith.constant 49 : i32
    %scan3A_5 = arith.addi %scan3A_3, %scan3A_4 : i32
    %scan3A_6 = arith.constant 1 : i32
    scf.for %scan3A_8 = %scan3A_3 to %scan3A_5 step %scan3A_6  : i32 {
      %mul3A_9 = arith.constant 128 : i32
      %mul3A_10 = arith.muli %scan3A_8, %mul3A_9 : i32
      %add3A_11 = arith.addi %mul3A_2, %mul3A_10 : i32
      "tpu.region"() ({
        %run_scoped3A = tpu.sem_alloc : memref<!tpu.dma_semaphore, #tpu.memory_space<semaphore_mem>>
        %dma_start3A_16 = tpu.memref_slice %arg2[%add3A_11] : memref<200704xi32, #tpu.memory_space<hbm>> -> memref<128xi32, #tpu.memory_space<hbm>>
        %dma_start3A_17 = tpu.memref_slice %arg2[%add3A_11] : memref<200704xi32, #tpu.memory_space<hbm>> -> memref<128xi32, #tpu.memory_space<hbm>>
        tpu.enqueue_dma source(%dma_start3A_17 : memref<128xi32, #tpu.memory_space<hbm>>) target(%arg5 : memref<128xi32, #tpu.memory_space<vmem>>) target_semaphore(%run_scoped3A : memref<!tpu.dma_semaphore, #tpu.memory_space<semaphore_mem>>)
        %dma_wait3A_18 = tpu.memref_slice %arg2[%add3A_11] : memref<200704xi32, #tpu.memory_space<hbm>> -> memref<128xi32, #tpu.memory_space<hbm>>
        %dma_wait3A_19 = tpu.memref_slice %arg2[%add3A_11] : memref<200704xi32, #tpu.memory_space<hbm>> -> memref<128xi32, #tpu.memory_space<hbm>>
        tpu.wait_dma2 semaphore(%run_scoped3A : memref<!tpu.dma_semaphore, #tpu.memory_space<semaphore_mem>>) src(%dma_wait3A_19 : memref<128xi32, #tpu.memory_space<hbm>>) dst(%arg5 : memref<128xi32, #tpu.memory_space<vmem>>)
        tpu.yield
      }) : () -> ()
      %dma_start3A = arith.constant 0 : i32
      %dma_start3A_12 = arith.constant 0 : i32
      %dma_start3A_13 = tpu.memref_slice %arg3[%dma_start3A, %dma_start3A_12] : memref<12544x128xf32, #tpu.memory_space<hbm>> -> memref<12544x128xf32, #tpu.memory_space<hbm>>
      tpu.enqueue_indirect_dma source(%dma_start3A_13 : memref<12544x128xf32, #tpu.memory_space<hbm>>) target(%arg6 : memref<128x128xf32, #tpu.memory_space<vmem>>) offsets(%arg5 : memref<128xi32, #tpu.memory_space<vmem>>) semaphore(%arg7 : memref<!tpu.dma_semaphore, #tpu.memory_space<semaphore_mem>>)
      %dma_wait3A = arith.constant 0 : i32
      %dma_wait3A_14 = arith.constant 0 : i32
      %dma_wait3A_15 = tpu.memref_slice %arg3[%dma_wait3A, %dma_wait3A_14] : memref<12544x128xf32, #tpu.memory_space<hbm>> -> memref<12544x128xf32, #tpu.memory_space<hbm>>
      tpu.wait_indirect_dma semaphore(%arg7 : memref<!tpu.dma_semaphore, #tpu.memory_space<semaphore_mem>>) src(%dma_wait3A_15 : memref<12544x128xf32, #tpu.memory_space<hbm>>) dst(%arg6 : memref<128x128xf32, #tpu.memory_space<vmem>>)
      "tpu.region"() ({
        %run_scoped3A = tpu.sem_alloc : memref<!tpu.dma_semaphore, #tpu.memory_space<semaphore_mem>>
        %dma_start3A_16 = arith.constant 0 : i32
        %dma_start3A_17 = tpu.memref_slice %arg4[%add3A_11, %dma_start3A_16] : memref<200704x128xf32, #tpu.memory_space<hbm>> -> memref<128x128xf32, #tpu.memory_space<hbm>>
        %dma_start3A_18 = arith.constant 0 : i32
        %dma_start3A_19 = tpu.memref_slice %arg4[%add3A_11, %dma_start3A_18] : memref<200704x128xf32, #tpu.memory_space<hbm>> -> memref<128x128xf32, #tpu.memory_space<hbm>>
        tpu.enqueue_dma source(%arg6 : memref<128x128xf32, #tpu.memory_space<vmem>>) target(%dma_start3A_19 : memref<128x128xf32, #tpu.memory_space<hbm>>) target_semaphore(%run_scoped3A : memref<!tpu.dma_semaphore, #tpu.memory_space<semaphore_mem>>)
        %dma_wait3A_20 = arith.constant 0 : i32
        %dma_wait3A_21 = tpu.memref_slice %arg4[%add3A_11, %dma_wait3A_20] : memref<200704x128xf32, #tpu.memory_space<hbm>> -> memref<128x128xf32, #tpu.memory_space<hbm>>
        %dma_wait3A_22 = arith.constant 0 : i32
        %dma_wait3A_23 = tpu.memref_slice %arg4[%add3A_11, %dma_wait3A_22] : memref<200704x128xf32, #tpu.memory_space<hbm>> -> memref<128x128xf32, #tpu.memory_space<hbm>>
        tpu.wait_dma2 semaphore(%run_scoped3A : memref<!tpu.dma_semaphore, #tpu.memory_space<semaphore_mem>>) src(%arg6 : memref<128x128xf32, #tpu.memory_space<vmem>>) dst(%dma_wait3A_23 : memref<128x128xf32, #tpu.memory_space<hbm>>)
        tpu.yield
      }) : () -> ()
    }
    %scan3A_7 = arith.constant 49 : i32
    return
  }
}

#map = affine_map<(d0, d1) -> (0)>
#map1 = affine_map<(d0, d1) -> (0, 0)>
module attributes {stable_mosaic.version = 14 : i64} {
  func.func @gather_k(%arg0: i32, %arg1: i32, %arg2: memref<151552xi32, #tpu.memory_space<hbm>>, %arg3: memref<12544x128xf32, #tpu.memory_space<hbm>>, %arg4: memref<151552x128xf32, #tpu.memory_space<hbm>>, %arg5: memref<128xi32, #tpu.memory_space<vmem>>, %arg6: memref<128x128xf32, #tpu.memory_space<vmem>>, %arg7: memref<!tpu.dma_semaphore, #tpu.memory_space<semaphore_mem>>) attributes {dimension_semantics = [#tpu.dimension_semantics<core_parallel>, #tpu.dimension_semantics<subcore_parallel>], iteration_bounds = array<i64: 2, 16>, scalar_prefetch = 0 : i64, scratch_operands = 3 : i64, tpu.core_type = #tpu.core_type<sc_vector_subcore>, window_params = [{transform_indices = #map}, {transform_indices = #map1}, {transform_indices = #map1}]} {
    %mul3A = arith.constant 2 : i32
    %mul3A_0 = arith.muli %arg1, %mul3A : i32
    %add3A = arith.addi %mul3A_0, %arg0 : i32
    %mul3A_1 = arith.constant 4736 : i32
    %mul3A_2 = arith.muli %add3A, %mul3A_1 : i32
    %scan3A = arith.constant 0 : i32
    %scan3A_3 = arith.constant 0 : i32
    %scan3A_4 = arith.constant 37 : i32
    %scan3A_5 = arith.addi %scan3A_3, %scan3A_4 : i32
    %scan3A_6 = arith.constant 1 : i32
    scf.for %scan3A_8 = %scan3A_3 to %scan3A_5 step %scan3A_6  : i32 {
      %mul3A_9 = arith.constant 128 : i32
      %mul3A_10 = arith.muli %scan3A_8, %mul3A_9 : i32
      %add3A_11 = arith.addi %mul3A_2, %mul3A_10 : i32
      "tpu.region"() ({
        %run_scoped3A = tpu.sem_alloc : memref<!tpu.dma_semaphore, #tpu.memory_space<semaphore_mem>>
        %dma_start3A_16 = tpu.memref_slice %arg2[%add3A_11] : memref<151552xi32, #tpu.memory_space<hbm>> -> memref<128xi32, #tpu.memory_space<hbm>>
        %dma_start3A_17 = tpu.memref_slice %arg2[%add3A_11] : memref<151552xi32, #tpu.memory_space<hbm>> -> memref<128xi32, #tpu.memory_space<hbm>>
        tpu.enqueue_dma source(%dma_start3A_17 : memref<128xi32, #tpu.memory_space<hbm>>) target(%arg5 : memref<128xi32, #tpu.memory_space<vmem>>) target_semaphore(%run_scoped3A : memref<!tpu.dma_semaphore, #tpu.memory_space<semaphore_mem>>)
        %dma_wait3A_18 = tpu.memref_slice %arg2[%add3A_11] : memref<151552xi32, #tpu.memory_space<hbm>> -> memref<128xi32, #tpu.memory_space<hbm>>
        %dma_wait3A_19 = tpu.memref_slice %arg2[%add3A_11] : memref<151552xi32, #tpu.memory_space<hbm>> -> memref<128xi32, #tpu.memory_space<hbm>>
        tpu.wait_dma2 semaphore(%run_scoped3A : memref<!tpu.dma_semaphore, #tpu.memory_space<semaphore_mem>>) src(%dma_wait3A_19 : memref<128xi32, #tpu.memory_space<hbm>>) dst(%arg5 : memref<128xi32, #tpu.memory_space<vmem>>)
        tpu.yield
      }) : () -> ()
      %dma_start3A = arith.constant 0 : i32
      %dma_start3A_12 = arith.constant 0 : i32
      %dma_start3A_13 = tpu.memref_slice %arg3[%dma_start3A, %dma_start3A_12] : memref<12544x128xf32, #tpu.memory_space<hbm>> -> memref<12544x128xf32, #tpu.memory_space<hbm>>
      tpu.enqueue_indirect_dma source(%dma_start3A_13 : memref<12544x128xf32, #tpu.memory_space<hbm>>) target(%arg6 : memref<128x128xf32, #tpu.memory_space<vmem>>) offsets(%arg5 : memref<128xi32, #tpu.memory_space<vmem>>) semaphore(%arg7 : memref<!tpu.dma_semaphore, #tpu.memory_space<semaphore_mem>>)
      %dma_wait3A = arith.constant 0 : i32
      %dma_wait3A_14 = arith.constant 0 : i32
      %dma_wait3A_15 = tpu.memref_slice %arg3[%dma_wait3A, %dma_wait3A_14] : memref<12544x128xf32, #tpu.memory_space<hbm>> -> memref<12544x128xf32, #tpu.memory_space<hbm>>
      tpu.wait_indirect_dma semaphore(%arg7 : memref<!tpu.dma_semaphore, #tpu.memory_space<semaphore_mem>>) src(%dma_wait3A_15 : memref<12544x128xf32, #tpu.memory_space<hbm>>) dst(%arg6 : memref<128x128xf32, #tpu.memory_space<vmem>>)
      "tpu.region"() ({
        %run_scoped3A = tpu.sem_alloc : memref<!tpu.dma_semaphore, #tpu.memory_space<semaphore_mem>>
        %dma_start3A_16 = arith.constant 0 : i32
        %dma_start3A_17 = tpu.memref_slice %arg4[%add3A_11, %dma_start3A_16] : memref<151552x128xf32, #tpu.memory_space<hbm>> -> memref<128x128xf32, #tpu.memory_space<hbm>>
        %dma_start3A_18 = arith.constant 0 : i32
        %dma_start3A_19 = tpu.memref_slice %arg4[%add3A_11, %dma_start3A_18] : memref<151552x128xf32, #tpu.memory_space<hbm>> -> memref<128x128xf32, #tpu.memory_space<hbm>>
        tpu.enqueue_dma source(%arg6 : memref<128x128xf32, #tpu.memory_space<vmem>>) target(%dma_start3A_19 : memref<128x128xf32, #tpu.memory_space<hbm>>) target_semaphore(%run_scoped3A : memref<!tpu.dma_semaphore, #tpu.memory_space<semaphore_mem>>)
        %dma_wait3A_20 = arith.constant 0 : i32
        %dma_wait3A_21 = tpu.memref_slice %arg4[%add3A_11, %dma_wait3A_20] : memref<151552x128xf32, #tpu.memory_space<hbm>> -> memref<128x128xf32, #tpu.memory_space<hbm>>
        %dma_wait3A_22 = arith.constant 0 : i32
        %dma_wait3A_23 = tpu.memref_slice %arg4[%add3A_11, %dma_wait3A_22] : memref<151552x128xf32, #tpu.memory_space<hbm>> -> memref<128x128xf32, #tpu.memory_space<hbm>>
        tpu.wait_dma2 semaphore(%run_scoped3A : memref<!tpu.dma_semaphore, #tpu.memory_space<semaphore_mem>>) src(%arg6 : memref<128x128xf32, #tpu.memory_space<vmem>>) dst(%dma_wait3A_23 : memref<128x128xf32, #tpu.memory_space<hbm>>)
        tpu.yield
      }) : () -> ()
    }
    %scan3A_7 = arith.constant 37 : i32
    return
  }
}

#map = affine_map<(d0, d1) -> (0)>
#map1 = affine_map<(d0, d1) -> (0, 0)>
module attributes {stable_mosaic.version = 14 : i64} {
  func.func @gather_k(%arg0: i32, %arg1: i32, %arg2: memref<802816xi32, #tpu.memory_space<hbm>>, %arg3: memref<50176x128xf32, #tpu.memory_space<hbm>>, %arg4: memref<802816x128xf32, #tpu.memory_space<hbm>>, %arg5: memref<128xi32, #tpu.memory_space<vmem>>, %arg6: memref<128x128xf32, #tpu.memory_space<vmem>>, %arg7: memref<!tpu.dma_semaphore, #tpu.memory_space<semaphore_mem>>) attributes {dimension_semantics = [#tpu.dimension_semantics<core_parallel>, #tpu.dimension_semantics<subcore_parallel>], iteration_bounds = array<i64: 2, 16>, scalar_prefetch = 0 : i64, scratch_operands = 3 : i64, tpu.core_type = #tpu.core_type<sc_vector_subcore>, window_params = [{transform_indices = #map}, {transform_indices = #map1}, {transform_indices = #map1}]} {
    %mul3A = arith.constant 2 : i32
    %mul3A_0 = arith.muli %arg1, %mul3A : i32
    %add3A = arith.addi %mul3A_0, %arg0 : i32
    %mul3A_1 = arith.constant 25088 : i32
    %mul3A_2 = arith.muli %add3A, %mul3A_1 : i32
    %scan3A = arith.constant 0 : i32
    %scan3A_3 = arith.constant 0 : i32
    %scan3A_4 = arith.constant 196 : i32
    %scan3A_5 = arith.addi %scan3A_3, %scan3A_4 : i32
    %scan3A_6 = arith.constant 1 : i32
    scf.for %scan3A_8 = %scan3A_3 to %scan3A_5 step %scan3A_6  : i32 {
      %mul3A_9 = arith.constant 128 : i32
      %mul3A_10 = arith.muli %scan3A_8, %mul3A_9 : i32
      %add3A_11 = arith.addi %mul3A_2, %mul3A_10 : i32
      "tpu.region"() ({
        %run_scoped3A = tpu.sem_alloc : memref<!tpu.dma_semaphore, #tpu.memory_space<semaphore_mem>>
        %dma_start3A_16 = tpu.memref_slice %arg2[%add3A_11] : memref<802816xi32, #tpu.memory_space<hbm>> -> memref<128xi32, #tpu.memory_space<hbm>>
        %dma_start3A_17 = tpu.memref_slice %arg2[%add3A_11] : memref<802816xi32, #tpu.memory_space<hbm>> -> memref<128xi32, #tpu.memory_space<hbm>>
        tpu.enqueue_dma source(%dma_start3A_17 : memref<128xi32, #tpu.memory_space<hbm>>) target(%arg5 : memref<128xi32, #tpu.memory_space<vmem>>) target_semaphore(%run_scoped3A : memref<!tpu.dma_semaphore, #tpu.memory_space<semaphore_mem>>)
        %dma_wait3A_18 = tpu.memref_slice %arg2[%add3A_11] : memref<802816xi32, #tpu.memory_space<hbm>> -> memref<128xi32, #tpu.memory_space<hbm>>
        %dma_wait3A_19 = tpu.memref_slice %arg2[%add3A_11] : memref<802816xi32, #tpu.memory_space<hbm>> -> memref<128xi32, #tpu.memory_space<hbm>>
        tpu.wait_dma2 semaphore(%run_scoped3A : memref<!tpu.dma_semaphore, #tpu.memory_space<semaphore_mem>>) src(%dma_wait3A_19 : memref<128xi32, #tpu.memory_space<hbm>>) dst(%arg5 : memref<128xi32, #tpu.memory_space<vmem>>)
        tpu.yield
      }) : () -> ()
      %dma_start3A = arith.constant 0 : i32
      %dma_start3A_12 = arith.constant 0 : i32
      %dma_start3A_13 = tpu.memref_slice %arg3[%dma_start3A, %dma_start3A_12] : memref<50176x128xf32, #tpu.memory_space<hbm>> -> memref<50176x128xf32, #tpu.memory_space<hbm>>
      tpu.enqueue_indirect_dma source(%dma_start3A_13 : memref<50176x128xf32, #tpu.memory_space<hbm>>) target(%arg6 : memref<128x128xf32, #tpu.memory_space<vmem>>) offsets(%arg5 : memref<128xi32, #tpu.memory_space<vmem>>) semaphore(%arg7 : memref<!tpu.dma_semaphore, #tpu.memory_space<semaphore_mem>>)
      %dma_wait3A = arith.constant 0 : i32
      %dma_wait3A_14 = arith.constant 0 : i32
      %dma_wait3A_15 = tpu.memref_slice %arg3[%dma_wait3A, %dma_wait3A_14] : memref<50176x128xf32, #tpu.memory_space<hbm>> -> memref<50176x128xf32, #tpu.memory_space<hbm>>
      tpu.wait_indirect_dma semaphore(%arg7 : memref<!tpu.dma_semaphore, #tpu.memory_space<semaphore_mem>>) src(%dma_wait3A_15 : memref<50176x128xf32, #tpu.memory_space<hbm>>) dst(%arg6 : memref<128x128xf32, #tpu.memory_space<vmem>>)
      "tpu.region"() ({
        %run_scoped3A = tpu.sem_alloc : memref<!tpu.dma_semaphore, #tpu.memory_space<semaphore_mem>>
        %dma_start3A_16 = arith.constant 0 : i32
        %dma_start3A_17 = tpu.memref_slice %arg4[%add3A_11, %dma_start3A_16] : memref<802816x128xf32, #tpu.memory_space<hbm>> -> memref<128x128xf32, #tpu.memory_space<hbm>>
        %dma_start3A_18 = arith.constant 0 : i32
        %dma_start3A_19 = tpu.memref_slice %arg4[%add3A_11, %dma_start3A_18] : memref<802816x128xf32, #tpu.memory_space<hbm>> -> memref<128x128xf32, #tpu.memory_space<hbm>>
        tpu.enqueue_dma source(%arg6 : memref<128x128xf32, #tpu.memory_space<vmem>>) target(%dma_start3A_19 : memref<128x128xf32, #tpu.memory_space<hbm>>) target_semaphore(%run_scoped3A : memref<!tpu.dma_semaphore, #tpu.memory_space<semaphore_mem>>)
        %dma_wait3A_20 = arith.constant 0 : i32
        %dma_wait3A_21 = tpu.memref_slice %arg4[%add3A_11, %dma_wait3A_20] : memref<802816x128xf32, #tpu.memory_space<hbm>> -> memref<128x128xf32, #tpu.memory_space<hbm>>
        %dma_wait3A_22 = arith.constant 0 : i32
        %dma_wait3A_23 = tpu.memref_slice %arg4[%add3A_11, %dma_wait3A_22] : memref<802816x128xf32, #tpu.memory_space<hbm>> -> memref<128x128xf32, #tpu.memory_space<hbm>>
        tpu.wait_dma2 semaphore(%run_scoped3A : memref<!tpu.dma_semaphore, #tpu.memory_space<semaphore_mem>>) src(%arg6 : memref<128x128xf32, #tpu.memory_space<vmem>>) dst(%dma_wait3A_23 : memref<128x128xf32, #tpu.memory_space<hbm>>)
        tpu.yield
      }) : () -> ()
    }
    %scan3A_7 = arith.constant 196 : i32
    return
  }
}

module attributes {stable_mosaic.version = 14 : i64} {
  func.func @body(%arg0: i32, %arg1: memref<4096x128xf32, #tpu.memory_space<vmem>>, %arg2: memref<256x128xf32, #tpu.memory_space<vmem>>, %arg3: memref<8x3xf32, #tpu.memory_space<vmem>>, %arg4: memref<24x32xf32, #tpu.memory_space<vmem>>, %arg5: memref<1x32xf32, #tpu.memory_space<vmem>>, %arg6: memref<256x128xf32, #tpu.memory_space<vmem>>) attributes {dimension_semantics = [#tpu.dimension_semantics<arbitrary>], iteration_bounds = array<i64: 196>, scalar_prefetch = 0 : i64, scratch_operands = 0 : i64, tpu.core_type = #tpu.core_type<tc>, window_params = [{transform_indices = @transform_0, window_bounds = array<i64: 4096, 128>}, {transform_indices = @transform_1, window_bounds = array<i64: 256, 128>}, {pipeline_mode = #tpu.pipeline_mode<synchronous>, transform_indices = @transform_2, window_bounds = array<i64: 8, 3>}, {pipeline_mode = #tpu.pipeline_mode<synchronous>, transform_indices = @transform_3, window_bounds = array<i64: 24, 32>}, {pipeline_mode = #tpu.pipeline_mode<synchronous>, transform_indices = @transform_4, window_bounds = array<i64: 1, 32>}, {transform_indices = @transform_5, window_bounds = array<i64: 256, 128>}]} {
    %get3A = arith.constant 0 : index
    %get3A_0 = arith.constant 0 : index
    %get3A_1 = vector.load %arg1[%get3A, %get3A_0] : memref<4096x128xf32, #tpu.memory_space<vmem>>, vector<4096x128xf32>
    %reshape3A = vector.shape_cast %get3A_1 : vector<4096x128xf32> to vector<256x16x128xf32>
    %slice3A = vector.extract_strided_slice %reshape3A {offsets = [0, 0, 0], sizes = [256, 16, 3], strides = [1, 1, 1]} : vector<256x16x128xf32> to vector<256x16x3xf32>
    %slice3A_2 = vector.extract_strided_slice %reshape3A {offsets = [0, 0, 0], sizes = [256, 16, 3], strides = [1, 1, 1]} : vector<256x16x128xf32> to vector<256x16x3xf32>
    %get3A_3 = arith.constant 0 : index
    %get3A_4 = arith.constant 0 : index
    %get3A_5 = vector.load %arg2[%get3A_3, %get3A_4] : memref<256x128xf32, #tpu.memory_space<vmem>>, vector<256x128xf32>
    %slice3A_6 = vector.extract_strided_slice %get3A_5 {offsets = [0, 0], sizes = [256, 3], strides = [1, 1]} : vector<256x128xf32> to vector<256x3xf32>
    %broadcast_in_dim3A = vector.shape_cast %slice3A_6 : vector<256x3xf32> to vector<256x1x3xf32>
    %sub3A = vector.broadcast %broadcast_in_dim3A : vector<256x1x3xf32> to vector<256x16x3xf32>
    %sub3A_7 = arith.subf %slice3A, %sub3A : vector<256x16x3xf32>
    %reshape3A_8 = vector.shape_cast %sub3A_7 : vector<256x16x3xf32> to vector<4096x3xf32>
    %convert_element_type3A = arith.truncf %reshape3A_8 : vector<4096x3xf32> to vector<4096x3xbf16>
    %get3A_9 = arith.constant 0 : index
    %get3A_10 = arith.constant 0 : index
    %get3A_11 = vector.load %arg3[%get3A_9, %get3A_10] : memref<8x3xf32, #tpu.memory_space<vmem>>, vector<8x3xf32>
    %convert_element_type3A_12 = arith.truncf %get3A_11 : vector<8x3xf32> to vector<8x3xbf16>
    %dot_general3A = arith.constant dense<0.000000e+00> : vector<4096x8xf32>
    %dot_general3A_13 = tpu.matmul %convert_element_type3A, %convert_element_type3A_12, %dot_general3A {dimension_numbers = #tpu.dot_dimension_numbers<[1], [1], [0], [0], [0, 0, 1, 0], [], []>, transpose_lhs_hint = false} : vector<4096x3xbf16>, vector<8x3xbf16>, vector<4096x8xf32> -> vector<4096x8xf32>
    %mul3A = arith.constant -2.500000e+01 : f32
    %mul3A_14 = vector.broadcast %mul3A : f32 to vector<4096x8xf32>
    %mul3A_15 = arith.mulf %mul3A_14, %dot_general3A_13 : vector<4096x8xf32>
    %mul3A_16 = arith.mulf %mul3A_15, %dot_general3A_13 : vector<4096x8xf32>
    %reshape3A_17 = vector.shape_cast %mul3A_16 : vector<4096x8xf32> to vector<256x16x8xf32>
    %reduce_max3A = arith.constant dense<0xFF800000> : vector<256x8xf32>
    %reduce_max3A_18 = vector.multi_reduction <maximumf>, %reshape3A_17, %reduce_max3A [1] : vector<256x16x8xf32> to vector<256x8xf32>
    %broadcast_in_dim3A_19 = vector.shape_cast %reduce_max3A_18 : vector<256x8xf32> to vector<256x1x8xf32>
    %sub3A_20 = vector.broadcast %broadcast_in_dim3A_19 : vector<256x1x8xf32> to vector<256x16x8xf32>
    %sub3A_21 = arith.subf %reshape3A_17, %sub3A_20 : vector<256x16x8xf32>
    %exp3A = math.exp %sub3A_21 : vector<256x16x8xf32>
    %slice3A_22 = vector.extract_strided_slice %exp3A {offsets = [0, 0, 0], sizes = [256, 1, 8], strides = [1, 1, 1]} : vector<256x16x8xf32> to vector<256x1x8xf32>
    %squeeze3A = vector.shape_cast %slice3A_22 : vector<256x1x8xf32> to vector<256x8xf32>
    %slice3A_23 = vector.extract_strided_slice %exp3A {offsets = [0, 1, 0], sizes = [256, 1, 8], strides = [1, 1, 1]} : vector<256x16x8xf32> to vector<256x1x8xf32>
    %squeeze3A_24 = vector.shape_cast %slice3A_23 : vector<256x1x8xf32> to vector<256x8xf32>
    %add3A = arith.addf %squeeze3A, %squeeze3A_24 : vector<256x8xf32>
    %slice3A_25 = vector.extract_strided_slice %exp3A {offsets = [0, 2, 0], sizes = [256, 1, 8], strides = [1, 1, 1]} : vector<256x16x8xf32> to vector<256x1x8xf32>
    %squeeze3A_26 = vector.shape_cast %slice3A_25 : vector<256x1x8xf32> to vector<256x8xf32>
    %add3A_27 = arith.addf %add3A, %squeeze3A_26 : vector<256x8xf32>
    %slice3A_28 = vector.extract_strided_slice %exp3A {offsets = [0, 3, 0], sizes = [256, 1, 8], strides = [1, 1, 1]} : vector<256x16x8xf32> to vector<256x1x8xf32>
    %squeeze3A_29 = vector.shape_cast %slice3A_28 : vector<256x1x8xf32> to vector<256x8xf32>
    %add3A_30 = arith.addf %add3A_27, %squeeze3A_29 : vector<256x8xf32>
    %slice3A_31 = vector.extract_strided_slice %exp3A {offsets = [0, 4, 0], sizes = [256, 1, 8], strides = [1, 1, 1]} : vector<256x16x8xf32> to vector<256x1x8xf32>
    %squeeze3A_32 = vector.shape_cast %slice3A_31 : vector<256x1x8xf32> to vector<256x8xf32>
    %add3A_33 = arith.addf %add3A_30, %squeeze3A_32 : vector<256x8xf32>
    %slice3A_34 = vector.extract_strided_slice %exp3A {offsets = [0, 5, 0], sizes = [256, 1, 8], strides = [1, 1, 1]} : vector<256x16x8xf32> to vector<256x1x8xf32>
    %squeeze3A_35 = vector.shape_cast %slice3A_34 : vector<256x1x8xf32> to vector<256x8xf32>
    %add3A_36 = arith.addf %add3A_33, %squeeze3A_35 : vector<256x8xf32>
    %slice3A_37 = vector.extract_strided_slice %exp3A {offsets = [0, 6, 0], sizes = [256, 1, 8], strides = [1, 1, 1]} : vector<256x16x8xf32> to vector<256x1x8xf32>
    %squeeze3A_38 = vector.shape_cast %slice3A_37 : vector<256x1x8xf32> to vector<256x8xf32>
    %add3A_39 = arith.addf %add3A_36, %squeeze3A_38 : vector<256x8xf32>
    %slice3A_40 = vector.extract_strided_slice %exp3A {offsets = [0, 7, 0], sizes = [256, 1, 8], strides = [1, 1, 1]} : vector<256x16x8xf32> to vector<256x1x8xf32>
    %squeeze3A_41 = vector.shape_cast %slice3A_40 : vector<256x1x8xf32> to vector<256x8xf32>
    %add3A_42 = arith.addf %add3A_39, %squeeze3A_41 : vector<256x8xf32>
    %slice3A_43 = vector.extract_strided_slice %exp3A {offsets = [0, 8, 0], sizes = [256, 1, 8], strides = [1, 1, 1]} : vector<256x16x8xf32> to vector<256x1x8xf32>
    %squeeze3A_44 = vector.shape_cast %slice3A_43 : vector<256x1x8xf32> to vector<256x8xf32>
    %slice3A_45 = vector.extract_strided_slice %exp3A {offsets = [0, 9, 0], sizes = [256, 1, 8], strides = [1, 1, 1]} : vector<256x16x8xf32> to vector<256x1x8xf32>
    %squeeze3A_46 = vector.shape_cast %slice3A_45 : vector<256x1x8xf32> to vector<256x8xf32>
    %add3A_47 = arith.addf %squeeze3A_44, %squeeze3A_46 : vector<256x8xf32>
    %slice3A_48 = vector.extract_strided_slice %exp3A {offsets = [0, 10, 0], sizes = [256, 1, 8], strides = [1, 1, 1]} : vector<256x16x8xf32> to vector<256x1x8xf32>
    %squeeze3A_49 = vector.shape_cast %slice3A_48 : vector<256x1x8xf32> to vector<256x8xf32>
    %add3A_50 = arith.addf %add3A_47, %squeeze3A_49 : vector<256x8xf32>
    %slice3A_51 = vector.extract_strided_slice %exp3A {offsets = [0, 11, 0], sizes = [256, 1, 8], strides = [1, 1, 1]} : vector<256x16x8xf32> to vector<256x1x8xf32>
    %squeeze3A_52 = vector.shape_cast %slice3A_51 : vector<256x1x8xf32> to vector<256x8xf32>
    %add3A_53 = arith.addf %add3A_50, %squeeze3A_52 : vector<256x8xf32>
    %slice3A_54 = vector.extract_strided_slice %exp3A {offsets = [0, 12, 0], sizes = [256, 1, 8], strides = [1, 1, 1]} : vector<256x16x8xf32> to vector<256x1x8xf32>
    %squeeze3A_55 = vector.shape_cast %slice3A_54 : vector<256x1x8xf32> to vector<256x8xf32>
    %add3A_56 = arith.addf %add3A_53, %squeeze3A_55 : vector<256x8xf32>
    %slice3A_57 = vector.extract_strided_slice %exp3A {offsets = [0, 13, 0], sizes = [256, 1, 8], strides = [1, 1, 1]} : vector<256x16x8xf32> to vector<256x1x8xf32>
    %squeeze3A_58 = vector.shape_cast %slice3A_57 : vector<256x1x8xf32> to vector<256x8xf32>
    %add3A_59 = arith.addf %add3A_56, %squeeze3A_58 : vector<256x8xf32>
    %slice3A_60 = vector.extract_strided_slice %exp3A {offsets = [0, 14, 0], sizes = [256, 1, 8], strides = [1, 1, 1]} : vector<256x16x8xf32> to vector<256x1x8xf32>
    %squeeze3A_61 = vector.shape_cast %slice3A_60 : vector<256x1x8xf32> to vector<256x8xf32>
    %add3A_62 = arith.addf %add3A_59, %squeeze3A_61 : vector<256x8xf32>
    %slice3A_63 = vector.extract_strided_slice %exp3A {offsets = [0, 15, 0], sizes = [256, 1, 8], strides = [1, 1, 1]} : vector<256x16x8xf32> to vector<256x1x8xf32>
    %squeeze3A_64 = vector.shape_cast %slice3A_63 : vector<256x1x8xf32> to vector<256x8xf32>
    %add3A_65 = arith.addf %add3A_62, %squeeze3A_64 : vector<256x8xf32>
    %add3A_66 = arith.addf %add3A_42, %add3A_65 : vector<256x8xf32>
    %broadcast_in_dim3A_67 = vector.shape_cast %add3A_66 : vector<256x8xf32> to vector<256x1x8xf32>
    %div3A = vector.broadcast %broadcast_in_dim3A_67 : vector<256x1x8xf32> to vector<256x16x8xf32>
    %div3A_68 = arith.divf %exp3A, %div3A : vector<256x16x8xf32>
    %convert_element_type3A_69 = arith.truncf %div3A_68 : vector<256x16x8xf32> to vector<256x16x8xbf16>
    %convert_element_type3A_70 = arith.extf %convert_element_type3A_69 : vector<256x16x8xbf16> to vector<256x16x8xf32>
    %convert_element_type3A_71 = arith.truncf %slice3A_2 : vector<256x16x3xf32> to vector<256x16x3xbf16>
    %convert_element_type3A_72 = arith.extf %convert_element_type3A_71 : vector<256x16x3xbf16> to vector<256x16x3xf32>
    %slice3A_73 = vector.extract_strided_slice %convert_element_type3A_70 {offsets = [0, 0, 0], sizes = [256, 16, 1], strides = [1, 1, 1]} : vector<256x16x8xf32> to vector<256x16x1xf32>
    %mul3A_74 = vector.broadcast %slice3A_73 : vector<256x16x1xf32> to vector<256x16x3xf32>
    %mul3A_75 = arith.mulf %mul3A_74, %convert_element_type3A_72 : vector<256x16x3xf32>
    %reduce_sum3A = arith.constant dense<0.000000e+00> : vector<256x3xf32>
    %reduce_sum3A_76 = vector.multi_reduction <add>, %mul3A_75, %reduce_sum3A [1] : vector<256x16x3xf32> to vector<256x3xf32>
    %slice3A_77 = vector.extract_strided_slice %convert_element_type3A_70 {offsets = [0, 0, 1], sizes = [256, 16, 1], strides = [1, 1, 1]} : vector<256x16x8xf32> to vector<256x16x1xf32>
    %mul3A_78 = vector.broadcast %slice3A_77 : vector<256x16x1xf32> to vector<256x16x3xf32>
    %mul3A_79 = arith.mulf %mul3A_78, %convert_element_type3A_72 : vector<256x16x3xf32>
    %reduce_sum3A_80 = arith.constant dense<0.000000e+00> : vector<256x3xf32>
    %reduce_sum3A_81 = vector.multi_reduction <add>, %mul3A_79, %reduce_sum3A_80 [1] : vector<256x16x3xf32> to vector<256x3xf32>
    %slice3A_82 = vector.extract_strided_slice %convert_element_type3A_70 {offsets = [0, 0, 2], sizes = [256, 16, 1], strides = [1, 1, 1]} : vector<256x16x8xf32> to vector<256x16x1xf32>
    %mul3A_83 = vector.broadcast %slice3A_82 : vector<256x16x1xf32> to vector<256x16x3xf32>
    %mul3A_84 = arith.mulf %mul3A_83, %convert_element_type3A_72 : vector<256x16x3xf32>
    %reduce_sum3A_85 = arith.constant dense<0.000000e+00> : vector<256x3xf32>
    %reduce_sum3A_86 = vector.multi_reduction <add>, %mul3A_84, %reduce_sum3A_85 [1] : vector<256x16x3xf32> to vector<256x3xf32>
    %slice3A_87 = vector.extract_strided_slice %convert_element_type3A_70 {offsets = [0, 0, 3], sizes = [256, 16, 1], strides = [1, 1, 1]} : vector<256x16x8xf32> to vector<256x16x1xf32>
    %mul3A_88 = vector.broadcast %slice3A_87 : vector<256x16x1xf32> to vector<256x16x3xf32>
    %mul3A_89 = arith.mulf %mul3A_88, %convert_element_type3A_72 : vector<256x16x3xf32>
    %reduce_sum3A_90 = arith.constant dense<0.000000e+00> : vector<256x3xf32>
    %reduce_sum3A_91 = vector.multi_reduction <add>, %mul3A_89, %reduce_sum3A_90 [1] : vector<256x16x3xf32> to vector<256x3xf32>
    %slice3A_92 = vector.extract_strided_slice %convert_element_type3A_70 {offsets = [0, 0, 4], sizes = [256, 16, 1], strides = [1, 1, 1]} : vector<256x16x8xf32> to vector<256x16x1xf32>
    %mul3A_93 = vector.broadcast %slice3A_92 : vector<256x16x1xf32> to vector<256x16x3xf32>
    %mul3A_94 = arith.mulf %mul3A_93, %convert_element_type3A_72 : vector<256x16x3xf32>
    %reduce_sum3A_95 = arith.constant dense<0.000000e+00> : vector<256x3xf32>
    %reduce_sum3A_96 = vector.multi_reduction <add>, %mul3A_94, %reduce_sum3A_95 [1] : vector<256x16x3xf32> to vector<256x3xf32>
    %slice3A_97 = vector.extract_strided_slice %convert_element_type3A_70 {offsets = [0, 0, 5], sizes = [256, 16, 1], strides = [1, 1, 1]} : vector<256x16x8xf32> to vector<256x16x1xf32>
    %mul3A_98 = vector.broadcast %slice3A_97 : vector<256x16x1xf32> to vector<256x16x3xf32>
    %mul3A_99 = arith.mulf %mul3A_98, %convert_element_type3A_72 : vector<256x16x3xf32>
    %reduce_sum3A_100 = arith.constant dense<0.000000e+00> : vector<256x3xf32>
    %reduce_sum3A_101 = vector.multi_reduction <add>, %mul3A_99, %reduce_sum3A_100 [1] : vector<256x16x3xf32> to vector<256x3xf32>
    %slice3A_102 = vector.extract_strided_slice %convert_element_type3A_70 {offsets = [0, 0, 6], sizes = [256, 16, 1], strides = [1, 1, 1]} : vector<256x16x8xf32> to vector<256x16x1xf32>
    %mul3A_103 = vector.broadcast %slice3A_102 : vector<256x16x1xf32> to vector<256x16x3xf32>
    %mul3A_104 = arith.mulf %mul3A_103, %convert_element_type3A_72 : vector<256x16x3xf32>
    %reduce_sum3A_105 = arith.constant dense<0.000000e+00> : vector<256x3xf32>
    %reduce_sum3A_106 = vector.multi_reduction <add>, %mul3A_104, %reduce_sum3A_105 [1] : vector<256x16x3xf32> to vector<256x3xf32>
    %slice3A_107 = vector.extract_strided_slice %convert_element_type3A_70 {offsets = [0, 0, 7], sizes = [256, 16, 1], strides = [1, 1, 1]} : vector<256x16x8xf32> to vector<256x16x1xf32>
    %mul3A_108 = vector.broadcast %slice3A_107 : vector<256x16x1xf32> to vector<256x16x3xf32>
    %mul3A_109 = arith.mulf %mul3A_108, %convert_element_type3A_72 : vector<256x16x3xf32>
    %reduce_sum3A_110 = arith.constant dense<0.000000e+00> : vector<256x3xf32>
    %reduce_sum3A_111 = vector.multi_reduction <add>, %mul3A_109, %reduce_sum3A_110 [1] : vector<256x16x3xf32> to vector<256x3xf32>
    %concatenate3A = tpu.concatenate %reduce_sum3A_76, %reduce_sum3A_81, %reduce_sum3A_86, %reduce_sum3A_91, %reduce_sum3A_96, %reduce_sum3A_101, %reduce_sum3A_106, %reduce_sum3A_111 in 1 : vector<256x3xf32>, vector<256x3xf32>, vector<256x3xf32>, vector<256x3xf32>, vector<256x3xf32>, vector<256x3xf32>, vector<256x3xf32>, vector<256x3xf32> -> vector<256x24xf32>
    %get3A_112 = arith.constant 0 : index
    %get3A_113 = arith.constant 0 : index
    %get3A_114 = vector.load %arg4[%get3A_112, %get3A_113] : memref<24x32xf32, #tpu.memory_space<vmem>>, vector<24x32xf32>
    %convert_element_type3A_115 = arith.truncf %concatenate3A : vector<256x24xf32> to vector<256x24xbf16>
    %convert_element_type3A_116 = arith.truncf %get3A_114 : vector<24x32xf32> to vector<24x32xbf16>
    %dot_general3A_117 = arith.constant dense<0.000000e+00> : vector<256x32xf32>
    %dot_general3A_118 = tpu.matmul %convert_element_type3A_115, %convert_element_type3A_116, %dot_general3A_117 {dimension_numbers = #tpu.dot_dimension_numbers<[1], [0], [0], [1], [0, 0, 1, 1], [], []>, transpose_lhs_hint = false} : vector<256x24xbf16>, vector<24x32xbf16>, vector<256x32xf32> -> vector<256x32xf32>
    %get3A_119 = arith.constant 0 : index
    %get3A_120 = arith.constant 0 : index
    %get3A_121 = vector.load %arg5[%get3A_119, %get3A_120] : memref<1x32xf32, #tpu.memory_space<vmem>>, vector<1x32xf32>
    %add3A_122 = vector.broadcast %get3A_121 : vector<1x32xf32> to vector<256x32xf32>
    %add3A_123 = arith.addf %dot_general3A_118, %add3A_122 : vector<256x32xf32>
    %max3A = arith.constant 0.000000e+00 : f32
    %max3A_124 = vector.broadcast %max3A : f32 to vector<256x32xf32>
    %max3A_125 = arith.maximumf %add3A_123, %max3A_124 : vector<256x32xf32>
    %broadcast_in_dim3A_126 = arith.constant 0.000000e+00 : f32
    %broadcast_in_dim3A_127 = vector.broadcast %broadcast_in_dim3A_126 : f32 to vector<256x80xf32>
    %slice3A_128 = vector.extract_strided_slice %get3A_5 {offsets = [0, 0], sizes = [256, 16], strides = [1, 1]} : vector<256x128xf32> to vector<256x16xf32>
    %concatenate3A_129 = tpu.concatenate %slice3A_128, %max3A_125, %broadcast_in_dim3A_127 in 1 : vector<256x16xf32>, vector<256x32xf32>, vector<256x80xf32> -> vector<256x128xf32>
    %swap3A = arith.constant 0 : index
    %swap3A_130 = arith.constant 0 : index
    %swap3A_131 = vector.load %arg6[%swap3A, %swap3A_130] : memref<256x128xf32, #tpu.memory_space<vmem>>, vector<256x128xf32>
    tpu.vector_store %arg6[%swap3A, %swap3A_130], %concatenate3A_129 {strides = array<i32>} : memref<256x128xf32, #tpu.memory_space<vmem>>, vector<256x128xf32>,
    return
  }
  func.func @transform_0(%arg0: i32) -> (i32, i32) {
    %c0_i32 = arith.constant 0 : i32
    %c0_i32_0 = arith.constant 0 : i32
    return %arg0, %c0_i32 : i32, i32
  }
  func.func @transform_1(%arg0: i32) -> (i32, i32) {
    %c0_i32 = arith.constant 0 : i32
    %c0_i32_0 = arith.constant 0 : i32
    return %arg0, %c0_i32 : i32, i32
  }
  func.func @transform_2(%arg0: i32) -> (i32, i32) {
    %c0_i32 = arith.constant 0 : i32
    %c0_i32_0 = arith.constant 0 : i32
    %c0_i32_1 = arith.constant 0 : i32
    return %c0_i32, %c0_i32_0 : i32, i32
  }
  func.func @transform_3(%arg0: i32) -> (i32, i32) {
    %c0_i32 = arith.constant 0 : i32
    %c0_i32_0 = arith.constant 0 : i32
    %c0_i32_1 = arith.constant 0 : i32
    return %c0_i32, %c0_i32_0 : i32, i32
  }
  func.func @transform_4(%arg0: i32) -> (i32, i32) {
    %c0_i32 = arith.constant 0 : i32
    %c0_i32_0 = arith.constant 0 : i32
    %c0_i32_1 = arith.constant 0 : i32
    return %c0_i32, %c0_i32_0 : i32, i32
  }
  func.func @transform_5(%arg0: i32) -> (i32, i32) {
    %c0_i32 = arith.constant 0 : i32
    %c0_i32_0 = arith.constant 0 : i32
    return %arg0, %c0_i32 : i32, i32
  }
}

module attributes {stable_mosaic.version = 14 : i64} {
  func.func @body(%arg0: i32, %arg1: memref<4096x128xf32, #tpu.memory_space<vmem>>, %arg2: memref<256x128xf32, #tpu.memory_space<vmem>>, %arg3: memref<8x3xf32, #tpu.memory_space<vmem>>, %arg4: memref<256x32xf32, #tpu.memory_space<vmem>>, %arg5: memref<1x32xf32, #tpu.memory_space<vmem>>, %arg6: memref<256x128xf32, #tpu.memory_space<vmem>>) attributes {dimension_semantics = [#tpu.dimension_semantics<arbitrary>], iteration_bounds = array<i64: 49>, scalar_prefetch = 0 : i64, scratch_operands = 0 : i64, tpu.core_type = #tpu.core_type<tc>, window_params = [{transform_indices = @transform_0, window_bounds = array<i64: 4096, 128>}, {transform_indices = @transform_1, window_bounds = array<i64: 256, 128>}, {pipeline_mode = #tpu.pipeline_mode<synchronous>, transform_indices = @transform_2, window_bounds = array<i64: 8, 3>}, {pipeline_mode = #tpu.pipeline_mode<synchronous>, transform_indices = @transform_3, window_bounds = array<i64: 256, 32>}, {pipeline_mode = #tpu.pipeline_mode<synchronous>, transform_indices = @transform_4, window_bounds = array<i64: 1, 32>}, {transform_indices = @transform_5, window_bounds = array<i64: 256, 128>}]} {
    %get3A = arith.constant 0 : index
    %get3A_0 = arith.constant 0 : index
    %get3A_1 = vector.load %arg1[%get3A, %get3A_0] : memref<4096x128xf32, #tpu.memory_space<vmem>>, vector<4096x128xf32>
    %reshape3A = vector.shape_cast %get3A_1 : vector<4096x128xf32> to vector<256x16x128xf32>
    %slice3A = vector.extract_strided_slice %reshape3A {offsets = [0, 0, 0], sizes = [256, 16, 3], strides = [1, 1, 1]} : vector<256x16x128xf32> to vector<256x16x3xf32>
    %slice3A_2 = vector.extract_strided_slice %reshape3A {offsets = [0, 0, 16], sizes = [256, 16, 32], strides = [1, 1, 1]} : vector<256x16x128xf32> to vector<256x16x32xf32>
    %get3A_3 = arith.constant 0 : index
    %get3A_4 = arith.constant 0 : index
    %get3A_5 = vector.load %arg2[%get3A_3, %get3A_4] : memref<256x128xf32, #tpu.memory_space<vmem>>, vector<256x128xf32>
    %slice3A_6 = vector.extract_strided_slice %get3A_5 {offsets = [0, 0], sizes = [256, 3], strides = [1, 1]} : vector<256x128xf32> to vector<256x3xf32>
    %broadcast_in_dim3A = vector.shape_cast %slice3A_6 : vector<256x3xf32> to vector<256x1x3xf32>
    %sub3A = vector.broadcast %broadcast_in_dim3A : vector<256x1x3xf32> to vector<256x16x3xf32>
    %sub3A_7 = arith.subf %slice3A, %sub3A : vector<256x16x3xf32>
    %reshape3A_8 = vector.shape_cast %sub3A_7 : vector<256x16x3xf32> to vector<4096x3xf32>
    %convert_element_type3A = arith.truncf %reshape3A_8 : vector<4096x3xf32> to vector<4096x3xbf16>
    %get3A_9 = arith.constant 0 : index
    %get3A_10 = arith.constant 0 : index
    %get3A_11 = vector.load %arg3[%get3A_9, %get3A_10] : memref<8x3xf32, #tpu.memory_space<vmem>>, vector<8x3xf32>
    %convert_element_type3A_12 = arith.truncf %get3A_11 : vector<8x3xf32> to vector<8x3xbf16>
    %dot_general3A = arith.constant dense<0.000000e+00> : vector<4096x8xf32>
    %dot_general3A_13 = tpu.matmul %convert_element_type3A, %convert_element_type3A_12, %dot_general3A {dimension_numbers = #tpu.dot_dimension_numbers<[1], [1], [0], [0], [0, 0, 1, 0], [], []>, transpose_lhs_hint = false} : vector<4096x3xbf16>, vector<8x3xbf16>, vector<4096x8xf32> -> vector<4096x8xf32>
    %mul3A = arith.constant -2.500000e+01 : f32
    %mul3A_14 = vector.broadcast %mul3A : f32 to vector<4096x8xf32>
    %mul3A_15 = arith.mulf %mul3A_14, %dot_general3A_13 : vector<4096x8xf32>
    %mul3A_16 = arith.mulf %mul3A_15, %dot_general3A_13 : vector<4096x8xf32>
    %reshape3A_17 = vector.shape_cast %mul3A_16 : vector<4096x8xf32> to vector<256x16x8xf32>
    %reduce_max3A = arith.constant dense<0xFF800000> : vector<256x8xf32>
    %reduce_max3A_18 = vector.multi_reduction <maximumf>, %reshape3A_17, %reduce_max3A [1] : vector<256x16x8xf32> to vector<256x8xf32>
    %broadcast_in_dim3A_19 = vector.shape_cast %reduce_max3A_18 : vector<256x8xf32> to vector<256x1x8xf32>
    %sub3A_20 = vector.broadcast %broadcast_in_dim3A_19 : vector<256x1x8xf32> to vector<256x16x8xf32>
    %sub3A_21 = arith.subf %reshape3A_17, %sub3A_20 : vector<256x16x8xf32>
    %exp3A = math.exp %sub3A_21 : vector<256x16x8xf32>
    %slice3A_22 = vector.extract_strided_slice %exp3A {offsets = [0, 0, 0], sizes = [256, 1, 8], strides = [1, 1, 1]} : vector<256x16x8xf32> to vector<256x1x8xf32>
    %squeeze3A = vector.shape_cast %slice3A_22 : vector<256x1x8xf32> to vector<256x8xf32>
    %slice3A_23 = vector.extract_strided_slice %exp3A {offsets = [0, 1, 0], sizes = [256, 1, 8], strides = [1, 1, 1]} : vector<256x16x8xf32> to vector<256x1x8xf32>
    %squeeze3A_24 = vector.shape_cast %slice3A_23 : vector<256x1x8xf32> to vector<256x8xf32>
    %add3A = arith.addf %squeeze3A, %squeeze3A_24 : vector<256x8xf32>
    %slice3A_25 = vector.extract_strided_slice %exp3A {offsets = [0, 2, 0], sizes = [256, 1, 8], strides = [1, 1, 1]} : vector<256x16x8xf32> to vector<256x1x8xf32>
    %squeeze3A_26 = vector.shape_cast %slice3A_25 : vector<256x1x8xf32> to vector<256x8xf32>
    %add3A_27 = arith.addf %add3A, %squeeze3A_26 : vector<256x8xf32>
    %slice3A_28 = vector.extract_strided_slice %exp3A {offsets = [0, 3, 0], sizes = [256, 1, 8], strides = [1, 1, 1]} : vector<256x16x8xf32> to vector<256x1x8xf32>
    %squeeze3A_29 = vector.shape_cast %slice3A_28 : vector<256x1x8xf32> to vector<256x8xf32>
    %add3A_30 = arith.addf %add3A_27, %squeeze3A_29 : vector<256x8xf32>
    %slice3A_31 = vector.extract_strided_slice %exp3A {offsets = [0, 4, 0], sizes = [256, 1, 8], strides = [1, 1, 1]} : vector<256x16x8xf32> to vector<256x1x8xf32>
    %squeeze3A_32 = vector.shape_cast %slice3A_31 : vector<256x1x8xf32> to vector<256x8xf32>
    %add3A_33 = arith.addf %add3A_30, %squeeze3A_32 : vector<256x8xf32>
    %slice3A_34 = vector.extract_strided_slice %exp3A {offsets = [0, 5, 0], sizes = [256, 1, 8], strides = [1, 1, 1]} : vector<256x16x8xf32> to vector<256x1x8xf32>
    %squeeze3A_35 = vector.shape_cast %slice3A_34 : vector<256x1x8xf32> to vector<256x8xf32>
    %add3A_36 = arith.addf %add3A_33, %squeeze3A_35 : vector<256x8xf32>
    %slice3A_37 = vector.extract_strided_slice %exp3A {offsets = [0, 6, 0], sizes = [256, 1, 8], strides = [1, 1, 1]} : vector<256x16x8xf32> to vector<256x1x8xf32>
    %squeeze3A_38 = vector.shape_cast %slice3A_37 : vector<256x1x8xf32> to vector<256x8xf32>
    %add3A_39 = arith.addf %add3A_36, %squeeze3A_38 : vector<256x8xf32>
    %slice3A_40 = vector.extract_strided_slice %exp3A {offsets = [0, 7, 0], sizes = [256, 1, 8], strides = [1, 1, 1]} : vector<256x16x8xf32> to vector<256x1x8xf32>
    %squeeze3A_41 = vector.shape_cast %slice3A_40 : vector<256x1x8xf32> to vector<256x8xf32>
    %add3A_42 = arith.addf %add3A_39, %squeeze3A_41 : vector<256x8xf32>
    %slice3A_43 = vector.extract_strided_slice %exp3A {offsets = [0, 8, 0], sizes = [256, 1, 8], strides = [1, 1, 1]} : vector<256x16x8xf32> to vector<256x1x8xf32>
    %squeeze3A_44 = vector.shape_cast %slice3A_43 : vector<256x1x8xf32> to vector<256x8xf32>
    %slice3A_45 = vector.extract_strided_slice %exp3A {offsets = [0, 9, 0], sizes = [256, 1, 8], strides = [1, 1, 1]} : vector<256x16x8xf32> to vector<256x1x8xf32>
    %squeeze3A_46 = vector.shape_cast %slice3A_45 : vector<256x1x8xf32> to vector<256x8xf32>
    %add3A_47 = arith.addf %squeeze3A_44, %squeeze3A_46 : vector<256x8xf32>
    %slice3A_48 = vector.extract_strided_slice %exp3A {offsets = [0, 10, 0], sizes = [256, 1, 8], strides = [1, 1, 1]} : vector<256x16x8xf32> to vector<256x1x8xf32>
    %squeeze3A_49 = vector.shape_cast %slice3A_48 : vector<256x1x8xf32> to vector<256x8xf32>
    %add3A_50 = arith.addf %add3A_47, %squeeze3A_49 : vector<256x8xf32>
    %slice3A_51 = vector.extract_strided_slice %exp3A {offsets = [0, 11, 0], sizes = [256, 1, 8], strides = [1, 1, 1]} : vector<256x16x8xf32> to vector<256x1x8xf32>
    %squeeze3A_52 = vector.shape_cast %slice3A_51 : vector<256x1x8xf32> to vector<256x8xf32>
    %add3A_53 = arith.addf %add3A_50, %squeeze3A_52 : vector<256x8xf32>
    %slice3A_54 = vector.extract_strided_slice %exp3A {offsets = [0, 12, 0], sizes = [256, 1, 8], strides = [1, 1, 1]} : vector<256x16x8xf32> to vector<256x1x8xf32>
    %squeeze3A_55 = vector.shape_cast %slice3A_54 : vector<256x1x8xf32> to vector<256x8xf32>
    %add3A_56 = arith.addf %add3A_53, %squeeze3A_55 : vector<256x8xf32>
    %slice3A_57 = vector.extract_strided_slice %exp3A {offsets = [0, 13, 0], sizes = [256, 1, 8], strides = [1, 1, 1]} : vector<256x16x8xf32> to vector<256x1x8xf32>
    %squeeze3A_58 = vector.shape_cast %slice3A_57 : vector<256x1x8xf32> to vector<256x8xf32>
    %add3A_59 = arith.addf %add3A_56, %squeeze3A_58 : vector<256x8xf32>
    %slice3A_60 = vector.extract_strided_slice %exp3A {offsets = [0, 14, 0], sizes = [256, 1, 8], strides = [1, 1, 1]} : vector<256x16x8xf32> to vector<256x1x8xf32>
    %squeeze3A_61 = vector.shape_cast %slice3A_60 : vector<256x1x8xf32> to vector<256x8xf32>
    %add3A_62 = arith.addf %add3A_59, %squeeze3A_61 : vector<256x8xf32>
    %slice3A_63 = vector.extract_strided_slice %exp3A {offsets = [0, 15, 0], sizes = [256, 1, 8], strides = [1, 1, 1]} : vector<256x16x8xf32> to vector<256x1x8xf32>
    %squeeze3A_64 = vector.shape_cast %slice3A_63 : vector<256x1x8xf32> to vector<256x8xf32>
    %add3A_65 = arith.addf %add3A_62, %squeeze3A_64 : vector<256x8xf32>
    %add3A_66 = arith.addf %add3A_42, %add3A_65 : vector<256x8xf32>
    %broadcast_in_dim3A_67 = vector.shape_cast %add3A_66 : vector<256x8xf32> to vector<256x1x8xf32>
    %div3A = vector.broadcast %broadcast_in_dim3A_67 : vector<256x1x8xf32> to vector<256x16x8xf32>
    %div3A_68 = arith.divf %exp3A, %div3A : vector<256x16x8xf32>
    %convert_element_type3A_69 = arith.truncf %div3A_68 : vector<256x16x8xf32> to vector<256x16x8xbf16>
    %convert_element_type3A_70 = arith.extf %convert_element_type3A_69 : vector<256x16x8xbf16> to vector<256x16x8xf32>
    %convert_element_type3A_71 = arith.truncf %slice3A_2 : vector<256x16x32xf32> to vector<256x16x32xbf16>
    %convert_element_type3A_72 = arith.extf %convert_element_type3A_71 : vector<256x16x32xbf16> to vector<256x16x32xf32>
    %slice3A_73 = vector.extract_strided_slice %convert_element_type3A_70 {offsets = [0, 0, 0], sizes = [256, 16, 1], strides = [1, 1, 1]} : vector<256x16x8xf32> to vector<256x16x1xf32>
    %mul3A_74 = vector.broadcast %slice3A_73 : vector<256x16x1xf32> to vector<256x16x32xf32>
    %mul3A_75 = arith.mulf %mul3A_74, %convert_element_type3A_72 : vector<256x16x32xf32>
    %reduce_sum3A = arith.constant dense<0.000000e+00> : vector<256x32xf32>
    %reduce_sum3A_76 = vector.multi_reduction <add>, %mul3A_75, %reduce_sum3A [1] : vector<256x16x32xf32> to vector<256x32xf32>
    %slice3A_77 = vector.extract_strided_slice %convert_element_type3A_70 {offsets = [0, 0, 1], sizes = [256, 16, 1], strides = [1, 1, 1]} : vector<256x16x8xf32> to vector<256x16x1xf32>
    %mul3A_78 = vector.broadcast %slice3A_77 : vector<256x16x1xf32> to vector<256x16x32xf32>
    %mul3A_79 = arith.mulf %mul3A_78, %convert_element_type3A_72 : vector<256x16x32xf32>
    %reduce_sum3A_80 = arith.constant dense<0.000000e+00> : vector<256x32xf32>
    %reduce_sum3A_81 = vector.multi_reduction <add>, %mul3A_79, %reduce_sum3A_80 [1] : vector<256x16x32xf32> to vector<256x32xf32>
    %slice3A_82 = vector.extract_strided_slice %convert_element_type3A_70 {offsets = [0, 0, 2], sizes = [256, 16, 1], strides = [1, 1, 1]} : vector<256x16x8xf32> to vector<256x16x1xf32>
    %mul3A_83 = vector.broadcast %slice3A_82 : vector<256x16x1xf32> to vector<256x16x32xf32>
    %mul3A_84 = arith.mulf %mul3A_83, %convert_element_type3A_72 : vector<256x16x32xf32>
    %reduce_sum3A_85 = arith.constant dense<0.000000e+00> : vector<256x32xf32>
    %reduce_sum3A_86 = vector.multi_reduction <add>, %mul3A_84, %reduce_sum3A_85 [1] : vector<256x16x32xf32> to vector<256x32xf32>
    %slice3A_87 = vector.extract_strided_slice %convert_element_type3A_70 {offsets = [0, 0, 3], sizes = [256, 16, 1], strides = [1, 1, 1]} : vector<256x16x8xf32> to vector<256x16x1xf32>
    %mul3A_88 = vector.broadcast %slice3A_87 : vector<256x16x1xf32> to vector<256x16x32xf32>
    %mul3A_89 = arith.mulf %mul3A_88, %convert_element_type3A_72 : vector<256x16x32xf32>
    %reduce_sum3A_90 = arith.constant dense<0.000000e+00> : vector<256x32xf32>
    %reduce_sum3A_91 = vector.multi_reduction <add>, %mul3A_89, %reduce_sum3A_90 [1] : vector<256x16x32xf32> to vector<256x32xf32>
    %slice3A_92 = vector.extract_strided_slice %convert_element_type3A_70 {offsets = [0, 0, 4], sizes = [256, 16, 1], strides = [1, 1, 1]} : vector<256x16x8xf32> to vector<256x16x1xf32>
    %mul3A_93 = vector.broadcast %slice3A_92 : vector<256x16x1xf32> to vector<256x16x32xf32>
    %mul3A_94 = arith.mulf %mul3A_93, %convert_element_type3A_72 : vector<256x16x32xf32>
    %reduce_sum3A_95 = arith.constant dense<0.000000e+00> : vector<256x32xf32>
    %reduce_sum3A_96 = vector.multi_reduction <add>, %mul3A_94, %reduce_sum3A_95 [1] : vector<256x16x32xf32> to vector<256x32xf32>
    %slice3A_97 = vector.extract_strided_slice %convert_element_type3A_70 {offsets = [0, 0, 5], sizes = [256, 16, 1], strides = [1, 1, 1]} : vector<256x16x8xf32> to vector<256x16x1xf32>
    %mul3A_98 = vector.broadcast %slice3A_97 : vector<256x16x1xf32> to vector<256x16x32xf32>
    %mul3A_99 = arith.mulf %mul3A_98, %convert_element_type3A_72 : vector<256x16x32xf32>
    %reduce_sum3A_100 = arith.constant dense<0.000000e+00> : vector<256x32xf32>
    %reduce_sum3A_101 = vector.multi_reduction <add>, %mul3A_99, %reduce_sum3A_100 [1] : vector<256x16x32xf32> to vector<256x32xf32>
    %slice3A_102 = vector.extract_strided_slice %convert_element_type3A_70 {offsets = [0, 0, 6], sizes = [256, 16, 1], strides = [1, 1, 1]} : vector<256x16x8xf32> to vector<256x16x1xf32>
    %mul3A_103 = vector.broadcast %slice3A_102 : vector<256x16x1xf32> to vector<256x16x32xf32>
    %mul3A_104 = arith.mulf %mul3A_103, %convert_element_type3A_72 : vector<256x16x32xf32>
    %reduce_sum3A_105 = arith.constant dense<0.000000e+00> : vector<256x32xf32>
    %reduce_sum3A_106 = vector.multi_reduction <add>, %mul3A_104, %reduce_sum3A_105 [1] : vector<256x16x32xf32> to vector<256x32xf32>
    %slice3A_107 = vector.extract_strided_slice %convert_element_type3A_70 {offsets = [0, 0, 7], sizes = [256, 16, 1], strides = [1, 1, 1]} : vector<256x16x8xf32> to vector<256x16x1xf32>
    %mul3A_108 = vector.broadcast %slice3A_107 : vector<256x16x1xf32> to vector<256x16x32xf32>
    %mul3A_109 = arith.mulf %mul3A_108, %convert_element_type3A_72 : vector<256x16x32xf32>
    %reduce_sum3A_110 = arith.constant dense<0.000000e+00> : vector<256x32xf32>
    %reduce_sum3A_111 = vector.multi_reduction <add>, %mul3A_109, %reduce_sum3A_110 [1] : vector<256x16x32xf32> to vector<256x32xf32>
    %concatenate3A = tpu.concatenate %reduce_sum3A_76, %reduce_sum3A_81, %reduce_sum3A_86, %reduce_sum3A_91, %reduce_sum3A_96, %reduce_sum3A_101, %reduce_sum3A_106, %reduce_sum3A_111 in 1 : vector<256x32xf32>, vector<256x32xf32>, vector<256x32xf32>, vector<256x32xf32>, vector<256x32xf32>, vector<256x32xf32>, vector<256x32xf32>, vector<256x32xf32> -> vector<256x256xf32>
    %get3A_112 = arith.constant 0 : index
    %get3A_113 = arith.constant 0 : index
    %get3A_114 = vector.load %arg4[%get3A_112, %get3A_113] : memref<256x32xf32, #tpu.memory_space<vmem>>, vector<256x32xf32>
    %convert_element_type3A_115 = arith.truncf %concatenate3A : vector<256x256xf32> to vector<256x256xbf16>
    %convert_element_type3A_116 = arith.truncf %get3A_114 : vector<256x32xf32> to vector<256x32xbf16>
    %dot_general3A_117 = arith.constant dense<0.000000e+00> : vector<256x32xf32>
    %dot_general3A_118 = tpu.matmul %convert_element_type3A_115, %convert_element_type3A_116, %dot_general3A_117 {dimension_numbers = #tpu.dot_dimension_numbers<[1], [0], [0], [1], [0, 0, 1, 1], [], []>, transpose_lhs_hint = false} : vector<256x256xbf16>, vector<256x32xbf16>, vector<256x32xf32> -> vector<256x32xf32>
    %get3A_119 = arith.constant 0 : index
    %get3A_120 = arith.constant 0 : index
    %get3A_121 = vector.load %arg5[%get3A_119, %get3A_120] : memref<1x32xf32, #tpu.memory_space<vmem>>, vector<1x32xf32>
    %add3A_122 = vector.broadcast %get3A_121 : vector<1x32xf32> to vector<256x32xf32>
    %add3A_123 = arith.addf %dot_general3A_118, %add3A_122 : vector<256x32xf32>
    %max3A = arith.constant 0.000000e+00 : f32
    %max3A_124 = vector.broadcast %max3A : f32 to vector<256x32xf32>
    %max3A_125 = arith.maximumf %add3A_123, %max3A_124 : vector<256x32xf32>
    %broadcast_in_dim3A_126 = arith.constant 0.000000e+00 : f32
    %broadcast_in_dim3A_127 = vector.broadcast %broadcast_in_dim3A_126 : f32 to vector<256x80xf32>
    %slice3A_128 = vector.extract_strided_slice %get3A_5 {offsets = [0, 0], sizes = [256, 16], strides = [1, 1]} : vector<256x128xf32> to vector<256x16xf32>
    %concatenate3A_129 = tpu.concatenate %slice3A_128, %max3A_125, %broadcast_in_dim3A_127 in 1 : vector<256x16xf32>, vector<256x32xf32>, vector<256x80xf32> -> vector<256x128xf32>
    %swap3A = arith.constant 0 : index
    %swap3A_130 = arith.constant 0 : index
    %swap3A_131 = vector.load %arg6[%swap3A, %swap3A_130] : memref<256x128xf32, #tpu.memory_space<vmem>>, vector<256x128xf32>
    tpu.vector_store %arg6[%swap3A, %swap3A_130], %concatenate3A_129 {strides = array<i32>} : memref<256x128xf32, #tpu.memory_space<vmem>>, vector<256x128xf32>,
    return
  }
  func.func @transform_0(%arg0: i32) -> (i32, i32) {
    %c0_i32 = arith.constant 0 : i32
    %c0_i32_0 = arith.constant 0 : i32
    return %arg0, %c0_i32 : i32, i32
  }
  func.func @transform_1(%arg0: i32) -> (i32, i32) {
    %c0_i32 = arith.constant 0 : i32
    %c0_i32_0 = arith.constant 0 : i32
    return %arg0, %c0_i32 : i32, i32
  }
  func.func @transform_2(%arg0: i32) -> (i32, i32) {
    %c0_i32 = arith.constant 0 : i32
    %c0_i32_0 = arith.constant 0 : i32
    %c0_i32_1 = arith.constant 0 : i32
    return %c0_i32, %c0_i32_0 : i32, i32
  }
  func.func @transform_3(%arg0: i32) -> (i32, i32) {
    %c0_i32 = arith.constant 0 : i32
    %c0_i32_0 = arith.constant 0 : i32
    %c0_i32_1 = arith.constant 0 : i32
    return %c0_i32, %c0_i32_0 : i32, i32
  }
  func.func @transform_4(%arg0: i32) -> (i32, i32) {
    %c0_i32 = arith.constant 0 : i32
    %c0_i32_0 = arith.constant 0 : i32
    %c0_i32_1 = arith.constant 0 : i32
    return %c0_i32, %c0_i32_0 : i32, i32
  }
  func.func @transform_5(%arg0: i32) -> (i32, i32) {
    %c0_i32 = arith.constant 0 : i32
    %c0_i32_0 = arith.constant 0 : i32
    return %arg0, %c0_i32 : i32, i32
  }
}

module attributes {stable_mosaic.version = 14 : i64} {
  func.func @body(%arg0: i32, %arg1: memref<4096x128xf32, #tpu.memory_space<vmem>>, %arg2: memref<256x128xf32, #tpu.memory_space<vmem>>, %arg3: memref<8x3xf32, #tpu.memory_space<vmem>>, %arg4: memref<256x64xf32, #tpu.memory_space<vmem>>, %arg5: memref<1x64xf32, #tpu.memory_space<vmem>>, %arg6: memref<256x128xf32, #tpu.memory_space<vmem>>) attributes {dimension_semantics = [#tpu.dimension_semantics<arbitrary>], iteration_bounds = array<i64: 49>, scalar_prefetch = 0 : i64, scratch_operands = 0 : i64, tpu.core_type = #tpu.core_type<tc>, window_params = [{transform_indices = @transform_0, window_bounds = array<i64: 4096, 128>}, {transform_indices = @transform_1, window_bounds = array<i64: 256, 128>}, {pipeline_mode = #tpu.pipeline_mode<synchronous>, transform_indices = @transform_2, window_bounds = array<i64: 8, 3>}, {pipeline_mode = #tpu.pipeline_mode<synchronous>, transform_indices = @transform_3, window_bounds = array<i64: 256, 64>}, {pipeline_mode = #tpu.pipeline_mode<synchronous>, transform_indices = @transform_4, window_bounds = array<i64: 1, 64>}, {transform_indices = @transform_5, window_bounds = array<i64: 256, 128>}]} {
    %get3A = arith.constant 0 : index
    %get3A_0 = arith.constant 0 : index
    %get3A_1 = vector.load %arg1[%get3A, %get3A_0] : memref<4096x128xf32, #tpu.memory_space<vmem>>, vector<4096x128xf32>
    %reshape3A = vector.shape_cast %get3A_1 : vector<4096x128xf32> to vector<256x16x128xf32>
    %slice3A = vector.extract_strided_slice %reshape3A {offsets = [0, 0, 0], sizes = [256, 16, 3], strides = [1, 1, 1]} : vector<256x16x128xf32> to vector<256x16x3xf32>
    %slice3A_2 = vector.extract_strided_slice %reshape3A {offsets = [0, 0, 16], sizes = [256, 16, 32], strides = [1, 1, 1]} : vector<256x16x128xf32> to vector<256x16x32xf32>
    %get3A_3 = arith.constant 0 : index
    %get3A_4 = arith.constant 0 : index
    %get3A_5 = vector.load %arg2[%get3A_3, %get3A_4] : memref<256x128xf32, #tpu.memory_space<vmem>>, vector<256x128xf32>
    %slice3A_6 = vector.extract_strided_slice %get3A_5 {offsets = [0, 0], sizes = [256, 3], strides = [1, 1]} : vector<256x128xf32> to vector<256x3xf32>
    %broadcast_in_dim3A = vector.shape_cast %slice3A_6 : vector<256x3xf32> to vector<256x1x3xf32>
    %sub3A = vector.broadcast %broadcast_in_dim3A : vector<256x1x3xf32> to vector<256x16x3xf32>
    %sub3A_7 = arith.subf %slice3A, %sub3A : vector<256x16x3xf32>
    %reshape3A_8 = vector.shape_cast %sub3A_7 : vector<256x16x3xf32> to vector<4096x3xf32>
    %convert_element_type3A = arith.truncf %reshape3A_8 : vector<4096x3xf32> to vector<4096x3xbf16>
    %get3A_9 = arith.constant 0 : index
    %get3A_10 = arith.constant 0 : index
    %get3A_11 = vector.load %arg3[%get3A_9, %get3A_10] : memref<8x3xf32, #tpu.memory_space<vmem>>, vector<8x3xf32>
    %convert_element_type3A_12 = arith.truncf %get3A_11 : vector<8x3xf32> to vector<8x3xbf16>
    %dot_general3A = arith.constant dense<0.000000e+00> : vector<4096x8xf32>
    %dot_general3A_13 = tpu.matmul %convert_element_type3A, %convert_element_type3A_12, %dot_general3A {dimension_numbers = #tpu.dot_dimension_numbers<[1], [1], [0], [0], [0, 0, 1, 0], [], []>, transpose_lhs_hint = false} : vector<4096x3xbf16>, vector<8x3xbf16>, vector<4096x8xf32> -> vector<4096x8xf32>
    %mul3A = arith.constant -2.500000e+01 : f32
    %mul3A_14 = vector.broadcast %mul3A : f32 to vector<4096x8xf32>
    %mul3A_15 = arith.mulf %mul3A_14, %dot_general3A_13 : vector<4096x8xf32>
    %mul3A_16 = arith.mulf %mul3A_15, %dot_general3A_13 : vector<4096x8xf32>
    %reshape3A_17 = vector.shape_cast %mul3A_16 : vector<4096x8xf32> to vector<256x16x8xf32>
    %reduce_max3A = arith.constant dense<0xFF800000> : vector<256x8xf32>
    %reduce_max3A_18 = vector.multi_reduction <maximumf>, %reshape3A_17, %reduce_max3A [1] : vector<256x16x8xf32> to vector<256x8xf32>
    %broadcast_in_dim3A_19 = vector.shape_cast %reduce_max3A_18 : vector<256x8xf32> to vector<256x1x8xf32>
    %sub3A_20 = vector.broadcast %broadcast_in_dim3A_19 : vector<256x1x8xf32> to vector<256x16x8xf32>
    %sub3A_21 = arith.subf %reshape3A_17, %sub3A_20 : vector<256x16x8xf32>
    %exp3A = math.exp %sub3A_21 : vector<256x16x8xf32>
    %slice3A_22 = vector.extract_strided_slice %exp3A {offsets = [0, 0, 0], sizes = [256, 1, 8], strides = [1, 1, 1]} : vector<256x16x8xf32> to vector<256x1x8xf32>
    %squeeze3A = vector.shape_cast %slice3A_22 : vector<256x1x8xf32> to vector<256x8xf32>
    %slice3A_23 = vector.extract_strided_slice %exp3A {offsets = [0, 1, 0], sizes = [256, 1, 8], strides = [1, 1, 1]} : vector<256x16x8xf32> to vector<256x1x8xf32>
    %squeeze3A_24 = vector.shape_cast %slice3A_23 : vector<256x1x8xf32> to vector<256x8xf32>
    %add3A = arith.addf %squeeze3A, %squeeze3A_24 : vector<256x8xf32>
    %slice3A_25 = vector.extract_strided_slice %exp3A {offsets = [0, 2, 0], sizes = [256, 1, 8], strides = [1, 1, 1]} : vector<256x16x8xf32> to vector<256x1x8xf32>
    %squeeze3A_26 = vector.shape_cast %slice3A_25 : vector<256x1x8xf32> to vector<256x8xf32>
    %add3A_27 = arith.addf %add3A, %squeeze3A_26 : vector<256x8xf32>
    %slice3A_28 = vector.extract_strided_slice %exp3A {offsets = [0, 3, 0], sizes = [256, 1, 8], strides = [1, 1, 1]} : vector<256x16x8xf32> to vector<256x1x8xf32>
    %squeeze3A_29 = vector.shape_cast %slice3A_28 : vector<256x1x8xf32> to vector<256x8xf32>
    %add3A_30 = arith.addf %add3A_27, %squeeze3A_29 : vector<256x8xf32>
    %slice3A_31 = vector.extract_strided_slice %exp3A {offsets = [0, 4, 0], sizes = [256, 1, 8], strides = [1, 1, 1]} : vector<256x16x8xf32> to vector<256x1x8xf32>
    %squeeze3A_32 = vector.shape_cast %slice3A_31 : vector<256x1x8xf32> to vector<256x8xf32>
    %add3A_33 = arith.addf %add3A_30, %squeeze3A_32 : vector<256x8xf32>
    %slice3A_34 = vector.extract_strided_slice %exp3A {offsets = [0, 5, 0], sizes = [256, 1, 8], strides = [1, 1, 1]} : vector<256x16x8xf32> to vector<256x1x8xf32>
    %squeeze3A_35 = vector.shape_cast %slice3A_34 : vector<256x1x8xf32> to vector<256x8xf32>
    %add3A_36 = arith.addf %add3A_33, %squeeze3A_35 : vector<256x8xf32>
    %slice3A_37 = vector.extract_strided_slice %exp3A {offsets = [0, 6, 0], sizes = [256, 1, 8], strides = [1, 1, 1]} : vector<256x16x8xf32> to vector<256x1x8xf32>
    %squeeze3A_38 = vector.shape_cast %slice3A_37 : vector<256x1x8xf32> to vector<256x8xf32>
    %add3A_39 = arith.addf %add3A_36, %squeeze3A_38 : vector<256x8xf32>
    %slice3A_40 = vector.extract_strided_slice %exp3A {offsets = [0, 7, 0], sizes = [256, 1, 8], strides = [1, 1, 1]} : vector<256x16x8xf32> to vector<256x1x8xf32>
    %squeeze3A_41 = vector.shape_cast %slice3A_40 : vector<256x1x8xf32> to vector<256x8xf32>
    %add3A_42 = arith.addf %add3A_39, %squeeze3A_41 : vector<256x8xf32>
    %slice3A_43 = vector.extract_strided_slice %exp3A {offsets = [0, 8, 0], sizes = [256, 1, 8], strides = [1, 1, 1]} : vector<256x16x8xf32> to vector<256x1x8xf32>
    %squeeze3A_44 = vector.shape_cast %slice3A_43 : vector<256x1x8xf32> to vector<256x8xf32>
    %slice3A_45 = vector.extract_strided_slice %exp3A {offsets = [0, 9, 0], sizes = [256, 1, 8], strides = [1, 1, 1]} : vector<256x16x8xf32> to vector<256x1x8xf32>
    %squeeze3A_46 = vector.shape_cast %slice3A_45 : vector<256x1x8xf32> to vector<256x8xf32>
    %add3A_47 = arith.addf %squeeze3A_44, %squeeze3A_46 : vector<256x8xf32>
    %slice3A_48 = vector.extract_strided_slice %exp3A {offsets = [0, 10, 0], sizes = [256, 1, 8], strides = [1, 1, 1]} : vector<256x16x8xf32> to vector<256x1x8xf32>
    %squeeze3A_49 = vector.shape_cast %slice3A_48 : vector<256x1x8xf32> to vector<256x8xf32>
    %add3A_50 = arith.addf %add3A_47, %squeeze3A_49 : vector<256x8xf32>
    %slice3A_51 = vector.extract_strided_slice %exp3A {offsets = [0, 11, 0], sizes = [256, 1, 8], strides = [1, 1, 1]} : vector<256x16x8xf32> to vector<256x1x8xf32>
    %squeeze3A_52 = vector.shape_cast %slice3A_51 : vector<256x1x8xf32> to vector<256x8xf32>
    %add3A_53 = arith.addf %add3A_50, %squeeze3A_52 : vector<256x8xf32>
    %slice3A_54 = vector.extract_strided_slice %exp3A {offsets = [0, 12, 0], sizes = [256, 1, 8], strides = [1, 1, 1]} : vector<256x16x8xf32> to vector<256x1x8xf32>
    %squeeze3A_55 = vector.shape_cast %slice3A_54 : vector<256x1x8xf32> to vector<256x8xf32>
    %add3A_56 = arith.addf %add3A_53, %squeeze3A_55 : vector<256x8xf32>
    %slice3A_57 = vector.extract_strided_slice %exp3A {offsets = [0, 13, 0], sizes = [256, 1, 8], strides = [1, 1, 1]} : vector<256x16x8xf32> to vector<256x1x8xf32>
    %squeeze3A_58 = vector.shape_cast %slice3A_57 : vector<256x1x8xf32> to vector<256x8xf32>
    %add3A_59 = arith.addf %add3A_56, %squeeze3A_58 : vector<256x8xf32>
    %slice3A_60 = vector.extract_strided_slice %exp3A {offsets = [0, 14, 0], sizes = [256, 1, 8], strides = [1, 1, 1]} : vector<256x16x8xf32> to vector<256x1x8xf32>
    %squeeze3A_61 = vector.shape_cast %slice3A_60 : vector<256x1x8xf32> to vector<256x8xf32>
    %add3A_62 = arith.addf %add3A_59, %squeeze3A_61 : vector<256x8xf32>
    %slice3A_63 = vector.extract_strided_slice %exp3A {offsets = [0, 15, 0], sizes = [256, 1, 8], strides = [1, 1, 1]} : vector<256x16x8xf32> to vector<256x1x8xf32>
    %squeeze3A_64 = vector.shape_cast %slice3A_63 : vector<256x1x8xf32> to vector<256x8xf32>
    %add3A_65 = arith.addf %add3A_62, %squeeze3A_64 : vector<256x8xf32>
    %add3A_66 = arith.addf %add3A_42, %add3A_65 : vector<256x8xf32>
    %broadcast_in_dim3A_67 = vector.shape_cast %add3A_66 : vector<256x8xf32> to vector<256x1x8xf32>
    %div3A = vector.broadcast %broadcast_in_dim3A_67 : vector<256x1x8xf32> to vector<256x16x8xf32>
    %div3A_68 = arith.divf %exp3A, %div3A : vector<256x16x8xf32>
    %convert_element_type3A_69 = arith.truncf %div3A_68 : vector<256x16x8xf32> to vector<256x16x8xbf16>
    %convert_element_type3A_70 = arith.extf %convert_element_type3A_69 : vector<256x16x8xbf16> to vector<256x16x8xf32>
    %convert_element_type3A_71 = arith.truncf %slice3A_2 : vector<256x16x32xf32> to vector<256x16x32xbf16>
    %convert_element_type3A_72 = arith.extf %convert_element_type3A_71 : vector<256x16x32xbf16> to vector<256x16x32xf32>
    %slice3A_73 = vector.extract_strided_slice %convert_element_type3A_70 {offsets = [0, 0, 0], sizes = [256, 16, 1], strides = [1, 1, 1]} : vector<256x16x8xf32> to vector<256x16x1xf32>
    %mul3A_74 = vector.broadcast %slice3A_73 : vector<256x16x1xf32> to vector<256x16x32xf32>
    %mul3A_75 = arith.mulf %mul3A_74, %convert_element_type3A_72 : vector<256x16x32xf32>
    %reduce_sum3A = arith.constant dense<0.000000e+00> : vector<256x32xf32>
    %reduce_sum3A_76 = vector.multi_reduction <add>, %mul3A_75, %reduce_sum3A [1] : vector<256x16x32xf32> to vector<256x32xf32>
    %slice3A_77 = vector.extract_strided_slice %convert_element_type3A_70 {offsets = [0, 0, 1], sizes = [256, 16, 1], strides = [1, 1, 1]} : vector<256x16x8xf32> to vector<256x16x1xf32>
    %mul3A_78 = vector.broadcast %slice3A_77 : vector<256x16x1xf32> to vector<256x16x32xf32>
    %mul3A_79 = arith.mulf %mul3A_78, %convert_element_type3A_72 : vector<256x16x32xf32>
    %reduce_sum3A_80 = arith.constant dense<0.000000e+00> : vector<256x32xf32>
    %reduce_sum3A_81 = vector.multi_reduction <add>, %mul3A_79, %reduce_sum3A_80 [1] : vector<256x16x32xf32> to vector<256x32xf32>
    %slice3A_82 = vector.extract_strided_slice %convert_element_type3A_70 {offsets = [0, 0, 2], sizes = [256, 16, 1], strides = [1, 1, 1]} : vector<256x16x8xf32> to vector<256x16x1xf32>
    %mul3A_83 = vector.broadcast %slice3A_82 : vector<256x16x1xf32> to vector<256x16x32xf32>
    %mul3A_84 = arith.mulf %mul3A_83, %convert_element_type3A_72 : vector<256x16x32xf32>
    %reduce_sum3A_85 = arith.constant dense<0.000000e+00> : vector<256x32xf32>
    %reduce_sum3A_86 = vector.multi_reduction <add>, %mul3A_84, %reduce_sum3A_85 [1] : vector<256x16x32xf32> to vector<256x32xf32>
    %slice3A_87 = vector.extract_strided_slice %convert_element_type3A_70 {offsets = [0, 0, 3], sizes = [256, 16, 1], strides = [1, 1, 1]} : vector<256x16x8xf32> to vector<256x16x1xf32>
    %mul3A_88 = vector.broadcast %slice3A_87 : vector<256x16x1xf32> to vector<256x16x32xf32>
    %mul3A_89 = arith.mulf %mul3A_88, %convert_element_type3A_72 : vector<256x16x32xf32>
    %reduce_sum3A_90 = arith.constant dense<0.000000e+00> : vector<256x32xf32>
    %reduce_sum3A_91 = vector.multi_reduction <add>, %mul3A_89, %reduce_sum3A_90 [1] : vector<256x16x32xf32> to vector<256x32xf32>
    %slice3A_92 = vector.extract_strided_slice %convert_element_type3A_70 {offsets = [0, 0, 4], sizes = [256, 16, 1], strides = [1, 1, 1]} : vector<256x16x8xf32> to vector<256x16x1xf32>
    %mul3A_93 = vector.broadcast %slice3A_92 : vector<256x16x1xf32> to vector<256x16x32xf32>
    %mul3A_94 = arith.mulf %mul3A_93, %convert_element_type3A_72 : vector<256x16x32xf32>
    %reduce_sum3A_95 = arith.constant dense<0.000000e+00> : vector<256x32xf32>
    %reduce_sum3A_96 = vector.multi_reduction <add>, %mul3A_94, %reduce_sum3A_95 [1] : vector<256x16x32xf32> to vector<256x32xf32>
    %slice3A_97 = vector.extract_strided_slice %convert_element_type3A_70 {offsets = [0, 0, 5], sizes = [256, 16, 1], strides = [1, 1, 1]} : vector<256x16x8xf32> to vector<256x16x1xf32>
    %mul3A_98 = vector.broadcast %slice3A_97 : vector<256x16x1xf32> to vector<256x16x32xf32>
    %mul3A_99 = arith.mulf %mul3A_98, %convert_element_type3A_72 : vector<256x16x32xf32>
    %reduce_sum3A_100 = arith.constant dense<0.000000e+00> : vector<256x32xf32>
    %reduce_sum3A_101 = vector.multi_reduction <add>, %mul3A_99, %reduce_sum3A_100 [1] : vector<256x16x32xf32> to vector<256x32xf32>
    %slice3A_102 = vector.extract_strided_slice %convert_element_type3A_70 {offsets = [0, 0, 6], sizes = [256, 16, 1], strides = [1, 1, 1]} : vector<256x16x8xf32> to vector<256x16x1xf32>
    %mul3A_103 = vector.broadcast %slice3A_102 : vector<256x16x1xf32> to vector<256x16x32xf32>
    %mul3A_104 = arith.mulf %mul3A_103, %convert_element_type3A_72 : vector<256x16x32xf32>
    %reduce_sum3A_105 = arith.constant dense<0.000000e+00> : vector<256x32xf32>
    %reduce_sum3A_106 = vector.multi_reduction <add>, %mul3A_104, %reduce_sum3A_105 [1] : vector<256x16x32xf32> to vector<256x32xf32>
    %slice3A_107 = vector.extract_strided_slice %convert_element_type3A_70 {offsets = [0, 0, 7], sizes = [256, 16, 1], strides = [1, 1, 1]} : vector<256x16x8xf32> to vector<256x16x1xf32>
    %mul3A_108 = vector.broadcast %slice3A_107 : vector<256x16x1xf32> to vector<256x16x32xf32>
    %mul3A_109 = arith.mulf %mul3A_108, %convert_element_type3A_72 : vector<256x16x32xf32>
    %reduce_sum3A_110 = arith.constant dense<0.000000e+00> : vector<256x32xf32>
    %reduce_sum3A_111 = vector.multi_reduction <add>, %mul3A_109, %reduce_sum3A_110 [1] : vector<256x16x32xf32> to vector<256x32xf32>
    %concatenate3A = tpu.concatenate %reduce_sum3A_76, %reduce_sum3A_81, %reduce_sum3A_86, %reduce_sum3A_91, %reduce_sum3A_96, %reduce_sum3A_101, %reduce_sum3A_106, %reduce_sum3A_111 in 1 : vector<256x32xf32>, vector<256x32xf32>, vector<256x32xf32>, vector<256x32xf32>, vector<256x32xf32>, vector<256x32xf32>, vector<256x32xf32>, vector<256x32xf32> -> vector<256x256xf32>
    %get3A_112 = arith.constant 0 : index
    %get3A_113 = arith.constant 0 : index
    %get3A_114 = vector.load %arg4[%get3A_112, %get3A_113] : memref<256x64xf32, #tpu.memory_space<vmem>>, vector<256x64xf32>
    %convert_element_type3A_115 = arith.truncf %concatenate3A : vector<256x256xf32> to vector<256x256xbf16>
    %convert_element_type3A_116 = arith.truncf %get3A_114 : vector<256x64xf32> to vector<256x64xbf16>
    %dot_general3A_117 = arith.constant dense<0.000000e+00> : vector<256x64xf32>
    %dot_general3A_118 = tpu.matmul %convert_element_type3A_115, %convert_element_type3A_116, %dot_general3A_117 {dimension_numbers = #tpu.dot_dimension_numbers<[1], [0], [0], [1], [0, 0, 1, 1], [], []>, transpose_lhs_hint = false} : vector<256x256xbf16>, vector<256x64xbf16>, vector<256x64xf32> -> vector<256x64xf32>
    %get3A_119 = arith.constant 0 : index
    %get3A_120 = arith.constant 0 : index
    %get3A_121 = vector.load %arg5[%get3A_119, %get3A_120] : memref<1x64xf32, #tpu.memory_space<vmem>>, vector<1x64xf32>
    %add3A_122 = vector.broadcast %get3A_121 : vector<1x64xf32> to vector<256x64xf32>
    %add3A_123 = arith.addf %dot_general3A_118, %add3A_122 : vector<256x64xf32>
    %max3A = arith.constant 0.000000e+00 : f32
    %max3A_124 = vector.broadcast %max3A : f32 to vector<256x64xf32>
    %max3A_125 = arith.maximumf %add3A_123, %max3A_124 : vector<256x64xf32>
    %broadcast_in_dim3A_126 = arith.constant 0.000000e+00 : f32
    %broadcast_in_dim3A_127 = vector.broadcast %broadcast_in_dim3A_126 : f32 to vector<256x48xf32>
    %slice3A_128 = vector.extract_strided_slice %get3A_5 {offsets = [0, 0], sizes = [256, 16], strides = [1, 1]} : vector<256x128xf32> to vector<256x16xf32>
    %concatenate3A_129 = tpu.concatenate %slice3A_128, %max3A_125, %broadcast_in_dim3A_127 in 1 : vector<256x16xf32>, vector<256x64xf32>, vector<256x48xf32> -> vector<256x128xf32>
    %swap3A = arith.constant 0 : index
    %swap3A_130 = arith.constant 0 : index
    %swap3A_131 = vector.load %arg6[%swap3A, %swap3A_130] : memref<256x128xf32, #tpu.memory_space<vmem>>, vector<256x128xf32>
    tpu.vector_store %arg6[%swap3A, %swap3A_130], %concatenate3A_129 {strides = array<i32>} : memref<256x128xf32, #tpu.memory_space<vmem>>, vector<256x128xf32>,
    return
  }
  func.func @transform_0(%arg0: i32) -> (i32, i32) {
    %c0_i32 = arith.constant 0 : i32
    %c0_i32_0 = arith.constant 0 : i32
    return %arg0, %c0_i32 : i32, i32
  }
  func.func @transform_1(%arg0: i32) -> (i32, i32) {
    %c0_i32 = arith.constant 0 : i32
    %c0_i32_0 = arith.constant 0 : i32
    return %arg0, %c0_i32 : i32, i32
  }
  func.func @transform_2(%arg0: i32) -> (i32, i32) {
    %c0_i32 = arith.constant 0 : i32
    %c0_i32_0 = arith.constant 0 : i32
    %c0_i32_1 = arith.constant 0 : i32
    return %c0_i32, %c0_i32_0 : i32, i32
  }
  func.func @transform_3(%arg0: i32) -> (i32, i32) {
    %c0_i32 = arith.constant 0 : i32
    %c0_i32_0 = arith.constant 0 : i32
    %c0_i32_1 = arith.constant 0 : i32
    return %c0_i32, %c0_i32_0 : i32, i32
  }
  func.func @transform_4(%arg0: i32) -> (i32, i32) {
    %c0_i32 = arith.constant 0 : i32
    %c0_i32_0 = arith.constant 0 : i32
    %c0_i32_1 = arith.constant 0 : i32
    return %c0_i32, %c0_i32_0 : i32, i32
  }
  func.func @transform_5(%arg0: i32) -> (i32, i32) {
    %c0_i32 = arith.constant 0 : i32
    %c0_i32_0 = arith.constant 0 : i32
    return %arg0, %c0_i32 : i32, i32
  }
}

module attributes {stable_mosaic.version = 14 : i64} {
  func.func @body(%arg0: i32, %arg1: memref<4096x128xf32, #tpu.memory_space<vmem>>, %arg2: memref<256x128xf32, #tpu.memory_space<vmem>>, %arg3: memref<8x3xf32, #tpu.memory_space<vmem>>, %arg4: memref<512x64xf32, #tpu.memory_space<vmem>>, %arg5: memref<1x64xf32, #tpu.memory_space<vmem>>, %arg6: memref<256x128xf32, #tpu.memory_space<vmem>>) attributes {dimension_semantics = [#tpu.dimension_semantics<arbitrary>], iteration_bounds = array<i64: 49>, scalar_prefetch = 0 : i64, scratch_operands = 0 : i64, tpu.core_type = #tpu.core_type<tc>, window_params = [{transform_indices = @transform_0, window_bounds = array<i64: 4096, 128>}, {transform_indices = @transform_1, window_bounds = array<i64: 256, 128>}, {pipeline_mode = #tpu.pipeline_mode<synchronous>, transform_indices = @transform_2, window_bounds = array<i64: 8, 3>}, {pipeline_mode = #tpu.pipeline_mode<synchronous>, transform_indices = @transform_3, window_bounds = array<i64: 512, 64>}, {pipeline_mode = #tpu.pipeline_mode<synchronous>, transform_indices = @transform_4, window_bounds = array<i64: 1, 64>}, {transform_indices = @transform_5, window_bounds = array<i64: 256, 128>}]} {
    %get3A = arith.constant 0 : index
    %get3A_0 = arith.constant 0 : index
    %get3A_1 = vector.load %arg1[%get3A, %get3A_0] : memref<4096x128xf32, #tpu.memory_space<vmem>>, vector<4096x128xf32>
    %reshape3A = vector.shape_cast %get3A_1 : vector<4096x128xf32> to vector<256x16x128xf32>
    %slice3A = vector.extract_strided_slice %reshape3A {offsets = [0, 0, 0], sizes = [256, 16, 3], strides = [1, 1, 1]} : vector<256x16x128xf32> to vector<256x16x3xf32>
    %slice3A_2 = vector.extract_strided_slice %reshape3A {offsets = [0, 0, 16], sizes = [256, 16, 64], strides = [1, 1, 1]} : vector<256x16x128xf32> to vector<256x16x64xf32>
    %get3A_3 = arith.constant 0 : index
    %get3A_4 = arith.constant 0 : index
    %get3A_5 = vector.load %arg2[%get3A_3, %get3A_4] : memref<256x128xf32, #tpu.memory_space<vmem>>, vector<256x128xf32>
    %slice3A_6 = vector.extract_strided_slice %get3A_5 {offsets = [0, 0], sizes = [256, 3], strides = [1, 1]} : vector<256x128xf32> to vector<256x3xf32>
    %broadcast_in_dim3A = vector.shape_cast %slice3A_6 : vector<256x3xf32> to vector<256x1x3xf32>
    %sub3A = vector.broadcast %broadcast_in_dim3A : vector<256x1x3xf32> to vector<256x16x3xf32>
    %sub3A_7 = arith.subf %slice3A, %sub3A : vector<256x16x3xf32>
    %reshape3A_8 = vector.shape_cast %sub3A_7 : vector<256x16x3xf32> to vector<4096x3xf32>
    %convert_element_type3A = arith.truncf %reshape3A_8 : vector<4096x3xf32> to vector<4096x3xbf16>
    %get3A_9 = arith.constant 0 : index
    %get3A_10 = arith.constant 0 : index
    %get3A_11 = vector.load %arg3[%get3A_9, %get3A_10] : memref<8x3xf32, #tpu.memory_space<vmem>>, vector<8x3xf32>
    %convert_element_type3A_12 = arith.truncf %get3A_11 : vector<8x3xf32> to vector<8x3xbf16>
    %dot_general3A = arith.constant dense<0.000000e+00> : vector<4096x8xf32>
    %dot_general3A_13 = tpu.matmul %convert_element_type3A, %convert_element_type3A_12, %dot_general3A {dimension_numbers = #tpu.dot_dimension_numbers<[1], [1], [0], [0], [0, 0, 1, 0], [], []>, transpose_lhs_hint = false} : vector<4096x3xbf16>, vector<8x3xbf16>, vector<4096x8xf32> -> vector<4096x8xf32>
    %mul3A = arith.constant -2.500000e+01 : f32
    %mul3A_14 = vector.broadcast %mul3A : f32 to vector<4096x8xf32>
    %mul3A_15 = arith.mulf %mul3A_14, %dot_general3A_13 : vector<4096x8xf32>
    %mul3A_16 = arith.mulf %mul3A_15, %dot_general3A_13 : vector<4096x8xf32>
    %reshape3A_17 = vector.shape_cast %mul3A_16 : vector<4096x8xf32> to vector<256x16x8xf32>
    %reduce_max3A = arith.constant dense<0xFF800000> : vector<256x8xf32>
    %reduce_max3A_18 = vector.multi_reduction <maximumf>, %reshape3A_17, %reduce_max3A [1] : vector<256x16x8xf32> to vector<256x8xf32>
    %broadcast_in_dim3A_19 = vector.shape_cast %reduce_max3A_18 : vector<256x8xf32> to vector<256x1x8xf32>
    %sub3A_20 = vector.broadcast %broadcast_in_dim3A_19 : vector<256x1x8xf32> to vector<256x16x8xf32>
    %sub3A_21 = arith.subf %reshape3A_17, %sub3A_20 : vector<256x16x8xf32>
    %exp3A = math.exp %sub3A_21 : vector<256x16x8xf32>
    %slice3A_22 = vector.extract_strided_slice %exp3A {offsets = [0, 0, 0], sizes = [256, 1, 8], strides = [1, 1, 1]} : vector<256x16x8xf32> to vector<256x1x8xf32>
    %squeeze3A = vector.shape_cast %slice3A_22 : vector<256x1x8xf32> to vector<256x8xf32>
    %slice3A_23 = vector.extract_strided_slice %exp3A {offsets = [0, 1, 0], sizes = [256, 1, 8], strides = [1, 1, 1]} : vector<256x16x8xf32> to vector<256x1x8xf32>
    %squeeze3A_24 = vector.shape_cast %slice3A_23 : vector<256x1x8xf32> to vector<256x8xf32>
    %add3A = arith.addf %squeeze3A, %squeeze3A_24 : vector<256x8xf32>
    %slice3A_25 = vector.extract_strided_slice %exp3A {offsets = [0, 2, 0], sizes = [256, 1, 8], strides = [1, 1, 1]} : vector<256x16x8xf32> to vector<256x1x8xf32>
    %squeeze3A_26 = vector.shape_cast %slice3A_25 : vector<256x1x8xf32> to vector<256x8xf32>
    %add3A_27 = arith.addf %add3A, %squeeze3A_26 : vector<256x8xf32>
    %slice3A_28 = vector.extract_strided_slice %exp3A {offsets = [0, 3, 0], sizes = [256, 1, 8], strides = [1, 1, 1]} : vector<256x16x8xf32> to vector<256x1x8xf32>
    %squeeze3A_29 = vector.shape_cast %slice3A_28 : vector<256x1x8xf32> to vector<256x8xf32>
    %add3A_30 = arith.addf %add3A_27, %squeeze3A_29 : vector<256x8xf32>
    %slice3A_31 = vector.extract_strided_slice %exp3A {offsets = [0, 4, 0], sizes = [256, 1, 8], strides = [1, 1, 1]} : vector<256x16x8xf32> to vector<256x1x8xf32>
    %squeeze3A_32 = vector.shape_cast %slice3A_31 : vector<256x1x8xf32> to vector<256x8xf32>
    %add3A_33 = arith.addf %add3A_30, %squeeze3A_32 : vector<256x8xf32>
    %slice3A_34 = vector.extract_strided_slice %exp3A {offsets = [0, 5, 0], sizes = [256, 1, 8], strides = [1, 1, 1]} : vector<256x16x8xf32> to vector<256x1x8xf32>
    %squeeze3A_35 = vector.shape_cast %slice3A_34 : vector<256x1x8xf32> to vector<256x8xf32>
    %add3A_36 = arith.addf %add3A_33, %squeeze3A_35 : vector<256x8xf32>
    %slice3A_37 = vector.extract_strided_slice %exp3A {offsets = [0, 6, 0], sizes = [256, 1, 8], strides = [1, 1, 1]} : vector<256x16x8xf32> to vector<256x1x8xf32>
    %squeeze3A_38 = vector.shape_cast %slice3A_37 : vector<256x1x8xf32> to vector<256x8xf32>
    %add3A_39 = arith.addf %add3A_36, %squeeze3A_38 : vector<256x8xf32>
    %slice3A_40 = vector.extract_strided_slice %exp3A {offsets = [0, 7, 0], sizes = [256, 1, 8], strides = [1, 1, 1]} : vector<256x16x8xf32> to vector<256x1x8xf32>
    %squeeze3A_41 = vector.shape_cast %slice3A_40 : vector<256x1x8xf32> to vector<256x8xf32>
    %add3A_42 = arith.addf %add3A_39, %squeeze3A_41 : vector<256x8xf32>
    %slice3A_43 = vector.extract_strided_slice %exp3A {offsets = [0, 8, 0], sizes = [256, 1, 8], strides = [1, 1, 1]} : vector<256x16x8xf32> to vector<256x1x8xf32>
    %squeeze3A_44 = vector.shape_cast %slice3A_43 : vector<256x1x8xf32> to vector<256x8xf32>
    %slice3A_45 = vector.extract_strided_slice %exp3A {offsets = [0, 9, 0], sizes = [256, 1, 8], strides = [1, 1, 1]} : vector<256x16x8xf32> to vector<256x1x8xf32>
    %squeeze3A_46 = vector.shape_cast %slice3A_45 : vector<256x1x8xf32> to vector<256x8xf32>
    %add3A_47 = arith.addf %squeeze3A_44, %squeeze3A_46 : vector<256x8xf32>
    %slice3A_48 = vector.extract_strided_slice %exp3A {offsets = [0, 10, 0], sizes = [256, 1, 8], strides = [1, 1, 1]} : vector<256x16x8xf32> to vector<256x1x8xf32>
    %squeeze3A_49 = vector.shape_cast %slice3A_48 : vector<256x1x8xf32> to vector<256x8xf32>
    %add3A_50 = arith.addf %add3A_47, %squeeze3A_49 : vector<256x8xf32>
    %slice3A_51 = vector.extract_strided_slice %exp3A {offsets = [0, 11, 0], sizes = [256, 1, 8], strides = [1, 1, 1]} : vector<256x16x8xf32> to vector<256x1x8xf32>
    %squeeze3A_52 = vector.shape_cast %slice3A_51 : vector<256x1x8xf32> to vector<256x8xf32>
    %add3A_53 = arith.addf %add3A_50, %squeeze3A_52 : vector<256x8xf32>
    %slice3A_54 = vector.extract_strided_slice %exp3A {offsets = [0, 12, 0], sizes = [256, 1, 8], strides = [1, 1, 1]} : vector<256x16x8xf32> to vector<256x1x8xf32>
    %squeeze3A_55 = vector.shape_cast %slice3A_54 : vector<256x1x8xf32> to vector<256x8xf32>
    %add3A_56 = arith.addf %add3A_53, %squeeze3A_55 : vector<256x8xf32>
    %slice3A_57 = vector.extract_strided_slice %exp3A {offsets = [0, 13, 0], sizes = [256, 1, 8], strides = [1, 1, 1]} : vector<256x16x8xf32> to vector<256x1x8xf32>
    %squeeze3A_58 = vector.shape_cast %slice3A_57 : vector<256x1x8xf32> to vector<256x8xf32>
    %add3A_59 = arith.addf %add3A_56, %squeeze3A_58 : vector<256x8xf32>
    %slice3A_60 = vector.extract_strided_slice %exp3A {offsets = [0, 14, 0], sizes = [256, 1, 8], strides = [1, 1, 1]} : vector<256x16x8xf32> to vector<256x1x8xf32>
    %squeeze3A_61 = vector.shape_cast %slice3A_60 : vector<256x1x8xf32> to vector<256x8xf32>
    %add3A_62 = arith.addf %add3A_59, %squeeze3A_61 : vector<256x8xf32>
    %slice3A_63 = vector.extract_strided_slice %exp3A {offsets = [0, 15, 0], sizes = [256, 1, 8], strides = [1, 1, 1]} : vector<256x16x8xf32> to vector<256x1x8xf32>
    %squeeze3A_64 = vector.shape_cast %slice3A_63 : vector<256x1x8xf32> to vector<256x8xf32>
    %add3A_65 = arith.addf %add3A_62, %squeeze3A_64 : vector<256x8xf32>
    %add3A_66 = arith.addf %add3A_42, %add3A_65 : vector<256x8xf32>
    %broadcast_in_dim3A_67 = vector.shape_cast %add3A_66 : vector<256x8xf32> to vector<256x1x8xf32>
    %div3A = vector.broadcast %broadcast_in_dim3A_67 : vector<256x1x8xf32> to vector<256x16x8xf32>
    %div3A_68 = arith.divf %exp3A, %div3A : vector<256x16x8xf32>
    %convert_element_type3A_69 = arith.truncf %div3A_68 : vector<256x16x8xf32> to vector<256x16x8xbf16>
    %convert_element_type3A_70 = arith.extf %convert_element_type3A_69 : vector<256x16x8xbf16> to vector<256x16x8xf32>
    %convert_element_type3A_71 = arith.truncf %slice3A_2 : vector<256x16x64xf32> to vector<256x16x64xbf16>
    %convert_element_type3A_72 = arith.extf %convert_element_type3A_71 : vector<256x16x64xbf16> to vector<256x16x64xf32>
    %slice3A_73 = vector.extract_strided_slice %convert_element_type3A_70 {offsets = [0, 0, 0], sizes = [256, 16, 1], strides = [1, 1, 1]} : vector<256x16x8xf32> to vector<256x16x1xf32>
    %mul3A_74 = vector.broadcast %slice3A_73 : vector<256x16x1xf32> to vector<256x16x64xf32>
    %mul3A_75 = arith.mulf %mul3A_74, %convert_element_type3A_72 : vector<256x16x64xf32>
    %reduce_sum3A = arith.constant dense<0.000000e+00> : vector<256x64xf32>
    %reduce_sum3A_76 = vector.multi_reduction <add>, %mul3A_75, %reduce_sum3A [1] : vector<256x16x64xf32> to vector<256x64xf32>
    %slice3A_77 = vector.extract_strided_slice %convert_element_type3A_70 {offsets = [0, 0, 1], sizes = [256, 16, 1], strides = [1, 1, 1]} : vector<256x16x8xf32> to vector<256x16x1xf32>
    %mul3A_78 = vector.broadcast %slice3A_77 : vector<256x16x1xf32> to vector<256x16x64xf32>
    %mul3A_79 = arith.mulf %mul3A_78, %convert_element_type3A_72 : vector<256x16x64xf32>
    %reduce_sum3A_80 = arith.constant dense<0.000000e+00> : vector<256x64xf32>
    %reduce_sum3A_81 = vector.multi_reduction <add>, %mul3A_79, %reduce_sum3A_80 [1] : vector<256x16x64xf32> to vector<256x64xf32>
    %slice3A_82 = vector.extract_strided_slice %convert_element_type3A_70 {offsets = [0, 0, 2], sizes = [256, 16, 1], strides = [1, 1, 1]} : vector<256x16x8xf32> to vector<256x16x1xf32>
    %mul3A_83 = vector.broadcast %slice3A_82 : vector<256x16x1xf32> to vector<256x16x64xf32>
    %mul3A_84 = arith.mulf %mul3A_83, %convert_element_type3A_72 : vector<256x16x64xf32>
    %reduce_sum3A_85 = arith.constant dense<0.000000e+00> : vector<256x64xf32>
    %reduce_sum3A_86 = vector.multi_reduction <add>, %mul3A_84, %reduce_sum3A_85 [1] : vector<256x16x64xf32> to vector<256x64xf32>
    %slice3A_87 = vector.extract_strided_slice %convert_element_type3A_70 {offsets = [0, 0, 3], sizes = [256, 16, 1], strides = [1, 1, 1]} : vector<256x16x8xf32> to vector<256x16x1xf32>
    %mul3A_88 = vector.broadcast %slice3A_87 : vector<256x16x1xf32> to vector<256x16x64xf32>
    %mul3A_89 = arith.mulf %mul3A_88, %convert_element_type3A_72 : vector<256x16x64xf32>
    %reduce_sum3A_90 = arith.constant dense<0.000000e+00> : vector<256x64xf32>
    %reduce_sum3A_91 = vector.multi_reduction <add>, %mul3A_89, %reduce_sum3A_90 [1] : vector<256x16x64xf32> to vector<256x64xf32>
    %slice3A_92 = vector.extract_strided_slice %convert_element_type3A_70 {offsets = [0, 0, 4], sizes = [256, 16, 1], strides = [1, 1, 1]} : vector<256x16x8xf32> to vector<256x16x1xf32>
    %mul3A_93 = vector.broadcast %slice3A_92 : vector<256x16x1xf32> to vector<256x16x64xf32>
    %mul3A_94 = arith.mulf %mul3A_93, %convert_element_type3A_72 : vector<256x16x64xf32>
    %reduce_sum3A_95 = arith.constant dense<0.000000e+00> : vector<256x64xf32>
    %reduce_sum3A_96 = vector.multi_reduction <add>, %mul3A_94, %reduce_sum3A_95 [1] : vector<256x16x64xf32> to vector<256x64xf32>
    %slice3A_97 = vector.extract_strided_slice %convert_element_type3A_70 {offsets = [0, 0, 5], sizes = [256, 16, 1], strides = [1, 1, 1]} : vector<256x16x8xf32> to vector<256x16x1xf32>
    %mul3A_98 = vector.broadcast %slice3A_97 : vector<256x16x1xf32> to vector<256x16x64xf32>
    %mul3A_99 = arith.mulf %mul3A_98, %convert_element_type3A_72 : vector<256x16x64xf32>
    %reduce_sum3A_100 = arith.constant dense<0.000000e+00> : vector<256x64xf32>
    %reduce_sum3A_101 = vector.multi_reduction <add>, %mul3A_99, %reduce_sum3A_100 [1] : vector<256x16x64xf32> to vector<256x64xf32>
    %slice3A_102 = vector.extract_strided_slice %convert_element_type3A_70 {offsets = [0, 0, 6], sizes = [256, 16, 1], strides = [1, 1, 1]} : vector<256x16x8xf32> to vector<256x16x1xf32>
    %mul3A_103 = vector.broadcast %slice3A_102 : vector<256x16x1xf32> to vector<256x16x64xf32>
    %mul3A_104 = arith.mulf %mul3A_103, %convert_element_type3A_72 : vector<256x16x64xf32>
    %reduce_sum3A_105 = arith.constant dense<0.000000e+00> : vector<256x64xf32>
    %reduce_sum3A_106 = vector.multi_reduction <add>, %mul3A_104, %reduce_sum3A_105 [1] : vector<256x16x64xf32> to vector<256x64xf32>
    %slice3A_107 = vector.extract_strided_slice %convert_element_type3A_70 {offsets = [0, 0, 7], sizes = [256, 16, 1], strides = [1, 1, 1]} : vector<256x16x8xf32> to vector<256x16x1xf32>
    %mul3A_108 = vector.broadcast %slice3A_107 : vector<256x16x1xf32> to vector<256x16x64xf32>
    %mul3A_109 = arith.mulf %mul3A_108, %convert_element_type3A_72 : vector<256x16x64xf32>
    %reduce_sum3A_110 = arith.constant dense<0.000000e+00> : vector<256x64xf32>
    %reduce_sum3A_111 = vector.multi_reduction <add>, %mul3A_109, %reduce_sum3A_110 [1] : vector<256x16x64xf32> to vector<256x64xf32>
    %concatenate3A = tpu.concatenate %reduce_sum3A_76, %reduce_sum3A_81, %reduce_sum3A_86, %reduce_sum3A_91, %reduce_sum3A_96, %reduce_sum3A_101, %reduce_sum3A_106, %reduce_sum3A_111 in 1 : vector<256x64xf32>, vector<256x64xf32>, vector<256x64xf32>, vector<256x64xf32>, vector<256x64xf32>, vector<256x64xf32>, vector<256x64xf32>, vector<256x64xf32> -> vector<256x512xf32>
    %get3A_112 = arith.constant 0 : index
    %get3A_113 = arith.constant 0 : index
    %get3A_114 = vector.load %arg4[%get3A_112, %get3A_113] : memref<512x64xf32, #tpu.memory_space<vmem>>, vector<512x64xf32>
    %convert_element_type3A_115 = arith.truncf %concatenate3A : vector<256x512xf32> to vector<256x512xbf16>
    %convert_element_type3A_116 = arith.truncf %get3A_114 : vector<512x64xf32> to vector<512x64xbf16>
    %dot_general3A_117 = arith.constant dense<0.000000e+00> : vector<256x64xf32>
    %dot_general3A_118 = tpu.matmul %convert_element_type3A_115, %convert_element_type3A_116, %dot_general3A_117 {dimension_numbers = #tpu.dot_dimension_numbers<[1], [0], [0], [1], [0, 0, 1, 1], [], []>, transpose_lhs_hint = false} : vector<256x512xbf16>, vector<512x64xbf16>, vector<256x64xf32> -> vector<256x64xf32>
    %get3A_119 = arith.constant 0 : index
    %get3A_120 = arith.constant 0 : index
    %get3A_121 = vector.load %arg5[%get3A_119, %get3A_120] : memref<1x64xf32, #tpu.memory_space<vmem>>, vector<1x64xf32>
    %add3A_122 = vector.broadcast %get3A_121 : vector<1x64xf32> to vector<256x64xf32>
    %add3A_123 = arith.addf %dot_general3A_118, %add3A_122 : vector<256x64xf32>
    %max3A = arith.constant 0.000000e+00 : f32
    %max3A_124 = vector.broadcast %max3A : f32 to vector<256x64xf32>
    %max3A_125 = arith.maximumf %add3A_123, %max3A_124 : vector<256x64xf32>
    %broadcast_in_dim3A_126 = arith.constant 0.000000e+00 : f32
    %broadcast_in_dim3A_127 = vector.broadcast %broadcast_in_dim3A_126 : f32 to vector<256x48xf32>
    %slice3A_128 = vector.extract_strided_slice %get3A_5 {offsets = [0, 0], sizes = [256, 16], strides = [1, 1]} : vector<256x128xf32> to vector<256x16xf32>
    %concatenate3A_129 = tpu.concatenate %slice3A_128, %max3A_125, %broadcast_in_dim3A_127 in 1 : vector<256x16xf32>, vector<256x64xf32>, vector<256x48xf32> -> vector<256x128xf32>
    %swap3A = arith.constant 0 : index
    %swap3A_130 = arith.constant 0 : index
    %swap3A_131 = vector.load %arg6[%swap3A, %swap3A_130] : memref<256x128xf32, #tpu.memory_space<vmem>>, vector<256x128xf32>
    tpu.vector_store %arg6[%swap3A, %swap3A_130], %concatenate3A_129 {strides = array<i32>} : memref<256x128xf32, #tpu.memory_space<vmem>>, vector<256x128xf32>,
    return
  }
  func.func @transform_0(%arg0: i32) -> (i32, i32) {
    %c0_i32 = arith.constant 0 : i32
    %c0_i32_0 = arith.constant 0 : i32
    return %arg0, %c0_i32 : i32, i32
  }
  func.func @transform_1(%arg0: i32) -> (i32, i32) {
    %c0_i32 = arith.constant 0 : i32
    %c0_i32_0 = arith.constant 0 : i32
    return %arg0, %c0_i32 : i32, i32
  }
  func.func @transform_2(%arg0: i32) -> (i32, i32) {
    %c0_i32 = arith.constant 0 : i32
    %c0_i32_0 = arith.constant 0 : i32
    %c0_i32_1 = arith.constant 0 : i32
    return %c0_i32, %c0_i32_0 : i32, i32
  }
  func.func @transform_3(%arg0: i32) -> (i32, i32) {
    %c0_i32 = arith.constant 0 : i32
    %c0_i32_0 = arith.constant 0 : i32
    %c0_i32_1 = arith.constant 0 : i32
    return %c0_i32, %c0_i32_0 : i32, i32
  }
  func.func @transform_4(%arg0: i32) -> (i32, i32) {
    %c0_i32 = arith.constant 0 : i32
    %c0_i32_0 = arith.constant 0 : i32
    %c0_i32_1 = arith.constant 0 : i32
    return %c0_i32, %c0_i32_0 : i32, i32
  }
  func.func @transform_5(%arg0: i32) -> (i32, i32) {
    %c0_i32 = arith.constant 0 : i32
    %c0_i32_0 = arith.constant 0 : i32
    return %arg0, %c0_i32 : i32, i32
  }
}

module attributes {stable_mosaic.version = 14 : i64} {
  func.func @body(%arg0: i32, %arg1: memref<2048x128xf32, #tpu.memory_space<vmem>>, %arg2: memref<128x128xf32, #tpu.memory_space<vmem>>, %arg3: memref<8x3xf32, #tpu.memory_space<vmem>>, %arg4: memref<512x64xf32, #tpu.memory_space<vmem>>, %arg5: memref<1x64xf32, #tpu.memory_space<vmem>>, %arg6: memref<128x128xf32, #tpu.memory_space<vmem>>) attributes {dimension_semantics = [#tpu.dimension_semantics<arbitrary>], iteration_bounds = array<i64: 25>, scalar_prefetch = 0 : i64, scratch_operands = 0 : i64, tpu.core_type = #tpu.core_type<tc>, window_params = [{transform_indices = @transform_0, window_bounds = array<i64: 2048, 128>}, {transform_indices = @transform_1, window_bounds = array<i64: 128, 128>}, {pipeline_mode = #tpu.pipeline_mode<synchronous>, transform_indices = @transform_2, window_bounds = array<i64: 8, 3>}, {pipeline_mode = #tpu.pipeline_mode<synchronous>, transform_indices = @transform_3, window_bounds = array<i64: 512, 64>}, {pipeline_mode = #tpu.pipeline_mode<synchronous>, transform_indices = @transform_4, window_bounds = array<i64: 1, 64>}, {transform_indices = @transform_5, window_bounds = array<i64: 128, 128>}]} {
    %get3A = arith.constant 0 : index
    %get3A_0 = arith.constant 0 : index
    %get3A_1 = vector.load %arg1[%get3A, %get3A_0] : memref<2048x128xf32, #tpu.memory_space<vmem>>, vector<2048x128xf32>
    %reshape3A = vector.shape_cast %get3A_1 : vector<2048x128xf32> to vector<128x16x128xf32>
    %slice3A = vector.extract_strided_slice %reshape3A {offsets = [0, 0, 0], sizes = [128, 16, 3], strides = [1, 1, 1]} : vector<128x16x128xf32> to vector<128x16x3xf32>
    %slice3A_2 = vector.extract_strided_slice %reshape3A {offsets = [0, 0, 16], sizes = [128, 16, 64], strides = [1, 1, 1]} : vector<128x16x128xf32> to vector<128x16x64xf32>
    %get3A_3 = arith.constant 0 : index
    %get3A_4 = arith.constant 0 : index
    %get3A_5 = vector.load %arg2[%get3A_3, %get3A_4] : memref<128x128xf32, #tpu.memory_space<vmem>>, vector<128x128xf32>
    %slice3A_6 = vector.extract_strided_slice %get3A_5 {offsets = [0, 0], sizes = [128, 3], strides = [1, 1]} : vector<128x128xf32> to vector<128x3xf32>
    %broadcast_in_dim3A = vector.shape_cast %slice3A_6 : vector<128x3xf32> to vector<128x1x3xf32>
    %sub3A = vector.broadcast %broadcast_in_dim3A : vector<128x1x3xf32> to vector<128x16x3xf32>
    %sub3A_7 = arith.subf %slice3A, %sub3A : vector<128x16x3xf32>
    %reshape3A_8 = vector.shape_cast %sub3A_7 : vector<128x16x3xf32> to vector<2048x3xf32>
    %convert_element_type3A = arith.truncf %reshape3A_8 : vector<2048x3xf32> to vector<2048x3xbf16>
    %get3A_9 = arith.constant 0 : index
    %get3A_10 = arith.constant 0 : index
    %get3A_11 = vector.load %arg3[%get3A_9, %get3A_10] : memref<8x3xf32, #tpu.memory_space<vmem>>, vector<8x3xf32>
    %convert_element_type3A_12 = arith.truncf %get3A_11 : vector<8x3xf32> to vector<8x3xbf16>
    %dot_general3A = arith.constant dense<0.000000e+00> : vector<2048x8xf32>
    %dot_general3A_13 = tpu.matmul %convert_element_type3A, %convert_element_type3A_12, %dot_general3A {dimension_numbers = #tpu.dot_dimension_numbers<[1], [1], [0], [0], [0, 0, 1, 0], [], []>, transpose_lhs_hint = false} : vector<2048x3xbf16>, vector<8x3xbf16>, vector<2048x8xf32> -> vector<2048x8xf32>
    %mul3A = arith.constant -2.500000e+01 : f32
    %mul3A_14 = vector.broadcast %mul3A : f32 to vector<2048x8xf32>
    %mul3A_15 = arith.mulf %mul3A_14, %dot_general3A_13 : vector<2048x8xf32>
    %mul3A_16 = arith.mulf %mul3A_15, %dot_general3A_13 : vector<2048x8xf32>
    %reshape3A_17 = vector.shape_cast %mul3A_16 : vector<2048x8xf32> to vector<128x16x8xf32>
    %reduce_max3A = arith.constant dense<0xFF800000> : vector<128x8xf32>
    %reduce_max3A_18 = vector.multi_reduction <maximumf>, %reshape3A_17, %reduce_max3A [1] : vector<128x16x8xf32> to vector<128x8xf32>
    %broadcast_in_dim3A_19 = vector.shape_cast %reduce_max3A_18 : vector<128x8xf32> to vector<128x1x8xf32>
    %sub3A_20 = vector.broadcast %broadcast_in_dim3A_19 : vector<128x1x8xf32> to vector<128x16x8xf32>
    %sub3A_21 = arith.subf %reshape3A_17, %sub3A_20 : vector<128x16x8xf32>
    %exp3A = math.exp %sub3A_21 : vector<128x16x8xf32>
    %slice3A_22 = vector.extract_strided_slice %exp3A {offsets = [0, 0, 0], sizes = [128, 1, 8], strides = [1, 1, 1]} : vector<128x16x8xf32> to vector<128x1x8xf32>
    %squeeze3A = vector.shape_cast %slice3A_22 : vector<128x1x8xf32> to vector<128x8xf32>
    %slice3A_23 = vector.extract_strided_slice %exp3A {offsets = [0, 1, 0], sizes = [128, 1, 8], strides = [1, 1, 1]} : vector<128x16x8xf32> to vector<128x1x8xf32>
    %squeeze3A_24 = vector.shape_cast %slice3A_23 : vector<128x1x8xf32> to vector<128x8xf32>
    %add3A = arith.addf %squeeze3A, %squeeze3A_24 : vector<128x8xf32>
    %slice3A_25 = vector.extract_strided_slice %exp3A {offsets = [0, 2, 0], sizes = [128, 1, 8], strides = [1, 1, 1]} : vector<128x16x8xf32> to vector<128x1x8xf32>
    %squeeze3A_26 = vector.shape_cast %slice3A_25 : vector<128x1x8xf32> to vector<128x8xf32>
    %add3A_27 = arith.addf %add3A, %squeeze3A_26 : vector<128x8xf32>
    %slice3A_28 = vector.extract_strided_slice %exp3A {offsets = [0, 3, 0], sizes = [128, 1, 8], strides = [1, 1, 1]} : vector<128x16x8xf32> to vector<128x1x8xf32>
    %squeeze3A_29 = vector.shape_cast %slice3A_28 : vector<128x1x8xf32> to vector<128x8xf32>
    %add3A_30 = arith.addf %add3A_27, %squeeze3A_29 : vector<128x8xf32>
    %slice3A_31 = vector.extract_strided_slice %exp3A {offsets = [0, 4, 0], sizes = [128, 1, 8], strides = [1, 1, 1]} : vector<128x16x8xf32> to vector<128x1x8xf32>
    %squeeze3A_32 = vector.shape_cast %slice3A_31 : vector<128x1x8xf32> to vector<128x8xf32>
    %add3A_33 = arith.addf %add3A_30, %squeeze3A_32 : vector<128x8xf32>
    %slice3A_34 = vector.extract_strided_slice %exp3A {offsets = [0, 5, 0], sizes = [128, 1, 8], strides = [1, 1, 1]} : vector<128x16x8xf32> to vector<128x1x8xf32>
    %squeeze3A_35 = vector.shape_cast %slice3A_34 : vector<128x1x8xf32> to vector<128x8xf32>
    %add3A_36 = arith.addf %add3A_33, %squeeze3A_35 : vector<128x8xf32>
    %slice3A_37 = vector.extract_strided_slice %exp3A {offsets = [0, 6, 0], sizes = [128, 1, 8], strides = [1, 1, 1]} : vector<128x16x8xf32> to vector<128x1x8xf32>
    %squeeze3A_38 = vector.shape_cast %slice3A_37 : vector<128x1x8xf32> to vector<128x8xf32>
    %add3A_39 = arith.addf %add3A_36, %squeeze3A_38 : vector<128x8xf32>
    %slice3A_40 = vector.extract_strided_slice %exp3A {offsets = [0, 7, 0], sizes = [128, 1, 8], strides = [1, 1, 1]} : vector<128x16x8xf32> to vector<128x1x8xf32>
    %squeeze3A_41 = vector.shape_cast %slice3A_40 : vector<128x1x8xf32> to vector<128x8xf32>
    %add3A_42 = arith.addf %add3A_39, %squeeze3A_41 : vector<128x8xf32>
    %slice3A_43 = vector.extract_strided_slice %exp3A {offsets = [0, 8, 0], sizes = [128, 1, 8], strides = [1, 1, 1]} : vector<128x16x8xf32> to vector<128x1x8xf32>
    %squeeze3A_44 = vector.shape_cast %slice3A_43 : vector<128x1x8xf32> to vector<128x8xf32>
    %slice3A_45 = vector.extract_strided_slice %exp3A {offsets = [0, 9, 0], sizes = [128, 1, 8], strides = [1, 1, 1]} : vector<128x16x8xf32> to vector<128x1x8xf32>
    %squeeze3A_46 = vector.shape_cast %slice3A_45 : vector<128x1x8xf32> to vector<128x8xf32>
    %add3A_47 = arith.addf %squeeze3A_44, %squeeze3A_46 : vector<128x8xf32>
    %slice3A_48 = vector.extract_strided_slice %exp3A {offsets = [0, 10, 0], sizes = [128, 1, 8], strides = [1, 1, 1]} : vector<128x16x8xf32> to vector<128x1x8xf32>
    %squeeze3A_49 = vector.shape_cast %slice3A_48 : vector<128x1x8xf32> to vector<128x8xf32>
    %add3A_50 = arith.addf %add3A_47, %squeeze3A_49 : vector<128x8xf32>
    %slice3A_51 = vector.extract_strided_slice %exp3A {offsets = [0, 11, 0], sizes = [128, 1, 8], strides = [1, 1, 1]} : vector<128x16x8xf32> to vector<128x1x8xf32>
    %squeeze3A_52 = vector.shape_cast %slice3A_51 : vector<128x1x8xf32> to vector<128x8xf32>
    %add3A_53 = arith.addf %add3A_50, %squeeze3A_52 : vector<128x8xf32>
    %slice3A_54 = vector.extract_strided_slice %exp3A {offsets = [0, 12, 0], sizes = [128, 1, 8], strides = [1, 1, 1]} : vector<128x16x8xf32> to vector<128x1x8xf32>
    %squeeze3A_55 = vector.shape_cast %slice3A_54 : vector<128x1x8xf32> to vector<128x8xf32>
    %add3A_56 = arith.addf %add3A_53, %squeeze3A_55 : vector<128x8xf32>
    %slice3A_57 = vector.extract_strided_slice %exp3A {offsets = [0, 13, 0], sizes = [128, 1, 8], strides = [1, 1, 1]} : vector<128x16x8xf32> to vector<128x1x8xf32>
    %squeeze3A_58 = vector.shape_cast %slice3A_57 : vector<128x1x8xf32> to vector<128x8xf32>
    %add3A_59 = arith.addf %add3A_56, %squeeze3A_58 : vector<128x8xf32>
    %slice3A_60 = vector.extract_strided_slice %exp3A {offsets = [0, 14, 0], sizes = [128, 1, 8], strides = [1, 1, 1]} : vector<128x16x8xf32> to vector<128x1x8xf32>
    %squeeze3A_61 = vector.shape_cast %slice3A_60 : vector<128x1x8xf32> to vector<128x8xf32>
    %add3A_62 = arith.addf %add3A_59, %squeeze3A_61 : vector<128x8xf32>
    %slice3A_63 = vector.extract_strided_slice %exp3A {offsets = [0, 15, 0], sizes = [128, 1, 8], strides = [1, 1, 1]} : vector<128x16x8xf32> to vector<128x1x8xf32>
    %squeeze3A_64 = vector.shape_cast %slice3A_63 : vector<128x1x8xf32> to vector<128x8xf32>
    %add3A_65 = arith.addf %add3A_62, %squeeze3A_64 : vector<128x8xf32>
    %add3A_66 = arith.addf %add3A_42, %add3A_65 : vector<128x8xf32>
    %broadcast_in_dim3A_67 = vector.shape_cast %add3A_66 : vector<128x8xf32> to vector<128x1x8xf32>
    %div3A = vector.broadcast %broadcast_in_dim3A_67 : vector<128x1x8xf32> to vector<128x16x8xf32>
    %div3A_68 = arith.divf %exp3A, %div3A : vector<128x16x8xf32>
    %convert_element_type3A_69 = arith.truncf %div3A_68 : vector<128x16x8xf32> to vector<128x16x8xbf16>
    %convert_element_type3A_70 = arith.extf %convert_element_type3A_69 : vector<128x16x8xbf16> to vector<128x16x8xf32>
    %convert_element_type3A_71 = arith.truncf %slice3A_2 : vector<128x16x64xf32> to vector<128x16x64xbf16>
    %convert_element_type3A_72 = arith.extf %convert_element_type3A_71 : vector<128x16x64xbf16> to vector<128x16x64xf32>
    %slice3A_73 = vector.extract_strided_slice %convert_element_type3A_70 {offsets = [0, 0, 0], sizes = [128, 16, 1], strides = [1, 1, 1]} : vector<128x16x8xf32> to vector<128x16x1xf32>
    %mul3A_74 = vector.broadcast %slice3A_73 : vector<128x16x1xf32> to vector<128x16x64xf32>
    %mul3A_75 = arith.mulf %mul3A_74, %convert_element_type3A_72 : vector<128x16x64xf32>
    %reduce_sum3A = arith.constant dense<0.000000e+00> : vector<128x64xf32>
    %reduce_sum3A_76 = vector.multi_reduction <add>, %mul3A_75, %reduce_sum3A [1] : vector<128x16x64xf32> to vector<128x64xf32>
    %slice3A_77 = vector.extract_strided_slice %convert_element_type3A_70 {offsets = [0, 0, 1], sizes = [128, 16, 1], strides = [1, 1, 1]} : vector<128x16x8xf32> to vector<128x16x1xf32>
    %mul3A_78 = vector.broadcast %slice3A_77 : vector<128x16x1xf32> to vector<128x16x64xf32>
    %mul3A_79 = arith.mulf %mul3A_78, %convert_element_type3A_72 : vector<128x16x64xf32>
    %reduce_sum3A_80 = arith.constant dense<0.000000e+00> : vector<128x64xf32>
    %reduce_sum3A_81 = vector.multi_reduction <add>, %mul3A_79, %reduce_sum3A_80 [1] : vector<128x16x64xf32> to vector<128x64xf32>
    %slice3A_82 = vector.extract_strided_slice %convert_element_type3A_70 {offsets = [0, 0, 2], sizes = [128, 16, 1], strides = [1, 1, 1]} : vector<128x16x8xf32> to vector<128x16x1xf32>
    %mul3A_83 = vector.broadcast %slice3A_82 : vector<128x16x1xf32> to vector<128x16x64xf32>
    %mul3A_84 = arith.mulf %mul3A_83, %convert_element_type3A_72 : vector<128x16x64xf32>
    %reduce_sum3A_85 = arith.constant dense<0.000000e+00> : vector<128x64xf32>
    %reduce_sum3A_86 = vector.multi_reduction <add>, %mul3A_84, %reduce_sum3A_85 [1] : vector<128x16x64xf32> to vector<128x64xf32>
    %slice3A_87 = vector.extract_strided_slice %convert_element_type3A_70 {offsets = [0, 0, 3], sizes = [128, 16, 1], strides = [1, 1, 1]} : vector<128x16x8xf32> to vector<128x16x1xf32>
    %mul3A_88 = vector.broadcast %slice3A_87 : vector<128x16x1xf32> to vector<128x16x64xf32>
    %mul3A_89 = arith.mulf %mul3A_88, %convert_element_type3A_72 : vector<128x16x64xf32>
    %reduce_sum3A_90 = arith.constant dense<0.000000e+00> : vector<128x64xf32>
    %reduce_sum3A_91 = vector.multi_reduction <add>, %mul3A_89, %reduce_sum3A_90 [1] : vector<128x16x64xf32> to vector<128x64xf32>
    %slice3A_92 = vector.extract_strided_slice %convert_element_type3A_70 {offsets = [0, 0, 4], sizes = [128, 16, 1], strides = [1, 1, 1]} : vector<128x16x8xf32> to vector<128x16x1xf32>
    %mul3A_93 = vector.broadcast %slice3A_92 : vector<128x16x1xf32> to vector<128x16x64xf32>
    %mul3A_94 = arith.mulf %mul3A_93, %convert_element_type3A_72 : vector<128x16x64xf32>
    %reduce_sum3A_95 = arith.constant dense<0.000000e+00> : vector<128x64xf32>
    %reduce_sum3A_96 = vector.multi_reduction <add>, %mul3A_94, %reduce_sum3A_95 [1] : vector<128x16x64xf32> to vector<128x64xf32>
    %slice3A_97 = vector.extract_strided_slice %convert_element_type3A_70 {offsets = [0, 0, 5], sizes = [128, 16, 1], strides = [1, 1, 1]} : vector<128x16x8xf32> to vector<128x16x1xf32>
    %mul3A_98 = vector.broadcast %slice3A_97 : vector<128x16x1xf32> to vector<128x16x64xf32>
    %mul3A_99 = arith.mulf %mul3A_98, %convert_element_type3A_72 : vector<128x16x64xf32>
    %reduce_sum3A_100 = arith.constant dense<0.000000e+00> : vector<128x64xf32>
    %reduce_sum3A_101 = vector.multi_reduction <add>, %mul3A_99, %reduce_sum3A_100 [1] : vector<128x16x64xf32> to vector<128x64xf32>
    %slice3A_102 = vector.extract_strided_slice %convert_element_type3A_70 {offsets = [0, 0, 6], sizes = [128, 16, 1], strides = [1, 1, 1]} : vector<128x16x8xf32> to vector<128x16x1xf32>
    %mul3A_103 = vector.broadcast %slice3A_102 : vector<128x16x1xf32> to vector<128x16x64xf32>
    %mul3A_104 = arith.mulf %mul3A_103, %convert_element_type3A_72 : vector<128x16x64xf32>
    %reduce_sum3A_105 = arith.constant dense<0.000000e+00> : vector<128x64xf32>
    %reduce_sum3A_106 = vector.multi_reduction <add>, %mul3A_104, %reduce_sum3A_105 [1] : vector<128x16x64xf32> to vector<128x64xf32>
    %slice3A_107 = vector.extract_strided_slice %convert_element_type3A_70 {offsets = [0, 0, 7], sizes = [128, 16, 1], strides = [1, 1, 1]} : vector<128x16x8xf32> to vector<128x16x1xf32>
    %mul3A_108 = vector.broadcast %slice3A_107 : vector<128x16x1xf32> to vector<128x16x64xf32>
    %mul3A_109 = arith.mulf %mul3A_108, %convert_element_type3A_72 : vector<128x16x64xf32>
    %reduce_sum3A_110 = arith.constant dense<0.000000e+00> : vector<128x64xf32>
    %reduce_sum3A_111 = vector.multi_reduction <add>, %mul3A_109, %reduce_sum3A_110 [1] : vector<128x16x64xf32> to vector<128x64xf32>
    %concatenate3A = tpu.concatenate %reduce_sum3A_76, %reduce_sum3A_81, %reduce_sum3A_86, %reduce_sum3A_91, %reduce_sum3A_96, %reduce_sum3A_101, %reduce_sum3A_106, %reduce_sum3A_111 in 1 : vector<128x64xf32>, vector<128x64xf32>, vector<128x64xf32>, vector<128x64xf32>, vector<128x64xf32>, vector<128x64xf32>, vector<128x64xf32>, vector<128x64xf32> -> vector<128x512xf32>
    %get3A_112 = arith.constant 0 : index
    %get3A_113 = arith.constant 0 : index
    %get3A_114 = vector.load %arg4[%get3A_112, %get3A_113] : memref<512x64xf32, #tpu.memory_space<vmem>>, vector<512x64xf32>
    %convert_element_type3A_115 = arith.truncf %concatenate3A : vector<128x512xf32> to vector<128x512xbf16>
    %convert_element_type3A_116 = arith.truncf %get3A_114 : vector<512x64xf32> to vector<512x64xbf16>
    %dot_general3A_117 = arith.constant dense<0.000000e+00> : vector<128x64xf32>
    %dot_general3A_118 = tpu.matmul %convert_element_type3A_115, %convert_element_type3A_116, %dot_general3A_117 {dimension_numbers = #tpu.dot_dimension_numbers<[1], [0], [0], [1], [0, 0, 1, 1], [], []>, transpose_lhs_hint = false} : vector<128x512xbf16>, vector<512x64xbf16>, vector<128x64xf32> -> vector<128x64xf32>
    %get3A_119 = arith.constant 0 : index
    %get3A_120 = arith.constant 0 : index
    %get3A_121 = vector.load %arg5[%get3A_119, %get3A_120] : memref<1x64xf32, #tpu.memory_space<vmem>>, vector<1x64xf32>
    %add3A_122 = vector.broadcast %get3A_121 : vector<1x64xf32> to vector<128x64xf32>
    %add3A_123 = arith.addf %dot_general3A_118, %add3A_122 : vector<128x64xf32>
    %max3A = arith.constant 0.000000e+00 : f32
    %max3A_124 = vector.broadcast %max3A : f32 to vector<128x64xf32>
    %max3A_125 = arith.maximumf %add3A_123, %max3A_124 : vector<128x64xf32>
    %broadcast_in_dim3A_126 = arith.constant 0.000000e+00 : f32
    %broadcast_in_dim3A_127 = vector.broadcast %broadcast_in_dim3A_126 : f32 to vector<128x48xf32>
    %slice3A_128 = vector.extract_strided_slice %get3A_5 {offsets = [0, 0], sizes = [128, 16], strides = [1, 1]} : vector<128x128xf32> to vector<128x16xf32>
    %concatenate3A_129 = tpu.concatenate %slice3A_128, %max3A_125, %broadcast_in_dim3A_127 in 1 : vector<128x16xf32>, vector<128x64xf32>, vector<128x48xf32> -> vector<128x128xf32>
    %swap3A = arith.constant 0 : index
    %swap3A_130 = arith.constant 0 : index
    %swap3A_131 = vector.load %arg6[%swap3A, %swap3A_130] : memref<128x128xf32, #tpu.memory_space<vmem>>, vector<128x128xf32>
    tpu.vector_store %arg6[%swap3A, %swap3A_130], %concatenate3A_129 {strides = array<i32>} : memref<128x128xf32, #tpu.memory_space<vmem>>, vector<128x128xf32>,
    return
  }
  func.func @transform_0(%arg0: i32) -> (i32, i32) {
    %c0_i32 = arith.constant 0 : i32
    %c0_i32_0 = arith.constant 0 : i32
    return %arg0, %c0_i32 : i32, i32
  }
  func.func @transform_1(%arg0: i32) -> (i32, i32) {
    %c0_i32 = arith.constant 0 : i32
    %c0_i32_0 = arith.constant 0 : i32
    return %arg0, %c0_i32 : i32, i32
  }
  func.func @transform_2(%arg0: i32) -> (i32, i32) {
    %c0_i32 = arith.constant 0 : i32
    %c0_i32_0 = arith.constant 0 : i32
    %c0_i32_1 = arith.constant 0 : i32
    return %c0_i32, %c0_i32_0 : i32, i32
  }
  func.func @transform_3(%arg0: i32) -> (i32, i32) {
    %c0_i32 = arith.constant 0 : i32
    %c0_i32_0 = arith.constant 0 : i32
    %c0_i32_1 = arith.constant 0 : i32
    return %c0_i32, %c0_i32_0 : i32, i32
  }
  func.func @transform_4(%arg0: i32) -> (i32, i32) {
    %c0_i32 = arith.constant 0 : i32
    %c0_i32_0 = arith.constant 0 : i32
    %c0_i32_1 = arith.constant 0 : i32
    return %c0_i32, %c0_i32_0 : i32, i32
  }
  func.func @transform_5(%arg0: i32) -> (i32, i32) {
    %c0_i32 = arith.constant 0 : i32
    %c0_i32_0 = arith.constant 0 : i32
    return %arg0, %c0_i32 : i32, i32
  }
}

module attributes {stable_mosaic.version = 14 : i64} {
  func.func @body(%arg0: i32, %arg1: memref<2048x128xf32, #tpu.memory_space<vmem>>, %arg2: memref<128x128xf32, #tpu.memory_space<vmem>>, %arg3: memref<8x3xf32, #tpu.memory_space<vmem>>, %arg4: memref<512x96xf32, #tpu.memory_space<vmem>>, %arg5: memref<1x96xf32, #tpu.memory_space<vmem>>, %arg6: memref<128x128xf32, #tpu.memory_space<vmem>>) attributes {dimension_semantics = [#tpu.dimension_semantics<arbitrary>], iteration_bounds = array<i64: 25>, scalar_prefetch = 0 : i64, scratch_operands = 0 : i64, tpu.core_type = #tpu.core_type<tc>, window_params = [{transform_indices = @transform_0, window_bounds = array<i64: 2048, 128>}, {transform_indices = @transform_1, window_bounds = array<i64: 128, 128>}, {pipeline_mode = #tpu.pipeline_mode<synchronous>, transform_indices = @transform_2, window_bounds = array<i64: 8, 3>}, {pipeline_mode = #tpu.pipeline_mode<synchronous>, transform_indices = @transform_3, window_bounds = array<i64: 512, 96>}, {pipeline_mode = #tpu.pipeline_mode<synchronous>, transform_indices = @transform_4, window_bounds = array<i64: 1, 96>}, {transform_indices = @transform_5, window_bounds = array<i64: 128, 128>}]} {
    %get3A = arith.constant 0 : index
    %get3A_0 = arith.constant 0 : index
    %get3A_1 = vector.load %arg1[%get3A, %get3A_0] : memref<2048x128xf32, #tpu.memory_space<vmem>>, vector<2048x128xf32>
    %reshape3A = vector.shape_cast %get3A_1 : vector<2048x128xf32> to vector<128x16x128xf32>
    %slice3A = vector.extract_strided_slice %reshape3A {offsets = [0, 0, 0], sizes = [128, 16, 3], strides = [1, 1, 1]} : vector<128x16x128xf32> to vector<128x16x3xf32>
    %slice3A_2 = vector.extract_strided_slice %reshape3A {offsets = [0, 0, 16], sizes = [128, 16, 64], strides = [1, 1, 1]} : vector<128x16x128xf32> to vector<128x16x64xf32>
    %get3A_3 = arith.constant 0 : index
    %get3A_4 = arith.constant 0 : index
    %get3A_5 = vector.load %arg2[%get3A_3, %get3A_4] : memref<128x128xf32, #tpu.memory_space<vmem>>, vector<128x128xf32>
    %slice3A_6 = vector.extract_strided_slice %get3A_5 {offsets = [0, 0], sizes = [128, 3], strides = [1, 1]} : vector<128x128xf32> to vector<128x3xf32>
    %broadcast_in_dim3A = vector.shape_cast %slice3A_6 : vector<128x3xf32> to vector<128x1x3xf32>
    %sub3A = vector.broadcast %broadcast_in_dim3A : vector<128x1x3xf32> to vector<128x16x3xf32>
    %sub3A_7 = arith.subf %slice3A, %sub3A : vector<128x16x3xf32>
    %reshape3A_8 = vector.shape_cast %sub3A_7 : vector<128x16x3xf32> to vector<2048x3xf32>
    %convert_element_type3A = arith.truncf %reshape3A_8 : vector<2048x3xf32> to vector<2048x3xbf16>
    %get3A_9 = arith.constant 0 : index
    %get3A_10 = arith.constant 0 : index
    %get3A_11 = vector.load %arg3[%get3A_9, %get3A_10] : memref<8x3xf32, #tpu.memory_space<vmem>>, vector<8x3xf32>
    %convert_element_type3A_12 = arith.truncf %get3A_11 : vector<8x3xf32> to vector<8x3xbf16>
    %dot_general3A = arith.constant dense<0.000000e+00> : vector<2048x8xf32>
    %dot_general3A_13 = tpu.matmul %convert_element_type3A, %convert_element_type3A_12, %dot_general3A {dimension_numbers = #tpu.dot_dimension_numbers<[1], [1], [0], [0], [0, 0, 1, 0], [], []>, transpose_lhs_hint = false} : vector<2048x3xbf16>, vector<8x3xbf16>, vector<2048x8xf32> -> vector<2048x8xf32>
    %mul3A = arith.constant -2.500000e+01 : f32
    %mul3A_14 = vector.broadcast %mul3A : f32 to vector<2048x8xf32>
    %mul3A_15 = arith.mulf %mul3A_14, %dot_general3A_13 : vector<2048x8xf32>
    %mul3A_16 = arith.mulf %mul3A_15, %dot_general3A_13 : vector<2048x8xf32>
    %reshape3A_17 = vector.shape_cast %mul3A_16 : vector<2048x8xf32> to vector<128x16x8xf32>
    %reduce_max3A = arith.constant dense<0xFF800000> : vector<128x8xf32>
    %reduce_max3A_18 = vector.multi_reduction <maximumf>, %reshape3A_17, %reduce_max3A [1] : vector<128x16x8xf32> to vector<128x8xf32>
    %broadcast_in_dim3A_19 = vector.shape_cast %reduce_max3A_18 : vector<128x8xf32> to vector<128x1x8xf32>
    %sub3A_20 = vector.broadcast %broadcast_in_dim3A_19 : vector<128x1x8xf32> to vector<128x16x8xf32>
    %sub3A_21 = arith.subf %reshape3A_17, %sub3A_20 : vector<128x16x8xf32>
    %exp3A = math.exp %sub3A_21 : vector<128x16x8xf32>
    %slice3A_22 = vector.extract_strided_slice %exp3A {offsets = [0, 0, 0], sizes = [128, 1, 8], strides = [1, 1, 1]} : vector<128x16x8xf32> to vector<128x1x8xf32>
    %squeeze3A = vector.shape_cast %slice3A_22 : vector<128x1x8xf32> to vector<128x8xf32>
    %slice3A_23 = vector.extract_strided_slice %exp3A {offsets = [0, 1, 0], sizes = [128, 1, 8], strides = [1, 1, 1]} : vector<128x16x8xf32> to vector<128x1x8xf32>
    %squeeze3A_24 = vector.shape_cast %slice3A_23 : vector<128x1x8xf32> to vector<128x8xf32>
    %add3A = arith.addf %squeeze3A, %squeeze3A_24 : vector<128x8xf32>
    %slice3A_25 = vector.extract_strided_slice %exp3A {offsets = [0, 2, 0], sizes = [128, 1, 8], strides = [1, 1, 1]} : vector<128x16x8xf32> to vector<128x1x8xf32>
    %squeeze3A_26 = vector.shape_cast %slice3A_25 : vector<128x1x8xf32> to vector<128x8xf32>
    %add3A_27 = arith.addf %add3A, %squeeze3A_26 : vector<128x8xf32>
    %slice3A_28 = vector.extract_strided_slice %exp3A {offsets = [0, 3, 0], sizes = [128, 1, 8], strides = [1, 1, 1]} : vector<128x16x8xf32> to vector<128x1x8xf32>
    %squeeze3A_29 = vector.shape_cast %slice3A_28 : vector<128x1x8xf32> to vector<128x8xf32>
    %add3A_30 = arith.addf %add3A_27, %squeeze3A_29 : vector<128x8xf32>
    %slice3A_31 = vector.extract_strided_slice %exp3A {offsets = [0, 4, 0], sizes = [128, 1, 8], strides = [1, 1, 1]} : vector<128x16x8xf32> to vector<128x1x8xf32>
    %squeeze3A_32 = vector.shape_cast %slice3A_31 : vector<128x1x8xf32> to vector<128x8xf32>
    %add3A_33 = arith.addf %add3A_30, %squeeze3A_32 : vector<128x8xf32>
    %slice3A_34 = vector.extract_strided_slice %exp3A {offsets = [0, 5, 0], sizes = [128, 1, 8], strides = [1, 1, 1]} : vector<128x16x8xf32> to vector<128x1x8xf32>
    %squeeze3A_35 = vector.shape_cast %slice3A_34 : vector<128x1x8xf32> to vector<128x8xf32>
    %add3A_36 = arith.addf %add3A_33, %squeeze3A_35 : vector<128x8xf32>
    %slice3A_37 = vector.extract_strided_slice %exp3A {offsets = [0, 6, 0], sizes = [128, 1, 8], strides = [1, 1, 1]} : vector<128x16x8xf32> to vector<128x1x8xf32>
    %squeeze3A_38 = vector.shape_cast %slice3A_37 : vector<128x1x8xf32> to vector<128x8xf32>
    %add3A_39 = arith.addf %add3A_36, %squeeze3A_38 : vector<128x8xf32>
    %slice3A_40 = vector.extract_strided_slice %exp3A {offsets = [0, 7, 0], sizes = [128, 1, 8], strides = [1, 1, 1]} : vector<128x16x8xf32> to vector<128x1x8xf32>
    %squeeze3A_41 = vector.shape_cast %slice3A_40 : vector<128x1x8xf32> to vector<128x8xf32>
    %add3A_42 = arith.addf %add3A_39, %squeeze3A_41 : vector<128x8xf32>
    %slice3A_43 = vector.extract_strided_slice %exp3A {offsets = [0, 8, 0], sizes = [128, 1, 8], strides = [1, 1, 1]} : vector<128x16x8xf32> to vector<128x1x8xf32>
    %squeeze3A_44 = vector.shape_cast %slice3A_43 : vector<128x1x8xf32> to vector<128x8xf32>
    %slice3A_45 = vector.extract_strided_slice %exp3A {offsets = [0, 9, 0], sizes = [128, 1, 8], strides = [1, 1, 1]} : vector<128x16x8xf32> to vector<128x1x8xf32>
    %squeeze3A_46 = vector.shape_cast %slice3A_45 : vector<128x1x8xf32> to vector<128x8xf32>
    %add3A_47 = arith.addf %squeeze3A_44, %squeeze3A_46 : vector<128x8xf32>
    %slice3A_48 = vector.extract_strided_slice %exp3A {offsets = [0, 10, 0], sizes = [128, 1, 8], strides = [1, 1, 1]} : vector<128x16x8xf32> to vector<128x1x8xf32>
    %squeeze3A_49 = vector.shape_cast %slice3A_48 : vector<128x1x8xf32> to vector<128x8xf32>
    %add3A_50 = arith.addf %add3A_47, %squeeze3A_49 : vector<128x8xf32>
    %slice3A_51 = vector.extract_strided_slice %exp3A {offsets = [0, 11, 0], sizes = [128, 1, 8], strides = [1, 1, 1]} : vector<128x16x8xf32> to vector<128x1x8xf32>
    %squeeze3A_52 = vector.shape_cast %slice3A_51 : vector<128x1x8xf32> to vector<128x8xf32>
    %add3A_53 = arith.addf %add3A_50, %squeeze3A_52 : vector<128x8xf32>
    %slice3A_54 = vector.extract_strided_slice %exp3A {offsets = [0, 12, 0], sizes = [128, 1, 8], strides = [1, 1, 1]} : vector<128x16x8xf32> to vector<128x1x8xf32>
    %squeeze3A_55 = vector.shape_cast %slice3A_54 : vector<128x1x8xf32> to vector<128x8xf32>
    %add3A_56 = arith.addf %add3A_53, %squeeze3A_55 : vector<128x8xf32>
    %slice3A_57 = vector.extract_strided_slice %exp3A {offsets = [0, 13, 0], sizes = [128, 1, 8], strides = [1, 1, 1]} : vector<128x16x8xf32> to vector<128x1x8xf32>
    %squeeze3A_58 = vector.shape_cast %slice3A_57 : vector<128x1x8xf32> to vector<128x8xf32>
    %add3A_59 = arith.addf %add3A_56, %squeeze3A_58 : vector<128x8xf32>
    %slice3A_60 = vector.extract_strided_slice %exp3A {offsets = [0, 14, 0], sizes = [128, 1, 8], strides = [1, 1, 1]} : vector<128x16x8xf32> to vector<128x1x8xf32>
    %squeeze3A_61 = vector.shape_cast %slice3A_60 : vector<128x1x8xf32> to vector<128x8xf32>
    %add3A_62 = arith.addf %add3A_59, %squeeze3A_61 : vector<128x8xf32>
    %slice3A_63 = vector.extract_strided_slice %exp3A {offsets = [0, 15, 0], sizes = [128, 1, 8], strides = [1, 1, 1]} : vector<128x16x8xf32> to vector<128x1x8xf32>
    %squeeze3A_64 = vector.shape_cast %slice3A_63 : vector<128x1x8xf32> to vector<128x8xf32>
    %add3A_65 = arith.addf %add3A_62, %squeeze3A_64 : vector<128x8xf32>
    %add3A_66 = arith.addf %add3A_42, %add3A_65 : vector<128x8xf32>
    %broadcast_in_dim3A_67 = vector.shape_cast %add3A_66 : vector<128x8xf32> to vector<128x1x8xf32>
    %div3A = vector.broadcast %broadcast_in_dim3A_67 : vector<128x1x8xf32> to vector<128x16x8xf32>
    %div3A_68 = arith.divf %exp3A, %div3A : vector<128x16x8xf32>
    %convert_element_type3A_69 = arith.truncf %div3A_68 : vector<128x16x8xf32> to vector<128x16x8xbf16>
    %convert_element_type3A_70 = arith.extf %convert_element_type3A_69 : vector<128x16x8xbf16> to vector<128x16x8xf32>
    %convert_element_type3A_71 = arith.truncf %slice3A_2 : vector<128x16x64xf32> to vector<128x16x64xbf16>
    %convert_element_type3A_72 = arith.extf %convert_element_type3A_71 : vector<128x16x64xbf16> to vector<128x16x64xf32>
    %slice3A_73 = vector.extract_strided_slice %convert_element_type3A_70 {offsets = [0, 0, 0], sizes = [128, 16, 1], strides = [1, 1, 1]} : vector<128x16x8xf32> to vector<128x16x1xf32>
    %mul3A_74 = vector.broadcast %slice3A_73 : vector<128x16x1xf32> to vector<128x16x64xf32>
    %mul3A_75 = arith.mulf %mul3A_74, %convert_element_type3A_72 : vector<128x16x64xf32>
    %reduce_sum3A = arith.constant dense<0.000000e+00> : vector<128x64xf32>
    %reduce_sum3A_76 = vector.multi_reduction <add>, %mul3A_75, %reduce_sum3A [1] : vector<128x16x64xf32> to vector<128x64xf32>
    %slice3A_77 = vector.extract_strided_slice %convert_element_type3A_70 {offsets = [0, 0, 1], sizes = [128, 16, 1], strides = [1, 1, 1]} : vector<128x16x8xf32> to vector<128x16x1xf32>
    %mul3A_78 = vector.broadcast %slice3A_77 : vector<128x16x1xf32> to vector<128x16x64xf32>
    %mul3A_79 = arith.mulf %mul3A_78, %convert_element_type3A_72 : vector<128x16x64xf32>
    %reduce_sum3A_80 = arith.constant dense<0.000000e+00> : vector<128x64xf32>
    %reduce_sum3A_81 = vector.multi_reduction <add>, %mul3A_79, %reduce_sum3A_80 [1] : vector<128x16x64xf32> to vector<128x64xf32>
    %slice3A_82 = vector.extract_strided_slice %convert_element_type3A_70 {offsets = [0, 0, 2], sizes = [128, 16, 1], strides = [1, 1, 1]} : vector<128x16x8xf32> to vector<128x16x1xf32>
    %mul3A_83 = vector.broadcast %slice3A_82 : vector<128x16x1xf32> to vector<128x16x64xf32>
    %mul3A_84 = arith.mulf %mul3A_83, %convert_element_type3A_72 : vector<128x16x64xf32>
    %reduce_sum3A_85 = arith.constant dense<0.000000e+00> : vector<128x64xf32>
    %reduce_sum3A_86 = vector.multi_reduction <add>, %mul3A_84, %reduce_sum3A_85 [1] : vector<128x16x64xf32> to vector<128x64xf32>
    %slice3A_87 = vector.extract_strided_slice %convert_element_type3A_70 {offsets = [0, 0, 3], sizes = [128, 16, 1], strides = [1, 1, 1]} : vector<128x16x8xf32> to vector<128x16x1xf32>
    %mul3A_88 = vector.broadcast %slice3A_87 : vector<128x16x1xf32> to vector<128x16x64xf32>
    %mul3A_89 = arith.mulf %mul3A_88, %convert_element_type3A_72 : vector<128x16x64xf32>
    %reduce_sum3A_90 = arith.constant dense<0.000000e+00> : vector<128x64xf32>
    %reduce_sum3A_91 = vector.multi_reduction <add>, %mul3A_89, %reduce_sum3A_90 [1] : vector<128x16x64xf32> to vector<128x64xf32>
    %slice3A_92 = vector.extract_strided_slice %convert_element_type3A_70 {offsets = [0, 0, 4], sizes = [128, 16, 1], strides = [1, 1, 1]} : vector<128x16x8xf32> to vector<128x16x1xf32>
    %mul3A_93 = vector.broadcast %slice3A_92 : vector<128x16x1xf32> to vector<128x16x64xf32>
    %mul3A_94 = arith.mulf %mul3A_93, %convert_element_type3A_72 : vector<128x16x64xf32>
    %reduce_sum3A_95 = arith.constant dense<0.000000e+00> : vector<128x64xf32>
    %reduce_sum3A_96 = vector.multi_reduction <add>, %mul3A_94, %reduce_sum3A_95 [1] : vector<128x16x64xf32> to vector<128x64xf32>
    %slice3A_97 = vector.extract_strided_slice %convert_element_type3A_70 {offsets = [0, 0, 5], sizes = [128, 16, 1], strides = [1, 1, 1]} : vector<128x16x8xf32> to vector<128x16x1xf32>
    %mul3A_98 = vector.broadcast %slice3A_97 : vector<128x16x1xf32> to vector<128x16x64xf32>
    %mul3A_99 = arith.mulf %mul3A_98, %convert_element_type3A_72 : vector<128x16x64xf32>
    %reduce_sum3A_100 = arith.constant dense<0.000000e+00> : vector<128x64xf32>
    %reduce_sum3A_101 = vector.multi_reduction <add>, %mul3A_99, %reduce_sum3A_100 [1] : vector<128x16x64xf32> to vector<128x64xf32>
    %slice3A_102 = vector.extract_strided_slice %convert_element_type3A_70 {offsets = [0, 0, 6], sizes = [128, 16, 1], strides = [1, 1, 1]} : vector<128x16x8xf32> to vector<128x16x1xf32>
    %mul3A_103 = vector.broadcast %slice3A_102 : vector<128x16x1xf32> to vector<128x16x64xf32>
    %mul3A_104 = arith.mulf %mul3A_103, %convert_element_type3A_72 : vector<128x16x64xf32>
    %reduce_sum3A_105 = arith.constant dense<0.000000e+00> : vector<128x64xf32>
    %reduce_sum3A_106 = vector.multi_reduction <add>, %mul3A_104, %reduce_sum3A_105 [1] : vector<128x16x64xf32> to vector<128x64xf32>
    %slice3A_107 = vector.extract_strided_slice %convert_element_type3A_70 {offsets = [0, 0, 7], sizes = [128, 16, 1], strides = [1, 1, 1]} : vector<128x16x8xf32> to vector<128x16x1xf32>
    %mul3A_108 = vector.broadcast %slice3A_107 : vector<128x16x1xf32> to vector<128x16x64xf32>
    %mul3A_109 = arith.mulf %mul3A_108, %convert_element_type3A_72 : vector<128x16x64xf32>
    %reduce_sum3A_110 = arith.constant dense<0.000000e+00> : vector<128x64xf32>
    %reduce_sum3A_111 = vector.multi_reduction <add>, %mul3A_109, %reduce_sum3A_110 [1] : vector<128x16x64xf32> to vector<128x64xf32>
    %concatenate3A = tpu.concatenate %reduce_sum3A_76, %reduce_sum3A_81, %reduce_sum3A_86, %reduce_sum3A_91, %reduce_sum3A_96, %reduce_sum3A_101, %reduce_sum3A_106, %reduce_sum3A_111 in 1 : vector<128x64xf32>, vector<128x64xf32>, vector<128x64xf32>, vector<128x64xf32>, vector<128x64xf32>, vector<128x64xf32>, vector<128x64xf32>, vector<128x64xf32> -> vector<128x512xf32>
    %get3A_112 = arith.constant 0 : index
    %get3A_113 = arith.constant 0 : index
    %get3A_114 = vector.load %arg4[%get3A_112, %get3A_113] : memref<512x96xf32, #tpu.memory_space<vmem>>, vector<512x96xf32>
    %convert_element_type3A_115 = arith.truncf %concatenate3A : vector<128x512xf32> to vector<128x512xbf16>
    %convert_element_type3A_116 = arith.truncf %get3A_114 : vector<512x96xf32> to vector<512x96xbf16>
    %dot_general3A_117 = arith.constant dense<0.000000e+00> : vector<128x96xf32>
    %dot_general3A_118 = tpu.matmul %convert_element_type3A_115, %convert_element_type3A_116, %dot_general3A_117 {dimension_numbers = #tpu.dot_dimension_numbers<[1], [0], [0], [1], [0, 0, 1, 1], [], []>, transpose_lhs_hint = false} : vector<128x512xbf16>, vector<512x96xbf16>, vector<128x96xf32> -> vector<128x96xf32>
    %get3A_119 = arith.constant 0 : index
    %get3A_120 = arith.constant 0 : index
    %get3A_121 = vector.load %arg5[%get3A_119, %get3A_120] : memref<1x96xf32, #tpu.memory_space<vmem>>, vector<1x96xf32>
    %add3A_122 = vector.broadcast %get3A_121 : vector<1x96xf32> to vector<128x96xf32>
    %add3A_123 = arith.addf %dot_general3A_118, %add3A_122 : vector<128x96xf32>
    %max3A = arith.constant 0.000000e+00 : f32
    %max3A_124 = vector.broadcast %max3A : f32 to vector<128x96xf32>
    %max3A_125 = arith.maximumf %add3A_123, %max3A_124 : vector<128x96xf32>
    %broadcast_in_dim3A_126 = arith.constant 0.000000e+00 : f32
    %broadcast_in_dim3A_127 = vector.broadcast %broadcast_in_dim3A_126 : f32 to vector<128x16xf32>
    %slice3A_128 = vector.extract_strided_slice %get3A_5 {offsets = [0, 0], sizes = [128, 16], strides = [1, 1]} : vector<128x128xf32> to vector<128x16xf32>
    %concatenate3A_129 = tpu.concatenate %slice3A_128, %max3A_125, %broadcast_in_dim3A_127 in 1 : vector<128x16xf32>, vector<128x96xf32>, vector<128x16xf32> -> vector<128x128xf32>
    %swap3A = arith.constant 0 : index
    %swap3A_130 = arith.constant 0 : index
    %swap3A_131 = vector.load %arg6[%swap3A, %swap3A_130] : memref<128x128xf32, #tpu.memory_space<vmem>>, vector<128x128xf32>
    tpu.vector_store %arg6[%swap3A, %swap3A_130], %concatenate3A_129 {strides = array<i32>} : memref<128x128xf32, #tpu.memory_space<vmem>>, vector<128x128xf32>,
    return
  }
  func.func @transform_0(%arg0: i32) -> (i32, i32) {
    %c0_i32 = arith.constant 0 : i32
    %c0_i32_0 = arith.constant 0 : i32
    return %arg0, %c0_i32 : i32, i32
  }
  func.func @transform_1(%arg0: i32) -> (i32, i32) {
    %c0_i32 = arith.constant 0 : i32
    %c0_i32_0 = arith.constant 0 : i32
    return %arg0, %c0_i32 : i32, i32
  }
  func.func @transform_2(%arg0: i32) -> (i32, i32) {
    %c0_i32 = arith.constant 0 : i32
    %c0_i32_0 = arith.constant 0 : i32
    %c0_i32_1 = arith.constant 0 : i32
    return %c0_i32, %c0_i32_0 : i32, i32
  }
  func.func @transform_3(%arg0: i32) -> (i32, i32) {
    %c0_i32 = arith.constant 0 : i32
    %c0_i32_0 = arith.constant 0 : i32
    %c0_i32_1 = arith.constant 0 : i32
    return %c0_i32, %c0_i32_0 : i32, i32
  }
  func.func @transform_4(%arg0: i32) -> (i32, i32) {
    %c0_i32 = arith.constant 0 : i32
    %c0_i32_0 = arith.constant 0 : i32
    %c0_i32_1 = arith.constant 0 : i32
    return %c0_i32, %c0_i32_0 : i32, i32
  }
  func.func @transform_5(%arg0: i32) -> (i32, i32) {
    %c0_i32 = arith.constant 0 : i32
    %c0_i32_0 = arith.constant 0 : i32
    return %arg0, %c0_i32 : i32, i32
  }
}

module attributes {stable_mosaic.version = 14 : i64} {
  func.func @body(%arg0: i32, %arg1: memref<2048x128xf32, #tpu.memory_space<vmem>>, %arg2: memref<128x128xf32, #tpu.memory_space<vmem>>, %arg3: memref<8x3xf32, #tpu.memory_space<vmem>>, %arg4: memref<768x96xf32, #tpu.memory_space<vmem>>, %arg5: memref<1x96xf32, #tpu.memory_space<vmem>>, %arg6: memref<128x128xf32, #tpu.memory_space<vmem>>) attributes {dimension_semantics = [#tpu.dimension_semantics<arbitrary>], iteration_bounds = array<i64: 25>, scalar_prefetch = 0 : i64, scratch_operands = 0 : i64, tpu.core_type = #tpu.core_type<tc>, window_params = [{transform_indices = @transform_0, window_bounds = array<i64: 2048, 128>}, {transform_indices = @transform_1, window_bounds = array<i64: 128, 128>}, {pipeline_mode = #tpu.pipeline_mode<synchronous>, transform_indices = @transform_2, window_bounds = array<i64: 8, 3>}, {pipeline_mode = #tpu.pipeline_mode<synchronous>, transform_indices = @transform_3, window_bounds = array<i64: 768, 96>}, {pipeline_mode = #tpu.pipeline_mode<synchronous>, transform_indices = @transform_4, window_bounds = array<i64: 1, 96>}, {transform_indices = @transform_5, window_bounds = array<i64: 128, 128>}]} {
    %get3A = arith.constant 0 : index
    %get3A_0 = arith.constant 0 : index
    %get3A_1 = vector.load %arg1[%get3A, %get3A_0] : memref<2048x128xf32, #tpu.memory_space<vmem>>, vector<2048x128xf32>
    %reshape3A = vector.shape_cast %get3A_1 : vector<2048x128xf32> to vector<128x16x128xf32>
    %slice3A = vector.extract_strided_slice %reshape3A {offsets = [0, 0, 0], sizes = [128, 16, 3], strides = [1, 1, 1]} : vector<128x16x128xf32> to vector<128x16x3xf32>
    %slice3A_2 = vector.extract_strided_slice %reshape3A {offsets = [0, 0, 16], sizes = [128, 16, 96], strides = [1, 1, 1]} : vector<128x16x128xf32> to vector<128x16x96xf32>
    %get3A_3 = arith.constant 0 : index
    %get3A_4 = arith.constant 0 : index
    %get3A_5 = vector.load %arg2[%get3A_3, %get3A_4] : memref<128x128xf32, #tpu.memory_space<vmem>>, vector<128x128xf32>
    %slice3A_6 = vector.extract_strided_slice %get3A_5 {offsets = [0, 0], sizes = [128, 3], strides = [1, 1]} : vector<128x128xf32> to vector<128x3xf32>
    %broadcast_in_dim3A = vector.shape_cast %slice3A_6 : vector<128x3xf32> to vector<128x1x3xf32>
    %sub3A = vector.broadcast %broadcast_in_dim3A : vector<128x1x3xf32> to vector<128x16x3xf32>
    %sub3A_7 = arith.subf %slice3A, %sub3A : vector<128x16x3xf32>
    %reshape3A_8 = vector.shape_cast %sub3A_7 : vector<128x16x3xf32> to vector<2048x3xf32>
    %convert_element_type3A = arith.truncf %reshape3A_8 : vector<2048x3xf32> to vector<2048x3xbf16>
    %get3A_9 = arith.constant 0 : index
    %get3A_10 = arith.constant 0 : index
    %get3A_11 = vector.load %arg3[%get3A_9, %get3A_10] : memref<8x3xf32, #tpu.memory_space<vmem>>, vector<8x3xf32>
    %convert_element_type3A_12 = arith.truncf %get3A_11 : vector<8x3xf32> to vector<8x3xbf16>
    %dot_general3A = arith.constant dense<0.000000e+00> : vector<2048x8xf32>
    %dot_general3A_13 = tpu.matmul %convert_element_type3A, %convert_element_type3A_12, %dot_general3A {dimension_numbers = #tpu.dot_dimension_numbers<[1], [1], [0], [0], [0, 0, 1, 0], [], []>, transpose_lhs_hint = false} : vector<2048x3xbf16>, vector<8x3xbf16>, vector<2048x8xf32> -> vector<2048x8xf32>
    %mul3A = arith.constant -2.500000e+01 : f32
    %mul3A_14 = vector.broadcast %mul3A : f32 to vector<2048x8xf32>
    %mul3A_15 = arith.mulf %mul3A_14, %dot_general3A_13 : vector<2048x8xf32>
    %mul3A_16 = arith.mulf %mul3A_15, %dot_general3A_13 : vector<2048x8xf32>
    %reshape3A_17 = vector.shape_cast %mul3A_16 : vector<2048x8xf32> to vector<128x16x8xf32>
    %reduce_max3A = arith.constant dense<0xFF800000> : vector<128x8xf32>
    %reduce_max3A_18 = vector.multi_reduction <maximumf>, %reshape3A_17, %reduce_max3A [1] : vector<128x16x8xf32> to vector<128x8xf32>
    %broadcast_in_dim3A_19 = vector.shape_cast %reduce_max3A_18 : vector<128x8xf32> to vector<128x1x8xf32>
    %sub3A_20 = vector.broadcast %broadcast_in_dim3A_19 : vector<128x1x8xf32> to vector<128x16x8xf32>
    %sub3A_21 = arith.subf %reshape3A_17, %sub3A_20 : vector<128x16x8xf32>
    %exp3A = math.exp %sub3A_21 : vector<128x16x8xf32>
    %slice3A_22 = vector.extract_strided_slice %exp3A {offsets = [0, 0, 0], sizes = [128, 1, 8], strides = [1, 1, 1]} : vector<128x16x8xf32> to vector<128x1x8xf32>
    %squeeze3A = vector.shape_cast %slice3A_22 : vector<128x1x8xf32> to vector<128x8xf32>
    %slice3A_23 = vector.extract_strided_slice %exp3A {offsets = [0, 1, 0], sizes = [128, 1, 8], strides = [1, 1, 1]} : vector<128x16x8xf32> to vector<128x1x8xf32>
    %squeeze3A_24 = vector.shape_cast %slice3A_23 : vector<128x1x8xf32> to vector<128x8xf32>
    %add3A = arith.addf %squeeze3A, %squeeze3A_24 : vector<128x8xf32>
    %slice3A_25 = vector.extract_strided_slice %exp3A {offsets = [0, 2, 0], sizes = [128, 1, 8], strides = [1, 1, 1]} : vector<128x16x8xf32> to vector<128x1x8xf32>
    %squeeze3A_26 = vector.shape_cast %slice3A_25 : vector<128x1x8xf32> to vector<128x8xf32>
    %add3A_27 = arith.addf %add3A, %squeeze3A_26 : vector<128x8xf32>
    %slice3A_28 = vector.extract_strided_slice %exp3A {offsets = [0, 3, 0], sizes = [128, 1, 8], strides = [1, 1, 1]} : vector<128x16x8xf32> to vector<128x1x8xf32>
    %squeeze3A_29 = vector.shape_cast %slice3A_28 : vector<128x1x8xf32> to vector<128x8xf32>
    %add3A_30 = arith.addf %add3A_27, %squeeze3A_29 : vector<128x8xf32>
    %slice3A_31 = vector.extract_strided_slice %exp3A {offsets = [0, 4, 0], sizes = [128, 1, 8], strides = [1, 1, 1]} : vector<128x16x8xf32> to vector<128x1x8xf32>
    %squeeze3A_32 = vector.shape_cast %slice3A_31 : vector<128x1x8xf32> to vector<128x8xf32>
    %add3A_33 = arith.addf %add3A_30, %squeeze3A_32 : vector<128x8xf32>
    %slice3A_34 = vector.extract_strided_slice %exp3A {offsets = [0, 5, 0], sizes = [128, 1, 8], strides = [1, 1, 1]} : vector<128x16x8xf32> to vector<128x1x8xf32>
    %squeeze3A_35 = vector.shape_cast %slice3A_34 : vector<128x1x8xf32> to vector<128x8xf32>
    %add3A_36 = arith.addf %add3A_33, %squeeze3A_35 : vector<128x8xf32>
    %slice3A_37 = vector.extract_strided_slice %exp3A {offsets = [0, 6, 0], sizes = [128, 1, 8], strides = [1, 1, 1]} : vector<128x16x8xf32> to vector<128x1x8xf32>
    %squeeze3A_38 = vector.shape_cast %slice3A_37 : vector<128x1x8xf32> to vector<128x8xf32>
    %add3A_39 = arith.addf %add3A_36, %squeeze3A_38 : vector<128x8xf32>
    %slice3A_40 = vector.extract_strided_slice %exp3A {offsets = [0, 7, 0], sizes = [128, 1, 8], strides = [1, 1, 1]} : vector<128x16x8xf32> to vector<128x1x8xf32>
    %squeeze3A_41 = vector.shape_cast %slice3A_40 : vector<128x1x8xf32> to vector<128x8xf32>
    %add3A_42 = arith.addf %add3A_39, %squeeze3A_41 : vector<128x8xf32>
    %slice3A_43 = vector.extract_strided_slice %exp3A {offsets = [0, 8, 0], sizes = [128, 1, 8], strides = [1, 1, 1]} : vector<128x16x8xf32> to vector<128x1x8xf32>
    %squeeze3A_44 = vector.shape_cast %slice3A_43 : vector<128x1x8xf32> to vector<128x8xf32>
    %slice3A_45 = vector.extract_strided_slice %exp3A {offsets = [0, 9, 0], sizes = [128, 1, 8], strides = [1, 1, 1]} : vector<128x16x8xf32> to vector<128x1x8xf32>
    %squeeze3A_46 = vector.shape_cast %slice3A_45 : vector<128x1x8xf32> to vector<128x8xf32>
    %add3A_47 = arith.addf %squeeze3A_44, %squeeze3A_46 : vector<128x8xf32>
    %slice3A_48 = vector.extract_strided_slice %exp3A {offsets = [0, 10, 0], sizes = [128, 1, 8], strides = [1, 1, 1]} : vector<128x16x8xf32> to vector<128x1x8xf32>
    %squeeze3A_49 = vector.shape_cast %slice3A_48 : vector<128x1x8xf32> to vector<128x8xf32>
    %add3A_50 = arith.addf %add3A_47, %squeeze3A_49 : vector<128x8xf32>
    %slice3A_51 = vector.extract_strided_slice %exp3A {offsets = [0, 11, 0], sizes = [128, 1, 8], strides = [1, 1, 1]} : vector<128x16x8xf32> to vector<128x1x8xf32>
    %squeeze3A_52 = vector.shape_cast %slice3A_51 : vector<128x1x8xf32> to vector<128x8xf32>
    %add3A_53 = arith.addf %add3A_50, %squeeze3A_52 : vector<128x8xf32>
    %slice3A_54 = vector.extract_strided_slice %exp3A {offsets = [0, 12, 0], sizes = [128, 1, 8], strides = [1, 1, 1]} : vector<128x16x8xf32> to vector<128x1x8xf32>
    %squeeze3A_55 = vector.shape_cast %slice3A_54 : vector<128x1x8xf32> to vector<128x8xf32>
    %add3A_56 = arith.addf %add3A_53, %squeeze3A_55 : vector<128x8xf32>
    %slice3A_57 = vector.extract_strided_slice %exp3A {offsets = [0, 13, 0], sizes = [128, 1, 8], strides = [1, 1, 1]} : vector<128x16x8xf32> to vector<128x1x8xf32>
    %squeeze3A_58 = vector.shape_cast %slice3A_57 : vector<128x1x8xf32> to vector<128x8xf32>
    %add3A_59 = arith.addf %add3A_56, %squeeze3A_58 : vector<128x8xf32>
    %slice3A_60 = vector.extract_strided_slice %exp3A {offsets = [0, 14, 0], sizes = [128, 1, 8], strides = [1, 1, 1]} : vector<128x16x8xf32> to vector<128x1x8xf32>
    %squeeze3A_61 = vector.shape_cast %slice3A_60 : vector<128x1x8xf32> to vector<128x8xf32>
    %add3A_62 = arith.addf %add3A_59, %squeeze3A_61 : vector<128x8xf32>
    %slice3A_63 = vector.extract_strided_slice %exp3A {offsets = [0, 15, 0], sizes = [128, 1, 8], strides = [1, 1, 1]} : vector<128x16x8xf32> to vector<128x1x8xf32>
    %squeeze3A_64 = vector.shape_cast %slice3A_63 : vector<128x1x8xf32> to vector<128x8xf32>
    %add3A_65 = arith.addf %add3A_62, %squeeze3A_64 : vector<128x8xf32>
    %add3A_66 = arith.addf %add3A_42, %add3A_65 : vector<128x8xf32>
    %broadcast_in_dim3A_67 = vector.shape_cast %add3A_66 : vector<128x8xf32> to vector<128x1x8xf32>
    %div3A = vector.broadcast %broadcast_in_dim3A_67 : vector<128x1x8xf32> to vector<128x16x8xf32>
    %div3A_68 = arith.divf %exp3A, %div3A : vector<128x16x8xf32>
    %convert_element_type3A_69 = arith.truncf %div3A_68 : vector<128x16x8xf32> to vector<128x16x8xbf16>
    %convert_element_type3A_70 = arith.extf %convert_element_type3A_69 : vector<128x16x8xbf16> to vector<128x16x8xf32>
    %convert_element_type3A_71 = arith.truncf %slice3A_2 : vector<128x16x96xf32> to vector<128x16x96xbf16>
    %convert_element_type3A_72 = arith.extf %convert_element_type3A_71 : vector<128x16x96xbf16> to vector<128x16x96xf32>
    %slice3A_73 = vector.extract_strided_slice %convert_element_type3A_70 {offsets = [0, 0, 0], sizes = [128, 16, 1], strides = [1, 1, 1]} : vector<128x16x8xf32> to vector<128x16x1xf32>
    %mul3A_74 = vector.broadcast %slice3A_73 : vector<128x16x1xf32> to vector<128x16x96xf32>
    %mul3A_75 = arith.mulf %mul3A_74, %convert_element_type3A_72 : vector<128x16x96xf32>
    %reduce_sum3A = arith.constant dense<0.000000e+00> : vector<128x96xf32>
    %reduce_sum3A_76 = vector.multi_reduction <add>, %mul3A_75, %reduce_sum3A [1] : vector<128x16x96xf32> to vector<128x96xf32>
    %slice3A_77 = vector.extract_strided_slice %convert_element_type3A_70 {offsets = [0, 0, 1], sizes = [128, 16, 1], strides = [1, 1, 1]} : vector<128x16x8xf32> to vector<128x16x1xf32>
    %mul3A_78 = vector.broadcast %slice3A_77 : vector<128x16x1xf32> to vector<128x16x96xf32>
    %mul3A_79 = arith.mulf %mul3A_78, %convert_element_type3A_72 : vector<128x16x96xf32>
    %reduce_sum3A_80 = arith.constant dense<0.000000e+00> : vector<128x96xf32>
    %reduce_sum3A_81 = vector.multi_reduction <add>, %mul3A_79, %reduce_sum3A_80 [1] : vector<128x16x96xf32> to vector<128x96xf32>
    %slice3A_82 = vector.extract_strided_slice %convert_element_type3A_70 {offsets = [0, 0, 2], sizes = [128, 16, 1], strides = [1, 1, 1]} : vector<128x16x8xf32> to vector<128x16x1xf32>
    %mul3A_83 = vector.broadcast %slice3A_82 : vector<128x16x1xf32> to vector<128x16x96xf32>
    %mul3A_84 = arith.mulf %mul3A_83, %convert_element_type3A_72 : vector<128x16x96xf32>
    %reduce_sum3A_85 = arith.constant dense<0.000000e+00> : vector<128x96xf32>
    %reduce_sum3A_86 = vector.multi_reduction <add>, %mul3A_84, %reduce_sum3A_85 [1] : vector<128x16x96xf32> to vector<128x96xf32>
    %slice3A_87 = vector.extract_strided_slice %convert_element_type3A_70 {offsets = [0, 0, 3], sizes = [128, 16, 1], strides = [1, 1, 1]} : vector<128x16x8xf32> to vector<128x16x1xf32>
    %mul3A_88 = vector.broadcast %slice3A_87 : vector<128x16x1xf32> to vector<128x16x96xf32>
    %mul3A_89 = arith.mulf %mul3A_88, %convert_element_type3A_72 : vector<128x16x96xf32>
    %reduce_sum3A_90 = arith.constant dense<0.000000e+00> : vector<128x96xf32>
    %reduce_sum3A_91 = vector.multi_reduction <add>, %mul3A_89, %reduce_sum3A_90 [1] : vector<128x16x96xf32> to vector<128x96xf32>
    %slice3A_92 = vector.extract_strided_slice %convert_element_type3A_70 {offsets = [0, 0, 4], sizes = [128, 16, 1], strides = [1, 1, 1]} : vector<128x16x8xf32> to vector<128x16x1xf32>
    %mul3A_93 = vector.broadcast %slice3A_92 : vector<128x16x1xf32> to vector<128x16x96xf32>
    %mul3A_94 = arith.mulf %mul3A_93, %convert_element_type3A_72 : vector<128x16x96xf32>
    %reduce_sum3A_95 = arith.constant dense<0.000000e+00> : vector<128x96xf32>
    %reduce_sum3A_96 = vector.multi_reduction <add>, %mul3A_94, %reduce_sum3A_95 [1] : vector<128x16x96xf32> to vector<128x96xf32>
    %slice3A_97 = vector.extract_strided_slice %convert_element_type3A_70 {offsets = [0, 0, 5], sizes = [128, 16, 1], strides = [1, 1, 1]} : vector<128x16x8xf32> to vector<128x16x1xf32>
    %mul3A_98 = vector.broadcast %slice3A_97 : vector<128x16x1xf32> to vector<128x16x96xf32>
    %mul3A_99 = arith.mulf %mul3A_98, %convert_element_type3A_72 : vector<128x16x96xf32>
    %reduce_sum3A_100 = arith.constant dense<0.000000e+00> : vector<128x96xf32>
    %reduce_sum3A_101 = vector.multi_reduction <add>, %mul3A_99, %reduce_sum3A_100 [1] : vector<128x16x96xf32> to vector<128x96xf32>
    %slice3A_102 = vector.extract_strided_slice %convert_element_type3A_70 {offsets = [0, 0, 6], sizes = [128, 16, 1], strides = [1, 1, 1]} : vector<128x16x8xf32> to vector<128x16x1xf32>
    %mul3A_103 = vector.broadcast %slice3A_102 : vector<128x16x1xf32> to vector<128x16x96xf32>
    %mul3A_104 = arith.mulf %mul3A_103, %convert_element_type3A_72 : vector<128x16x96xf32>
    %reduce_sum3A_105 = arith.constant dense<0.000000e+00> : vector<128x96xf32>
    %reduce_sum3A_106 = vector.multi_reduction <add>, %mul3A_104, %reduce_sum3A_105 [1] : vector<128x16x96xf32> to vector<128x96xf32>
    %slice3A_107 = vector.extract_strided_slice %convert_element_type3A_70 {offsets = [0, 0, 7], sizes = [128, 16, 1], strides = [1, 1, 1]} : vector<128x16x8xf32> to vector<128x16x1xf32>
    %mul3A_108 = vector.broadcast %slice3A_107 : vector<128x16x1xf32> to vector<128x16x96xf32>
    %mul3A_109 = arith.mulf %mul3A_108, %convert_element_type3A_72 : vector<128x16x96xf32>
    %reduce_sum3A_110 = arith.constant dense<0.000000e+00> : vector<128x96xf32>
    %reduce_sum3A_111 = vector.multi_reduction <add>, %mul3A_109, %reduce_sum3A_110 [1] : vector<128x16x96xf32> to vector<128x96xf32>
    %concatenate3A = tpu.concatenate %reduce_sum3A_76, %reduce_sum3A_81, %reduce_sum3A_86, %reduce_sum3A_91, %reduce_sum3A_96, %reduce_sum3A_101, %reduce_sum3A_106, %reduce_sum3A_111 in 1 : vector<128x96xf32>, vector<128x96xf32>, vector<128x96xf32>, vector<128x96xf32>, vector<128x96xf32>, vector<128x96xf32>, vector<128x96xf32>, vector<128x96xf32> -> vector<128x768xf32>
    %get3A_112 = arith.constant 0 : index
    %get3A_113 = arith.constant 0 : index
    %get3A_114 = vector.load %arg4[%get3A_112, %get3A_113] : memref<768x96xf32, #tpu.memory_space<vmem>>, vector<768x96xf32>
    %convert_element_type3A_115 = arith.truncf %concatenate3A : vector<128x768xf32> to vector<128x768xbf16>
    %convert_element_type3A_116 = arith.truncf %get3A_114 : vector<768x96xf32> to vector<768x96xbf16>
    %dot_general3A_117 = arith.constant dense<0.000000e+00> : vector<128x96xf32>
    %dot_general3A_118 = tpu.matmul %convert_element_type3A_115, %convert_element_type3A_116, %dot_general3A_117 {dimension_numbers = #tpu.dot_dimension_numbers<[1], [0], [0], [1], [0, 0, 1, 1], [], []>, transpose_lhs_hint = false} : vector<128x768xbf16>, vector<768x96xbf16>, vector<128x96xf32> -> vector<128x96xf32>
    %get3A_119 = arith.constant 0 : index
    %get3A_120 = arith.constant 0 : index
    %get3A_121 = vector.load %arg5[%get3A_119, %get3A_120] : memref<1x96xf32, #tpu.memory_space<vmem>>, vector<1x96xf32>
    %add3A_122 = vector.broadcast %get3A_121 : vector<1x96xf32> to vector<128x96xf32>
    %add3A_123 = arith.addf %dot_general3A_118, %add3A_122 : vector<128x96xf32>
    %max3A = arith.constant 0.000000e+00 : f32
    %max3A_124 = vector.broadcast %max3A : f32 to vector<128x96xf32>
    %max3A_125 = arith.maximumf %add3A_123, %max3A_124 : vector<128x96xf32>
    %broadcast_in_dim3A_126 = arith.constant 0.000000e+00 : f32
    %broadcast_in_dim3A_127 = vector.broadcast %broadcast_in_dim3A_126 : f32 to vector<128x16xf32>
    %slice3A_128 = vector.extract_strided_slice %get3A_5 {offsets = [0, 0], sizes = [128, 16], strides = [1, 1]} : vector<128x128xf32> to vector<128x16xf32>
    %concatenate3A_129 = tpu.concatenate %slice3A_128, %max3A_125, %broadcast_in_dim3A_127 in 1 : vector<128x16xf32>, vector<128x96xf32>, vector<128x16xf32> -> vector<128x128xf32>
    %swap3A = arith.constant 0 : index
    %swap3A_130 = arith.constant 0 : index
    %swap3A_131 = vector.load %arg6[%swap3A, %swap3A_130] : memref<128x128xf32, #tpu.memory_space<vmem>>, vector<128x128xf32>
    tpu.vector_store %arg6[%swap3A, %swap3A_130], %concatenate3A_129 {strides = array<i32>} : memref<128x128xf32, #tpu.memory_space<vmem>>, vector<128x128xf32>,
    return
  }
  func.func @transform_0(%arg0: i32) -> (i32, i32) {
    %c0_i32 = arith.constant 0 : i32
    %c0_i32_0 = arith.constant 0 : i32
    return %arg0, %c0_i32 : i32, i32
  }
  func.func @transform_1(%arg0: i32) -> (i32, i32) {
    %c0_i32 = arith.constant 0 : i32
    %c0_i32_0 = arith.constant 0 : i32
    return %arg0, %c0_i32 : i32, i32
  }
  func.func @transform_2(%arg0: i32) -> (i32, i32) {
    %c0_i32 = arith.constant 0 : i32
    %c0_i32_0 = arith.constant 0 : i32
    %c0_i32_1 = arith.constant 0 : i32
    return %c0_i32, %c0_i32_0 : i32, i32
  }
  func.func @transform_3(%arg0: i32) -> (i32, i32) {
    %c0_i32 = arith.constant 0 : i32
    %c0_i32_0 = arith.constant 0 : i32
    %c0_i32_1 = arith.constant 0 : i32
    return %c0_i32, %c0_i32_0 : i32, i32
  }
  func.func @transform_4(%arg0: i32) -> (i32, i32) {
    %c0_i32 = arith.constant 0 : i32
    %c0_i32_0 = arith.constant 0 : i32
    %c0_i32_1 = arith.constant 0 : i32
    return %c0_i32, %c0_i32_0 : i32, i32
  }
  func.func @transform_5(%arg0: i32) -> (i32, i32) {
    %c0_i32 = arith.constant 0 : i32
    %c0_i32_0 = arith.constant 0 : i32
    return %arg0, %c0_i32 : i32, i32
  }
}

module attributes {stable_mosaic.version = 14 : i64} {
  func.func @body(%arg0: i32, %arg1: memref<768x128xf32, #tpu.memory_space<vmem>>, %arg2: memref<256x128xf32, #tpu.memory_space<vmem>>, %arg3: memref<160x64xf32, #tpu.memory_space<vmem>>, %arg4: memref<1x64xf32, #tpu.memory_space<vmem>>, %arg5: memref<256x128xf32, #tpu.memory_space<vmem>>) attributes {dimension_semantics = [#tpu.dimension_semantics<arbitrary>], iteration_bounds = array<i64: 49>, scalar_prefetch = 0 : i64, scratch_operands = 0 : i64, tpu.core_type = #tpu.core_type<tc>, window_params = [{transform_indices = @transform_0, window_bounds = array<i64: 768, 128>}, {transform_indices = @transform_1, window_bounds = array<i64: 256, 128>}, {pipeline_mode = #tpu.pipeline_mode<synchronous>, transform_indices = @transform_2, window_bounds = array<i64: 160, 64>}, {pipeline_mode = #tpu.pipeline_mode<synchronous>, transform_indices = @transform_3, window_bounds = array<i64: 1, 64>}, {transform_indices = @transform_4, window_bounds = array<i64: 256, 128>}]} {
    %get3A = arith.constant 0 : index
    %get3A_0 = arith.constant 0 : index
    %get3A_1 = vector.load %arg1[%get3A, %get3A_0] : memref<768x128xf32, #tpu.memory_space<vmem>>, vector<768x128xf32>
    %reshape3A = vector.shape_cast %get3A_1 : vector<768x128xf32> to vector<256x3x128xf32>
    %slice3A = vector.extract_strided_slice %reshape3A {offsets = [0, 0, 0], sizes = [256, 3, 3], strides = [1, 1, 1]} : vector<256x3x128xf32> to vector<256x3x3xf32>
    %slice3A_2 = vector.extract_strided_slice %reshape3A {offsets = [0, 0, 16], sizes = [256, 3, 96], strides = [1, 1, 1]} : vector<256x3x128xf32> to vector<256x3x96xf32>
    %get3A_3 = arith.constant 0 : index
    %get3A_4 = arith.constant 0 : index
    %get3A_5 = vector.load %arg2[%get3A_3, %get3A_4] : memref<256x128xf32, #tpu.memory_space<vmem>>, vector<256x128xf32>
    %slice3A_6 = vector.extract_strided_slice %get3A_5 {offsets = [0, 0], sizes = [256, 3], strides = [1, 1]} : vector<256x128xf32> to vector<256x3xf32>
    %broadcast_in_dim3A = vector.shape_cast %slice3A_6 : vector<256x3xf32> to vector<256x1x3xf32>
    %sub3A = vector.broadcast %broadcast_in_dim3A : vector<256x1x3xf32> to vector<256x3x3xf32>
    %sub3A_7 = arith.subf %slice3A, %sub3A : vector<256x3x3xf32>
    %mul3A = arith.mulf %sub3A_7, %sub3A_7 : vector<256x3x3xf32>
    %slice3A_8 = vector.extract_strided_slice %mul3A {offsets = [0, 0, 0], sizes = [256, 3, 1], strides = [1, 1, 1]} : vector<256x3x3xf32> to vector<256x3x1xf32>
    %squeeze3A = vector.shape_cast %slice3A_8 : vector<256x3x1xf32> to vector<256x3xf32>
    %slice3A_9 = vector.extract_strided_slice %mul3A {offsets = [0, 0, 1], sizes = [256, 3, 1], strides = [1, 1, 1]} : vector<256x3x3xf32> to vector<256x3x1xf32>
    %squeeze3A_10 = vector.shape_cast %slice3A_9 : vector<256x3x1xf32> to vector<256x3xf32>
    %add3A = arith.addf %squeeze3A, %squeeze3A_10 : vector<256x3xf32>
    %slice3A_11 = vector.extract_strided_slice %mul3A {offsets = [0, 0, 2], sizes = [256, 3, 1], strides = [1, 1, 1]} : vector<256x3x3xf32> to vector<256x3x1xf32>
    %squeeze3A_12 = vector.shape_cast %slice3A_11 : vector<256x3x1xf32> to vector<256x3xf32>
    %add3A_13 = arith.addf %add3A, %squeeze3A_12 : vector<256x3xf32>
    %add3A_14 = arith.constant 9.99999996E-13 : f32
    %add3A_15 = vector.broadcast %add3A_14 : f32 to vector<256x3xf32>
    %add3A_16 = arith.addf %add3A_13, %add3A_15 : vector<256x3xf32>
    %sqrt3A = math.sqrt %add3A_16 : vector<256x3xf32>
    %add3A_17 = arith.constant 9.99999993E-9 : f32
    %add3A_18 = vector.broadcast %add3A_17 : f32 to vector<256x3xf32>
    %add3A_19 = arith.addf %sqrt3A, %add3A_18 : vector<256x3xf32>
    %div3A = arith.constant 1.000000e+00 : f32
    %div3A_20 = vector.broadcast %div3A : f32 to vector<256x3xf32>
    %div3A_21 = arith.divf %div3A_20, %add3A_19 : vector<256x3xf32>
    %slice3A_22 = vector.extract_strided_slice %div3A_21 {offsets = [0, 0], sizes = [256, 1], strides = [1, 1]} : vector<256x3xf32> to vector<256x1xf32>
    %squeeze3A_23 = vector.shape_cast %slice3A_22 : vector<256x1xf32> to vector<256xf32>
    %slice3A_24 = vector.extract_strided_slice %div3A_21 {offsets = [0, 1], sizes = [256, 1], strides = [1, 1]} : vector<256x3xf32> to vector<256x1xf32>
    %squeeze3A_25 = vector.shape_cast %slice3A_24 : vector<256x1xf32> to vector<256xf32>
    %add3A_26 = arith.addf %squeeze3A_23, %squeeze3A_25 : vector<256xf32>
    %slice3A_27 = vector.extract_strided_slice %div3A_21 {offsets = [0, 2], sizes = [256, 1], strides = [1, 1]} : vector<256x3xf32> to vector<256x1xf32>
    %squeeze3A_28 = vector.shape_cast %slice3A_27 : vector<256x1xf32> to vector<256xf32>
    %add3A_29 = arith.addf %add3A_26, %squeeze3A_28 : vector<256xf32>
    %broadcast_in_dim3A_30 = vector.shape_cast %add3A_29 : vector<256xf32> to vector<256x1xf32>
    %div3A_31 = vector.broadcast %broadcast_in_dim3A_30 : vector<256x1xf32> to vector<256x3xf32>
    %div3A_32 = arith.divf %div3A_21, %div3A_31 : vector<256x3xf32>
    %broadcast_in_dim3A_33 = vector.shape_cast %div3A_32 : vector<256x3xf32> to vector<256x3x1xf32>
    %mul3A_34 = vector.broadcast %broadcast_in_dim3A_33 : vector<256x3x1xf32> to vector<256x3x96xf32>
    %mul3A_35 = arith.mulf %mul3A_34, %slice3A_2 : vector<256x3x96xf32>
    %slice3A_36 = vector.extract_strided_slice %mul3A_35 {offsets = [0, 0, 0], sizes = [256, 1, 96], strides = [1, 1, 1]} : vector<256x3x96xf32> to vector<256x1x96xf32>
    %squeeze3A_37 = vector.shape_cast %slice3A_36 : vector<256x1x96xf32> to vector<256x96xf32>
    %slice3A_38 = vector.extract_strided_slice %mul3A_35 {offsets = [0, 1, 0], sizes = [256, 1, 96], strides = [1, 1, 1]} : vector<256x3x96xf32> to vector<256x1x96xf32>
    %squeeze3A_39 = vector.shape_cast %slice3A_38 : vector<256x1x96xf32> to vector<256x96xf32>
    %add3A_40 = arith.addf %squeeze3A_37, %squeeze3A_39 : vector<256x96xf32>
    %slice3A_41 = vector.extract_strided_slice %mul3A_35 {offsets = [0, 2, 0], sizes = [256, 1, 96], strides = [1, 1, 1]} : vector<256x3x96xf32> to vector<256x1x96xf32>
    %squeeze3A_42 = vector.shape_cast %slice3A_41 : vector<256x1x96xf32> to vector<256x96xf32>
    %add3A_43 = arith.addf %add3A_40, %squeeze3A_42 : vector<256x96xf32>
    %slice3A_44 = vector.extract_strided_slice %get3A_5 {offsets = [0, 16], sizes = [256, 64], strides = [1, 1]} : vector<256x128xf32> to vector<256x64xf32>
    %concatenate3A = tpu.concatenate %add3A_43, %slice3A_44 in 1 : vector<256x96xf32>, vector<256x64xf32> -> vector<256x160xf32>
    %get3A_45 = arith.constant 0 : index
    %get3A_46 = arith.constant 0 : index
    %get3A_47 = vector.load %arg3[%get3A_45, %get3A_46] : memref<160x64xf32, #tpu.memory_space<vmem>>, vector<160x64xf32>
    %convert_element_type3A = arith.truncf %concatenate3A : vector<256x160xf32> to vector<256x160xbf16>
    %convert_element_type3A_48 = arith.truncf %get3A_47 : vector<160x64xf32> to vector<160x64xbf16>
    %dot_general3A = arith.constant dense<0.000000e+00> : vector<256x64xf32>
    %dot_general3A_49 = tpu.matmul %convert_element_type3A, %convert_element_type3A_48, %dot_general3A {dimension_numbers = #tpu.dot_dimension_numbers<[1], [0], [0], [1], [0, 0, 1, 1], [], []>, transpose_lhs_hint = false} : vector<256x160xbf16>, vector<160x64xbf16>, vector<256x64xf32> -> vector<256x64xf32>
    %get3A_50 = arith.constant 0 : index
    %get3A_51 = arith.constant 0 : index
    %get3A_52 = vector.load %arg4[%get3A_50, %get3A_51] : memref<1x64xf32, #tpu.memory_space<vmem>>, vector<1x64xf32>
    %add3A_53 = vector.broadcast %get3A_52 : vector<1x64xf32> to vector<256x64xf32>
    %add3A_54 = arith.addf %dot_general3A_49, %add3A_53 : vector<256x64xf32>
    %max3A = arith.constant 0.000000e+00 : f32
    %max3A_55 = vector.broadcast %max3A : f32 to vector<256x64xf32>
    %max3A_56 = arith.maximumf %add3A_54, %max3A_55 : vector<256x64xf32>
    %broadcast_in_dim3A_57 = arith.constant 0.000000e+00 : f32
    %broadcast_in_dim3A_58 = vector.broadcast %broadcast_in_dim3A_57 : f32 to vector<256x48xf32>
    %slice3A_59 = vector.extract_strided_slice %get3A_5 {offsets = [0, 0], sizes = [256, 16], strides = [1, 1]} : vector<256x128xf32> to vector<256x16xf32>
    %concatenate3A_60 = tpu.concatenate %slice3A_59, %max3A_56, %broadcast_in_dim3A_58 in 1 : vector<256x16xf32>, vector<256x64xf32>, vector<256x48xf32> -> vector<256x128xf32>
    %swap3A = arith.constant 0 : index
    %swap3A_61 = arith.constant 0 : index
    %swap3A_62 = vector.load %arg5[%swap3A, %swap3A_61] : memref<256x128xf32, #tpu.memory_space<vmem>>, vector<256x128xf32>
    tpu.vector_store %arg5[%swap3A, %swap3A_61], %concatenate3A_60 {strides = array<i32>} : memref<256x128xf32, #tpu.memory_space<vmem>>, vector<256x128xf32>,
    return
  }
  func.func @transform_0(%arg0: i32) -> (i32, i32) {
    %c0_i32 = arith.constant 0 : i32
    %c0_i32_0 = arith.constant 0 : i32
    return %arg0, %c0_i32 : i32, i32
  }
  func.func @transform_1(%arg0: i32) -> (i32, i32) {
    %c0_i32 = arith.constant 0 : i32
    %c0_i32_0 = arith.constant 0 : i32
    return %arg0, %c0_i32 : i32, i32
  }
  func.func @transform_2(%arg0: i32) -> (i32, i32) {
    %c0_i32 = arith.constant 0 : i32
    %c0_i32_0 = arith.constant 0 : i32
    %c0_i32_1 = arith.constant 0 : i32
    return %c0_i32, %c0_i32_0 : i32, i32
  }
  func.func @transform_3(%arg0: i32) -> (i32, i32) {
    %c0_i32 = arith.constant 0 : i32
    %c0_i32_0 = arith.constant 0 : i32
    %c0_i32_1 = arith.constant 0 : i32
    return %c0_i32, %c0_i32_0 : i32, i32
  }
  func.func @transform_4(%arg0: i32) -> (i32, i32) {
    %c0_i32 = arith.constant 0 : i32
    %c0_i32_0 = arith.constant 0 : i32
    return %arg0, %c0_i32 : i32, i32
  }
}

module attributes {stable_mosaic.version = 14 : i64} {
  func.func @body(%arg0: i32, %arg1: memref<768x128xf32, #tpu.memory_space<vmem>>, %arg2: memref<256x128xf32, #tpu.memory_space<vmem>>, %arg3: memref<96x32xf32, #tpu.memory_space<vmem>>, %arg4: memref<1x32xf32, #tpu.memory_space<vmem>>, %arg5: memref<256x128xf32, #tpu.memory_space<vmem>>) attributes {dimension_semantics = [#tpu.dimension_semantics<arbitrary>], iteration_bounds = array<i64: 196>, scalar_prefetch = 0 : i64, scratch_operands = 0 : i64, tpu.core_type = #tpu.core_type<tc>, window_params = [{transform_indices = @transform_0, window_bounds = array<i64: 768, 128>}, {transform_indices = @transform_1, window_bounds = array<i64: 256, 128>}, {pipeline_mode = #tpu.pipeline_mode<synchronous>, transform_indices = @transform_2, window_bounds = array<i64: 96, 32>}, {pipeline_mode = #tpu.pipeline_mode<synchronous>, transform_indices = @transform_3, window_bounds = array<i64: 1, 32>}, {transform_indices = @transform_4, window_bounds = array<i64: 256, 128>}]} {
    %get3A = arith.constant 0 : index
    %get3A_0 = arith.constant 0 : index
    %get3A_1 = vector.load %arg1[%get3A, %get3A_0] : memref<768x128xf32, #tpu.memory_space<vmem>>, vector<768x128xf32>
    %reshape3A = vector.shape_cast %get3A_1 : vector<768x128xf32> to vector<256x3x128xf32>
    %slice3A = vector.extract_strided_slice %reshape3A {offsets = [0, 0, 0], sizes = [256, 3, 3], strides = [1, 1, 1]} : vector<256x3x128xf32> to vector<256x3x3xf32>
    %slice3A_2 = vector.extract_strided_slice %reshape3A {offsets = [0, 0, 16], sizes = [256, 3, 64], strides = [1, 1, 1]} : vector<256x3x128xf32> to vector<256x3x64xf32>
    %get3A_3 = arith.constant 0 : index
    %get3A_4 = arith.constant 0 : index
    %get3A_5 = vector.load %arg2[%get3A_3, %get3A_4] : memref<256x128xf32, #tpu.memory_space<vmem>>, vector<256x128xf32>
    %slice3A_6 = vector.extract_strided_slice %get3A_5 {offsets = [0, 0], sizes = [256, 3], strides = [1, 1]} : vector<256x128xf32> to vector<256x3xf32>
    %broadcast_in_dim3A = vector.shape_cast %slice3A_6 : vector<256x3xf32> to vector<256x1x3xf32>
    %sub3A = vector.broadcast %broadcast_in_dim3A : vector<256x1x3xf32> to vector<256x3x3xf32>
    %sub3A_7 = arith.subf %slice3A, %sub3A : vector<256x3x3xf32>
    %mul3A = arith.mulf %sub3A_7, %sub3A_7 : vector<256x3x3xf32>
    %slice3A_8 = vector.extract_strided_slice %mul3A {offsets = [0, 0, 0], sizes = [256, 3, 1], strides = [1, 1, 1]} : vector<256x3x3xf32> to vector<256x3x1xf32>
    %squeeze3A = vector.shape_cast %slice3A_8 : vector<256x3x1xf32> to vector<256x3xf32>
    %slice3A_9 = vector.extract_strided_slice %mul3A {offsets = [0, 0, 1], sizes = [256, 3, 1], strides = [1, 1, 1]} : vector<256x3x3xf32> to vector<256x3x1xf32>
    %squeeze3A_10 = vector.shape_cast %slice3A_9 : vector<256x3x1xf32> to vector<256x3xf32>
    %add3A = arith.addf %squeeze3A, %squeeze3A_10 : vector<256x3xf32>
    %slice3A_11 = vector.extract_strided_slice %mul3A {offsets = [0, 0, 2], sizes = [256, 3, 1], strides = [1, 1, 1]} : vector<256x3x3xf32> to vector<256x3x1xf32>
    %squeeze3A_12 = vector.shape_cast %slice3A_11 : vector<256x3x1xf32> to vector<256x3xf32>
    %add3A_13 = arith.addf %add3A, %squeeze3A_12 : vector<256x3xf32>
    %add3A_14 = arith.constant 9.99999996E-13 : f32
    %add3A_15 = vector.broadcast %add3A_14 : f32 to vector<256x3xf32>
    %add3A_16 = arith.addf %add3A_13, %add3A_15 : vector<256x3xf32>
    %sqrt3A = math.sqrt %add3A_16 : vector<256x3xf32>
    %add3A_17 = arith.constant 9.99999993E-9 : f32
    %add3A_18 = vector.broadcast %add3A_17 : f32 to vector<256x3xf32>
    %add3A_19 = arith.addf %sqrt3A, %add3A_18 : vector<256x3xf32>
    %div3A = arith.constant 1.000000e+00 : f32
    %div3A_20 = vector.broadcast %div3A : f32 to vector<256x3xf32>
    %div3A_21 = arith.divf %div3A_20, %add3A_19 : vector<256x3xf32>
    %slice3A_22 = vector.extract_strided_slice %div3A_21 {offsets = [0, 0], sizes = [256, 1], strides = [1, 1]} : vector<256x3xf32> to vector<256x1xf32>
    %squeeze3A_23 = vector.shape_cast %slice3A_22 : vector<256x1xf32> to vector<256xf32>
    %slice3A_24 = vector.extract_strided_slice %div3A_21 {offsets = [0, 1], sizes = [256, 1], strides = [1, 1]} : vector<256x3xf32> to vector<256x1xf32>
    %squeeze3A_25 = vector.shape_cast %slice3A_24 : vector<256x1xf32> to vector<256xf32>
    %add3A_26 = arith.addf %squeeze3A_23, %squeeze3A_25 : vector<256xf32>
    %slice3A_27 = vector.extract_strided_slice %div3A_21 {offsets = [0, 2], sizes = [256, 1], strides = [1, 1]} : vector<256x3xf32> to vector<256x1xf32>
    %squeeze3A_28 = vector.shape_cast %slice3A_27 : vector<256x1xf32> to vector<256xf32>
    %add3A_29 = arith.addf %add3A_26, %squeeze3A_28 : vector<256xf32>
    %broadcast_in_dim3A_30 = vector.shape_cast %add3A_29 : vector<256xf32> to vector<256x1xf32>
    %div3A_31 = vector.broadcast %broadcast_in_dim3A_30 : vector<256x1xf32> to vector<256x3xf32>
    %div3A_32 = arith.divf %div3A_21, %div3A_31 : vector<256x3xf32>
    %broadcast_in_dim3A_33 = vector.shape_cast %div3A_32 : vector<256x3xf32> to vector<256x3x1xf32>
    %mul3A_34 = vector.broadcast %broadcast_in_dim3A_33 : vector<256x3x1xf32> to vector<256x3x64xf32>
    %mul3A_35 = arith.mulf %mul3A_34, %slice3A_2 : vector<256x3x64xf32>
    %slice3A_36 = vector.extract_strided_slice %mul3A_35 {offsets = [0, 0, 0], sizes = [256, 1, 64], strides = [1, 1, 1]} : vector<256x3x64xf32> to vector<256x1x64xf32>
    %squeeze3A_37 = vector.shape_cast %slice3A_36 : vector<256x1x64xf32> to vector<256x64xf32>
    %slice3A_38 = vector.extract_strided_slice %mul3A_35 {offsets = [0, 1, 0], sizes = [256, 1, 64], strides = [1, 1, 1]} : vector<256x3x64xf32> to vector<256x1x64xf32>
    %squeeze3A_39 = vector.shape_cast %slice3A_38 : vector<256x1x64xf32> to vector<256x64xf32>
    %add3A_40 = arith.addf %squeeze3A_37, %squeeze3A_39 : vector<256x64xf32>
    %slice3A_41 = vector.extract_strided_slice %mul3A_35 {offsets = [0, 2, 0], sizes = [256, 1, 64], strides = [1, 1, 1]} : vector<256x3x64xf32> to vector<256x1x64xf32>
    %squeeze3A_42 = vector.shape_cast %slice3A_41 : vector<256x1x64xf32> to vector<256x64xf32>
    %add3A_43 = arith.addf %add3A_40, %squeeze3A_42 : vector<256x64xf32>
    %slice3A_44 = vector.extract_strided_slice %get3A_5 {offsets = [0, 16], sizes = [256, 32], strides = [1, 1]} : vector<256x128xf32> to vector<256x32xf32>
    %concatenate3A = tpu.concatenate %add3A_43, %slice3A_44 in 1 : vector<256x64xf32>, vector<256x32xf32> -> vector<256x96xf32>
    %get3A_45 = arith.constant 0 : index
    %get3A_46 = arith.constant 0 : index
    %get3A_47 = vector.load %arg3[%get3A_45, %get3A_46] : memref<96x32xf32, #tpu.memory_space<vmem>>, vector<96x32xf32>
    %convert_element_type3A = arith.truncf %concatenate3A : vector<256x96xf32> to vector<256x96xbf16>
    %convert_element_type3A_48 = arith.truncf %get3A_47 : vector<96x32xf32> to vector<96x32xbf16>
    %dot_general3A = arith.constant dense<0.000000e+00> : vector<256x32xf32>
    %dot_general3A_49 = tpu.matmul %convert_element_type3A, %convert_element_type3A_48, %dot_general3A {dimension_numbers = #tpu.dot_dimension_numbers<[1], [0], [0], [1], [0, 0, 1, 1], [], []>, transpose_lhs_hint = false} : vector<256x96xbf16>, vector<96x32xbf16>, vector<256x32xf32> -> vector<256x32xf32>
    %get3A_50 = arith.constant 0 : index
    %get3A_51 = arith.constant 0 : index
    %get3A_52 = vector.load %arg4[%get3A_50, %get3A_51] : memref<1x32xf32, #tpu.memory_space<vmem>>, vector<1x32xf32>
    %add3A_53 = vector.broadcast %get3A_52 : vector<1x32xf32> to vector<256x32xf32>
    %add3A_54 = arith.addf %dot_general3A_49, %add3A_53 : vector<256x32xf32>
    %max3A = arith.constant 0.000000e+00 : f32
    %max3A_55 = vector.broadcast %max3A : f32 to vector<256x32xf32>
    %max3A_56 = arith.maximumf %add3A_54, %max3A_55 : vector<256x32xf32>
    %broadcast_in_dim3A_57 = arith.constant 0.000000e+00 : f32
    %broadcast_in_dim3A_58 = vector.broadcast %broadcast_in_dim3A_57 : f32 to vector<256x80xf32>
    %slice3A_59 = vector.extract_strided_slice %get3A_5 {offsets = [0, 0], sizes = [256, 16], strides = [1, 1]} : vector<256x128xf32> to vector<256x16xf32>
    %concatenate3A_60 = tpu.concatenate %slice3A_59, %max3A_56, %broadcast_in_dim3A_58 in 1 : vector<256x16xf32>, vector<256x32xf32>, vector<256x80xf32> -> vector<256x128xf32>
    %swap3A = arith.constant 0 : index
    %swap3A_61 = arith.constant 0 : index
    %swap3A_62 = vector.load %arg5[%swap3A, %swap3A_61] : memref<256x128xf32, #tpu.memory_space<vmem>>, vector<256x128xf32>
    tpu.vector_store %arg5[%swap3A, %swap3A_61], %concatenate3A_60 {strides = array<i32>} : memref<256x128xf32, #tpu.memory_space<vmem>>, vector<256x128xf32>,
    return
  }
  func.func @transform_0(%arg0: i32) -> (i32, i32) {
    %c0_i32 = arith.constant 0 : i32
    %c0_i32_0 = arith.constant 0 : i32
    return %arg0, %c0_i32 : i32, i32
  }
  func.func @transform_1(%arg0: i32) -> (i32, i32) {
    %c0_i32 = arith.constant 0 : i32
    %c0_i32_0 = arith.constant 0 : i32
    return %arg0, %c0_i32 : i32, i32
  }
  func.func @transform_2(%arg0: i32) -> (i32, i32) {
    %c0_i32 = arith.constant 0 : i32
    %c0_i32_0 = arith.constant 0 : i32
    %c0_i32_1 = arith.constant 0 : i32
    return %c0_i32, %c0_i32_0 : i32, i32
  }
  func.func @transform_3(%arg0: i32) -> (i32, i32) {
    %c0_i32 = arith.constant 0 : i32
    %c0_i32_0 = arith.constant 0 : i32
    %c0_i32_1 = arith.constant 0 : i32
    return %c0_i32, %c0_i32_0 : i32, i32
  }
  func.func @transform_4(%arg0: i32) -> (i32, i32) {
    %c0_i32 = arith.constant 0 : i32
    %c0_i32_0 = arith.constant 0 : i32
    return %arg0, %c0_i32 : i32, i32
  }
}

module attributes {stable_mosaic.version = 14 : i64} {
  func.func @body(%arg0: i32, %arg1: memref<4096x128xf32, #tpu.memory_space<vmem>>, %arg2: memref<256x128xf32, #tpu.memory_space<vmem>>, %arg3: memref<8x3xf32, #tpu.memory_space<vmem>>, %arg4: memref<256x32xf32, #tpu.memory_space<vmem>>, %arg5: memref<1x32xf32, #tpu.memory_space<vmem>>, %arg6: memref<256x128xf32, #tpu.memory_space<vmem>>) attributes {dimension_semantics = [#tpu.dimension_semantics<arbitrary>], iteration_bounds = array<i64: 196>, scalar_prefetch = 0 : i64, scratch_operands = 0 : i64, tpu.core_type = #tpu.core_type<tc>, window_params = [{transform_indices = @transform_0, window_bounds = array<i64: 4096, 128>}, {transform_indices = @transform_1, window_bounds = array<i64: 256, 128>}, {pipeline_mode = #tpu.pipeline_mode<synchronous>, transform_indices = @transform_2, window_bounds = array<i64: 8, 3>}, {pipeline_mode = #tpu.pipeline_mode<synchronous>, transform_indices = @transform_3, window_bounds = array<i64: 256, 32>}, {pipeline_mode = #tpu.pipeline_mode<synchronous>, transform_indices = @transform_4, window_bounds = array<i64: 1, 32>}, {transform_indices = @transform_5, window_bounds = array<i64: 256, 128>}]} {
    %get3A = arith.constant 0 : index
    %get3A_0 = arith.constant 0 : index
    %get3A_1 = vector.load %arg1[%get3A, %get3A_0] : memref<4096x128xf32, #tpu.memory_space<vmem>>, vector<4096x128xf32>
    %reshape3A = vector.shape_cast %get3A_1 : vector<4096x128xf32> to vector<256x16x128xf32>
    %slice3A = vector.extract_strided_slice %reshape3A {offsets = [0, 0, 0], sizes = [256, 16, 3], strides = [1, 1, 1]} : vector<256x16x128xf32> to vector<256x16x3xf32>
    %slice3A_2 = vector.extract_strided_slice %reshape3A {offsets = [0, 0, 16], sizes = [256, 16, 32], strides = [1, 1, 1]} : vector<256x16x128xf32> to vector<256x16x32xf32>
    %get3A_3 = arith.constant 0 : index
    %get3A_4 = arith.constant 0 : index
    %get3A_5 = vector.load %arg2[%get3A_3, %get3A_4] : memref<256x128xf32, #tpu.memory_space<vmem>>, vector<256x128xf32>
    %slice3A_6 = vector.extract_strided_slice %get3A_5 {offsets = [0, 0], sizes = [256, 3], strides = [1, 1]} : vector<256x128xf32> to vector<256x3xf32>
    %broadcast_in_dim3A = vector.shape_cast %slice3A_6 : vector<256x3xf32> to vector<256x1x3xf32>
    %sub3A = vector.broadcast %broadcast_in_dim3A : vector<256x1x3xf32> to vector<256x16x3xf32>
    %sub3A_7 = arith.subf %slice3A, %sub3A : vector<256x16x3xf32>
    %reshape3A_8 = vector.shape_cast %sub3A_7 : vector<256x16x3xf32> to vector<4096x3xf32>
    %convert_element_type3A = arith.truncf %reshape3A_8 : vector<4096x3xf32> to vector<4096x3xbf16>
    %get3A_9 = arith.constant 0 : index
    %get3A_10 = arith.constant 0 : index
    %get3A_11 = vector.load %arg3[%get3A_9, %get3A_10] : memref<8x3xf32, #tpu.memory_space<vmem>>, vector<8x3xf32>
    %convert_element_type3A_12 = arith.truncf %get3A_11 : vector<8x3xf32> to vector<8x3xbf16>
    %dot_general3A = arith.constant dense<0.000000e+00> : vector<4096x8xf32>
    %dot_general3A_13 = tpu.matmul %convert_element_type3A, %convert_element_type3A_12, %dot_general3A {dimension_numbers = #tpu.dot_dimension_numbers<[1], [1], [0], [0], [0, 0, 1, 0], [], []>, transpose_lhs_hint = false} : vector<4096x3xbf16>, vector<8x3xbf16>, vector<4096x8xf32> -> vector<4096x8xf32>
    %mul3A = arith.constant -2.500000e+01 : f32
    %mul3A_14 = vector.broadcast %mul3A : f32 to vector<4096x8xf32>
    %mul3A_15 = arith.mulf %mul3A_14, %dot_general3A_13 : vector<4096x8xf32>
    %mul3A_16 = arith.mulf %mul3A_15, %dot_general3A_13 : vector<4096x8xf32>
    %reshape3A_17 = vector.shape_cast %mul3A_16 : vector<4096x8xf32> to vector<256x16x8xf32>
    %reduce_max3A = arith.constant dense<0xFF800000> : vector<256x8xf32>
    %reduce_max3A_18 = vector.multi_reduction <maximumf>, %reshape3A_17, %reduce_max3A [1] : vector<256x16x8xf32> to vector<256x8xf32>
    %broadcast_in_dim3A_19 = vector.shape_cast %reduce_max3A_18 : vector<256x8xf32> to vector<256x1x8xf32>
    %sub3A_20 = vector.broadcast %broadcast_in_dim3A_19 : vector<256x1x8xf32> to vector<256x16x8xf32>
    %sub3A_21 = arith.subf %reshape3A_17, %sub3A_20 : vector<256x16x8xf32>
    %exp3A = math.exp %sub3A_21 : vector<256x16x8xf32>
    %slice3A_22 = vector.extract_strided_slice %exp3A {offsets = [0, 0, 0], sizes = [256, 1, 8], strides = [1, 1, 1]} : vector<256x16x8xf32> to vector<256x1x8xf32>
    %squeeze3A = vector.shape_cast %slice3A_22 : vector<256x1x8xf32> to vector<256x8xf32>
    %slice3A_23 = vector.extract_strided_slice %exp3A {offsets = [0, 1, 0], sizes = [256, 1, 8], strides = [1, 1, 1]} : vector<256x16x8xf32> to vector<256x1x8xf32>
    %squeeze3A_24 = vector.shape_cast %slice3A_23 : vector<256x1x8xf32> to vector<256x8xf32>
    %add3A = arith.addf %squeeze3A, %squeeze3A_24 : vector<256x8xf32>
    %slice3A_25 = vector.extract_strided_slice %exp3A {offsets = [0, 2, 0], sizes = [256, 1, 8], strides = [1, 1, 1]} : vector<256x16x8xf32> to vector<256x1x8xf32>
    %squeeze3A_26 = vector.shape_cast %slice3A_25 : vector<256x1x8xf32> to vector<256x8xf32>
    %add3A_27 = arith.addf %add3A, %squeeze3A_26 : vector<256x8xf32>
    %slice3A_28 = vector.extract_strided_slice %exp3A {offsets = [0, 3, 0], sizes = [256, 1, 8], strides = [1, 1, 1]} : vector<256x16x8xf32> to vector<256x1x8xf32>
    %squeeze3A_29 = vector.shape_cast %slice3A_28 : vector<256x1x8xf32> to vector<256x8xf32>
    %add3A_30 = arith.addf %add3A_27, %squeeze3A_29 : vector<256x8xf32>
    %slice3A_31 = vector.extract_strided_slice %exp3A {offsets = [0, 4, 0], sizes = [256, 1, 8], strides = [1, 1, 1]} : vector<256x16x8xf32> to vector<256x1x8xf32>
    %squeeze3A_32 = vector.shape_cast %slice3A_31 : vector<256x1x8xf32> to vector<256x8xf32>
    %add3A_33 = arith.addf %add3A_30, %squeeze3A_32 : vector<256x8xf32>
    %slice3A_34 = vector.extract_strided_slice %exp3A {offsets = [0, 5, 0], sizes = [256, 1, 8], strides = [1, 1, 1]} : vector<256x16x8xf32> to vector<256x1x8xf32>
    %squeeze3A_35 = vector.shape_cast %slice3A_34 : vector<256x1x8xf32> to vector<256x8xf32>
    %add3A_36 = arith.addf %add3A_33, %squeeze3A_35 : vector<256x8xf32>
    %slice3A_37 = vector.extract_strided_slice %exp3A {offsets = [0, 6, 0], sizes = [256, 1, 8], strides = [1, 1, 1]} : vector<256x16x8xf32> to vector<256x1x8xf32>
    %squeeze3A_38 = vector.shape_cast %slice3A_37 : vector<256x1x8xf32> to vector<256x8xf32>
    %add3A_39 = arith.addf %add3A_36, %squeeze3A_38 : vector<256x8xf32>
    %slice3A_40 = vector.extract_strided_slice %exp3A {offsets = [0, 7, 0], sizes = [256, 1, 8], strides = [1, 1, 1]} : vector<256x16x8xf32> to vector<256x1x8xf32>
    %squeeze3A_41 = vector.shape_cast %slice3A_40 : vector<256x1x8xf32> to vector<256x8xf32>
    %add3A_42 = arith.addf %add3A_39, %squeeze3A_41 : vector<256x8xf32>
    %slice3A_43 = vector.extract_strided_slice %exp3A {offsets = [0, 8, 0], sizes = [256, 1, 8], strides = [1, 1, 1]} : vector<256x16x8xf32> to vector<256x1x8xf32>
    %squeeze3A_44 = vector.shape_cast %slice3A_43 : vector<256x1x8xf32> to vector<256x8xf32>
    %slice3A_45 = vector.extract_strided_slice %exp3A {offsets = [0, 9, 0], sizes = [256, 1, 8], strides = [1, 1, 1]} : vector<256x16x8xf32> to vector<256x1x8xf32>
    %squeeze3A_46 = vector.shape_cast %slice3A_45 : vector<256x1x8xf32> to vector<256x8xf32>
    %add3A_47 = arith.addf %squeeze3A_44, %squeeze3A_46 : vector<256x8xf32>
    %slice3A_48 = vector.extract_strided_slice %exp3A {offsets = [0, 10, 0], sizes = [256, 1, 8], strides = [1, 1, 1]} : vector<256x16x8xf32> to vector<256x1x8xf32>
    %squeeze3A_49 = vector.shape_cast %slice3A_48 : vector<256x1x8xf32> to vector<256x8xf32>
    %add3A_50 = arith.addf %add3A_47, %squeeze3A_49 : vector<256x8xf32>
    %slice3A_51 = vector.extract_strided_slice %exp3A {offsets = [0, 11, 0], sizes = [256, 1, 8], strides = [1, 1, 1]} : vector<256x16x8xf32> to vector<256x1x8xf32>
    %squeeze3A_52 = vector.shape_cast %slice3A_51 : vector<256x1x8xf32> to vector<256x8xf32>
    %add3A_53 = arith.addf %add3A_50, %squeeze3A_52 : vector<256x8xf32>
    %slice3A_54 = vector.extract_strided_slice %exp3A {offsets = [0, 12, 0], sizes = [256, 1, 8], strides = [1, 1, 1]} : vector<256x16x8xf32> to vector<256x1x8xf32>
    %squeeze3A_55 = vector.shape_cast %slice3A_54 : vector<256x1x8xf32> to vector<256x8xf32>
    %add3A_56 = arith.addf %add3A_53, %squeeze3A_55 : vector<256x8xf32>
    %slice3A_57 = vector.extract_strided_slice %exp3A {offsets = [0, 13, 0], sizes = [256, 1, 8], strides = [1, 1, 1]} : vector<256x16x8xf32> to vector<256x1x8xf32>
    %squeeze3A_58 = vector.shape_cast %slice3A_57 : vector<256x1x8xf32> to vector<256x8xf32>
    %add3A_59 = arith.addf %add3A_56, %squeeze3A_58 : vector<256x8xf32>
    %slice3A_60 = vector.extract_strided_slice %exp3A {offsets = [0, 14, 0], sizes = [256, 1, 8], strides = [1, 1, 1]} : vector<256x16x8xf32> to vector<256x1x8xf32>
    %squeeze3A_61 = vector.shape_cast %slice3A_60 : vector<256x1x8xf32> to vector<256x8xf32>
    %add3A_62 = arith.addf %add3A_59, %squeeze3A_61 : vector<256x8xf32>
    %slice3A_63 = vector.extract_strided_slice %exp3A {offsets = [0, 15, 0], sizes = [256, 1, 8], strides = [1, 1, 1]} : vector<256x16x8xf32> to vector<256x1x8xf32>
    %squeeze3A_64 = vector.shape_cast %slice3A_63 : vector<256x1x8xf32> to vector<256x8xf32>
    %add3A_65 = arith.addf %add3A_62, %squeeze3A_64 : vector<256x8xf32>
    %add3A_66 = arith.addf %add3A_42, %add3A_65 : vector<256x8xf32>
    %broadcast_in_dim3A_67 = vector.shape_cast %add3A_66 : vector<256x8xf32> to vector<256x1x8xf32>
    %div3A = vector.broadcast %broadcast_in_dim3A_67 : vector<256x1x8xf32> to vector<256x16x8xf32>
    %div3A_68 = arith.divf %exp3A, %div3A : vector<256x16x8xf32>
    %convert_element_type3A_69 = arith.truncf %div3A_68 : vector<256x16x8xf32> to vector<256x16x8xbf16>
    %convert_element_type3A_70 = arith.extf %convert_element_type3A_69 : vector<256x16x8xbf16> to vector<256x16x8xf32>
    %convert_element_type3A_71 = arith.truncf %slice3A_2 : vector<256x16x32xf32> to vector<256x16x32xbf16>
    %convert_element_type3A_72 = arith.extf %convert_element_type3A_71 : vector<256x16x32xbf16> to vector<256x16x32xf32>
    %slice3A_73 = vector.extract_strided_slice %convert_element_type3A_70 {offsets = [0, 0, 0], sizes = [256, 16, 1], strides = [1, 1, 1]} : vector<256x16x8xf32> to vector<256x16x1xf32>
    %mul3A_74 = vector.broadcast %slice3A_73 : vector<256x16x1xf32> to vector<256x16x32xf32>
    %mul3A_75 = arith.mulf %mul3A_74, %convert_element_type3A_72 : vector<256x16x32xf32>
    %reduce_sum3A = arith.constant dense<0.000000e+00> : vector<256x32xf32>
    %reduce_sum3A_76 = vector.multi_reduction <add>, %mul3A_75, %reduce_sum3A [1] : vector<256x16x32xf32> to vector<256x32xf32>
    %slice3A_77 = vector.extract_strided_slice %convert_element_type3A_70 {offsets = [0, 0, 1], sizes = [256, 16, 1], strides = [1, 1, 1]} : vector<256x16x8xf32> to vector<256x16x1xf32>
    %mul3A_78 = vector.broadcast %slice3A_77 : vector<256x16x1xf32> to vector<256x16x32xf32>
    %mul3A_79 = arith.mulf %mul3A_78, %convert_element_type3A_72 : vector<256x16x32xf32>
    %reduce_sum3A_80 = arith.constant dense<0.000000e+00> : vector<256x32xf32>
    %reduce_sum3A_81 = vector.multi_reduction <add>, %mul3A_79, %reduce_sum3A_80 [1] : vector<256x16x32xf32> to vector<256x32xf32>
    %slice3A_82 = vector.extract_strided_slice %convert_element_type3A_70 {offsets = [0, 0, 2], sizes = [256, 16, 1], strides = [1, 1, 1]} : vector<256x16x8xf32> to vector<256x16x1xf32>
    %mul3A_83 = vector.broadcast %slice3A_82 : vector<256x16x1xf32> to vector<256x16x32xf32>
    %mul3A_84 = arith.mulf %mul3A_83, %convert_element_type3A_72 : vector<256x16x32xf32>
    %reduce_sum3A_85 = arith.constant dense<0.000000e+00> : vector<256x32xf32>
    %reduce_sum3A_86 = vector.multi_reduction <add>, %mul3A_84, %reduce_sum3A_85 [1] : vector<256x16x32xf32> to vector<256x32xf32>
    %slice3A_87 = vector.extract_strided_slice %convert_element_type3A_70 {offsets = [0, 0, 3], sizes = [256, 16, 1], strides = [1, 1, 1]} : vector<256x16x8xf32> to vector<256x16x1xf32>
    %mul3A_88 = vector.broadcast %slice3A_87 : vector<256x16x1xf32> to vector<256x16x32xf32>
    %mul3A_89 = arith.mulf %mul3A_88, %convert_element_type3A_72 : vector<256x16x32xf32>
    %reduce_sum3A_90 = arith.constant dense<0.000000e+00> : vector<256x32xf32>
    %reduce_sum3A_91 = vector.multi_reduction <add>, %mul3A_89, %reduce_sum3A_90 [1] : vector<256x16x32xf32> to vector<256x32xf32>
    %slice3A_92 = vector.extract_strided_slice %convert_element_type3A_70 {offsets = [0, 0, 4], sizes = [256, 16, 1], strides = [1, 1, 1]} : vector<256x16x8xf32> to vector<256x16x1xf32>
    %mul3A_93 = vector.broadcast %slice3A_92 : vector<256x16x1xf32> to vector<256x16x32xf32>
    %mul3A_94 = arith.mulf %mul3A_93, %convert_element_type3A_72 : vector<256x16x32xf32>
    %reduce_sum3A_95 = arith.constant dense<0.000000e+00> : vector<256x32xf32>
    %reduce_sum3A_96 = vector.multi_reduction <add>, %mul3A_94, %reduce_sum3A_95 [1] : vector<256x16x32xf32> to vector<256x32xf32>
    %slice3A_97 = vector.extract_strided_slice %convert_element_type3A_70 {offsets = [0, 0, 5], sizes = [256, 16, 1], strides = [1, 1, 1]} : vector<256x16x8xf32> to vector<256x16x1xf32>
    %mul3A_98 = vector.broadcast %slice3A_97 : vector<256x16x1xf32> to vector<256x16x32xf32>
    %mul3A_99 = arith.mulf %mul3A_98, %convert_element_type3A_72 : vector<256x16x32xf32>
    %reduce_sum3A_100 = arith.constant dense<0.000000e+00> : vector<256x32xf32>
    %reduce_sum3A_101 = vector.multi_reduction <add>, %mul3A_99, %reduce_sum3A_100 [1] : vector<256x16x32xf32> to vector<256x32xf32>
    %slice3A_102 = vector.extract_strided_slice %convert_element_type3A_70 {offsets = [0, 0, 6], sizes = [256, 16, 1], strides = [1, 1, 1]} : vector<256x16x8xf32> to vector<256x16x1xf32>
    %mul3A_103 = vector.broadcast %slice3A_102 : vector<256x16x1xf32> to vector<256x16x32xf32>
    %mul3A_104 = arith.mulf %mul3A_103, %convert_element_type3A_72 : vector<256x16x32xf32>
    %reduce_sum3A_105 = arith.constant dense<0.000000e+00> : vector<256x32xf32>
    %reduce_sum3A_106 = vector.multi_reduction <add>, %mul3A_104, %reduce_sum3A_105 [1] : vector<256x16x32xf32> to vector<256x32xf32>
    %slice3A_107 = vector.extract_strided_slice %convert_element_type3A_70 {offsets = [0, 0, 7], sizes = [256, 16, 1], strides = [1, 1, 1]} : vector<256x16x8xf32> to vector<256x16x1xf32>
    %mul3A_108 = vector.broadcast %slice3A_107 : vector<256x16x1xf32> to vector<256x16x32xf32>
    %mul3A_109 = arith.mulf %mul3A_108, %convert_element_type3A_72 : vector<256x16x32xf32>
    %reduce_sum3A_110 = arith.constant dense<0.000000e+00> : vector<256x32xf32>
    %reduce_sum3A_111 = vector.multi_reduction <add>, %mul3A_109, %reduce_sum3A_110 [1] : vector<256x16x32xf32> to vector<256x32xf32>
    %concatenate3A = tpu.concatenate %reduce_sum3A_76, %reduce_sum3A_81, %reduce_sum3A_86, %reduce_sum3A_91, %reduce_sum3A_96, %reduce_sum3A_101, %reduce_sum3A_106, %reduce_sum3A_111 in 1 : vector<256x32xf32>, vector<256x32xf32>, vector<256x32xf32>, vector<256x32xf32>, vector<256x32xf32>, vector<256x32xf32>, vector<256x32xf32>, vector<256x32xf32> -> vector<256x256xf32>
    %get3A_112 = arith.constant 0 : index
    %get3A_113 = arith.constant 0 : index
    %get3A_114 = vector.load %arg4[%get3A_112, %get3A_113] : memref<256x32xf32, #tpu.memory_space<vmem>>, vector<256x32xf32>
    %convert_element_type3A_115 = arith.truncf %concatenate3A : vector<256x256xf32> to vector<256x256xbf16>
    %convert_element_type3A_116 = arith.truncf %get3A_114 : vector<256x32xf32> to vector<256x32xbf16>
    %dot_general3A_117 = arith.constant dense<0.000000e+00> : vector<256x32xf32>
    %dot_general3A_118 = tpu.matmul %convert_element_type3A_115, %convert_element_type3A_116, %dot_general3A_117 {dimension_numbers = #tpu.dot_dimension_numbers<[1], [0], [0], [1], [0, 0, 1, 1], [], []>, transpose_lhs_hint = false} : vector<256x256xbf16>, vector<256x32xbf16>, vector<256x32xf32> -> vector<256x32xf32>
    %get3A_119 = arith.constant 0 : index
    %get3A_120 = arith.constant 0 : index
    %get3A_121 = vector.load %arg5[%get3A_119, %get3A_120] : memref<1x32xf32, #tpu.memory_space<vmem>>, vector<1x32xf32>
    %add3A_122 = vector.broadcast %get3A_121 : vector<1x32xf32> to vector<256x32xf32>
    %add3A_123 = arith.addf %dot_general3A_118, %add3A_122 : vector<256x32xf32>
    %max3A = arith.constant 0.000000e+00 : f32
    %max3A_124 = vector.broadcast %max3A : f32 to vector<256x32xf32>
    %max3A_125 = arith.maximumf %add3A_123, %max3A_124 : vector<256x32xf32>
    %broadcast_in_dim3A_126 = arith.constant 0.000000e+00 : f32
    %broadcast_in_dim3A_127 = vector.broadcast %broadcast_in_dim3A_126 : f32 to vector<256x80xf32>
    %slice3A_128 = vector.extract_strided_slice %get3A_5 {offsets = [0, 0], sizes = [256, 16], strides = [1, 1]} : vector<256x128xf32> to vector<256x16xf32>
    %concatenate3A_129 = tpu.concatenate %slice3A_128, %max3A_125, %broadcast_in_dim3A_127 in 1 : vector<256x16xf32>, vector<256x32xf32>, vector<256x80xf32> -> vector<256x128xf32>
    %swap3A = arith.constant 0 : index
    %swap3A_130 = arith.constant 0 : index
    %swap3A_131 = vector.load %arg6[%swap3A, %swap3A_130] : memref<256x128xf32, #tpu.memory_space<vmem>>, vector<256x128xf32>
    tpu.vector_store %arg6[%swap3A, %swap3A_130], %concatenate3A_129 {strides = array<i32>} : memref<256x128xf32, #tpu.memory_space<vmem>>, vector<256x128xf32>,
    return
  }
  func.func @transform_0(%arg0: i32) -> (i32, i32) {
    %c0_i32 = arith.constant 0 : i32
    %c0_i32_0 = arith.constant 0 : i32
    return %arg0, %c0_i32 : i32, i32
  }
  func.func @transform_1(%arg0: i32) -> (i32, i32) {
    %c0_i32 = arith.constant 0 : i32
    %c0_i32_0 = arith.constant 0 : i32
    return %arg0, %c0_i32 : i32, i32
  }
  func.func @transform_2(%arg0: i32) -> (i32, i32) {
    %c0_i32 = arith.constant 0 : i32
    %c0_i32_0 = arith.constant 0 : i32
    %c0_i32_1 = arith.constant 0 : i32
    return %c0_i32, %c0_i32_0 : i32, i32
  }
  func.func @transform_3(%arg0: i32) -> (i32, i32) {
    %c0_i32 = arith.constant 0 : i32
    %c0_i32_0 = arith.constant 0 : i32
    %c0_i32_1 = arith.constant 0 : i32
    return %c0_i32, %c0_i32_0 : i32, i32
  }
  func.func @transform_4(%arg0: i32) -> (i32, i32) {
    %c0_i32 = arith.constant 0 : i32
    %c0_i32_0 = arith.constant 0 : i32
    %c0_i32_1 = arith.constant 0 : i32
    return %c0_i32, %c0_i32_0 : i32, i32
  }
  func.func @transform_5(%arg0: i32) -> (i32, i32) {
    %c0_i32 = arith.constant 0 : i32
    %c0_i32_0 = arith.constant 0 : i32
    return %arg0, %c0_i32 : i32, i32
  }
}

module attributes {stable_mosaic.version = 14 : i64} {
  func.func @body1(%arg0: i32, %arg1: memref<256x128xf32, #tpu.memory_space<vmem>>, %arg2: memref<32x32xf32, #tpu.memory_space<vmem>>, %arg3: memref<1x32xf32, #tpu.memory_space<vmem>>, %arg4: memref<256x32xf32, #tpu.memory_space<vmem>>, %arg5: memref<2x32xf32, #tpu.memory_space<vmem>>) attributes {dimension_semantics = [#tpu.dimension_semantics<arbitrary>], iteration_bounds = array<i64: 196>, scalar_prefetch = 0 : i64, scratch_operands = 0 : i64, tpu.core_type = #tpu.core_type<tc>, window_params = [{transform_indices = @transform_0, window_bounds = array<i64: 256, 128>}, {pipeline_mode = #tpu.pipeline_mode<synchronous>, transform_indices = @transform_1, window_bounds = array<i64: 32, 32>}, {pipeline_mode = #tpu.pipeline_mode<synchronous>, transform_indices = @transform_2, window_bounds = array<i64: 1, 32>}, {transform_indices = @transform_3, window_bounds = array<i64: 256, 32>}, {pipeline_mode = #tpu.pipeline_mode<synchronous>, transform_indices = @transform_4, window_bounds = array<i64: 2, 32>}]} {
    %get3A = arith.constant 0 : index
    %get3A_0 = arith.constant 0 : index
    %get3A_1 = vector.load %arg1[%get3A, %get3A_0] : memref<256x128xf32, #tpu.memory_space<vmem>>, vector<256x128xf32>
    %slice3A = vector.extract_strided_slice %get3A_1 {offsets = [0, 16], sizes = [256, 32], strides = [1, 1]} : vector<256x128xf32> to vector<256x32xf32>
    %get3A_2 = arith.constant 0 : index
    %get3A_3 = arith.constant 0 : index
    %get3A_4 = vector.load %arg2[%get3A_2, %get3A_3] : memref<32x32xf32, #tpu.memory_space<vmem>>, vector<32x32xf32>
    %convert_element_type3A = arith.truncf %slice3A : vector<256x32xf32> to vector<256x32xbf16>
    %convert_element_type3A_5 = arith.truncf %get3A_4 : vector<32x32xf32> to vector<32x32xbf16>
    %dot_general3A = arith.constant dense<0.000000e+00> : vector<256x32xf32>
    %dot_general3A_6 = tpu.matmul %convert_element_type3A, %convert_element_type3A_5, %dot_general3A {dimension_numbers = #tpu.dot_dimension_numbers<[1], [0], [0], [1], [0, 0, 1, 1], [], []>, transpose_lhs_hint = false} : vector<256x32xbf16>, vector<32x32xbf16>, vector<256x32xf32> -> vector<256x32xf32>
    %get3A_7 = arith.constant 0 : index
    %get3A_8 = arith.constant 0 : index
    %get3A_9 = vector.load %arg3[%get3A_7, %get3A_8] : memref<1x32xf32, #tpu.memory_space<vmem>>, vector<1x32xf32>
    %add3A = vector.broadcast %get3A_9 : vector<1x32xf32> to vector<256x32xf32>
    %add3A_10 = arith.addf %dot_general3A_6, %add3A : vector<256x32xf32>
    %swap3A = arith.constant 0 : index
    %swap3A_11 = arith.constant 0 : index
    %swap3A_12 = vector.load %arg4[%swap3A, %swap3A_11] : memref<256x32xf32, #tpu.memory_space<vmem>>, vector<256x32xf32>
    tpu.vector_store %arg4[%swap3A, %swap3A_11], %add3A_10 {strides = array<i32>} : memref<256x32xf32, #tpu.memory_space<vmem>>, vector<256x32xf32>,
    %iota3A = tpu.iota {dimensions = array<i32: 0>} : vector<256x1xi32>
    %mul3A = arith.constant 256 : i32
    %mul3A_13 = arith.muli %arg0, %mul3A : i32
    %add3A_14 = vector.broadcast %mul3A_13 : i32 to vector<256x1xi32>
    %add3A_15 = arith.addi %iota3A, %add3A_14 : vector<256x1xi32>
    %lt3A = arith.constant 50000 : i32
    %lt3A_16 = vector.broadcast %lt3A : i32 to vector<256x1xi32>
    %lt3A_17 = arith.cmpi slt, %add3A_15, %lt3A_16 : vector<256x1xi32>
    %jit3A = arith.constant 0.000000e+00 : f32
    %broadcast_in_dim3A = vector.shape_cast %lt3A_17 : vector<256x1xi1> to vector<256x1xi1>
    %broadcast_in_dim3A_18 = vector.broadcast %broadcast_in_dim3A : vector<256x1xi1> to vector<256x32xi1>
    %broadcast_in_dim3A_19 = vector.broadcast %jit3A : f32 to vector<256x32xf32>
    %select_n3A = arith.select %broadcast_in_dim3A_18, %add3A_10, %broadcast_in_dim3A_19 : vector<256x32xi1>, vector<256x32xf32>
    %reduce_sum3A = arith.constant dense<0.000000e+00> : vector<32xf32>
    %reduce_sum3A_20 = vector.multi_reduction <add>, %select_n3A, %reduce_sum3A [0] : vector<256x32xf32> to vector<32xf32>
    %broadcast_in_dim3A_21 = vector.shape_cast %reduce_sum3A_20 : vector<32xf32> to vector<1x32xf32>
    %mul3A_22 = arith.mulf %select_n3A, %select_n3A : vector<256x32xf32>
    %reduce_sum3A_23 = arith.constant dense<0.000000e+00> : vector<32xf32>
    %reduce_sum3A_24 = vector.multi_reduction <add>, %mul3A_22, %reduce_sum3A_23 [0] : vector<256x32xf32> to vector<32xf32>
    %broadcast_in_dim3A_25 = vector.shape_cast %reduce_sum3A_24 : vector<32xf32> to vector<1x32xf32>
    %concatenate3A = tpu.concatenate %broadcast_in_dim3A_21, %broadcast_in_dim3A_25 in 0 : vector<1x32xf32>, vector<1x32xf32> -> vector<2x32xf32>
    %eq3A = arith.constant 0 : i32
    %eq3A_26 = arith.cmpi eq, %arg0, %eq3A : i32
    %convert_element_type3A_27 = arith.extui %eq3A_26 : i1 to i32
    %cond3A = arith.constant 0 : i32
    %cond3A_28 = arith.cmpi ne, %convert_element_type3A_27, %cond3A : i32
    scf.if %cond3A_28 {
      %broadcast_in_dim3A_36 = arith.constant 0.000000e+00 : f32
      %broadcast_in_dim3A_37 = vector.broadcast %broadcast_in_dim3A_36 : f32 to vector<2x32xf32>
      %swap3A_38 = arith.constant 0 : index
      %swap3A_39 = arith.constant 0 : index
      %swap3A_40 = vector.load %arg5[%swap3A_38, %swap3A_39] : memref<2x32xf32, #tpu.memory_space<vmem>>, vector<2x32xf32>
      tpu.vector_store %arg5[%swap3A_38, %swap3A_39], %broadcast_in_dim3A_37 {strides = array<i32>} : memref<2x32xf32, #tpu.memory_space<vmem>>, vector<2x32xf32>,
    } else {
    }
    %get3A_29 = arith.constant 0 : index
    %get3A_30 = arith.constant 0 : index
    %get3A_31 = vector.load %arg5[%get3A_29, %get3A_30] : memref<2x32xf32, #tpu.memory_space<vmem>>, vector<2x32xf32>
    %add3A_32 = arith.addf %get3A_31, %concatenate3A : vector<2x32xf32>
    %swap3A_33 = arith.constant 0 : index
    %swap3A_34 = arith.constant 0 : index
    %swap3A_35 = vector.load %arg5[%swap3A_33, %swap3A_34] : memref<2x32xf32, #tpu.memory_space<vmem>>, vector<2x32xf32>
    tpu.vector_store %arg5[%swap3A_33, %swap3A_34], %add3A_32 {strides = array<i32>} : memref<2x32xf32, #tpu.memory_space<vmem>>, vector<2x32xf32>,
    return
  }
  func.func @transform_0(%arg0: i32) -> (i32, i32) {
    %c0_i32 = arith.constant 0 : i32
    %c0_i32_0 = arith.constant 0 : i32
    return %arg0, %c0_i32 : i32, i32
  }
  func.func @transform_1(%arg0: i32) -> (i32, i32) {
    %c0_i32 = arith.constant 0 : i32
    %c0_i32_0 = arith.constant 0 : i32
    %c0_i32_1 = arith.constant 0 : i32
    return %c0_i32, %c0_i32_0 : i32, i32
  }
  func.func @transform_2(%arg0: i32) -> (i32, i32) {
    %c0_i32 = arith.constant 0 : i32
    %c0_i32_0 = arith.constant 0 : i32
    %c0_i32_1 = arith.constant 0 : i32
    return %c0_i32, %c0_i32_0 : i32, i32
  }
  func.func @transform_3(%arg0: i32) -> (i32, i32) {
    %c0_i32 = arith.constant 0 : i32
    %c0_i32_0 = arith.constant 0 : i32
    return %arg0, %c0_i32 : i32, i32
  }
  func.func @transform_4(%arg0: i32) -> (i32, i32) {
    %c0_i32 = arith.constant 0 : i32
    %c0_i32_0 = arith.constant 0 : i32
    %c0_i32_1 = arith.constant 0 : i32
    return %c0_i32, %c0_i32_0 : i32, i32
  }
}

module attributes {stable_mosaic.version = 14 : i64} {
  func.func @body2(%arg0: i32, %arg1: memref<256x32xf32, #tpu.memory_space<vmem>>, %arg2: memref<2x32xf32, #tpu.memory_space<vmem>>, %arg3: memref<1x32xf32, #tpu.memory_space<vmem>>, %arg4: memref<1x32xf32, #tpu.memory_space<vmem>>, %arg5: memref<32x13xf32, #tpu.memory_space<vmem>>, %arg6: memref<1x13xf32, #tpu.memory_space<vmem>>, %arg7: memref<256x13xf32, #tpu.memory_space<vmem>>) attributes {dimension_semantics = [#tpu.dimension_semantics<arbitrary>], iteration_bounds = array<i64: 196>, scalar_prefetch = 0 : i64, scratch_operands = 0 : i64, tpu.core_type = #tpu.core_type<tc>, window_params = [{transform_indices = @transform_0, window_bounds = array<i64: 256, 32>}, {pipeline_mode = #tpu.pipeline_mode<synchronous>, transform_indices = @transform_1, window_bounds = array<i64: 2, 32>}, {pipeline_mode = #tpu.pipeline_mode<synchronous>, transform_indices = @transform_2, window_bounds = array<i64: 1, 32>}, {pipeline_mode = #tpu.pipeline_mode<synchronous>, transform_indices = @transform_3, window_bounds = array<i64: 1, 32>}, {pipeline_mode = #tpu.pipeline_mode<synchronous>, transform_indices = @transform_4, window_bounds = array<i64: 32, 13>}, {pipeline_mode = #tpu.pipeline_mode<synchronous>, transform_indices = @transform_5, window_bounds = array<i64: 1, 13>}, {transform_indices = @transform_6, window_bounds = array<i64: 256, 13>}]} {
    %get3A = arith.constant 0 : index
    %get3A_0 = arith.constant 0 : index
    %get3A_1 = vector.load %arg2[%get3A, %get3A_0] : memref<2x32xf32, #tpu.memory_space<vmem>>, vector<2x32xf32>
    %slice3A = vector.extract_strided_slice %get3A_1 {offsets = [0, 0], sizes = [1, 32], strides = [1, 1]} : vector<2x32xf32> to vector<1x32xf32>
    %mul3A = arith.constant 2.000000e-05 : f32
    %mul3A_2 = vector.broadcast %mul3A : f32 to vector<1x32xf32>
    %mul3A_3 = arith.mulf %slice3A, %mul3A_2 : vector<1x32xf32>
    %slice3A_4 = vector.extract_strided_slice %get3A_1 {offsets = [1, 0], sizes = [1, 32], strides = [1, 1]} : vector<2x32xf32> to vector<1x32xf32>
    %mul3A_5 = arith.constant 2.000000e-05 : f32
    %mul3A_6 = vector.broadcast %mul3A_5 : f32 to vector<1x32xf32>
    %mul3A_7 = arith.mulf %slice3A_4, %mul3A_6 : vector<1x32xf32>
    %mul3A_8 = arith.mulf %mul3A_3, %mul3A_3 : vector<1x32xf32>
    %sub3A = arith.subf %mul3A_7, %mul3A_8 : vector<1x32xf32>
    %get3A_9 = arith.constant 0 : index
    %get3A_10 = arith.constant 0 : index
    %get3A_11 = vector.load %arg3[%get3A_9, %get3A_10] : memref<1x32xf32, #tpu.memory_space<vmem>>, vector<1x32xf32>
    %get3A_12 = arith.constant 0 : index
    %get3A_13 = arith.constant 0 : index
    %get3A_14 = vector.load %arg1[%get3A_12, %get3A_13] : memref<256x32xf32, #tpu.memory_space<vmem>>, vector<256x32xf32>
    %sub3A_15 = vector.broadcast %mul3A_3 : vector<1x32xf32> to vector<256x32xf32>
    %sub3A_16 = arith.subf %get3A_14, %sub3A_15 : vector<256x32xf32>
    %mul3A_17 = vector.broadcast %get3A_11 : vector<1x32xf32> to vector<256x32xf32>
    %mul3A_18 = arith.mulf %mul3A_17, %sub3A_16 : vector<256x32xf32>
    %add3A = arith.constant 9.99999974E-6 : f32
    %add3A_19 = vector.broadcast %add3A : f32 to vector<1x32xf32>
    %add3A_20 = arith.addf %sub3A, %add3A_19 : vector<1x32xf32>
    %sqrt3A = math.sqrt %add3A_20 : vector<1x32xf32>
    %div3A = vector.broadcast %sqrt3A : vector<1x32xf32> to vector<256x32xf32>
    %div3A_21 = arith.divf %mul3A_18, %div3A : vector<256x32xf32>
    %get3A_22 = arith.constant 0 : index
    %get3A_23 = arith.constant 0 : index
    %get3A_24 = vector.load %arg4[%get3A_22, %get3A_23] : memref<1x32xf32, #tpu.memory_space<vmem>>, vector<1x32xf32>
    %add3A_25 = vector.broadcast %get3A_24 : vector<1x32xf32> to vector<256x32xf32>
    %add3A_26 = arith.addf %div3A_21, %add3A_25 : vector<256x32xf32>
    %max3A = arith.constant 0.000000e+00 : f32
    %max3A_27 = vector.broadcast %max3A : f32 to vector<256x32xf32>
    %max3A_28 = arith.maximumf %add3A_26, %max3A_27 : vector<256x32xf32>
    %get3A_29 = arith.constant 0 : index
    %get3A_30 = arith.constant 0 : index
    %get3A_31 = vector.load %arg5[%get3A_29, %get3A_30] : memref<32x13xf32, #tpu.memory_space<vmem>>, vector<32x13xf32>
    %convert_element_type3A = arith.truncf %max3A_28 : vector<256x32xf32> to vector<256x32xbf16>
    %convert_element_type3A_32 = arith.truncf %get3A_31 : vector<32x13xf32> to vector<32x13xbf16>
    %dot_general3A = arith.constant dense<0.000000e+00> : vector<256x13xf32>
    %dot_general3A_33 = tpu.matmul %convert_element_type3A, %convert_element_type3A_32, %dot_general3A {dimension_numbers = #tpu.dot_dimension_numbers<[1], [0], [0], [1], [0, 0, 1, 1], [], []>, transpose_lhs_hint = false} : vector<256x32xbf16>, vector<32x13xbf16>, vector<256x13xf32> -> vector<256x13xf32>
    %get3A_34 = arith.constant 0 : index
    %get3A_35 = arith.constant 0 : index
    %get3A_36 = vector.load %arg6[%get3A_34, %get3A_35] : memref<1x13xf32, #tpu.memory_space<vmem>>, vector<1x13xf32>
    %add3A_37 = vector.broadcast %get3A_36 : vector<1x13xf32> to vector<256x13xf32>
    %add3A_38 = arith.addf %dot_general3A_33, %add3A_37 : vector<256x13xf32>
    %swap3A = arith.constant 0 : index
    %swap3A_39 = arith.constant 0 : index
    %swap3A_40 = vector.load %arg7[%swap3A, %swap3A_39] : memref<256x13xf32, #tpu.memory_space<vmem>>, vector<256x13xf32>
    tpu.vector_store %arg7[%swap3A, %swap3A_39], %add3A_38 {strides = array<i32>} : memref<256x13xf32, #tpu.memory_space<vmem>>, vector<256x13xf32>,
    return
  }
  func.func @transform_0(%arg0: i32) -> (i32, i32) {
    %c0_i32 = arith.constant 0 : i32
    %c0_i32_0 = arith.constant 0 : i32
    return %arg0, %c0_i32 : i32, i32
  }
  func.func @transform_1(%arg0: i32) -> (i32, i32) {
    %c0_i32 = arith.constant 0 : i32
    %c0_i32_0 = arith.constant 0 : i32
    %c0_i32_1 = arith.constant 0 : i32
    return %c0_i32, %c0_i32_0 : i32, i32
  }
  func.func @transform_2(%arg0: i32) -> (i32, i32) {
    %c0_i32 = arith.constant 0 : i32
    %c0_i32_0 = arith.constant 0 : i32
    %c0_i32_1 = arith.constant 0 : i32
    return %c0_i32, %c0_i32_0 : i32, i32
  }
  func.func @transform_3(%arg0: i32) -> (i32, i32) {
    %c0_i32 = arith.constant 0 : i32
    %c0_i32_0 = arith.constant 0 : i32
    %c0_i32_1 = arith.constant 0 : i32
    return %c0_i32, %c0_i32_0 : i32, i32
  }
  func.func @transform_4(%arg0: i32) -> (i32, i32) {
    %c0_i32 = arith.constant 0 : i32
    %c0_i32_0 = arith.constant 0 : i32
    %c0_i32_1 = arith.constant 0 : i32
    return %c0_i32, %c0_i32_0 : i32, i32
  }
  func.func @transform_5(%arg0: i32) -> (i32, i32) {
    %c0_i32 = arith.constant 0 : i32
    %c0_i32_0 = arith.constant 0 : i32
    %c0_i32_1 = arith.constant 0 : i32
    return %c0_i32, %c0_i32_0 : i32, i32
  }
  func.func @transform_6(%arg0: i32) -> (i32, i32) {
    %c0_i32 = arith.constant 0 : i32
    %c0_i32_0 = arith.constant 0 : i32
    return %arg0, %c0_i32 : i32, i32
  }
}

</mosaic_0001>

<sc_bundles>
// kernel: kernel.28.cloned.1.call-start
scs
__scs_entry_jumppad:
0x0: {  	(pc) =	sbr.rel $0x88, $3  }
0x1: {  	(tag) =	ssettag $0x0;
	lr =	simm.s32 $0x1  }
0x2: {  	[smem:$0x3F78] =	sst lr;
	_ =	strace $0xD0000000  }
0x3: {  	_ = 	snop  }
0x4: {  	_ = 	snop  }
0x5: {  	_ = 	snop  }
0x6: {  	_ = 	snop  }
0x7: {  	_ = 	snop  }
__scs_overlays_trampoline_lowered:
0x8: {  	[smem:$0x3F87] =	sst s0  }
0x9: {  	[smem:$0x3F88] =	sst s1  }
0xa: {  	[smem:$0x3F89] =	sst s2  }
0xb: {  	[smem:$0x3F8A] =	sst s3  }
0xc: {  	[smem:$0x3F8B] =	sst s4  }
0xd: {  	[smem:$0x3F8C] =	sst s5  }
0xe: {  	[smem:$0x3F8D] =	sst s6  }
0xf: {  	[smem:$0x3F8E] =	sst s7  }
0x10: {  	[smem:$0x3F8F] =	sst s8  }
0x11: {  	[smem:$0x3F90] =	sst s9;
	s0 =	simm.s32 @!p0 $0x0  }
0x12: {  	s1 =	sld [smem:$0x3F76];
	s0 =	simm.s32 @p0 $0x1  }
0x13: {  	[smem:$0x3F91] =	sst s0;
	s0 =	simm.s32 @!p1 $0x0  }
0x14: {  	s2 =	sld [smem:$0x3F75];
	s0 =	simm.s32 @p1 $0x1  }
0x15: {  	[smem:$0x3F92] =	sst s0;
	s0 =	simm.s32 @!p2 $0x0  }
0x16: {  	s3 =	sld [smem:$0x3FDB];
	s0 =	simm.s32 @p2 $0x1  }
0x17: {  	s4 =	simm.s32 $0x1BF5;
	[smem:$0x3F94] =	sst s0  }
0x18: {  	s0 =	sld [smem:$0x3F77];
	_ =	swait.ge [sflag:s4], $0x0  }
0x19: {  	s7 =	sld [smem:$0x3F78]  }
0x1a: {  	s8 =	sadd.s32 $0xFFFFE003, lr  }
0x1b: {  	s9 =	sadd.s32 $0xFFFFFEF7, lr;
	s5 =	simm.s32 $0xFFFFFFFF;
	p2 =	slt.u32 s8, $0xFFFFF086  }
0x1c: {  	p1 =	slt.u32 s9, $0xF7A;
	s5 =	simm.s32 @!p2 $0x0  }
0x1d: {  	s5 =	simm.s32 @p1 $0x1;
	p0 =	seq.s32 s7, s2  }
0x1e: {  	s7 =	smul.u32 @!p0 $0xF7A, s2;
	p2 =	seq.s32 @!p0 s5, $0x0  }
0x1f: {  	s9 =	smul.u32 $0xF7A, s1;
	s8 =	simm.s32 @!p0 $0x1BF5;
	p2 =	por !p2, p0  }
0x20: {  	[sflag:s8] =	ssyncset.s32 @!p0 $0xFFFFF086;
	s6 =	sadd.s32 @!p0 s3, s7;
	s7 =	simm.s32 @!p0 $0x108  }
0x21: {  	s3 =	sadd.s32 s3, s9;
	s6 =	sadd.s32 @!p0 $0x88, s6;
	s7 =	simm.s32 @p2 $0x1082  }
0x22: {  	[simem:s7], [sflag:s8] =	dma.local @!p0 [hbm:s6], $0xF7A  }
0x23: {  	s9 =	sor.u32 $0xD0000000, s2;
	s6 =	simm.s32 $0x108;
	_ =	swait.ge @!p0 [sflag:s8], $0x0  }
0x24: {  	s3 =	sadd.s32 $0x88, s3;
	s6 =	simm.s32 @!p1 $0x1082;
	[sflag:s4] =	ssyncset.s32 $0xFFFFF086  }
0x25: {  	[simem:s6], [sflag:s4] =	dma.local [hbm:s3], $0xF7A  }
0x26: {  	[smem:$0x3F78] =	sst s1;
	(tag) =	ssettag s2;
	_ =	strace s9  }
0x27: {  	s1 =	sld [smem:$0x3F88]  }
0x28: {  	s2 =	sld [smem:$0x3F89]  }
0x29: {  	s4 =	sld [smem:$0x3F8B]  }
0x2a: {  	p0 =	seq.s32 s5, $0x0;
	s5 =	sld [smem:$0x3F8C]  }
0x2b: {  	s6 =	sld [smem:$0x3F8D]  }
0x2c: {  	s7 =	sld [smem:$0x3F8E]  }
0x2d: {  	s3 =	simm.s32 $0x108;
	s8 =	sld [smem:$0x3F8F]  }
0x2e: {  	s3 =	simm.s32 @!p0 $0x1082;
	s9 =	sld [smem:$0x3F90]  }
0x2f: {  	lr =	sadd.s32 s0, s3;
	s0 =	sld [smem:$0x3F87]  }
0x30: {  	s3 =	sld [smem:$0x3F8A]  }
0x31: {  	[smem:$0x3F93] =	sst s10  }
0x32: {  	s10 =	sld [smem:$0x3F91];
	_ =	sdelay $0x3  }
0x33: {  	p0 =	seq.s32 s10, $0x1;
	s10 =	sld [smem:$0x3F93];
	_ =	sdelay $0x3  }
0x34: {  	[smem:$0x3F93] =	sst s10  }
0x35: {  	s10 =	sld [smem:$0x3F92];
	_ =	sdelay $0x3  }
0x36: {  	p1 =	seq.s32 s10, $0x1;
	s10 =	sld [smem:$0x3F93];
	_ =	sdelay $0x3  }
0x37: {  	[smem:$0x3F93] =	sst s10  }
0x38: {  	s10 =	sld [smem:$0x3F94]  }
0x39: {  	_ = 	snop;
	(pc) =	sbr.ind lr, $3  }
0x3a: {  	_ = 	snop  }
0x3b: {  	_ = 	snop  }
0x3c: {  	p2 =	seq.s32 s10, $0x1;
	s10 =	sld [smem:$0x3F93]  }
0x3d: {  	_ =	shalt  }
0x3e: {  	_ =	shalt  }
0x3f: {  	_ =	shalt  }
0x40: {  	_ =	shalt  }
0x41: {  	_ =	shalt  }
0x42: {  	_ =	shalt  }
0x43: {  	_ =	shalt  }
0x44: {  	_ =	shalt  }
0x45: {  	_ =	shalt  }
0x46: {  	_ =	shalt  }
0x47: {  	_ =	shalt  }
0x48: {  	_ =	shalt  }
0x49: {  	_ =	shalt  }
0x4a: {  	_ =	shalt  }
0x4b: {  	_ =	shalt  }
0x4c: {  	_ =	shalt  }
0x4d: {  	_ =	shalt  }
0x4e: {  	_ =	shalt  }
0x4f: {  	_ =	shalt  }
0x50: {  	_ =	shalt  }
0x51: {  	_ =	shalt  }
0x52: {  	_ =	shalt  }
0x53: {  	_ =	shalt  }
0x54: {  	_ =	shalt  }
0x55: {  	_ =	shalt  }
0x56: {  	_ =	shalt  }
0x57: {  	_ =	shalt  }
0x58: {  	_ =	shalt  }
0x59: {  	_ =	shalt  }
0x5a: {  	_ =	shalt  }
0x5b: {  	_ =	shalt  }
0x5c: {  	_ =	shalt  }
0x5d: {  	_ =	shalt  }
0x5e: {  	_ =	shalt  }
0x5f: {  	_ =	shalt  }
0x60: {  	_ =	shalt  }
0x61: {  	_ =	shalt  }
0x62: {  	_ =	shalt  }
0x63: {  	_ =	shalt  }
0x64: {  	_ =	shalt  }
0x65: {  	_ =	shalt  }
0x66: {  	_ =	shalt  }
0x67: {  	_ =	shalt  }
0x68: {  	_ =	shalt  }
0x69: {  	_ =	shalt  }
0x6a: {  	_ =	shalt  }
0x6b: {  	_ =	shalt  }
0x6c: {  	_ =	shalt  }
0x6d: {  	_ =	shalt  }
0x6e: {  	_ =	shalt  }
0x6f: {  	_ =	shalt  }
0x70: {  	_ =	shalt  }
0x71: {  	_ =	shalt  }
0x72: {  	_ =	shalt  }
0x73: {  	_ =	shalt  }
0x74: {  	_ =	shalt  }
0x75: {  	_ =	shalt  }
0x76: {  	_ =	shalt  }
0x77: {  	_ =	shalt  }
0x78: {  	_ =	shalt  }
0x79: {  	_ =	shalt  }
0x7a: {  	_ =	shalt  }
0x7b: {  	_ =	shalt  }
0x7c: {  	_ =	shalt  }
0x7d: {  	_ =	shalt  }
0x7e: {  	_ =	shalt  }
0x7f: {  	_ =	shalt  }
0x80: {  	_ =	shalt  }
0x81: {  	_ =	shalt  }
0x82: {  	_ =	shalt  }
0x83: {  	_ =	shalt  }
0x84: {  	_ =	shalt  }
0x85: {  	_ =	shalt  }
0x86: {  	_ =	shalt  }
0x87: {  	_ =	shalt  }
.Lfunc_end0:
.L_simem_size_0:
called_computation_lowered:
.L_overlay_start_0:
0x88: {  	s2 =	sld [smem:$0x3FD9]  }
0x89: {  	s3 =	sld [smem:$0x3FFE];
	_ =	sdelay $0x1  }
0x8a: {  	s1 =	srdreg.scid  }
0x8b: {  	s0 =	sand.u32 $0x1, s1  }
0x8c: {  	s16 =	sshll.u32 s0, $0xA;
	s2 =	sadd.s32 s3, s2  }
0x8d: {  	s2 =	sadd.s32 s2, s16  }
0x8e: {  	[smem:$0x3F9F] =	sst s2  }
0x8f: {  	_ = 	snop  }
0x90: {  	(tm) =	ssettm $0x1  }
0x91: {  	s17 =	sld [smem:$0x3FFB];
	_ =	sdelay $0x3  }
0x92: {  	_ =	strace s17  }
0x93: {  	s2 =	sld [smem:$0x3FFC];
	_ =	sdelay $0x3  }
0x94: {  	_ =	strace s2  }
0x95: {  	s2 =	sld [smem:$0x3FFD];
	_ =	sdelay $0x3  }
0x96: {  	_ =	strace s2  }
0x97: {  	_ =	strace $0x8FFFFFFF  }
0x98: {  	s18 =	sld [smem:$0x3FDB];
	_ =	sdelay $0x1  }
0x99: {  	s19 =	simm.s32 $_scs_section_size  }
0x9a: {  	s4 =	simm.s32 $_size__tile_overlayer_lowered;
	s5 =	simm.s32 $_tile_overlayer_lowered  }
0x9b: {  	s22 =	simm.s32 $0x1BFF;
	s21 =	sshll.u32 s5, $0x1;
	s2 =	sadd.s32 s19, s18  }
0x9c: {  	s6 =	simm.s32 $0x0;
	s20 =	sshll.u32 s4, $0x1;
	s4 =	sadd.s32 s21, s2  }
0x9d: {  	[timem:s6], [sflag:s22] =	dma.local [hbm:s4], s20  }
0x9e: {  	_ =	swait.ge [sflag:s22], s20  }
0x9f: {  	s3 =	ssub.s32 $0x0, s20;
	[sflag:s22] =	ssyncset.done $0x0  }
0xa0: {  	[sflag:s22] =	ssyncadd.s32 s3;
	_ =	sdelay $0x1  }
0xa1: {  	s23 =	simm.s32 $0x1B8B  }
0xa2: {  	_ =	swait.ge [sflag:s23], $0x1  }
0xa3: {  	[sflag:s23] =	ssyncset.done $0x0  }
0xa4: {  	s25 =	simm.s32 $0x1B8E;
	s24 =	sld [smem:$0x3FFE];
	[sflag:s23] =	ssyncadd.s32 $0xFFFFFFFF  }
0xa5: {  	s26 =	simm.s32 $execute0_lowered;
	[smem:$0x3FD2] =	sst s25  }
0xa6: {  	s4 =	sshll.u32 s26, $0x1;
	_ =	strace $0x80000046;
	[dreg:$0x1] =	wrdreg $0xFFFFFFFF  }
0xa7: {  	s28 =	simm.s32 $_size_execute0_lowered;
	s2 =	sadd.s32 s2, s4;
	[dreg:$0x0] =	wrdreg $0x0  }
0xa8: {  	s4 =	sshll.u32 s28, $0x1;
	[dreg:$0x2] =	wrdreg s2  }
0xa9: {  	[dreg:$0x3] =	wrdreg s4  }
0xaa: {  	[dreg:$0x4] =	wrdreg $0xC0  }
0xab: {  	_ =	task [dreg:s6], $0x5FFFF  }
0xac: {  	[dreg:$0x1] =	wrdreg $0xFFFFFFFF  }
0xad: {  	[dreg:$0x0] =	wrdreg $0x60  }
0xae: {  	[dreg:$0x2] =	wrdreg s24  }
0xaf: {  	[dreg:$0x3] =	wrdreg $0x9  }
0xb0: {  	_ =	task.clear_ibuf [dreg:s6], $0x4FFFF;
	_ =	strace $0x90000046  }
0xb1: {  	s29 =	simm.s32 $0x9;
	_ =	strace $0x80000048  }
0xb2: {  	_ =	swait.ge [sflag:s29], $0x1  }
0xb3: {  	[sflag:s29] =	ssyncadd.s32 $0xFFFFFFFF  }
0xb4: {  	_ =	strace $0x90000048  }
0xb5: {  	_ =	sfence  }
0xb6: {  	s30 =	sld [smem:$0x0];
	_ =	sdelay $0x2  }
0xb7: {  	s31 =	sshll.u32 s1, $0xD;
	s1 =	sshrl.u32 s1, $0x2  }
0xb8: {  	s3 =	sand.u32 $0x4000, s31;
	s1 =	sadd.s32 s1, s30  }
0xb9: {  	s0 =	sor.u32 s3, s0;
	s1 =	sshll.u32 s1, $0x11  }
0xba: {  	s0 =	sor.u32 s1, s0  }
0xbb: {  	s0 =	sadd.s32 $0x8F2B, s0  }
0xbc: {  	[sflag:s0] =	ssyncadd.remote.s32 $0x1  }
0xbd: {  	_ =	sfence.sel $0xFFFF  }
0xbe: {  	[dreg:$0x0] =	wrdreg $0xFFFFFFFF;
	(pc) =	sbr.abs _section_cstart, $3  }
0xbf: {  	[dreg:$0x1] =	wrdreg $0xFFFFFFFF  }
0xc0: {  	_ =	task.clear_ibuf [dreg:s6], $0x2FFFF;
	_ =	strace $0x9FFFFFFF  }
0xc1: {  	(tm) =	ssettm $0x7FFFFFFF  }
tec
execute0_lowered:
.L_overlay_start_1:
0x0: {  	(tag) =	ssettag $0x1  }
0x1: {  	s3 =	rddreg [dreg:$0x0]  }
0x2: {  	s0 =	rddreg [dreg:$0x1];
	s1 =	stileid.u32  }
0x3: {  	s4 =	srdreg.scid;
	s5 =	smul.u32 $0xC400, s1  }
0x4: {  	s2 =	simm.s32 $0x0;
	s4 =	sand.u32 $0x1, s4;
	s29 =	smul.u32 $0xC4000, s1  }
0x5: {  	[smem:$0x7FF] =	sst s2;
	s6 =	smul.u32 $0x6200, s4  }
0x6: {  	_ =	strace $0x80000047;
	s7 =	ssub.s32 $0x2, s4;
	s9 =	smul.u32 $0x62000, s4  }
0x7: {  	s8 =	sshrl.u32 s7, $0x1;
	s30 =	sadd.s32 s29, s3;
	s5 =	sadd.s32 s6, s5  }
0x8: {  	s31 =	ssub.s32 s7, s8;
	s7 =	simm.s32 $0x2;
	s5 =	sshrl.u32 s5, $0x3  }
0x9: {  	s8 =	simm.s32 $0x80;
	s4 =	smax.u32 s31, $0x1;
	s10 =	sadd.s32 s5, s3  }
0xa: {  	s3 =	sadd.s32 $0xE7000, s3;
	s5 =	sadd.s32 s9, s30;
	s9 =	simm.s32 $0x1  }
0xb: {  	s5 =	sadd.s32 $0x1AB000, s5;
	s6 =	sadd.s32 $0xCE800, s10;
	s10 =	simm.s32 $0x0  }
.LBB2_1:
0xc: {  	s11 =	sadd.s32 $0x0, s6  }
0xd: {  	[tilespmem:s2], [sflag:$0x2] =	stream.linear.gather [hbm4b:s11+s2], $0x80, $0x38;
	[tilespmem:$0x4080] =	vst v63  }
0xe: {  	_ =	swait.ge [sflag:s7], $0x80  }
0xf: {  	[sflag:s7] =	ssyncset.done $0x0  }
0x10: {  	[sflag:s7] =	ssyncadd.s32 $0xFFFFFF80  }
0x11: {  	[tilespmem:s8], [sflag:$0x1] =	stream.indirect.gather [hbm4b:s3+s8], $0x80, s2, s8, $0xb8;
	[tilespmem:$0x4080] =	vst v63  }
0x12: {  	_ =	swait.ge [sflag:s9], $0x4000  }
0x13: {  	[sflag:s9] =	ssyncset.done $0x0  }
0x14: {  	[sflag:s9] =	ssyncadd.s32 $0xFFFFC000  }
0x15: {  	[hbm4b:s5+s2] =	stream.linear.scatter [tilespmem:s8], [sflag:$0x2], $0x4000, $0x38;
	[tilespmem:$0x4080] =	vst v63  }
0x16: {  	s12 =	simm.s32 $0x10;
	_ =	swait.ge [sflag:s7], $0x4000  }
0x17: {  	s13 =	simm.s32 $0x20;
	s11 =	sadd.s32 $0x800, s5;
	[sflag:s7] =	ssyncset.done $0x0  }
.LBB2_2:
0x18: {  	s14 =	sadd.s32 s12, s6  }
0x19: {  	[sflag:s7] =	ssyncadd.s32 $0xFFFFC000;
	s12 =	smov.u32 s13;
	s15 =	sadd.s32 $0x10, s13  }
0x1a: {  	[tilespmem:s2], [sflag:$0x2] =	stream.linear.gather [hbm4b:s14+s2], $0x80, $0x38;
	[tilespmem:$0x4080] =	vst v63  }
0x1b: {  	p0 =	sne.s32 s13, $0xC30;
	_ =	swait.ge [sflag:s7], $0x80  }
0x1c: {  	[sflag:s7] =	ssyncset.done $0x0  }
0x1d: {  	[sflag:s7] =	ssyncadd.s32 $0xFFFFFF80  }
0x1e: {  	[tilespmem:s8], [sflag:$0x1] =	stream.indirect.gather [hbm4b:s3+s8], $0x80, s2, s8, $0xb8;
	[tilespmem:$0x4080] =	vst v63  }
0x1f: {  	_ =	swait.ge [sflag:s9], $0x4000  }
.Ltmp0:
0x20: {  	[sflag:s9] =	ssyncset.done $0x0;
	(pc) =	sbr.rel @p0 .LBB2_2-.Ltmp0, $4  }
0x21: {  	[sflag:s9] =	ssyncadd.s32 $0xFFFFC000  }
0x22: {  	[hbm4b:s11+s2] =	stream.linear.scatter [tilespmem:s8], [sflag:$0x2], $0x4000, $0x38;
	[tilespmem:$0x4080] =	vst v63  }
0x23: {  	_ =	swait.ge [sflag:s7], $0x4000  }
0x24: {  	s13 =	smov.u32 s15;
	s11 =	sadd.s32 $0x800, s11;
	[sflag:s7] =	ssyncset.done $0x0  }
0x25: {  	s12 =	sadd.s32 s12, s6;
	[sflag:s7] =	ssyncadd.s32 $0xFFFFC000  }
0x26: {  	[tilespmem:s2], [sflag:$0x2] =	stream.linear.gather [hbm4b:s12+s2], $0x80, $0x38;
	[tilespmem:$0x4080] =	vst v63  }
0x27: {  	_ =	swait.ge [sflag:s7], $0x80  }
0x28: {  	[sflag:s7] =	ssyncset.done $0x0  }
0x29: {  	[sflag:s7] =	ssyncadd.s32 $0xFFFFFF80  }
0x2a: {  	[tilespmem:s8], [sflag:$0x1] =	stream.indirect.gather [hbm4b:s3+s8], $0x80, s2, s8, $0xb8;
	[tilespmem:$0x4080] =	vst v63  }
0x2b: {  	s10 =	sadd.s32 $0x1, s10;
	_ =	swait.ge [sflag:s9], $0x4000  }
0x2c: {  	p0 =	sne.s32 s10, s4;
	[sflag:s9] =	ssyncset.done $0x0  }
.Ltmp1:
0x2d: {  	[sflag:s9] =	ssyncadd.s32 $0xFFFFC000;
	(pc) =	sbr.rel @p0 .LBB2_1-.Ltmp1, $4  }
0x2e: {  	[hbm4b:s11+s2] =	stream.linear.scatter [tilespmem:s8], [sflag:$0x2], $0x4000, $0x38;
	[tilespmem:$0x4080] =	vst v63  }
0x2f: {  	_ =	swait.ge [sflag:s7], $0x4000  }
0x30: {  	[sflag:s7] =	ssyncset.done $0x0  }
0x31: {  	[sflag:s7] =	ssyncadd.s32 $0xFFFFC000  }
0x32: {  	_ =	sfence.sel $0x180000  }
0x33: {  	[bflag:$0x0] =	sbarrier.arrive $0xFFFF  }
0x34: {  	p0 =	sne.s32 s1, $0x0;
	_ =	strace $0x90000047  }
0x35: {  	s0 =	sadd.s32 @!p0 $0x100000, s0;
	[bflag:$0x2] =	sbarrier.arrive $0xFFFF  }
0x36: {  	[sflag:s0] =	ssyncadd.tile.s32 @!p0 $0x1;
	_ =	shalt  }
.Lfunc_end2:
_tile_overlayer_lowered:
.L_overlay_start_2:
0x37: {  	(tag) =	ssettag $0x2  }
0x38: {  	s0 =	rddreg [dreg:$0x0];
	s2 =	stileid.u32  }
0x39: {  	s1 =	rddreg [dreg:$0x1];
	p0 =	sne.s32 s2, $0x0  }
0x3a: {  	s3 =	rddreg [dreg:$0x2];
	[bflag:$0x3] =	sbarrier.arrive $0xFFFF;
	s2 =	simm.s32 @!p0 $0x1C02  }
0x3b: {  	[timem:s3], [sflag:s2] =	dma.local @!p0 [hbm:s0], s1  }
0x3c: {  	s0 =	simm.s32 @!p0 $0x2  }
0x3d: {  	_ =	swait.ge @!p0 [sflag:s0], s1  }
0x3e: {  	s1 =	ssub.s32 @!p0 $0x0, s1;
	[sflag:s0] =	ssyncset.done @!p0 $0x0  }
0x3f: {  	[sflag:s0] =	ssyncadd.s32 @!p0 s1  }
0x40: {  	[bflag:$0x3] =	sbarrier.arrive $0xFFFF  }
0x41: {  	_ =	shalt  }

// kernel: kernel.31.cloned.1.call-start
scs
__scs_entry_jumppad:
0x0: {  	(pc) =	sbr.rel $0x88, $3  }
0x1: {  	(tag) =	ssettag $0x0;
	lr =	simm.s32 $0x1  }
0x2: {  	[smem:$0x3F78] =	sst lr;
	_ =	strace $0xD0000000  }
0x3: {  	_ = 	snop  }
0x4: {  	_ = 	snop  }
0x5: {  	_ = 	snop  }
0x6: {  	_ = 	snop  }
0x7: {  	_ = 	snop  }
__scs_overlays_trampoline_lowered:
0x8: {  	[smem:$0x3F87] =	sst s0  }
0x9: {  	[smem:$0x3F88] =	sst s1  }
0xa: {  	[smem:$0x3F89] =	sst s2  }
0xb: {  	[smem:$0x3F8A] =	sst s3  }
0xc: {  	[smem:$0x3F8B] =	sst s4  }
0xd: {  	[smem:$0x3F8C] =	sst s5  }
0xe: {  	[smem:$0x3F8D] =	sst s6  }
0xf: {  	[smem:$0x3F8E] =	sst s7  }
0x10: {  	[smem:$0x3F8F] =	sst s8  }
0x11: {  	[smem:$0x3F90] =	sst s9;
	s0 =	simm.s32 @!p0 $0x0  }
0x12: {  	s1 =	sld [smem:$0x3F76];
	s0 =	simm.s32 @p0 $0x1  }
0x13: {  	[smem:$0x3F91] =	sst s0;
	s0 =	simm.s32 @!p1 $0x0  }
0x14: {  	s2 =	sld [smem:$0x3F75];
	s0 =	simm.s32 @p1 $0x1  }
0x15: {  	[smem:$0x3F92] =	sst s0;
	s0 =	simm.s32 @!p2 $0x0  }
0x16: {  	s3 =	sld [smem:$0x3FDB];
	s0 =	simm.s32 @p2 $0x1  }
0x17: {  	s4 =	simm.s32 $0x1BF5;
	[smem:$0x3F94] =	sst s0  }
0x18: {  	s0 =	sld [smem:$0x3F77];
	_ =	swait.ge [sflag:s4], $0x0  }
0x19: {  	s7 =	sld [smem:$0x3F78]  }
0x1a: {  	s8 =	sadd.s32 $0xFFFFE003, lr  }
0x1b: {  	s9 =	sadd.s32 $0xFFFFFEF7, lr;
	s5 =	simm.s32 $0xFFFFFFFF;
	p2 =	slt.u32 s8, $0xFFFFF086  }
0x1c: {  	p1 =	slt.u32 s9, $0xF7A;
	s5 =	simm.s32 @!p2 $0x0  }
0x1d: {  	s5 =	simm.s32 @p1 $0x1;
	p0 =	seq.s32 s7, s2  }
0x1e: {  	s7 =	smul.u32 @!p0 $0xF7A, s2;
	p2 =	seq.s32 @!p0 s5, $0x0  }
0x1f: {  	s9 =	smul.u32 $0xF7A, s1;
	s8 =	simm.s32 @!p0 $0x1BF5;
	p2 =	por !p2, p0  }
0x20: {  	[sflag:s8] =	ssyncset.s32 @!p0 $0xFFFFF086;
	s6 =	sadd.s32 @!p0 s3, s7;
	s7 =	simm.s32 @!p0 $0x108  }
0x21: {  	s3 =	sadd.s32 s3, s9;
	s6 =	sadd.s32 @!p0 $0x88, s6;
	s7 =	simm.s32 @p2 $0x1082  }
0x22: {  	[simem:s7], [sflag:s8] =	dma.local @!p0 [hbm:s6], $0xF7A  }
0x23: {  	s9 =	sor.u32 $0xD0000000, s2;
	s6 =	simm.s32 $0x108;
	_ =	swait.ge @!p0 [sflag:s8], $0x0  }
0x24: {  	s3 =	sadd.s32 $0x88, s3;
	s6 =	simm.s32 @!p1 $0x1082;
	[sflag:s4] =	ssyncset.s32 $0xFFFFF086  }
0x25: {  	[simem:s6], [sflag:s4] =	dma.local [hbm:s3], $0xF7A  }
0x26: {  	[smem:$0x3F78] =	sst s1;
	(tag) =	ssettag s2;
	_ =	strace s9  }
0x27: {  	s1 =	sld [smem:$0x3F88]  }
0x28: {  	s2 =	sld [smem:$0x3F89]  }
0x29: {  	s4 =	sld [smem:$0x3F8B]  }
0x2a: {  	p0 =	seq.s32 s5, $0x0;
	s5 =	sld [smem:$0x3F8C]  }
0x2b: {  	s6 =	sld [smem:$0x3F8D]  }
0x2c: {  	s7 =	sld [smem:$0x3F8E]  }
0x2d: {  	s3 =	simm.s32 $0x108;
	s8 =	sld [smem:$0x3F8F]  }
0x2e: {  	s3 =	simm.s32 @!p0 $0x1082;
	s9 =	sld [smem:$0x3F90]  }
0x2f: {  	lr =	sadd.s32 s0, s3;
	s0 =	sld [smem:$0x3F87]  }
0x30: {  	s3 =	sld [smem:$0x3F8A]  }
0x31: {  	[smem:$0x3F93] =	sst s10  }
0x32: {  	s10 =	sld [smem:$0x3F91];
	_ =	sdelay $0x3  }
0x33: {  	p0 =	seq.s32 s10, $0x1;
	s10 =	sld [smem:$0x3F93];
	_ =	sdelay $0x3  }
0x34: {  	[smem:$0x3F93] =	sst s10  }
0x35: {  	s10 =	sld [smem:$0x3F92];
	_ =	sdelay $0x3  }
0x36: {  	p1 =	seq.s32 s10, $0x1;
	s10 =	sld [smem:$0x3F93];
	_ =	sdelay $0x3  }
0x37: {  	[smem:$0x3F93] =	sst s10  }
0x38: {  	s10 =	sld [smem:$0x3F94]  }
0x39: {  	_ = 	snop;
	(pc) =	sbr.ind lr, $3  }
0x3a: {  	_ = 	snop  }
0x3b: {  	_ = 	snop  }
0x3c: {  	p2 =	seq.s32 s10, $0x1;
	s10 =	sld [smem:$0x3F93]  }
0x3d: {  	_ =	shalt  }
0x3e: {  	_ =	shalt  }
0x3f: {  	_ =	shalt  }
0x40: {  	_ =	shalt  }
0x41: {  	_ =	shalt  }
0x42: {  	_ =	shalt  }
0x43: {  	_ =	shalt  }
0x44: {  	_ =	shalt  }
0x45: {  	_ =	shalt  }
0x46: {  	_ =	shalt  }
0x47: {  	_ =	shalt  }
0x48: {  	_ =	shalt  }
0x49: {  	_ =	shalt  }
0x4a: {  	_ =	shalt  }
0x4b: {  	_ =	shalt  }
0x4c: {  	_ =	shalt  }
0x4d: {  	_ =	shalt  }
0x4e: {  	_ =	shalt  }
0x4f: {  	_ =	shalt  }
0x50: {  	_ =	shalt  }
0x51: {  	_ =	shalt  }
0x52: {  	_ =	shalt  }
0x53: {  	_ =	shalt  }
0x54: {  	_ =	shalt  }
0x55: {  	_ =	shalt  }
0x56: {  	_ =	shalt  }
0x57: {  	_ =	shalt  }
0x58: {  	_ =	shalt  }
0x59: {  	_ =	shalt  }
0x5a: {  	_ =	shalt  }
0x5b: {  	_ =	shalt  }
0x5c: {  	_ =	shalt  }
0x5d: {  	_ =	shalt  }
0x5e: {  	_ =	shalt  }
0x5f: {  	_ =	shalt  }
0x60: {  	_ =	shalt  }
0x61: {  	_ =	shalt  }
0x62: {  	_ =	shalt  }
0x63: {  	_ =	shalt  }
0x64: {  	_ =	shalt  }
0x65: {  	_ =	shalt  }
0x66: {  	_ =	shalt  }
0x67: {  	_ =	shalt  }
0x68: {  	_ =	shalt  }
0x69: {  	_ =	shalt  }
0x6a: {  	_ =	shalt  }
0x6b: {  	_ =	shalt  }
0x6c: {  	_ =	shalt  }
0x6d: {  	_ =	shalt  }
0x6e: {  	_ =	shalt  }
0x6f: {  	_ =	shalt  }
0x70: {  	_ =	shalt  }
0x71: {  	_ =	shalt  }
0x72: {  	_ =	shalt  }
0x73: {  	_ =	shalt  }
0x74: {  	_ =	shalt  }
0x75: {  	_ =	shalt  }
0x76: {  	_ =	shalt  }
0x77: {  	_ =	shalt  }
0x78: {  	_ =	shalt  }
0x79: {  	_ =	shalt  }
0x7a: {  	_ =	shalt  }
0x7b: {  	_ =	shalt  }
0x7c: {  	_ =	shalt  }
0x7d: {  	_ =	shalt  }
0x7e: {  	_ =	shalt  }
0x7f: {  	_ =	shalt  }
0x80: {  	_ =	shalt  }
0x81: {  	_ =	shalt  }
0x82: {  	_ =	shalt  }
0x83: {  	_ =	shalt  }
0x84: {  	_ =	shalt  }
0x85: {  	_ =	shalt  }
0x86: {  	_ =	shalt  }
0x87: {  	_ =	shalt  }
.Lfunc_end0:
.L_simem_size_0:
called_computation.1_lowered:
.L_overlay_start_0:
0x88: {  	s2 =	sld [smem:$0x3FD9]  }
0x89: {  	s3 =	sld [smem:$0x3FFE];
	_ =	sdelay $0x1  }
0x8a: {  	s1 =	srdreg.scid  }
0x8b: {  	s0 =	sand.u32 $0x1, s1  }
0x8c: {  	s17 =	sshll.u32 s0, $0xA;
	s2 =	sadd.s32 s3, s2  }
0x8d: {  	s2 =	sadd.s32 s2, s17  }
0x8e: {  	[smem:$0x3F9F] =	sst s2  }
0x8f: {  	_ = 	snop  }
0x90: {  	s2 =	sld [smem:$0x3FD0];
	(tm) =	ssettm $0x1  }
0x91: {  	s18 =	sld [smem:$0x3FFB];
	_ =	sdelay $0x3  }
0x92: {  	_ =	strace s18  }
0x93: {  	s3 =	sld [smem:$0x3FFC];
	_ =	sdelay $0x3  }
0x94: {  	_ =	strace s3  }
0x95: {  	s3 =	sld [smem:$0x3FFD];
	_ =	sdelay $0x3  }
0x96: {  	_ =	strace s3  }
0x97: {  	_ =	strace $0x8FFFFFFF  }
0x98: {  	s19 =	sld [smem:$0x3FDB];
	_ =	sdelay $0x1  }
0x99: {  	s4 =	simm.s32 $_scs_section_size  }
0x9a: {  	s5 =	simm.s32 $_size__tile_overlayer_lowered;
	s6 =	simm.s32 $_tile_overlayer_lowered  }
0x9b: {  	s22 =	simm.s32 $0x1BFF;
	s21 =	sshll.u32 s6, $0x1;
	s3 =	sadd.s32 s4, s19  }
0x9c: {  	s7 =	simm.s32 $0x0;
	s20 =	sshll.u32 s5, $0x1;
	s5 =	sadd.s32 s21, s3  }
0x9d: {  	[timem:s7], [sflag:s22] =	dma.local [hbm:s5], s20  }
0x9e: {  	_ =	swait.ge [sflag:s22], s20  }
0x9f: {  	s4 =	ssub.s32 $0x0, s20;
	[sflag:s22] =	ssyncset.done $0x0  }
0xa0: {  	[sflag:s22] =	ssyncadd.s32 s4;
	_ =	sdelay $0x1  }
0xa1: {  	s23 =	simm.s32 $0x1B8B  }
0xa2: {  	_ =	swait.ge [sflag:s23], $0x1  }
0xa3: {  	[sflag:s23] =	ssyncset.done $0x0  }
0xa4: {  	s25 =	simm.s32 $0x1B8E;
	s24 =	sld [smem:$0x3FFE];
	[sflag:s23] =	ssyncadd.s32 $0xFFFFFFFF  }
0xa5: {  	s26 =	simm.s32 $execute0_lowered;
	[smem:$0x3FD2] =	sst s25  }
0xa6: {  	s5 =	sshll.u32 s26, $0x1;
	_ =	strace $0x80000049;
	[dreg:$0x1] =	wrdreg $0xFFFFFFFF  }
0xa7: {  	s28 =	simm.s32 $_size_execute0_lowered;
	s3 =	sadd.s32 s3, s5;
	[dreg:$0x0] =	wrdreg $0x0  }
0xa8: {  	s5 =	sshll.u32 s28, $0x1;
	[dreg:$0x2] =	wrdreg s3  }
0xa9: {  	[dreg:$0x3] =	wrdreg s5  }
0xaa: {  	[dreg:$0x4] =	wrdreg $0xC0  }
0xab: {  	_ =	task [dreg:s7], $0x5FFFF  }
0xac: {  	[dreg:$0x1] =	wrdreg $0xFFFFFFFF  }
0xad: {  	[dreg:$0x0] =	wrdreg $0x60  }
0xae: {  	[dreg:$0x2] =	wrdreg s2  }
0xaf: {  	[dreg:$0x3] =	wrdreg s24  }
0xb0: {  	[dreg:$0x4] =	wrdreg $0x9  }
0xb1: {  	_ =	task.clear_ibuf [dreg:s7], $0x5FFFF;
	_ =	strace $0x90000049  }
0xb2: {  	s29 =	simm.s32 $0x9;
	_ =	strace $0x8000004B  }
0xb3: {  	_ =	swait.ge [sflag:s29], $0x1  }
0xb4: {  	[sflag:s29] =	ssyncadd.s32 $0xFFFFFFFF  }
0xb5: {  	_ =	strace $0x9000004B  }
0xb6: {  	_ =	sfence  }
0xb7: {  	s30 =	sld [smem:$0x0];
	_ =	sdelay $0x2  }
0xb8: {  	s31 =	sshll.u32 s1, $0xD;
	s1 =	sshrl.u32 s1, $0x2  }
0xb9: {  	s3 =	sand.u32 $0x4000, s31;
	s1 =	sadd.s32 s1, s30  }
0xba: {  	s0 =	sor.u32 s3, s0;
	s1 =	sshll.u32 s1, $0x11  }
0xbb: {  	s0 =	sor.u32 s1, s0  }
0xbc: {  	s0 =	sadd.s32 $0x8F2B, s0  }
0xbd: {  	[sflag:s0] =	ssyncadd.remote.s32 $0x1  }
0xbe: {  	_ =	sfence.sel $0xFFFF  }
0xbf: {  	[dreg:$0x0] =	wrdreg $0xFFFFFFFF;
	(pc) =	sbr.abs _section_cstart, $3  }
0xc0: {  	[dreg:$0x1] =	wrdreg $0xFFFFFFFF  }
0xc1: {  	_ =	task.clear_ibuf [dreg:s7], $0x2FFFF;
	_ =	strace $0x9FFFFFFF  }
0xc2: {  	(tm) =	ssettm $0x7FFFFFFF  }
0xc3: {  	_ =	shalt  }
tec
execute0_lowered:
.L_overlay_start_1:
0x0: {  	(tag) =	ssettag $0x1  }
0x1: {  	s6 =	rddreg [dreg:$0x0]  }
0x2: {  	s3 =	rddreg [dreg:$0x1]  }
0x3: {  	s0 =	rddreg [dreg:$0x2];
	s1 =	stileid.u32  }
0x4: {  	s2 =	simm.s32 $0x0;
	s5 =	srdreg.scid;
	s4 =	smul.u32 $0x31000, s1  }
0x5: {  	[smem:$0x7FF] =	sst s2;
	s5 =	sand.u32 $0x1, s5;
	s7 =	smul.u32 $0x3100, s1  }
0x6: {  	_ =	strace $0x8000004A;
	s8 =	ssub.s32 $0x2, s5;
	s9 =	smul.u32 $0x1880, s5  }
0x7: {  	s5 =	smul.u32 $0x18800, s5;
	s10 =	sadd.s32 s4, s3;
	s31 =	sshrl.u32 s8, $0x1  }
0x8: {  	s3 =	sadd.s32 $0xDEB000, s3;
	s4 =	ssub.s32 s8, s31;
	s7 =	sadd.s32 s9, s7  }
0x9: {  	s5 =	sadd.s32 s5, s10;
	s8 =	simm.s32 $0x80;
	s9 =	simm.s32 $0x1  }
0xa: {  	s10 =	simm.s32 $0x0;
	s4 =	smax.u32 s4, $0x1;
	s7 =	sshrl.u32 s7, $0x3  }
0xb: {  	s5 =	sadd.s32 $0x1AB000, s5;
	s6 =	sadd.s32 s7, s6;
	s7 =	simm.s32 $0x2  }
.LBB2_1:
0xc: {  	s11 =	sadd.s32 $0x0, s6  }
0xd: {  	[tilespmem:s2], [sflag:$0x2] =	stream.linear.gather [hbm4b:s11+s2], $0x80, $0x38;
	[tilespmem:$0x4080] =	vst v63  }
0xe: {  	_ =	swait.ge [sflag:s7], $0x80  }
0xf: {  	[sflag:s7] =	ssyncset.done $0x0  }
0x10: {  	[sflag:s7] =	ssyncadd.s32 $0xFFFFFF80  }
0x11: {  	[tilespmem:s8], [sflag:$0x1] =	stream.indirect.gather [hbm4b:s3+s8], $0x80, s2, s8, $0xb8;
	[tilespmem:$0x4080] =	vst v63  }
0x12: {  	_ =	swait.ge [sflag:s9], $0x4000  }
0x13: {  	[sflag:s9] =	ssyncset.done $0x0  }
0x14: {  	[sflag:s9] =	ssyncadd.s32 $0xFFFFC000  }
0x15: {  	[hbm4b:s5+s2] =	stream.linear.scatter [tilespmem:s8], [sflag:$0x2], $0x4000, $0x38;
	[tilespmem:$0x4080] =	vst v63  }
0x16: {  	s12 =	simm.s32 $0x10;
	_ =	swait.ge [sflag:s7], $0x4000  }
0x17: {  	s13 =	simm.s32 $0x20;
	s11 =	sadd.s32 $0x800, s5;
	[sflag:s7] =	ssyncset.done $0x0  }
.LBB2_2:
0x18: {  	s14 =	sadd.s32 s12, s6  }
0x19: {  	[sflag:s7] =	ssyncadd.s32 $0xFFFFC000;
	s12 =	smov.u32 s13;
	s15 =	sadd.s32 $0x10, s13  }
0x1a: {  	[tilespmem:s2], [sflag:$0x2] =	stream.linear.gather [hbm4b:s14+s2], $0x80, $0x38;
	[tilespmem:$0x4080] =	vst v63  }
0x1b: {  	p0 =	sne.s32 s13, $0x300;
	_ =	swait.ge [sflag:s7], $0x80  }
0x1c: {  	[sflag:s7] =	ssyncset.done $0x0  }
0x1d: {  	[sflag:s7] =	ssyncadd.s32 $0xFFFFFF80  }
0x1e: {  	[tilespmem:s8], [sflag:$0x1] =	stream.indirect.gather [hbm4b:s3+s8], $0x80, s2, s8, $0xb8;
	[tilespmem:$0x4080] =	vst v63  }
0x1f: {  	_ =	swait.ge [sflag:s9], $0x4000  }
.Ltmp0:
0x20: {  	[sflag:s9] =	ssyncset.done $0x0;
	(pc) =	sbr.rel @p0 .LBB2_2-.Ltmp0, $4  }
0x21: {  	[sflag:s9] =	ssyncadd.s32 $0xFFFFC000  }
0x22: {  	[hbm4b:s11+s2] =	stream.linear.scatter [tilespmem:s8], [sflag:$0x2], $0x4000, $0x38;
	[tilespmem:$0x4080] =	vst v63  }
0x23: {  	_ =	swait.ge [sflag:s7], $0x4000  }
0x24: {  	s13 =	smov.u32 s15;
	s11 =	sadd.s32 $0x800, s11;
	[sflag:s7] =	ssyncset.done $0x0  }
0x25: {  	s12 =	sadd.s32 s12, s6;
	[sflag:s7] =	ssyncadd.s32 $0xFFFFC000  }
0x26: {  	[tilespmem:s2], [sflag:$0x2] =	stream.linear.gather [hbm4b:s12+s2], $0x80, $0x38;
	[tilespmem:$0x4080] =	vst v63  }
0x27: {  	_ =	swait.ge [sflag:s7], $0x80  }
0x28: {  	[sflag:s7] =	ssyncset.done $0x0  }
0x29: {  	[sflag:s7] =	ssyncadd.s32 $0xFFFFFF80  }
0x2a: {  	[tilespmem:s8], [sflag:$0x1] =	stream.indirect.gather [hbm4b:s3+s8], $0x80, s2, s8, $0xb8;
	[tilespmem:$0x4080] =	vst v63  }
0x2b: {  	s10 =	sadd.s32 $0x1, s10;
	_ =	swait.ge [sflag:s9], $0x4000  }
0x2c: {  	p0 =	sne.s32 s10, s4;
	[sflag:s9] =	ssyncset.done $0x0  }
.Ltmp1:
0x2d: {  	[sflag:s9] =	ssyncadd.s32 $0xFFFFC000;
	(pc) =	sbr.rel @p0 .LBB2_1-.Ltmp1, $4  }
0x2e: {  	[hbm4b:s11+s2] =	stream.linear.scatter [tilespmem:s8], [sflag:$0x2], $0x4000, $0x38;
	[tilespmem:$0x4080] =	vst v63  }
0x2f: {  	_ =	swait.ge [sflag:s7], $0x4000  }
0x30: {  	[sflag:s7] =	ssyncset.done $0x0  }
0x31: {  	[sflag:s7] =	ssyncadd.s32 $0xFFFFC000  }
0x32: {  	_ =	sfence.sel $0x180000  }
0x33: {  	[bflag:$0x0] =	sbarrier.arrive $0xFFFF  }
0x34: {  	p0 =	sne.s32 s1, $0x0;
	_ =	strace $0x9000004A  }
0x35: {  	s0 =	sadd.s32 @!p0 $0x100000, s0;
	[bflag:$0x2] =	sbarrier.arrive $0xFFFF  }
0x36: {  	[sflag:s0] =	ssyncadd.tile.s32 @!p0 $0x1;
	_ =	shalt  }
.Lfunc_end2:
_tile_overlayer_lowered:
.L_overlay_start_2:
0x37: {  	(tag) =	ssettag $0x2  }
0x38: {  	s0 =	rddreg [dreg:$0x0];
	s2 =	stileid.u32  }
0x39: {  	s1 =	rddreg [dreg:$0x1];
	p0 =	sne.s32 s2, $0x0  }
0x3a: {  	s3 =	rddreg [dreg:$0x2];
	[bflag:$0x3] =	sbarrier.arrive $0xFFFF;
	s2 =	simm.s32 @!p0 $0x1C02  }
0x3b: {  	[timem:s3], [sflag:s2] =	dma.local @!p0 [hbm:s0], s1  }
0x3c: {  	s0 =	simm.s32 @!p0 $0x2  }
0x3d: {  	_ =	swait.ge @!p0 [sflag:s0], s1  }
0x3e: {  	s1 =	ssub.s32 @!p0 $0x0, s1;
	[sflag:s0] =	ssyncset.done @!p0 $0x0  }
0x3f: {  	[sflag:s0] =	ssyncadd.s32 @!p0 s1  }
0x40: {  	[bflag:$0x3] =	sbarrier.arrive $0xFFFF  }
0x41: {  	_ =	shalt  }

// kernel: kernel.34.cloned.1.call-start
scs
__scs_entry_jumppad:
0x0: {  	(pc) =	sbr.rel $0x88, $3  }
0x1: {  	(tag) =	ssettag $0x0;
	lr =	simm.s32 $0x1  }
0x2: {  	[smem:$0x3F78] =	sst lr;
	_ =	strace $0xD0000000  }
0x3: {  	_ = 	snop  }
0x4: {  	_ = 	snop  }
0x5: {  	_ = 	snop  }
0x6: {  	_ = 	snop  }
0x7: {  	_ = 	snop  }
__scs_overlays_trampoline_lowered:
0x8: {  	[smem:$0x3F87] =	sst s0  }
0x9: {  	[smem:$0x3F88] =	sst s1  }
0xa: {  	[smem:$0x3F89] =	sst s2  }
0xb: {  	[smem:$0x3F8A] =	sst s3  }
0xc: {  	[smem:$0x3F8B] =	sst s4  }
0xd: {  	[smem:$0x3F8C] =	sst s5  }
0xe: {  	[smem:$0x3F8D] =	sst s6  }
0xf: {  	[smem:$0x3F8E] =	sst s7  }
0x10: {  	[smem:$0x3F8F] =	sst s8  }
0x11: {  	[smem:$0x3F90] =	sst s9;
	s0 =	simm.s32 @!p0 $0x0  }
0x12: {  	s1 =	sld [smem:$0x3F76];
	s0 =	simm.s32 @p0 $0x1  }
0x13: {  	[smem:$0x3F91] =	sst s0;
	s0 =	simm.s32 @!p1 $0x0  }
0x14: {  	s2 =	sld [smem:$0x3F75];
	s0 =	simm.s32 @p1 $0x1  }
0x15: {  	[smem:$0x3F92] =	sst s0;
	s0 =	simm.s32 @!p2 $0x0  }
0x16: {  	s3 =	sld [smem:$0x3FDB];
	s0 =	simm.s32 @p2 $0x1  }
0x17: {  	s4 =	simm.s32 $0x1BF5;
	[smem:$0x3F94] =	sst s0  }
0x18: {  	s0 =	sld [smem:$0x3F77];
	_ =	swait.ge [sflag:s4], $0x0  }
0x19: {  	s7 =	sld [smem:$0x3F78]  }
0x1a: {  	s8 =	sadd.s32 $0xFFFFE003, lr  }
0x1b: {  	s9 =	sadd.s32 $0xFFFFFEF7, lr;
	s5 =	simm.s32 $0xFFFFFFFF;
	p2 =	slt.u32 s8, $0xFFFFF086  }
0x1c: {  	p1 =	slt.u32 s9, $0xF7A;
	s5 =	simm.s32 @!p2 $0x0  }
0x1d: {  	s5 =	simm.s32 @p1 $0x1;
	p0 =	seq.s32 s7, s2  }
0x1e: {  	s7 =	smul.u32 @!p0 $0xF7A, s2;
	p2 =	seq.s32 @!p0 s5, $0x0  }
0x1f: {  	s9 =	smul.u32 $0xF7A, s1;
	s8 =	simm.s32 @!p0 $0x1BF5;
	p2 =	por !p2, p0  }
0x20: {  	[sflag:s8] =	ssyncset.s32 @!p0 $0xFFFFF086;
	s6 =	sadd.s32 @!p0 s3, s7;
	s7 =	simm.s32 @!p0 $0x108  }
0x21: {  	s3 =	sadd.s32 s3, s9;
	s6 =	sadd.s32 @!p0 $0x88, s6;
	s7 =	simm.s32 @p2 $0x1082  }
0x22: {  	[simem:s7], [sflag:s8] =	dma.local @!p0 [hbm:s6], $0xF7A  }
0x23: {  	s9 =	sor.u32 $0xD0000000, s2;
	s6 =	simm.s32 $0x108;
	_ =	swait.ge @!p0 [sflag:s8], $0x0  }
0x24: {  	s3 =	sadd.s32 $0x88, s3;
	s6 =	simm.s32 @!p1 $0x1082;
	[sflag:s4] =	ssyncset.s32 $0xFFFFF086  }
0x25: {  	[simem:s6], [sflag:s4] =	dma.local [hbm:s3], $0xF7A  }
0x26: {  	[smem:$0x3F78] =	sst s1;
	(tag) =	ssettag s2;
	_ =	strace s9  }
0x27: {  	s1 =	sld [smem:$0x3F88]  }
0x28: {  	s2 =	sld [smem:$0x3F89]  }
0x29: {  	s4 =	sld [smem:$0x3F8B]  }
0x2a: {  	p0 =	seq.s32 s5, $0x0;
	s5 =	sld [smem:$0x3F8C]  }
0x2b: {  	s6 =	sld [smem:$0x3F8D]  }
0x2c: {  	s7 =	sld [smem:$0x3F8E]  }
0x2d: {  	s3 =	simm.s32 $0x108;
	s8 =	sld [smem:$0x3F8F]  }
0x2e: {  	s3 =	simm.s32 @!p0 $0x1082;
	s9 =	sld [smem:$0x3F90]  }
0x2f: {  	lr =	sadd.s32 s0, s3;
	s0 =	sld [smem:$0x3F87]  }
0x30: {  	s3 =	sld [smem:$0x3F8A]  }
0x31: {  	[smem:$0x3F93] =	sst s10  }
0x32: {  	s10 =	sld [smem:$0x3F91];
	_ =	sdelay $0x3  }
0x33: {  	p0 =	seq.s32 s10, $0x1;
	s10 =	sld [smem:$0x3F93];
	_ =	sdelay $0x3  }
0x34: {  	[smem:$0x3F93] =	sst s10  }
0x35: {  	s10 =	sld [smem:$0x3F92];
	_ =	sdelay $0x3  }
0x36: {  	p1 =	seq.s32 s10, $0x1;
	s10 =	sld [smem:$0x3F93];
	_ =	sdelay $0x3  }
0x37: {  	[smem:$0x3F93] =	sst s10  }
0x38: {  	s10 =	sld [smem:$0x3F94]  }
0x39: {  	_ = 	snop;
	(pc) =	sbr.ind lr, $3  }
0x3a: {  	_ = 	snop  }
0x3b: {  	_ = 	snop  }
0x3c: {  	p2 =	seq.s32 s10, $0x1;
	s10 =	sld [smem:$0x3F93]  }
0x3d: {  	_ =	shalt  }
0x3e: {  	_ =	shalt  }
0x3f: {  	_ =	shalt  }
0x40: {  	_ =	shalt  }
0x41: {  	_ =	shalt  }
0x42: {  	_ =	shalt  }
0x43: {  	_ =	shalt  }
0x44: {  	_ =	shalt  }
0x45: {  	_ =	shalt  }
0x46: {  	_ =	shalt  }
0x47: {  	_ =	shalt  }
0x48: {  	_ =	shalt  }
0x49: {  	_ =	shalt  }
0x4a: {  	_ =	shalt  }
0x4b: {  	_ =	shalt  }
0x4c: {  	_ =	shalt  }
0x4d: {  	_ =	shalt  }
0x4e: {  	_ =	shalt  }
0x4f: {  	_ =	shalt  }
0x50: {  	_ =	shalt  }
0x51: {  	_ =	shalt  }
0x52: {  	_ =	shalt  }
0x53: {  	_ =	shalt  }
0x54: {  	_ =	shalt  }
0x55: {  	_ =	shalt  }
0x56: {  	_ =	shalt  }
0x57: {  	_ =	shalt  }
0x58: {  	_ =	shalt  }
0x59: {  	_ =	shalt  }
0x5a: {  	_ =	shalt  }
0x5b: {  	_ =	shalt  }
0x5c: {  	_ =	shalt  }
0x5d: {  	_ =	shalt  }
0x5e: {  	_ =	shalt  }
0x5f: {  	_ =	shalt  }
0x60: {  	_ =	shalt  }
0x61: {  	_ =	shalt  }
0x62: {  	_ =	shalt  }
0x63: {  	_ =	shalt  }
0x64: {  	_ =	shalt  }
0x65: {  	_ =	shalt  }
0x66: {  	_ =	shalt  }
0x67: {  	_ =	shalt  }
0x68: {  	_ =	shalt  }
0x69: {  	_ =	shalt  }
0x6a: {  	_ =	shalt  }
0x6b: {  	_ =	shalt  }
0x6c: {  	_ =	shalt  }
0x6d: {  	_ =	shalt  }
0x6e: {  	_ =	shalt  }
0x6f: {  	_ =	shalt  }
0x70: {  	_ =	shalt  }
0x71: {  	_ =	shalt  }
0x72: {  	_ =	shalt  }
0x73: {  	_ =	shalt  }
0x74: {  	_ =	shalt  }
0x75: {  	_ =	shalt  }
0x76: {  	_ =	shalt  }
0x77: {  	_ =	shalt  }
0x78: {  	_ =	shalt  }
0x79: {  	_ =	shalt  }
0x7a: {  	_ =	shalt  }
0x7b: {  	_ =	shalt  }
0x7c: {  	_ =	shalt  }
0x7d: {  	_ =	shalt  }
0x7e: {  	_ =	shalt  }
0x7f: {  	_ =	shalt  }
0x80: {  	_ =	shalt  }
0x81: {  	_ =	shalt  }
0x82: {  	_ =	shalt  }
0x83: {  	_ =	shalt  }
0x84: {  	_ =	shalt  }
0x85: {  	_ =	shalt  }
0x86: {  	_ =	shalt  }
0x87: {  	_ =	shalt  }
.Lfunc_end0:
.L_simem_size_0:
called_computation.2_lowered:
.L_overlay_start_0:
0x88: {  	s2 =	sld [smem:$0x3FD9]  }
0x89: {  	s3 =	sld [smem:$0x3FFE];
	_ =	sdelay $0x1  }
0x8a: {  	s1 =	srdreg.scid  }
0x8b: {  	s0 =	sand.u32 $0x1, s1  }
0x8c: {  	s16 =	sshll.u32 s0, $0xA;
	s2 =	sadd.s32 s3, s2  }
0x8d: {  	s2 =	sadd.s32 s2, s16  }
0x8e: {  	[smem:$0x3F9F] =	sst s2  }
0x8f: {  	_ = 	snop  }
0x90: {  	(tm) =	ssettm $0x1  }
0x91: {  	s17 =	sld [smem:$0x3FFB];
	_ =	sdelay $0x3  }
0x92: {  	_ =	strace s17  }
0x93: {  	s2 =	sld [smem:$0x3FFC];
	_ =	sdelay $0x3  }
0x94: {  	_ =	strace s2  }
0x95: {  	s2 =	sld [smem:$0x3FFD];
	_ =	sdelay $0x3  }
0x96: {  	_ =	strace s2  }
0x97: {  	_ =	strace $0x8FFFFFFF  }
0x98: {  	s18 =	sld [smem:$0x3FDB];
	_ =	sdelay $0x1  }
0x99: {  	s19 =	simm.s32 $_scs_section_size  }
0x9a: {  	s4 =	simm.s32 $_size__tile_overlayer_lowered;
	s5 =	simm.s32 $_tile_overlayer_lowered  }
0x9b: {  	s22 =	simm.s32 $0x1BFF;
	s21 =	sshll.u32 s5, $0x1;
	s2 =	sadd.s32 s19, s18  }
0x9c: {  	s6 =	simm.s32 $0x0;
	s20 =	sshll.u32 s4, $0x1;
	s4 =	sadd.s32 s21, s2  }
0x9d: {  	[timem:s6], [sflag:s22] =	dma.local [hbm:s4], s20  }
0x9e: {  	_ =	swait.ge [sflag:s22], s20  }
0x9f: {  	s3 =	ssub.s32 $0x0, s20;
	[sflag:s22] =	ssyncset.done $0x0  }
0xa0: {  	[sflag:s22] =	ssyncadd.s32 s3;
	_ =	sdelay $0x1  }
0xa1: {  	s23 =	simm.s32 $0x1B8B  }
0xa2: {  	_ =	swait.ge [sflag:s23], $0x1  }
0xa3: {  	[sflag:s23] =	ssyncset.done $0x0  }
0xa4: {  	s25 =	simm.s32 $0x1B8E;
	s24 =	sld [smem:$0x3FFE];
	[sflag:s23] =	ssyncadd.s32 $0xFFFFFFFF  }
0xa5: {  	s26 =	simm.s32 $execute0_lowered;
	[smem:$0x3FD2] =	sst s25  }
0xa6: {  	s4 =	sshll.u32 s26, $0x1;
	_ =	strace $0x8000004C;
	[dreg:$0x1] =	wrdreg $0xFFFFFFFF  }
0xa7: {  	s28 =	simm.s32 $_size_execute0_lowered;
	s2 =	sadd.s32 s2, s4;
	[dreg:$0x0] =	wrdreg $0x0  }
0xa8: {  	s4 =	sshll.u32 s28, $0x1;
	[dreg:$0x2] =	wrdreg s2  }
0xa9: {  	[dreg:$0x3] =	wrdreg s4  }
0xaa: {  	[dreg:$0x4] =	wrdreg $0xC0  }
0xab: {  	_ =	task [dreg:s6], $0x5FFFF  }
0xac: {  	[dreg:$0x1] =	wrdreg $0xFFFFFFFF  }
0xad: {  	[dreg:$0x0] =	wrdreg $0x60  }
0xae: {  	[dreg:$0x2] =	wrdreg s24  }
0xaf: {  	[dreg:$0x3] =	wrdreg $0x9  }
0xb0: {  	_ =	task.clear_ibuf [dreg:s6], $0x4FFFF;
	_ =	strace $0x9000004C  }
0xb1: {  	s29 =	simm.s32 $0x9;
	_ =	strace $0x8000004E  }
0xb2: {  	_ =	swait.ge [sflag:s29], $0x1  }
0xb3: {  	[sflag:s29] =	ssyncadd.s32 $0xFFFFFFFF  }
0xb4: {  	_ =	strace $0x9000004E  }
0xb5: {  	_ =	sfence  }
0xb6: {  	s30 =	sld [smem:$0x0];
	_ =	sdelay $0x2  }
0xb7: {  	s31 =	sshll.u32 s1, $0xD;
	s1 =	sshrl.u32 s1, $0x2  }
0xb8: {  	s3 =	sand.u32 $0x4000, s31;
	s1 =	sadd.s32 s1, s30  }
0xb9: {  	s0 =	sor.u32 s3, s0;
	s1 =	sshll.u32 s1, $0x11  }
0xba: {  	s0 =	sor.u32 s1, s0  }
0xbb: {  	s0 =	sadd.s32 $0x8F2B, s0  }
0xbc: {  	[sflag:s0] =	ssyncadd.remote.s32 $0x1  }
0xbd: {  	_ =	sfence.sel $0xFFFF  }
0xbe: {  	[dreg:$0x0] =	wrdreg $0xFFFFFFFF;
	(pc) =	sbr.abs _section_cstart, $3  }
0xbf: {  	[dreg:$0x1] =	wrdreg $0xFFFFFFFF  }
0xc0: {  	_ =	task.clear_ibuf [dreg:s6], $0x2FFFF;
	_ =	strace $0x9FFFFFFF  }
0xc1: {  	(tm) =	ssettm $0x7FFFFFFF  }
tec
execute0_lowered:
.L_overlay_start_1:
0x0: {  	(tag) =	ssettag $0x1  }
0x1: {  	s3 =	rddreg [dreg:$0x0]  }
0x2: {  	s0 =	rddreg [dreg:$0x1];
	s1 =	stileid.u32  }
0x3: {  	s4 =	srdreg.scid;
	s5 =	smul.u32 $0x3100, s1  }
0x4: {  	s2 =	simm.s32 $0x0;
	s4 =	sand.u32 $0x1, s4;
	s29 =	smul.u32 $0x31000, s1  }
0x5: {  	[smem:$0x7FF] =	sst s2;
	s6 =	smul.u32 $0x1880, s4  }
0x6: {  	_ =	strace $0x8000004D;
	s7 =	ssub.s32 $0x2, s4;
	s9 =	smul.u32 $0x18800, s4  }
0x7: {  	s8 =	sshrl.u32 s7, $0x1;
	s30 =	sadd.s32 s29, s3;
	s5 =	sadd.s32 s6, s5  }
0x8: {  	s31 =	ssub.s32 s7, s8;
	s7 =	simm.s32 $0x2;
	s5 =	sshrl.u32 s5, $0x3  }
0x9: {  	s8 =	simm.s32 $0x80;
	s4 =	smax.u32 s31, $0x1;
	s10 =	sadd.s32 s5, s3  }
0xa: {  	s3 =	sadd.s32 $0x42600, s3;
	s5 =	sadd.s32 s9, s30;
	s9 =	simm.s32 $0x1  }
0xb: {  	s5 =	sadd.s32 $0x1AB000, s5;
	s6 =	sadd.s32 $0x3C400, s10;
	s10 =	simm.s32 $0x0  }
.LBB2_1:
0xc: {  	s11 =	sadd.s32 $0x0, s6  }
0xd: {  	[tilespmem:s2], [sflag:$0x2] =	stream.linear.gather [hbm4b:s11+s2], $0x80, $0x38;
	[tilespmem:$0x4080] =	vst v63  }
0xe: {  	_ =	swait.ge [sflag:s7], $0x80  }
0xf: {  	[sflag:s7] =	ssyncset.done $0x0  }
0x10: {  	[sflag:s7] =	ssyncadd.s32 $0xFFFFFF80  }
0x11: {  	[tilespmem:s8], [sflag:$0x1] =	stream.indirect.gather [hbm4b:s3+s8], $0x80, s2, s8, $0xb8;
	[tilespmem:$0x4080] =	vst v63  }
0x12: {  	_ =	swait.ge [sflag:s9], $0x4000  }
0x13: {  	[sflag:s9] =	ssyncset.done $0x0  }
0x14: {  	[sflag:s9] =	ssyncadd.s32 $0xFFFFC000  }
0x15: {  	[hbm4b:s5+s2] =	stream.linear.scatter [tilespmem:s8], [sflag:$0x2], $0x4000, $0x38;
	[tilespmem:$0x4080] =	vst v63  }
0x16: {  	s12 =	simm.s32 $0x10;
	_ =	swait.ge [sflag:s7], $0x4000  }
0x17: {  	s13 =	simm.s32 $0x20;
	s11 =	sadd.s32 $0x800, s5;
	[sflag:s7] =	ssyncset.done $0x0  }
.LBB2_2:
0x18: {  	s14 =	sadd.s32 s12, s6  }
0x19: {  	[sflag:s7] =	ssyncadd.s32 $0xFFFFC000;
	s12 =	smov.u32 s13;
	s15 =	sadd.s32 $0x10, s13  }
0x1a: {  	[tilespmem:s2], [sflag:$0x2] =	stream.linear.gather [hbm4b:s14+s2], $0x80, $0x38;
	[tilespmem:$0x4080] =	vst v63  }
0x1b: {  	p0 =	sne.s32 s13, $0x300;
	_ =	swait.ge [sflag:s7], $0x80  }
0x1c: {  	[sflag:s7] =	ssyncset.done $0x0  }
0x1d: {  	[sflag:s7] =	ssyncadd.s32 $0xFFFFFF80  }
0x1e: {  	[tilespmem:s8], [sflag:$0x1] =	stream.indirect.gather [hbm4b:s3+s8], $0x80, s2, s8, $0xb8;
	[tilespmem:$0x4080] =	vst v63  }
0x1f: {  	_ =	swait.ge [sflag:s9], $0x4000  }
.Ltmp0:
0x20: {  	[sflag:s9] =	ssyncset.done $0x0;
	(pc) =	sbr.rel @p0 .LBB2_2-.Ltmp0, $4  }
0x21: {  	[sflag:s9] =	ssyncadd.s32 $0xFFFFC000  }
0x22: {  	[hbm4b:s11+s2] =	stream.linear.scatter [tilespmem:s8], [sflag:$0x2], $0x4000, $0x38;
	[tilespmem:$0x4080] =	vst v63  }
0x23: {  	_ =	swait.ge [sflag:s7], $0x4000  }
0x24: {  	s13 =	smov.u32 s15;
	s11 =	sadd.s32 $0x800, s11;
	[sflag:s7] =	ssyncset.done $0x0  }
0x25: {  	s12 =	sadd.s32 s12, s6;
	[sflag:s7] =	ssyncadd.s32 $0xFFFFC000  }
0x26: {  	[tilespmem:s2], [sflag:$0x2] =	stream.linear.gather [hbm4b:s12+s2], $0x80, $0x38;
	[tilespmem:$0x4080] =	vst v63  }
0x27: {  	_ =	swait.ge [sflag:s7], $0x80  }
0x28: {  	[sflag:s7] =	ssyncset.done $0x0  }
0x29: {  	[sflag:s7] =	ssyncadd.s32 $0xFFFFFF80  }
0x2a: {  	[tilespmem:s8], [sflag:$0x1] =	stream.indirect.gather [hbm4b:s3+s8], $0x80, s2, s8, $0xb8;
	[tilespmem:$0x4080] =	vst v63  }
0x2b: {  	s10 =	sadd.s32 $0x1, s10;
	_ =	swait.ge [sflag:s9], $0x4000  }
0x2c: {  	p0 =	sne.s32 s10, s4;
	[sflag:s9] =	ssyncset.done $0x0  }
.Ltmp1:
0x2d: {  	[sflag:s9] =	ssyncadd.s32 $0xFFFFC000;
	(pc) =	sbr.rel @p0 .LBB2_1-.Ltmp1, $4  }
0x2e: {  	[hbm4b:s11+s2] =	stream.linear.scatter [tilespmem:s8], [sflag:$0x2], $0x4000, $0x38;
	[tilespmem:$0x4080] =	vst v63  }
0x2f: {  	_ =	swait.ge [sflag:s7], $0x4000  }
0x30: {  	[sflag:s7] =	ssyncset.done $0x0  }
0x31: {  	[sflag:s7] =	ssyncadd.s32 $0xFFFFC000  }
0x32: {  	_ =	sfence.sel $0x180000  }
0x33: {  	[bflag:$0x0] =	sbarrier.arrive $0xFFFF  }
0x34: {  	p0 =	sne.s32 s1, $0x0;
	_ =	strace $0x9000004D  }
0x35: {  	s0 =	sadd.s32 @!p0 $0x100000, s0;
	[bflag:$0x2] =	sbarrier.arrive $0xFFFF  }
0x36: {  	[sflag:s0] =	ssyncadd.tile.s32 @!p0 $0x1;
	_ =	shalt  }
.Lfunc_end2:
_tile_overlayer_lowered:
.L_overlay_start_2:
0x37: {  	(tag) =	ssettag $0x2  }
0x38: {  	s0 =	rddreg [dreg:$0x0];
	s2 =	stileid.u32  }
0x39: {  	s1 =	rddreg [dreg:$0x1];
	p0 =	sne.s32 s2, $0x0  }
0x3a: {  	s3 =	rddreg [dreg:$0x2];
	[bflag:$0x3] =	sbarrier.arrive $0xFFFF;
	s2 =	simm.s32 @!p0 $0x1C02  }
0x3b: {  	[timem:s3], [sflag:s2] =	dma.local @!p0 [hbm:s0], s1  }
0x3c: {  	s0 =	simm.s32 @!p0 $0x2  }
0x3d: {  	_ =	swait.ge @!p0 [sflag:s0], s1  }
0x3e: {  	s1 =	ssub.s32 @!p0 $0x0, s1;
	[sflag:s0] =	ssyncset.done @!p0 $0x0  }
0x3f: {  	[sflag:s0] =	ssyncadd.s32 @!p0 s1  }
0x40: {  	[bflag:$0x3] =	sbarrier.arrive $0xFFFF  }
0x41: {  	_ =	shalt  }

// kernel: kernel.37.cloned.1.call-start
scs
__scs_entry_jumppad:
0x0: {  	(pc) =	sbr.rel $0x88, $3  }
0x1: {  	(tag) =	ssettag $0x0;
	lr =	simm.s32 $0x1  }
0x2: {  	[smem:$0x3F78] =	sst lr;
	_ =	strace $0xD0000000  }
0x3: {  	_ = 	snop  }
0x4: {  	_ = 	snop  }
0x5: {  	_ = 	snop  }
0x6: {  	_ = 	snop  }
0x7: {  	_ = 	snop  }
__scs_overlays_trampoline_lowered:
0x8: {  	[smem:$0x3F87] =	sst s0  }
0x9: {  	[smem:$0x3F88] =	sst s1  }
0xa: {  	[smem:$0x3F89] =	sst s2  }
0xb: {  	[smem:$0x3F8A] =	sst s3  }
0xc: {  	[smem:$0x3F8B] =	sst s4  }
0xd: {  	[smem:$0x3F8C] =	sst s5  }
0xe: {  	[smem:$0x3F8D] =	sst s6  }
0xf: {  	[smem:$0x3F8E] =	sst s7  }
0x10: {  	[smem:$0x3F8F] =	sst s8  }
0x11: {  	[smem:$0x3F90] =	sst s9;
	s0 =	simm.s32 @!p0 $0x0  }
0x12: {  	s1 =	sld [smem:$0x3F76];
	s0 =	simm.s32 @p0 $0x1  }
0x13: {  	[smem:$0x3F91] =	sst s0;
	s0 =	simm.s32 @!p1 $0x0  }
0x14: {  	s2 =	sld [smem:$0x3F75];
	s0 =	simm.s32 @p1 $0x1  }
0x15: {  	[smem:$0x3F92] =	sst s0;
	s0 =	simm.s32 @!p2 $0x0  }
0x16: {  	s3 =	sld [smem:$0x3FDB];
	s0 =	simm.s32 @p2 $0x1  }
0x17: {  	s4 =	simm.s32 $0x1BF5;
	[smem:$0x3F94] =	sst s0  }
0x18: {  	s0 =	sld [smem:$0x3F77];
	_ =	swait.ge [sflag:s4], $0x0  }
0x19: {  	s7 =	sld [smem:$0x3F78]  }
0x1a: {  	s8 =	sadd.s32 $0xFFFFE003, lr  }
0x1b: {  	s9 =	sadd.s32 $0xFFFFFEF7, lr;
	s5 =	simm.s32 $0xFFFFFFFF;
	p2 =	slt.u32 s8, $0xFFFFF086  }
0x1c: {  	p1 =	slt.u32 s9, $0xF7A;
	s5 =	simm.s32 @!p2 $0x0  }
0x1d: {  	s5 =	simm.s32 @p1 $0x1;
	p0 =	seq.s32 s7, s2  }
0x1e: {  	s7 =	smul.u32 @!p0 $0xF7A, s2;
	p2 =	seq.s32 @!p0 s5, $0x0  }
0x1f: {  	s9 =	smul.u32 $0xF7A, s1;
	s8 =	simm.s32 @!p0 $0x1BF5;
	p2 =	por !p2, p0  }
0x20: {  	[sflag:s8] =	ssyncset.s32 @!p0 $0xFFFFF086;
	s6 =	sadd.s32 @!p0 s3, s7;
	s7 =	simm.s32 @!p0 $0x108  }
0x21: {  	s3 =	sadd.s32 s3, s9;
	s6 =	sadd.s32 @!p0 $0x88, s6;
	s7 =	simm.s32 @p2 $0x1082  }
0x22: {  	[simem:s7], [sflag:s8] =	dma.local @!p0 [hbm:s6], $0xF7A  }
0x23: {  	s9 =	sor.u32 $0xD0000000, s2;
	s6 =	simm.s32 $0x108;
	_ =	swait.ge @!p0 [sflag:s8], $0x0  }
0x24: {  	s3 =	sadd.s32 $0x88, s3;
	s6 =	simm.s32 @!p1 $0x1082;
	[sflag:s4] =	ssyncset.s32 $0xFFFFF086  }
0x25: {  	[simem:s6], [sflag:s4] =	dma.local [hbm:s3], $0xF7A  }
0x26: {  	[smem:$0x3F78] =	sst s1;
	(tag) =	ssettag s2;
	_ =	strace s9  }
0x27: {  	s1 =	sld [smem:$0x3F88]  }
0x28: {  	s2 =	sld [smem:$0x3F89]  }
0x29: {  	s4 =	sld [smem:$0x3F8B]  }
0x2a: {  	p0 =	seq.s32 s5, $0x0;
	s5 =	sld [smem:$0x3F8C]  }
0x2b: {  	s6 =	sld [smem:$0x3F8D]  }
0x2c: {  	s7 =	sld [smem:$0x3F8E]  }
0x2d: {  	s3 =	simm.s32 $0x108;
	s8 =	sld [smem:$0x3F8F]  }
0x2e: {  	s3 =	simm.s32 @!p0 $0x1082;
	s9 =	sld [smem:$0x3F90]  }
0x2f: {  	lr =	sadd.s32 s0, s3;
	s0 =	sld [smem:$0x3F87]  }
0x30: {  	s3 =	sld [smem:$0x3F8A]  }
0x31: {  	[smem:$0x3F93] =	sst s10  }
0x32: {  	s10 =	sld [smem:$0x3F91];
	_ =	sdelay $0x3  }
0x33: {  	p0 =	seq.s32 s10, $0x1;
	s10 =	sld [smem:$0x3F93];
	_ =	sdelay $0x3  }
0x34: {  	[smem:$0x3F93] =	sst s10  }
0x35: {  	s10 =	sld [smem:$0x3F92];
	_ =	sdelay $0x3  }
0x36: {  	p1 =	seq.s32 s10, $0x1;
	s10 =	sld [smem:$0x3F93];
	_ =	sdelay $0x3  }
0x37: {  	[smem:$0x3F93] =	sst s10  }
0x38: {  	s10 =	sld [smem:$0x3F94]  }
0x39: {  	_ = 	snop;
	(pc) =	sbr.ind lr, $3  }
0x3a: {  	_ = 	snop  }
0x3b: {  	_ = 	snop  }
0x3c: {  	p2 =	seq.s32 s10, $0x1;
	s10 =	sld [smem:$0x3F93]  }
0x3d: {  	_ =	shalt  }
0x3e: {  	_ =	shalt  }
0x3f: {  	_ =	shalt  }
0x40: {  	_ =	shalt  }
0x41: {  	_ =	shalt  }
0x42: {  	_ =	shalt  }
0x43: {  	_ =	shalt  }
0x44: {  	_ =	shalt  }
0x45: {  	_ =	shalt  }
0x46: {  	_ =	shalt  }
0x47: {  	_ =	shalt  }
0x48: {  	_ =	shalt  }
0x49: {  	_ =	shalt  }
0x4a: {  	_ =	shalt  }
0x4b: {  	_ =	shalt  }
0x4c: {  	_ =	shalt  }
0x4d: {  	_ =	shalt  }
0x4e: {  	_ =	shalt  }
0x4f: {  	_ =	shalt  }
0x50: {  	_ =	shalt  }
0x51: {  	_ =	shalt  }
0x52: {  	_ =	shalt  }
0x53: {  	_ =	shalt  }
0x54: {  	_ =	shalt  }
0x55: {  	_ =	shalt  }
0x56: {  	_ =	shalt  }
0x57: {  	_ =	shalt  }
0x58: {  	_ =	shalt  }
0x59: {  	_ =	shalt  }
0x5a: {  	_ =	shalt  }
0x5b: {  	_ =	shalt  }
0x5c: {  	_ =	shalt  }
0x5d: {  	_ =	shalt  }
0x5e: {  	_ =	shalt  }
0x5f: {  	_ =	shalt  }
0x60: {  	_ =	shalt  }
0x61: {  	_ =	shalt  }
0x62: {  	_ =	shalt  }
0x63: {  	_ =	shalt  }
0x64: {  	_ =	shalt  }
0x65: {  	_ =	shalt  }
0x66: {  	_ =	shalt  }
0x67: {  	_ =	shalt  }
0x68: {  	_ =	shalt  }
0x69: {  	_ =	shalt  }
0x6a: {  	_ =	shalt  }
0x6b: {  	_ =	shalt  }
0x6c: {  	_ =	shalt  }
0x6d: {  	_ =	shalt  }
0x6e: {  	_ =	shalt  }
0x6f: {  	_ =	shalt  }
0x70: {  	_ =	shalt  }
0x71: {  	_ =	shalt  }
0x72: {  	_ =	shalt  }
0x73: {  	_ =	shalt  }
0x74: {  	_ =	shalt  }
0x75: {  	_ =	shalt  }
0x76: {  	_ =	shalt  }
0x77: {  	_ =	shalt  }
0x78: {  	_ =	shalt  }
0x79: {  	_ =	shalt  }
0x7a: {  	_ =	shalt  }
0x7b: {  	_ =	shalt  }
0x7c: {  	_ =	shalt  }
0x7d: {  	_ =	shalt  }
0x7e: {  	_ =	shalt  }
0x7f: {  	_ =	shalt  }
0x80: {  	_ =	shalt  }
0x81: {  	_ =	shalt  }
0x82: {  	_ =	shalt  }
0x83: {  	_ =	shalt  }
0x84: {  	_ =	shalt  }
0x85: {  	_ =	shalt  }
0x86: {  	_ =	shalt  }
0x87: {  	_ =	shalt  }
.Lfunc_end0:
.L_simem_size_0:
called_computation.3_lowered:
.L_overlay_start_0:
0x88: {  	s2 =	sld [smem:$0x3FD9]  }
0x89: {  	s3 =	sld [smem:$0x3FFE];
	_ =	sdelay $0x1  }
0x8a: {  	s1 =	srdreg.scid  }
0x8b: {  	s0 =	sand.u32 $0x1, s1  }
0x8c: {  	s16 =	sshll.u32 s0, $0xA;
	s2 =	sadd.s32 s3, s2  }
0x8d: {  	s2 =	sadd.s32 s2, s16  }
0x8e: {  	[smem:$0x3F9F] =	sst s2  }
0x8f: {  	_ = 	snop  }
0x90: {  	(tm) =	ssettm $0x1  }
0x91: {  	s17 =	sld [smem:$0x3FFB];
	_ =	sdelay $0x3  }
0x92: {  	_ =	strace s17  }
0x93: {  	s2 =	sld [smem:$0x3FFC];
	_ =	sdelay $0x3  }
0x94: {  	_ =	strace s2  }
0x95: {  	s2 =	sld [smem:$0x3FFD];
	_ =	sdelay $0x3  }
0x96: {  	_ =	strace s2  }
0x97: {  	_ =	strace $0x8FFFFFFF  }
0x98: {  	s18 =	sld [smem:$0x3FDB];
	_ =	sdelay $0x1  }
0x99: {  	s19 =	simm.s32 $_scs_section_size  }
0x9a: {  	s4 =	simm.s32 $_size__tile_overlayer_lowered;
	s5 =	simm.s32 $_tile_overlayer_lowered  }
0x9b: {  	s22 =	simm.s32 $0x1BFF;
	s21 =	sshll.u32 s5, $0x1;
	s2 =	sadd.s32 s19, s18  }
0x9c: {  	s6 =	simm.s32 $0x0;
	s20 =	sshll.u32 s4, $0x1;
	s4 =	sadd.s32 s21, s2  }
0x9d: {  	[timem:s6], [sflag:s22] =	dma.local [hbm:s4], s20  }
0x9e: {  	_ =	swait.ge [sflag:s22], s20  }
0x9f: {  	s3 =	ssub.s32 $0x0, s20;
	[sflag:s22] =	ssyncset.done $0x0  }
0xa0: {  	[sflag:s22] =	ssyncadd.s32 s3;
	_ =	sdelay $0x1  }
0xa1: {  	s23 =	simm.s32 $0x1B8B  }
0xa2: {  	_ =	swait.ge [sflag:s23], $0x1  }
0xa3: {  	[sflag:s23] =	ssyncset.done $0x0  }
0xa4: {  	s25 =	simm.s32 $0x1B8E;
	s24 =	sld [smem:$0x3FFE];
	[sflag:s23] =	ssyncadd.s32 $0xFFFFFFFF  }
0xa5: {  	s26 =	simm.s32 $execute0_lowered;
	[smem:$0x3FD2] =	sst s25  }
0xa6: {  	s4 =	sshll.u32 s26, $0x1;
	_ =	strace $0x8000004F;
	[dreg:$0x1] =	wrdreg $0xFFFFFFFF  }
0xa7: {  	s28 =	simm.s32 $_size_execute0_lowered;
	s2 =	sadd.s32 s2, s4;
	[dreg:$0x0] =	wrdreg $0x0  }
0xa8: {  	s4 =	sshll.u32 s28, $0x1;
	[dreg:$0x2] =	wrdreg s2  }
0xa9: {  	[dreg:$0x3] =	wrdreg s4  }
0xaa: {  	[dreg:$0x4] =	wrdreg $0xC0  }
0xab: {  	_ =	task [dreg:s6], $0x5FFFF  }
0xac: {  	[dreg:$0x1] =	wrdreg $0xFFFFFFFF  }
0xad: {  	[dreg:$0x0] =	wrdreg $0x60  }
0xae: {  	[dreg:$0x2] =	wrdreg s24  }
0xaf: {  	[dreg:$0x3] =	wrdreg $0x9  }
0xb0: {  	_ =	task.clear_ibuf [dreg:s6], $0x4FFFF;
	_ =	strace $0x9000004F  }
0xb1: {  	s29 =	simm.s32 $0x9;
	_ =	strace $0x80000051  }
0xb2: {  	_ =	swait.ge [sflag:s29], $0x1  }
0xb3: {  	[sflag:s29] =	ssyncadd.s32 $0xFFFFFFFF  }
0xb4: {  	_ =	strace $0x90000051  }
0xb5: {  	_ =	sfence  }
0xb6: {  	s30 =	sld [smem:$0x0];
	_ =	sdelay $0x2  }
0xb7: {  	s31 =	sshll.u32 s1, $0xD;
	s1 =	sshrl.u32 s1, $0x2  }
0xb8: {  	s3 =	sand.u32 $0x4000, s31;
	s1 =	sadd.s32 s1, s30  }
0xb9: {  	s0 =	sor.u32 s3, s0;
	s1 =	sshll.u32 s1, $0x11  }
0xba: {  	s0 =	sor.u32 s1, s0  }
0xbb: {  	s0 =	sadd.s32 $0x8F2B, s0  }
0xbc: {  	[sflag:s0] =	ssyncadd.remote.s32 $0x1  }
0xbd: {  	_ =	sfence.sel $0xFFFF  }
0xbe: {  	[dreg:$0x0] =	wrdreg $0xFFFFFFFF;
	(pc) =	sbr.abs _section_cstart, $3  }
0xbf: {  	[dreg:$0x1] =	wrdreg $0xFFFFFFFF  }
0xc0: {  	_ =	task.clear_ibuf [dreg:s6], $0x2FFFF;
	_ =	strace $0x9FFFFFFF  }
0xc1: {  	(tm) =	ssettm $0x7FFFFFFF  }
tec
execute0_lowered:
.L_overlay_start_1:
0x0: {  	(tag) =	ssettag $0x1  }
0x1: {  	s3 =	rddreg [dreg:$0x0]  }
0x2: {  	s0 =	rddreg [dreg:$0x1];
	s1 =	stileid.u32  }
0x3: {  	s4 =	srdreg.scid;
	s5 =	smul.u32 $0x3100, s1  }
0x4: {  	s2 =	simm.s32 $0x0;
	s4 =	sand.u32 $0x1, s4;
	s29 =	smul.u32 $0x31000, s1  }
0x5: {  	[smem:$0x7FF] =	sst s2;
	s6 =	smul.u32 $0x1880, s4  }
0x6: {  	_ =	strace $0x80000050;
	s7 =	ssub.s32 $0x2, s4;
	s9 =	smul.u32 $0x18800, s4  }
0x7: {  	s8 =	sshrl.u32 s7, $0x1;
	s30 =	sadd.s32 s29, s3;
	s5 =	sadd.s32 s6, s5  }
0x8: {  	s31 =	ssub.s32 s7, s8;
	s7 =	simm.s32 $0x2;
	s5 =	sshrl.u32 s5, $0x3  }
0x9: {  	s8 =	simm.s32 $0x80;
	s4 =	smax.u32 s31, $0x1;
	s10 =	sadd.s32 s5, s3  }
0xa: {  	s3 =	sadd.s32 $0x42600, s3;
	s5 =	sadd.s32 s9, s30;
	s9 =	simm.s32 $0x1  }
0xb: {  	s5 =	sadd.s32 $0x1AB000, s5;
	s6 =	sadd.s32 $0x3C400, s10;
	s10 =	simm.s32 $0x0  }
.LBB2_1:
0xc: {  	s11 =	sadd.s32 $0x0, s6  }
0xd: {  	[tilespmem:s2], [sflag:$0x2] =	stream.linear.gather [hbm4b:s11+s2], $0x80, $0x38;
	[tilespmem:$0x4080] =	vst v63  }
0xe: {  	_ =	swait.ge [sflag:s7], $0x80  }
0xf: {  	[sflag:s7] =	ssyncset.done $0x0  }
0x10: {  	[sflag:s7] =	ssyncadd.s32 $0xFFFFFF80  }
0x11: {  	[tilespmem:s8], [sflag:$0x1] =	stream.indirect.gather [hbm4b:s3+s8], $0x80, s2, s8, $0xb8;
	[tilespmem:$0x4080] =	vst v63  }
0x12: {  	_ =	swait.ge [sflag:s9], $0x4000  }
0x13: {  	[sflag:s9] =	ssyncset.done $0x0  }
0x14: {  	[sflag:s9] =	ssyncadd.s32 $0xFFFFC000  }
0x15: {  	[hbm4b:s5+s2] =	stream.linear.scatter [tilespmem:s8], [sflag:$0x2], $0x4000, $0x38;
	[tilespmem:$0x4080] =	vst v63  }
0x16: {  	s12 =	simm.s32 $0x10;
	_ =	swait.ge [sflag:s7], $0x4000  }
0x17: {  	s13 =	simm.s32 $0x20;
	s11 =	sadd.s32 $0x800, s5;
	[sflag:s7] =	ssyncset.done $0x0  }
.LBB2_2:
0x18: {  	s14 =	sadd.s32 s12, s6  }
0x19: {  	[sflag:s7] =	ssyncadd.s32 $0xFFFFC000;
	s12 =	smov.u32 s13;
	s15 =	sadd.s32 $0x10, s13  }
0x1a: {  	[tilespmem:s2], [sflag:$0x2] =	stream.linear.gather [hbm4b:s14+s2], $0x80, $0x38;
	[tilespmem:$0x4080] =	vst v63  }
0x1b: {  	p0 =	sne.s32 s13, $0x300;
	_ =	swait.ge [sflag:s7], $0x80  }
0x1c: {  	[sflag:s7] =	ssyncset.done $0x0  }
0x1d: {  	[sflag:s7] =	ssyncadd.s32 $0xFFFFFF80  }
0x1e: {  	[tilespmem:s8], [sflag:$0x1] =	stream.indirect.gather [hbm4b:s3+s8], $0x80, s2, s8, $0xb8;
	[tilespmem:$0x4080] =	vst v63  }
0x1f: {  	_ =	swait.ge [sflag:s9], $0x4000  }
.Ltmp0:
0x20: {  	[sflag:s9] =	ssyncset.done $0x0;
	(pc) =	sbr.rel @p0 .LBB2_2-.Ltmp0, $4  }
0x21: {  	[sflag:s9] =	ssyncadd.s32 $0xFFFFC000  }
0x22: {  	[hbm4b:s11+s2] =	stream.linear.scatter [tilespmem:s8], [sflag:$0x2], $0x4000, $0x38;
	[tilespmem:$0x4080] =	vst v63  }
0x23: {  	_ =	swait.ge [sflag:s7], $0x4000  }
0x24: {  	s13 =	smov.u32 s15;
	s11 =	sadd.s32 $0x800, s11;
	[sflag:s7] =	ssyncset.done $0x0  }
0x25: {  	s12 =	sadd.s32 s12, s6;
	[sflag:s7] =	ssyncadd.s32 $0xFFFFC000  }
0x26: {  	[tilespmem:s2], [sflag:$0x2] =	stream.linear.gather [hbm4b:s12+s2], $0x80, $0x38;
	[tilespmem:$0x4080] =	vst v63  }
0x27: {  	_ =	swait.ge [sflag:s7], $0x80  }
0x28: {  	[sflag:s7] =	ssyncset.done $0x0  }
0x29: {  	[sflag:s7] =	ssyncadd.s32 $0xFFFFFF80  }
0x2a: {  	[tilespmem:s8], [sflag:$0x1] =	stream.indirect.gather [hbm4b:s3+s8], $0x80, s2, s8, $0xb8;
	[tilespmem:$0x4080] =	vst v63  }
0x2b: {  	s10 =	sadd.s32 $0x1, s10;
	_ =	swait.ge [sflag:s9], $0x4000  }
0x2c: {  	p0 =	sne.s32 s10, s4;
	[sflag:s9] =	ssyncset.done $0x0  }
.Ltmp1:
0x2d: {  	[sflag:s9] =	ssyncadd.s32 $0xFFFFC000;
	(pc) =	sbr.rel @p0 .LBB2_1-.Ltmp1, $4  }
0x2e: {  	[hbm4b:s11+s2] =	stream.linear.scatter [tilespmem:s8], [sflag:$0x2], $0x4000, $0x38;
	[tilespmem:$0x4080] =	vst v63  }
0x2f: {  	_ =	swait.ge [sflag:s7], $0x4000  }
0x30: {  	[sflag:s7] =	ssyncset.done $0x0  }
0x31: {  	[sflag:s7] =	ssyncadd.s32 $0xFFFFC000  }
0x32: {  	_ =	sfence.sel $0x180000  }
0x33: {  	[bflag:$0x0] =	sbarrier.arrive $0xFFFF  }
0x34: {  	p0 =	sne.s32 s1, $0x0;
	_ =	strace $0x90000050  }
0x35: {  	s0 =	sadd.s32 @!p0 $0x100000, s0;
	[bflag:$0x2] =	sbarrier.arrive $0xFFFF  }
0x36: {  	[sflag:s0] =	ssyncadd.tile.s32 @!p0 $0x1;
	_ =	shalt  }
.Lfunc_end2:
_tile_overlayer_lowered:
.L_overlay_start_2:
0x37: {  	(tag) =	ssettag $0x2  }
0x38: {  	s0 =	rddreg [dreg:$0x0];
	s2 =	stileid.u32  }
0x39: {  	s1 =	rddreg [dreg:$0x1];
	p0 =	sne.s32 s2, $0x0  }
0x3a: {  	s3 =	rddreg [dreg:$0x2];
	[bflag:$0x3] =	sbarrier.arrive $0xFFFF;
	s2 =	simm.s32 @!p0 $0x1C02  }
0x3b: {  	[timem:s3], [sflag:s2] =	dma.local @!p0 [hbm:s0], s1  }
0x3c: {  	s0 =	simm.s32 @!p0 $0x2  }
0x3d: {  	_ =	swait.ge @!p0 [sflag:s0], s1  }
0x3e: {  	s1 =	ssub.s32 @!p0 $0x0, s1;
	[sflag:s0] =	ssyncset.done @!p0 $0x0  }
0x3f: {  	[sflag:s0] =	ssyncadd.s32 @!p0 s1  }
0x40: {  	[bflag:$0x3] =	sbarrier.arrive $0xFFFF  }
0x41: {  	_ =	shalt  }

// kernel: kernel.40.cloned.1.call-start
scs
__scs_entry_jumppad:
0x0: {  	(pc) =	sbr.rel $0x88, $3  }
0x1: {  	(tag) =	ssettag $0x0;
	lr =	simm.s32 $0x1  }
0x2: {  	[smem:$0x3F78] =	sst lr;
	_ =	strace $0xD0000000  }
0x3: {  	_ = 	snop  }
0x4: {  	_ = 	snop  }
0x5: {  	_ = 	snop  }
0x6: {  	_ = 	snop  }
0x7: {  	_ = 	snop  }
__scs_overlays_trampoline_lowered:
0x8: {  	[smem:$0x3F87] =	sst s0  }
0x9: {  	[smem:$0x3F88] =	sst s1  }
0xa: {  	[smem:$0x3F89] =	sst s2  }
0xb: {  	[smem:$0x3F8A] =	sst s3  }
0xc: {  	[smem:$0x3F8B] =	sst s4  }
0xd: {  	[smem:$0x3F8C] =	sst s5  }
0xe: {  	[smem:$0x3F8D] =	sst s6  }
0xf: {  	[smem:$0x3F8E] =	sst s7  }
0x10: {  	[smem:$0x3F8F] =	sst s8  }
0x11: {  	[smem:$0x3F90] =	sst s9;
	s0 =	simm.s32 @!p0 $0x0  }
0x12: {  	s1 =	sld [smem:$0x3F76];
	s0 =	simm.s32 @p0 $0x1  }
0x13: {  	[smem:$0x3F91] =	sst s0;
	s0 =	simm.s32 @!p1 $0x0  }
0x14: {  	s2 =	sld [smem:$0x3F75];
	s0 =	simm.s32 @p1 $0x1  }
0x15: {  	[smem:$0x3F92] =	sst s0;
	s0 =	simm.s32 @!p2 $0x0  }
0x16: {  	s3 =	sld [smem:$0x3FDB];
	s0 =	simm.s32 @p2 $0x1  }
0x17: {  	s4 =	simm.s32 $0x1BF5;
	[smem:$0x3F94] =	sst s0  }
0x18: {  	s0 =	sld [smem:$0x3F77];
	_ =	swait.ge [sflag:s4], $0x0  }
0x19: {  	s7 =	sld [smem:$0x3F78]  }
0x1a: {  	s8 =	sadd.s32 $0xFFFFE003, lr  }
0x1b: {  	s9 =	sadd.s32 $0xFFFFFEF7, lr;
	s5 =	simm.s32 $0xFFFFFFFF;
	p2 =	slt.u32 s8, $0xFFFFF086  }
0x1c: {  	p1 =	slt.u32 s9, $0xF7A;
	s5 =	simm.s32 @!p2 $0x0  }
0x1d: {  	s5 =	simm.s32 @p1 $0x1;
	p0 =	seq.s32 s7, s2  }
0x1e: {  	s7 =	smul.u32 @!p0 $0xF7A, s2;
	p2 =	seq.s32 @!p0 s5, $0x0  }
0x1f: {  	s9 =	smul.u32 $0xF7A, s1;
	s8 =	simm.s32 @!p0 $0x1BF5;
	p2 =	por !p2, p0  }
0x20: {  	[sflag:s8] =	ssyncset.s32 @!p0 $0xFFFFF086;
	s6 =	sadd.s32 @!p0 s3, s7;
	s7 =	simm.s32 @!p0 $0x108  }
0x21: {  	s3 =	sadd.s32 s3, s9;
	s6 =	sadd.s32 @!p0 $0x88, s6;
	s7 =	simm.s32 @p2 $0x1082  }
0x22: {  	[simem:s7], [sflag:s8] =	dma.local @!p0 [hbm:s6], $0xF7A  }
0x23: {  	s9 =	sor.u32 $0xD0000000, s2;
	s6 =	simm.s32 $0x108;
	_ =	swait.ge @!p0 [sflag:s8], $0x0  }
0x24: {  	s3 =	sadd.s32 $0x88, s3;
	s6 =	simm.s32 @!p1 $0x1082;
	[sflag:s4] =	ssyncset.s32 $0xFFFFF086  }
0x25: {  	[simem:s6], [sflag:s4] =	dma.local [hbm:s3], $0xF7A  }
0x26: {  	[smem:$0x3F78] =	sst s1;
	(tag) =	ssettag s2;
	_ =	strace s9  }
0x27: {  	s1 =	sld [smem:$0x3F88]  }
0x28: {  	s2 =	sld [smem:$0x3F89]  }
0x29: {  	s4 =	sld [smem:$0x3F8B]  }
0x2a: {  	p0 =	seq.s32 s5, $0x0;
	s5 =	sld [smem:$0x3F8C]  }
0x2b: {  	s6 =	sld [smem:$0x3F8D]  }
0x2c: {  	s7 =	sld [smem:$0x3F8E]  }
0x2d: {  	s3 =	simm.s32 $0x108;
	s8 =	sld [smem:$0x3F8F]  }
0x2e: {  	s3 =	simm.s32 @!p0 $0x1082;
	s9 =	sld [smem:$0x3F90]  }
0x2f: {  	lr =	sadd.s32 s0, s3;
	s0 =	sld [smem:$0x3F87]  }
0x30: {  	s3 =	sld [smem:$0x3F8A]  }
0x31: {  	[smem:$0x3F93] =	sst s10  }
0x32: {  	s10 =	sld [smem:$0x3F91];
	_ =	sdelay $0x3  }
0x33: {  	p0 =	seq.s32 s10, $0x1;
	s10 =	sld [smem:$0x3F93];
	_ =	sdelay $0x3  }
0x34: {  	[smem:$0x3F93] =	sst s10  }
0x35: {  	s10 =	sld [smem:$0x3F92];
	_ =	sdelay $0x3  }
0x36: {  	p1 =	seq.s32 s10, $0x1;
	s10 =	sld [smem:$0x3F93];
	_ =	sdelay $0x3  }
0x37: {  	[smem:$0x3F93] =	sst s10  }
0x38: {  	s10 =	sld [smem:$0x3F94]  }
0x39: {  	_ = 	snop;
	(pc) =	sbr.ind lr, $3  }
0x3a: {  	_ = 	snop  }
0x3b: {  	_ = 	snop  }
0x3c: {  	p2 =	seq.s32 s10, $0x1;
	s10 =	sld [smem:$0x3F93]  }
0x3d: {  	_ =	shalt  }
0x3e: {  	_ =	shalt  }
0x3f: {  	_ =	shalt  }
0x40: {  	_ =	shalt  }
0x41: {  	_ =	shalt  }
0x42: {  	_ =	shalt  }
0x43: {  	_ =	shalt  }
0x44: {  	_ =	shalt  }
0x45: {  	_ =	shalt  }
0x46: {  	_ =	shalt  }
0x47: {  	_ =	shalt  }
0x48: {  	_ =	shalt  }
0x49: {  	_ =	shalt  }
0x4a: {  	_ =	shalt  }
0x4b: {  	_ =	shalt  }
0x4c: {  	_ =	shalt  }
0x4d: {  	_ =	shalt  }
0x4e: {  	_ =	shalt  }
0x4f: {  	_ =	shalt  }
0x50: {  	_ =	shalt  }
0x51: {  	_ =	shalt  }
0x52: {  	_ =	shalt  }
0x53: {  	_ =	shalt  }
0x54: {  	_ =	shalt  }
0x55: {  	_ =	shalt  }
0x56: {  	_ =	shalt  }
0x57: {  	_ =	shalt  }
0x58: {  	_ =	shalt  }
0x59: {  	_ =	shalt  }
0x5a: {  	_ =	shalt  }
0x5b: {  	_ =	shalt  }
0x5c: {  	_ =	shalt  }
0x5d: {  	_ =	shalt  }
0x5e: {  	_ =	shalt  }
0x5f: {  	_ =	shalt  }
0x60: {  	_ =	shalt  }
0x61: {  	_ =	shalt  }
0x62: {  	_ =	shalt  }
0x63: {  	_ =	shalt  }
0x64: {  	_ =	shalt  }
0x65: {  	_ =	shalt  }
0x66: {  	_ =	shalt  }
0x67: {  	_ =	shalt  }
0x68: {  	_ =	shalt  }
0x69: {  	_ =	shalt  }
0x6a: {  	_ =	shalt  }
0x6b: {  	_ =	shalt  }
0x6c: {  	_ =	shalt  }
0x6d: {  	_ =	shalt  }
0x6e: {  	_ =	shalt  }
0x6f: {  	_ =	shalt  }
0x70: {  	_ =	shalt  }
0x71: {  	_ =	shalt  }
0x72: {  	_ =	shalt  }
0x73: {  	_ =	shalt  }
0x74: {  	_ =	shalt  }
0x75: {  	_ =	shalt  }
0x76: {  	_ =	shalt  }
0x77: {  	_ =	shalt  }
0x78: {  	_ =	shalt  }
0x79: {  	_ =	shalt  }
0x7a: {  	_ =	shalt  }
0x7b: {  	_ =	shalt  }
0x7c: {  	_ =	shalt  }
0x7d: {  	_ =	shalt  }
0x7e: {  	_ =	shalt  }
0x7f: {  	_ =	shalt  }
0x80: {  	_ =	shalt  }
0x81: {  	_ =	shalt  }
0x82: {  	_ =	shalt  }
0x83: {  	_ =	shalt  }
0x84: {  	_ =	shalt  }
0x85: {  	_ =	shalt  }
0x86: {  	_ =	shalt  }
0x87: {  	_ =	shalt  }
.Lfunc_end0:
.L_simem_size_0:
called_computation.4_lowered:
.L_overlay_start_0:
0x88: {  	s2 =	sld [smem:$0x3FD9]  }
0x89: {  	s3 =	sld [smem:$0x3FFE];
	_ =	sdelay $0x1  }
0x8a: {  	s1 =	srdreg.scid  }
0x8b: {  	s0 =	sand.u32 $0x1, s1  }
0x8c: {  	s17 =	sshll.u32 s0, $0xA;
	s2 =	sadd.s32 s3, s2  }
0x8d: {  	s2 =	sadd.s32 s2, s17  }
0x8e: {  	[smem:$0x3F9F] =	sst s2  }
0x8f: {  	_ = 	snop  }
0x90: {  	s2 =	sld [smem:$0x3FD0];
	(tm) =	ssettm $0x1  }
0x91: {  	s18 =	sld [smem:$0x3FFB];
	_ =	sdelay $0x3  }
0x92: {  	_ =	strace s18  }
0x93: {  	s3 =	sld [smem:$0x3FFC];
	_ =	sdelay $0x3  }
0x94: {  	_ =	strace s3  }
0x95: {  	s3 =	sld [smem:$0x3FFD];
	_ =	sdelay $0x3  }
0x96: {  	_ =	strace s3  }
0x97: {  	_ =	strace $0x8FFFFFFF  }
0x98: {  	s19 =	sld [smem:$0x3FDB];
	_ =	sdelay $0x1  }
0x99: {  	s4 =	simm.s32 $_scs_section_size  }
0x9a: {  	s5 =	simm.s32 $_size__tile_overlayer_lowered;
	s6 =	simm.s32 $_tile_overlayer_lowered  }
0x9b: {  	s22 =	simm.s32 $0x1BFF;
	s21 =	sshll.u32 s6, $0x1;
	s3 =	sadd.s32 s4, s19  }
0x9c: {  	s7 =	simm.s32 $0x0;
	s20 =	sshll.u32 s5, $0x1;
	s5 =	sadd.s32 s21, s3  }
0x9d: {  	[timem:s7], [sflag:s22] =	dma.local [hbm:s5], s20  }
0x9e: {  	_ =	swait.ge [sflag:s22], s20  }
0x9f: {  	s4 =	ssub.s32 $0x0, s20;
	[sflag:s22] =	ssyncset.done $0x0  }
0xa0: {  	[sflag:s22] =	ssyncadd.s32 s4;
	_ =	sdelay $0x1  }
0xa1: {  	s23 =	simm.s32 $0x1B8B  }
0xa2: {  	_ =	swait.ge [sflag:s23], $0x1  }
0xa3: {  	[sflag:s23] =	ssyncset.done $0x0  }
0xa4: {  	s25 =	simm.s32 $0x1B8E;
	s24 =	sld [smem:$0x3FFE];
	[sflag:s23] =	ssyncadd.s32 $0xFFFFFFFF  }
0xa5: {  	s26 =	simm.s32 $execute0_lowered;
	[smem:$0x3FD2] =	sst s25  }
0xa6: {  	s5 =	sshll.u32 s26, $0x1;
	_ =	strace $0x80000052;
	[dreg:$0x1] =	wrdreg $0xFFFFFFFF  }
0xa7: {  	s28 =	simm.s32 $_size_execute0_lowered;
	s3 =	sadd.s32 s3, s5;
	[dreg:$0x0] =	wrdreg $0x0  }
0xa8: {  	s5 =	sshll.u32 s28, $0x1;
	[dreg:$0x2] =	wrdreg s3  }
0xa9: {  	[dreg:$0x3] =	wrdreg s5  }
0xaa: {  	[dreg:$0x4] =	wrdreg $0xC0  }
0xab: {  	_ =	task [dreg:s7], $0x5FFFF  }
0xac: {  	[dreg:$0x1] =	wrdreg $0xFFFFFFFF  }
0xad: {  	[dreg:$0x0] =	wrdreg $0x60  }
0xae: {  	[dreg:$0x2] =	wrdreg s2  }
0xaf: {  	[dreg:$0x3] =	wrdreg s24  }
0xb0: {  	[dreg:$0x4] =	wrdreg $0x9  }
0xb1: {  	_ =	task.clear_ibuf [dreg:s7], $0x5FFFF;
	_ =	strace $0x90000052  }
0xb2: {  	s29 =	simm.s32 $0x9;
	_ =	strace $0x80000054  }
0xb3: {  	_ =	swait.ge [sflag:s29], $0x1  }
0xb4: {  	[sflag:s29] =	ssyncadd.s32 $0xFFFFFFFF  }
0xb5: {  	_ =	strace $0x90000054  }
0xb6: {  	_ =	sfence  }
0xb7: {  	s30 =	sld [smem:$0x0];
	_ =	sdelay $0x2  }
0xb8: {  	s31 =	sshll.u32 s1, $0xD;
	s1 =	sshrl.u32 s1, $0x2  }
0xb9: {  	s3 =	sand.u32 $0x4000, s31;
	s1 =	sadd.s32 s1, s30  }
0xba: {  	s0 =	sor.u32 s3, s0;
	s1 =	sshll.u32 s1, $0x11  }
0xbb: {  	s0 =	sor.u32 s1, s0  }
0xbc: {  	s0 =	sadd.s32 $0x8F2B, s0  }
0xbd: {  	[sflag:s0] =	ssyncadd.remote.s32 $0x1  }
0xbe: {  	_ =	sfence.sel $0xFFFF  }
0xbf: {  	[dreg:$0x0] =	wrdreg $0xFFFFFFFF;
	(pc) =	sbr.abs _section_cstart, $3  }
0xc0: {  	[dreg:$0x1] =	wrdreg $0xFFFFFFFF  }
0xc1: {  	_ =	task.clear_ibuf [dreg:s7], $0x2FFFF;
	_ =	strace $0x9FFFFFFF  }
0xc2: {  	(tm) =	ssettm $0x7FFFFFFF  }
0xc3: {  	_ =	shalt  }
tec
execute0_lowered:
.L_overlay_start_1:
0x0: {  	(tag) =	ssettag $0x1  }
0x1: {  	s6 =	rddreg [dreg:$0x0]  }
0x2: {  	s3 =	rddreg [dreg:$0x1]  }
0x3: {  	s0 =	rddreg [dreg:$0x2];
	s1 =	stileid.u32  }
0x4: {  	s2 =	simm.s32 $0x0;
	s5 =	srdreg.scid;
	s4 =	smul.u32 $0xD000, s1  }
0x5: {  	[smem:$0x7FF] =	sst s2;
	s5 =	sand.u32 $0x1, s5;
	s7 =	smul.u32 $0xD00, s1  }
0x6: {  	_ =	strace $0x80000053;
	s8 =	ssub.s32 $0x2, s5;
	s9 =	smul.u32 $0x680, s5  }
0x7: {  	s5 =	smul.u32 $0x6800, s5;
	s10 =	sadd.s32 s4, s3;
	s31 =	sshrl.u32 s8, $0x1  }
0x8: {  	s3 =	sadd.s32 $0x42600, s3;
	s4 =	ssub.s32 s8, s31;
	s7 =	sadd.s32 s9, s7  }
0x9: {  	s5 =	sadd.s32 s5, s10;
	s8 =	simm.s32 $0x80;
	s9 =	simm.s32 $0x1  }
0xa: {  	s10 =	simm.s32 $0x0;
	s4 =	smax.u32 s4, $0x1;
	s7 =	sshrl.u32 s7, $0x3  }
0xb: {  	s5 =	sadd.s32 $0x1AB000, s5;
	s6 =	sadd.s32 s7, s6;
	s7 =	simm.s32 $0x2  }
.LBB2_1:
0xc: {  	s11 =	sadd.s32 $0x0, s6  }
0xd: {  	[tilespmem:s2], [sflag:$0x2] =	stream.linear.gather [hbm4b:s11+s2], $0x80, $0x38;
	[tilespmem:$0x4080] =	vst v63  }
0xe: {  	_ =	swait.ge [sflag:s7], $0x80  }
0xf: {  	[sflag:s7] =	ssyncset.done $0x0  }
0x10: {  	[sflag:s7] =	ssyncadd.s32 $0xFFFFFF80  }
0x11: {  	[tilespmem:s8], [sflag:$0x1] =	stream.indirect.gather [hbm4b:s3+s8], $0x80, s2, s8, $0xb8;
	[tilespmem:$0x4080] =	vst v63  }
0x12: {  	_ =	swait.ge [sflag:s9], $0x4000  }
0x13: {  	[sflag:s9] =	ssyncset.done $0x0  }
0x14: {  	[sflag:s9] =	ssyncadd.s32 $0xFFFFC000  }
0x15: {  	[hbm4b:s5+s2] =	stream.linear.scatter [tilespmem:s8], [sflag:$0x2], $0x4000, $0x38;
	[tilespmem:$0x4080] =	vst v63  }
0x16: {  	s12 =	simm.s32 $0x10;
	_ =	swait.ge [sflag:s7], $0x4000  }
0x17: {  	s13 =	simm.s32 $0x20;
	s11 =	sadd.s32 $0x800, s5;
	[sflag:s7] =	ssyncset.done $0x0  }
.LBB2_2:
0x18: {  	s14 =	sadd.s32 s12, s6  }
0x19: {  	[sflag:s7] =	ssyncadd.s32 $0xFFFFC000;
	s12 =	smov.u32 s13;
	s15 =	sadd.s32 $0x10, s13  }
0x1a: {  	[tilespmem:s2], [sflag:$0x2] =	stream.linear.gather [hbm4b:s14+s2], $0x80, $0x38;
	[tilespmem:$0x4080] =	vst v63  }
0x1b: {  	p0 =	sne.s32 s13, $0xC0;
	_ =	swait.ge [sflag:s7], $0x80  }
0x1c: {  	[sflag:s7] =	ssyncset.done $0x0  }
0x1d: {  	[sflag:s7] =	ssyncadd.s32 $0xFFFFFF80  }
0x1e: {  	[tilespmem:s8], [sflag:$0x1] =	stream.indirect.gather [hbm4b:s3+s8], $0x80, s2, s8, $0xb8;
	[tilespmem:$0x4080] =	vst v63  }
0x1f: {  	_ =	swait.ge [sflag:s9], $0x4000  }
.Ltmp0:
0x20: {  	[sflag:s9] =	ssyncset.done $0x0;
	(pc) =	sbr.rel @p0 .LBB2_2-.Ltmp0, $4  }
0x21: {  	[sflag:s9] =	ssyncadd.s32 $0xFFFFC000  }
0x22: {  	[hbm4b:s11+s2] =	stream.linear.scatter [tilespmem:s8], [sflag:$0x2], $0x4000, $0x38;
	[tilespmem:$0x4080] =	vst v63  }
0x23: {  	_ =	swait.ge [sflag:s7], $0x4000  }
0x24: {  	s13 =	smov.u32 s15;
	s11 =	sadd.s32 $0x800, s11;
	[sflag:s7] =	ssyncset.done $0x0  }
0x25: {  	s12 =	sadd.s32 s12, s6;
	[sflag:s7] =	ssyncadd.s32 $0xFFFFC000  }
0x26: {  	[tilespmem:s2], [sflag:$0x2] =	stream.linear.gather [hbm4b:s12+s2], $0x80, $0x38;
	[tilespmem:$0x4080] =	vst v63  }
0x27: {  	_ =	swait.ge [sflag:s7], $0x80  }
0x28: {  	[sflag:s7] =	ssyncset.done $0x0  }
0x29: {  	[sflag:s7] =	ssyncadd.s32 $0xFFFFFF80  }
0x2a: {  	[tilespmem:s8], [sflag:$0x1] =	stream.indirect.gather [hbm4b:s3+s8], $0x80, s2, s8, $0xb8;
	[tilespmem:$0x4080] =	vst v63  }
0x2b: {  	s10 =	sadd.s32 $0x1, s10;
	_ =	swait.ge [sflag:s9], $0x4000  }
0x2c: {  	p0 =	sne.s32 s10, s4;
	[sflag:s9] =	ssyncset.done $0x0  }
.Ltmp1:
0x2d: {  	[sflag:s9] =	ssyncadd.s32 $0xFFFFC000;
	(pc) =	sbr.rel @p0 .LBB2_1-.Ltmp1, $4  }
0x2e: {  	[hbm4b:s11+s2] =	stream.linear.scatter [tilespmem:s8], [sflag:$0x2], $0x4000, $0x38;
	[tilespmem:$0x4080] =	vst v63  }
0x2f: {  	_ =	swait.ge [sflag:s7], $0x4000  }
0x30: {  	[sflag:s7] =	ssyncset.done $0x0  }
0x31: {  	[sflag:s7] =	ssyncadd.s32 $0xFFFFC000  }
0x32: {  	_ =	sfence.sel $0x180000  }
0x33: {  	[bflag:$0x0] =	sbarrier.arrive $0xFFFF  }
0x34: {  	p0 =	sne.s32 s1, $0x0;
	_ =	strace $0x90000053  }
0x35: {  	s0 =	sadd.s32 @!p0 $0x100000, s0;
	[bflag:$0x2] =	sbarrier.arrive $0xFFFF  }
0x36: {  	[sflag:s0] =	ssyncadd.tile.s32 @!p0 $0x1;
	_ =	shalt  }
.Lfunc_end2:
_tile_overlayer_lowered:
.L_overlay_start_2:
0x37: {  	(tag) =	ssettag $0x2  }
0x38: {  	s0 =	rddreg [dreg:$0x0];
	s2 =	stileid.u32  }
0x39: {  	s1 =	rddreg [dreg:$0x1];
	p0 =	sne.s32 s2, $0x0  }
0x3a: {  	s3 =	rddreg [dreg:$0x2];
	[bflag:$0x3] =	sbarrier.arrive $0xFFFF;
	s2 =	simm.s32 @!p0 $0x1C02  }
0x3b: {  	[timem:s3], [sflag:s2] =	dma.local @!p0 [hbm:s0], s1  }
0x3c: {  	s0 =	simm.s32 @!p0 $0x2  }
0x3d: {  	_ =	swait.ge @!p0 [sflag:s0], s1  }
0x3e: {  	s1 =	ssub.s32 @!p0 $0x0, s1;
	[sflag:s0] =	ssyncset.done @!p0 $0x0  }
0x3f: {  	[sflag:s0] =	ssyncadd.s32 @!p0 s1  }
0x40: {  	[bflag:$0x3] =	sbarrier.arrive $0xFFFF  }
0x41: {  	_ =	shalt  }

// kernel: kernel.43.cloned.1.call-start
scs
__scs_entry_jumppad:
0x0: {  	(pc) =	sbr.rel $0x88, $3  }
0x1: {  	(tag) =	ssettag $0x0;
	lr =	simm.s32 $0x1  }
0x2: {  	[smem:$0x3F78] =	sst lr;
	_ =	strace $0xD0000000  }
0x3: {  	_ = 	snop  }
0x4: {  	_ = 	snop  }
0x5: {  	_ = 	snop  }
0x6: {  	_ = 	snop  }
0x7: {  	_ = 	snop  }
__scs_overlays_trampoline_lowered:
0x8: {  	[smem:$0x3F87] =	sst s0  }
0x9: {  	[smem:$0x3F88] =	sst s1  }
0xa: {  	[smem:$0x3F89] =	sst s2  }
0xb: {  	[smem:$0x3F8A] =	sst s3  }
0xc: {  	[smem:$0x3F8B] =	sst s4  }
0xd: {  	[smem:$0x3F8C] =	sst s5  }
0xe: {  	[smem:$0x3F8D] =	sst s6  }
0xf: {  	[smem:$0x3F8E] =	sst s7  }
0x10: {  	[smem:$0x3F8F] =	sst s8  }
0x11: {  	[smem:$0x3F90] =	sst s9;
	s0 =	simm.s32 @!p0 $0x0  }
0x12: {  	s1 =	sld [smem:$0x3F76];
	s0 =	simm.s32 @p0 $0x1  }
0x13: {  	[smem:$0x3F91] =	sst s0;
	s0 =	simm.s32 @!p1 $0x0  }
0x14: {  	s2 =	sld [smem:$0x3F75];
	s0 =	simm.s32 @p1 $0x1  }
0x15: {  	[smem:$0x3F92] =	sst s0;
	s0 =	simm.s32 @!p2 $0x0  }
0x16: {  	s3 =	sld [smem:$0x3FDB];
	s0 =	simm.s32 @p2 $0x1  }
0x17: {  	s4 =	simm.s32 $0x1BF5;
	[smem:$0x3F94] =	sst s0  }
0x18: {  	s0 =	sld [smem:$0x3F77];
	_ =	swait.ge [sflag:s4], $0x0  }
0x19: {  	s7 =	sld [smem:$0x3F78]  }
0x1a: {  	s8 =	sadd.s32 $0xFFFFE003, lr  }
0x1b: {  	s9 =	sadd.s32 $0xFFFFFEF7, lr;
	s5 =	simm.s32 $0xFFFFFFFF;
	p2 =	slt.u32 s8, $0xFFFFF086  }
0x1c: {  	p1 =	slt.u32 s9, $0xF7A;
	s5 =	simm.s32 @!p2 $0x0  }
0x1d: {  	s5 =	simm.s32 @p1 $0x1;
	p0 =	seq.s32 s7, s2  }
0x1e: {  	s7 =	smul.u32 @!p0 $0xF7A, s2;
	p2 =	seq.s32 @!p0 s5, $0x0  }
0x1f: {  	s9 =	smul.u32 $0xF7A, s1;
	s8 =	simm.s32 @!p0 $0x1BF5;
	p2 =	por !p2, p0  }
0x20: {  	[sflag:s8] =	ssyncset.s32 @!p0 $0xFFFFF086;
	s6 =	sadd.s32 @!p0 s3, s7;
	s7 =	simm.s32 @!p0 $0x108  }
0x21: {  	s3 =	sadd.s32 s3, s9;
	s6 =	sadd.s32 @!p0 $0x88, s6;
	s7 =	simm.s32 @p2 $0x1082  }
0x22: {  	[simem:s7], [sflag:s8] =	dma.local @!p0 [hbm:s6], $0xF7A  }
0x23: {  	s9 =	sor.u32 $0xD0000000, s2;
	s6 =	simm.s32 $0x108;
	_ =	swait.ge @!p0 [sflag:s8], $0x0  }
0x24: {  	s3 =	sadd.s32 $0x88, s3;
	s6 =	simm.s32 @!p1 $0x1082;
	[sflag:s4] =	ssyncset.s32 $0xFFFFF086  }
0x25: {  	[simem:s6], [sflag:s4] =	dma.local [hbm:s3], $0xF7A  }
0x26: {  	[smem:$0x3F78] =	sst s1;
	(tag) =	ssettag s2;
	_ =	strace s9  }
0x27: {  	s1 =	sld [smem:$0x3F88]  }
0x28: {  	s2 =	sld [smem:$0x3F89]  }
0x29: {  	s4 =	sld [smem:$0x3F8B]  }
0x2a: {  	p0 =	seq.s32 s5, $0x0;
	s5 =	sld [smem:$0x3F8C]  }
0x2b: {  	s6 =	sld [smem:$0x3F8D]  }
0x2c: {  	s7 =	sld [smem:$0x3F8E]  }
0x2d: {  	s3 =	simm.s32 $0x108;
	s8 =	sld [smem:$0x3F8F]  }
0x2e: {  	s3 =	simm.s32 @!p0 $0x1082;
	s9 =	sld [smem:$0x3F90]  }
0x2f: {  	lr =	sadd.s32 s0, s3;
	s0 =	sld [smem:$0x3F87]  }
0x30: {  	s3 =	sld [smem:$0x3F8A]  }
0x31: {  	[smem:$0x3F93] =	sst s10  }
0x32: {  	s10 =	sld [smem:$0x3F91];
	_ =	sdelay $0x3  }
0x33: {  	p0 =	seq.s32 s10, $0x1;
	s10 =	sld [smem:$0x3F93];
	_ =	sdelay $0x3  }
0x34: {  	[smem:$0x3F93] =	sst s10  }
0x35: {  	s10 =	sld [smem:$0x3F92];
	_ =	sdelay $0x3  }
0x36: {  	p1 =	seq.s32 s10, $0x1;
	s10 =	sld [smem:$0x3F93];
	_ =	sdelay $0x3  }
0x37: {  	[smem:$0x3F93] =	sst s10  }
0x38: {  	s10 =	sld [smem:$0x3F94]  }
0x39: {  	_ = 	snop;
	(pc) =	sbr.ind lr, $3  }
0x3a: {  	_ = 	snop  }
0x3b: {  	_ = 	snop  }
0x3c: {  	p2 =	seq.s32 s10, $0x1;
	s10 =	sld [smem:$0x3F93]  }
0x3d: {  	_ =	shalt  }
0x3e: {  	_ =	shalt  }
0x3f: {  	_ =	shalt  }
0x40: {  	_ =	shalt  }
0x41: {  	_ =	shalt  }
0x42: {  	_ =	shalt  }
0x43: {  	_ =	shalt  }
0x44: {  	_ =	shalt  }
0x45: {  	_ =	shalt  }
0x46: {  	_ =	shalt  }
0x47: {  	_ =	shalt  }
0x48: {  	_ =	shalt  }
0x49: {  	_ =	shalt  }
0x4a: {  	_ =	shalt  }
0x4b: {  	_ =	shalt  }
0x4c: {  	_ =	shalt  }
0x4d: {  	_ =	shalt  }
0x4e: {  	_ =	shalt  }
0x4f: {  	_ =	shalt  }
0x50: {  	_ =	shalt  }
0x51: {  	_ =	shalt  }
0x52: {  	_ =	shalt  }
0x53: {  	_ =	shalt  }
0x54: {  	_ =	shalt  }
0x55: {  	_ =	shalt  }
0x56: {  	_ =	shalt  }
0x57: {  	_ =	shalt  }
0x58: {  	_ =	shalt  }
0x59: {  	_ =	shalt  }
0x5a: {  	_ =	shalt  }
0x5b: {  	_ =	shalt  }
0x5c: {  	_ =	shalt  }
0x5d: {  	_ =	shalt  }
0x5e: {  	_ =	shalt  }
0x5f: {  	_ =	shalt  }
0x60: {  	_ =	shalt  }
0x61: {  	_ =	shalt  }
0x62: {  	_ =	shalt  }
0x63: {  	_ =	shalt  }
0x64: {  	_ =	shalt  }
0x65: {  	_ =	shalt  }
0x66: {  	_ =	shalt  }
0x67: {  	_ =	shalt  }
0x68: {  	_ =	shalt  }
0x69: {  	_ =	shalt  }
0x6a: {  	_ =	shalt  }
0x6b: {  	_ =	shalt  }
0x6c: {  	_ =	shalt  }
0x6d: {  	_ =	shalt  }
0x6e: {  	_ =	shalt  }
0x6f: {  	_ =	shalt  }
0x70: {  	_ =	shalt  }
0x71: {  	_ =	shalt  }
0x72: {  	_ =	shalt  }
0x73: {  	_ =	shalt  }
0x74: {  	_ =	shalt  }
0x75: {  	_ =	shalt  }
0x76: {  	_ =	shalt  }
0x77: {  	_ =	shalt  }
0x78: {  	_ =	shalt  }
0x79: {  	_ =	shalt  }
0x7a: {  	_ =	shalt  }
0x7b: {  	_ =	shalt  }
0x7c: {  	_ =	shalt  }
0x7d: {  	_ =	shalt  }
0x7e: {  	_ =	shalt  }
0x7f: {  	_ =	shalt  }
0x80: {  	_ =	shalt  }
0x81: {  	_ =	shalt  }
0x82: {  	_ =	shalt  }
0x83: {  	_ =	shalt  }
0x84: {  	_ =	shalt  }
0x85: {  	_ =	shalt  }
0x86: {  	_ =	shalt  }
0x87: {  	_ =	shalt  }
.Lfunc_end0:
.L_simem_size_0:
called_computation.5_lowered:
.L_overlay_start_0:
0x88: {  	s2 =	sld [smem:$0x3FD9]  }
0x89: {  	s3 =	sld [smem:$0x3FFE];
	_ =	sdelay $0x1  }
0x8a: {  	s1 =	srdreg.scid  }
0x8b: {  	s0 =	sand.u32 $0x1, s1  }
0x8c: {  	s17 =	sshll.u32 s0, $0xA;
	s2 =	sadd.s32 s3, s2  }
0x8d: {  	s2 =	sadd.s32 s2, s17  }
0x8e: {  	[smem:$0x3F9F] =	sst s2  }
0x8f: {  	_ = 	snop  }
0x90: {  	s2 =	sld [smem:$0x3FD0];
	(tm) =	ssettm $0x1  }
0x91: {  	s18 =	sld [smem:$0x3FFB];
	_ =	sdelay $0x3  }
0x92: {  	_ =	strace s18  }
0x93: {  	s3 =	sld [smem:$0x3FFC];
	_ =	sdelay $0x3  }
0x94: {  	_ =	strace s3  }
0x95: {  	s3 =	sld [smem:$0x3FFD];
	_ =	sdelay $0x3  }
0x96: {  	_ =	strace s3  }
0x97: {  	_ =	strace $0x8FFFFFFF  }
0x98: {  	s19 =	sld [smem:$0x3FDB];
	_ =	sdelay $0x1  }
0x99: {  	s4 =	simm.s32 $_scs_section_size  }
0x9a: {  	s5 =	simm.s32 $_size__tile_overlayer_lowered;
	s6 =	simm.s32 $_tile_overlayer_lowered  }
0x9b: {  	s22 =	simm.s32 $0x1BFF;
	s21 =	sshll.u32 s6, $0x1;
	s3 =	sadd.s32 s4, s19  }
0x9c: {  	s7 =	simm.s32 $0x0;
	s20 =	sshll.u32 s5, $0x1;
	s5 =	sadd.s32 s21, s3  }
0x9d: {  	[timem:s7], [sflag:s22] =	dma.local [hbm:s5], s20  }
0x9e: {  	_ =	swait.ge [sflag:s22], s20  }
0x9f: {  	s4 =	ssub.s32 $0x0, s20;
	[sflag:s22] =	ssyncset.done $0x0  }
0xa0: {  	[sflag:s22] =	ssyncadd.s32 s4;
	_ =	sdelay $0x1  }
0xa1: {  	s23 =	simm.s32 $0x1B8B  }
0xa2: {  	_ =	swait.ge [sflag:s23], $0x1  }
0xa3: {  	[sflag:s23] =	ssyncset.done $0x0  }
0xa4: {  	s25 =	simm.s32 $0x1B8E;
	s24 =	sld [smem:$0x3FFE];
	[sflag:s23] =	ssyncadd.s32 $0xFFFFFFFF  }
0xa5: {  	s26 =	simm.s32 $execute0_lowered;
	[smem:$0x3FD2] =	sst s25  }
0xa6: {  	s5 =	sshll.u32 s26, $0x1;
	_ =	strace $0x80000055;
	[dreg:$0x1] =	wrdreg $0xFFFFFFFF  }
0xa7: {  	s28 =	simm.s32 $_size_execute0_lowered;
	s3 =	sadd.s32 s3, s5;
	[dreg:$0x0] =	wrdreg $0x0  }
0xa8: {  	s5 =	sshll.u32 s28, $0x1;
	[dreg:$0x2] =	wrdreg s3  }
0xa9: {  	[dreg:$0x3] =	wrdreg s5  }
0xaa: {  	[dreg:$0x4] =	wrdreg $0xC0  }
0xab: {  	_ =	task [dreg:s7], $0x5FFFF  }
0xac: {  	[dreg:$0x1] =	wrdreg $0xFFFFFFFF  }
0xad: {  	[dreg:$0x0] =	wrdreg $0x60  }
0xae: {  	[dreg:$0x2] =	wrdreg s24  }
0xaf: {  	[dreg:$0x3] =	wrdreg s2  }
0xb0: {  	[dreg:$0x4] =	wrdreg $0x9  }
0xb1: {  	_ =	task.clear_ibuf [dreg:s7], $0x5FFFF;
	_ =	strace $0x90000055  }
0xb2: {  	s29 =	simm.s32 $0x9;
	_ =	strace $0x80000057  }
0xb3: {  	_ =	swait.ge [sflag:s29], $0x1  }
0xb4: {  	[sflag:s29] =	ssyncadd.s32 $0xFFFFFFFF  }
0xb5: {  	_ =	strace $0x90000057  }
0xb6: {  	_ =	sfence  }
0xb7: {  	s30 =	sld [smem:$0x0];
	_ =	sdelay $0x2  }
0xb8: {  	s31 =	sshll.u32 s1, $0xD;
	s1 =	sshrl.u32 s1, $0x2  }
0xb9: {  	s3 =	sand.u32 $0x4000, s31;
	s1 =	sadd.s32 s1, s30  }
0xba: {  	s0 =	sor.u32 s3, s0;
	s1 =	sshll.u32 s1, $0x11  }
0xbb: {  	s0 =	sor.u32 s1, s0  }
0xbc: {  	s0 =	sadd.s32 $0x8F2B, s0  }
0xbd: {  	[sflag:s0] =	ssyncadd.remote.s32 $0x1  }
0xbe: {  	_ =	sfence.sel $0xFFFF  }
0xbf: {  	[dreg:$0x0] =	wrdreg $0xFFFFFFFF;
	(pc) =	sbr.abs _section_cstart, $3  }
0xc0: {  	[dreg:$0x1] =	wrdreg $0xFFFFFFFF  }
0xc1: {  	_ =	task.clear_ibuf [dreg:s7], $0x2FFFF;
	_ =	strace $0x9FFFFFFF  }
0xc2: {  	(tm) =	ssettm $0x7FFFFFFF  }
0xc3: {  	_ =	shalt  }
tec
execute0_lowered:
.L_overlay_start_1:
0x0: {  	(tag) =	ssettag $0x1  }
0x1: {  	s4 =	rddreg [dreg:$0x0]  }
0x2: {  	s2 =	rddreg [dreg:$0x1]  }
0x3: {  	s0 =	rddreg [dreg:$0x2];
	s1 =	stileid.u32  }
0x4: {  	s5 =	srdreg.scid;
	s3 =	simm.s32 $0x0;
	s6 =	smul.u32 $0xD00, s1  }
0x5: {  	s10 =	simm.s32 $0x0;
	s5 =	sand.u32 $0x1, s5;
	s8 =	smul.u32 $0xD000, s1  }
0x6: {  	[smem:$0x7FF] =	sst s3;
	s7 =	smul.u32 $0x680, s5;
	s9 =	ssub.s32 $0x2, s5  }
0x7: {  	_ =	strace $0x80000056;
	s5 =	smul.u32 $0x6800, s5;
	s31 =	sshrl.u32 s9, $0x1  }
0x8: {  	s8 =	sadd.s32 s8, s4;
	s6 =	sadd.s32 s7, s6;
	s7 =	ssub.s32 s9, s31  }
0x9: {  	s5 =	sadd.s32 s5, s8;
	s8 =	simm.s32 $0x80;
	s6 =	sshrl.u32 s6, $0x3  }
0xa: {  	s9 =	simm.s32 $0x1;
	s5 =	sadd.s32 $0x1AB000, s5;
	s6 =	sadd.s32 s6, s4  }
0xb: {  	s4 =	smax.u32 s7, $0x1;
	s7 =	simm.s32 $0x2;
	s6 =	sadd.s32 $0x73600, s6  }
.LBB2_1:
0xc: {  	s11 =	sadd.s32 $0x0, s6  }
0xd: {  	[tilespmem:s3], [sflag:$0x2] =	stream.linear.gather [hbm4b:s11+s3], $0x80, $0x38;
	[tilespmem:$0x4080] =	vst v63  }
0xe: {  	_ =	swait.ge [sflag:s7], $0x80  }
0xf: {  	[sflag:s7] =	ssyncset.done $0x0  }
0x10: {  	[sflag:s7] =	ssyncadd.s32 $0xFFFFFF80  }
0x11: {  	[tilespmem:s8], [sflag:$0x1] =	stream.indirect.gather [hbm4b:s2+s8], $0x80, s3, s8, $0xb8;
	[tilespmem:$0x4080] =	vst v63  }
0x12: {  	_ =	swait.ge [sflag:s9], $0x4000  }
0x13: {  	[sflag:s9] =	ssyncset.done $0x0  }
0x14: {  	[sflag:s9] =	ssyncadd.s32 $0xFFFFC000  }
0x15: {  	[hbm4b:s5+s3] =	stream.linear.scatter [tilespmem:s8], [sflag:$0x2], $0x4000, $0x38;
	[tilespmem:$0x4080] =	vst v63  }
0x16: {  	s12 =	simm.s32 $0x10;
	_ =	swait.ge [sflag:s7], $0x4000  }
0x17: {  	s13 =	simm.s32 $0x20;
	s11 =	sadd.s32 $0x800, s5;
	[sflag:s7] =	ssyncset.done $0x0  }
.LBB2_2:
0x18: {  	s14 =	sadd.s32 s12, s6  }
0x19: {  	[sflag:s7] =	ssyncadd.s32 $0xFFFFC000;
	s12 =	smov.u32 s13;
	s15 =	sadd.s32 $0x10, s13  }
0x1a: {  	[tilespmem:s3], [sflag:$0x2] =	stream.linear.gather [hbm4b:s14+s3], $0x80, $0x38;
	[tilespmem:$0x4080] =	vst v63  }
0x1b: {  	p0 =	sne.s32 s13, $0xC0;
	_ =	swait.ge [sflag:s7], $0x80  }
0x1c: {  	[sflag:s7] =	ssyncset.done $0x0  }
0x1d: {  	[sflag:s7] =	ssyncadd.s32 $0xFFFFFF80  }
0x1e: {  	[tilespmem:s8], [sflag:$0x1] =	stream.indirect.gather [hbm4b:s2+s8], $0x80, s3, s8, $0xb8;
	[tilespmem:$0x4080] =	vst v63  }
0x1f: {  	_ =	swait.ge [sflag:s9], $0x4000  }
.Ltmp0:
0x20: {  	[sflag:s9] =	ssyncset.done $0x0;
	(pc) =	sbr.rel @p0 .LBB2_2-.Ltmp0, $4  }
0x21: {  	[sflag:s9] =	ssyncadd.s32 $0xFFFFC000  }
0x22: {  	[hbm4b:s11+s3] =	stream.linear.scatter [tilespmem:s8], [sflag:$0x2], $0x4000, $0x38;
	[tilespmem:$0x4080] =	vst v63  }
0x23: {  	_ =	swait.ge [sflag:s7], $0x4000  }
0x24: {  	s13 =	smov.u32 s15;
	s11 =	sadd.s32 $0x800, s11;
	[sflag:s7] =	ssyncset.done $0x0  }
0x25: {  	s12 =	sadd.s32 s12, s6;
	[sflag:s7] =	ssyncadd.s32 $0xFFFFC000  }
0x26: {  	[tilespmem:s3], [sflag:$0x2] =	stream.linear.gather [hbm4b:s12+s3], $0x80, $0x38;
	[tilespmem:$0x4080] =	vst v63  }
0x27: {  	_ =	swait.ge [sflag:s7], $0x80  }
0x28: {  	[sflag:s7] =	ssyncset.done $0x0  }
0x29: {  	[sflag:s7] =	ssyncadd.s32 $0xFFFFFF80  }
0x2a: {  	[tilespmem:s8], [sflag:$0x1] =	stream.indirect.gather [hbm4b:s2+s8], $0x80, s3, s8, $0xb8;
	[tilespmem:$0x4080] =	vst v63  }
0x2b: {  	s10 =	sadd.s32 $0x1, s10;
	_ =	swait.ge [sflag:s9], $0x4000  }
0x2c: {  	p0 =	sne.s32 s10, s4;
	[sflag:s9] =	ssyncset.done $0x0  }
.Ltmp1:
0x2d: {  	[sflag:s9] =	ssyncadd.s32 $0xFFFFC000;
	(pc) =	sbr.rel @p0 .LBB2_1-.Ltmp1, $4  }
0x2e: {  	[hbm4b:s11+s3] =	stream.linear.scatter [tilespmem:s8], [sflag:$0x2], $0x4000, $0x38;
	[tilespmem:$0x4080] =	vst v63  }
0x2f: {  	_ =	swait.ge [sflag:s7], $0x4000  }
0x30: {  	[sflag:s7] =	ssyncset.done $0x0  }
0x31: {  	[sflag:s7] =	ssyncadd.s32 $0xFFFFC000  }
0x32: {  	_ =	sfence.sel $0x180000  }
0x33: {  	[bflag:$0x0] =	sbarrier.arrive $0xFFFF  }
0x34: {  	p0 =	sne.s32 s1, $0x0;
	_ =	strace $0x90000056  }
0x35: {  	s0 =	sadd.s32 @!p0 $0x100000, s0;
	[bflag:$0x2] =	sbarrier.arrive $0xFFFF  }
0x36: {  	[sflag:s0] =	ssyncadd.tile.s32 @!p0 $0x1;
	_ =	shalt  }
.Lfunc_end2:
_tile_overlayer_lowered:
.L_overlay_start_2:
0x37: {  	(tag) =	ssettag $0x2  }
0x38: {  	s0 =	rddreg [dreg:$0x0];
	s2 =	stileid.u32  }
0x39: {  	s1 =	rddreg [dreg:$0x1];
	p0 =	sne.s32 s2, $0x0  }
0x3a: {  	s3 =	rddreg [dreg:$0x2];
	[bflag:$0x3] =	sbarrier.arrive $0xFFFF;
	s2 =	simm.s32 @!p0 $0x1C02  }
0x3b: {  	[timem:s3], [sflag:s2] =	dma.local @!p0 [hbm:s0], s1  }
0x3c: {  	s0 =	simm.s32 @!p0 $0x2  }
0x3d: {  	_ =	swait.ge @!p0 [sflag:s0], s1  }
0x3e: {  	s1 =	ssub.s32 @!p0 $0x0, s1;
	[sflag:s0] =	ssyncset.done @!p0 $0x0  }
0x3f: {  	[sflag:s0] =	ssyncadd.s32 @!p0 s1  }
0x40: {  	[bflag:$0x3] =	sbarrier.arrive $0xFFFF  }
0x41: {  	_ =	shalt  }

// kernel: kernel.46.cloned.1.call-start
scs
__scs_entry_jumppad:
0x0: {  	(pc) =	sbr.rel $0x88, $3  }
0x1: {  	(tag) =	ssettag $0x0;
	lr =	simm.s32 $0x1  }
0x2: {  	[smem:$0x3F78] =	sst lr;
	_ =	strace $0xD0000000  }
0x3: {  	_ = 	snop  }
0x4: {  	_ = 	snop  }
0x5: {  	_ = 	snop  }
0x6: {  	_ = 	snop  }
0x7: {  	_ = 	snop  }
__scs_overlays_trampoline_lowered:
0x8: {  	[smem:$0x3F87] =	sst s0  }
0x9: {  	[smem:$0x3F88] =	sst s1  }
0xa: {  	[smem:$0x3F89] =	sst s2  }
0xb: {  	[smem:$0x3F8A] =	sst s3  }
0xc: {  	[smem:$0x3F8B] =	sst s4  }
0xd: {  	[smem:$0x3F8C] =	sst s5  }
0xe: {  	[smem:$0x3F8D] =	sst s6  }
0xf: {  	[smem:$0x3F8E] =	sst s7  }
0x10: {  	[smem:$0x3F8F] =	sst s8  }
0x11: {  	[smem:$0x3F90] =	sst s9;
	s0 =	simm.s32 @!p0 $0x0  }
0x12: {  	s1 =	sld [smem:$0x3F76];
	s0 =	simm.s32 @p0 $0x1  }
0x13: {  	[smem:$0x3F91] =	sst s0;
	s0 =	simm.s32 @!p1 $0x0  }
0x14: {  	s2 =	sld [smem:$0x3F75];
	s0 =	simm.s32 @p1 $0x1  }
0x15: {  	[smem:$0x3F92] =	sst s0;
	s0 =	simm.s32 @!p2 $0x0  }
0x16: {  	s3 =	sld [smem:$0x3FDB];
	s0 =	simm.s32 @p2 $0x1  }
0x17: {  	s4 =	simm.s32 $0x1BF5;
	[smem:$0x3F94] =	sst s0  }
0x18: {  	s0 =	sld [smem:$0x3F77];
	_ =	swait.ge [sflag:s4], $0x0  }
0x19: {  	s7 =	sld [smem:$0x3F78]  }
0x1a: {  	s8 =	sadd.s32 $0xFFFFE003, lr  }
0x1b: {  	s9 =	sadd.s32 $0xFFFFFEF7, lr;
	s5 =	simm.s32 $0xFFFFFFFF;
	p2 =	slt.u32 s8, $0xFFFFF086  }
0x1c: {  	p1 =	slt.u32 s9, $0xF7A;
	s5 =	simm.s32 @!p2 $0x0  }
0x1d: {  	s5 =	simm.s32 @p1 $0x1;
	p0 =	seq.s32 s7, s2  }
0x1e: {  	s7 =	smul.u32 @!p0 $0xF7A, s2;
	p2 =	seq.s32 @!p0 s5, $0x0  }
0x1f: {  	s9 =	smul.u32 $0xF7A, s1;
	s8 =	simm.s32 @!p0 $0x1BF5;
	p2 =	por !p2, p0  }
0x20: {  	[sflag:s8] =	ssyncset.s32 @!p0 $0xFFFFF086;
	s6 =	sadd.s32 @!p0 s3, s7;
	s7 =	simm.s32 @!p0 $0x108  }
0x21: {  	s3 =	sadd.s32 s3, s9;
	s6 =	sadd.s32 @!p0 $0x88, s6;
	s7 =	simm.s32 @p2 $0x1082  }
0x22: {  	[simem:s7], [sflag:s8] =	dma.local @!p0 [hbm:s6], $0xF7A  }
0x23: {  	s9 =	sor.u32 $0xD0000000, s2;
	s6 =	simm.s32 $0x108;
	_ =	swait.ge @!p0 [sflag:s8], $0x0  }
0x24: {  	s3 =	sadd.s32 $0x88, s3;
	s6 =	simm.s32 @!p1 $0x1082;
	[sflag:s4] =	ssyncset.s32 $0xFFFFF086  }
0x25: {  	[simem:s6], [sflag:s4] =	dma.local [hbm:s3], $0xF7A  }
0x26: {  	[smem:$0x3F78] =	sst s1;
	(tag) =	ssettag s2;
	_ =	strace s9  }
0x27: {  	s1 =	sld [smem:$0x3F88]  }
0x28: {  	s2 =	sld [smem:$0x3F89]  }
0x29: {  	s4 =	sld [smem:$0x3F8B]  }
0x2a: {  	p0 =	seq.s32 s5, $0x0;
	s5 =	sld [smem:$0x3F8C]  }
0x2b: {  	s6 =	sld [smem:$0x3F8D]  }
0x2c: {  	s7 =	sld [smem:$0x3F8E]  }
0x2d: {  	s3 =	simm.s32 $0x108;
	s8 =	sld [smem:$0x3F8F]  }
0x2e: {  	s3 =	simm.s32 @!p0 $0x1082;
	s9 =	sld [smem:$0x3F90]  }
0x2f: {  	lr =	sadd.s32 s0, s3;
	s0 =	sld [smem:$0x3F87]  }
0x30: {  	s3 =	sld [smem:$0x3F8A]  }
0x31: {  	[smem:$0x3F93] =	sst s10  }
0x32: {  	s10 =	sld [smem:$0x3F91];
	_ =	sdelay $0x3  }
0x33: {  	p0 =	seq.s32 s10, $0x1;
	s10 =	sld [smem:$0x3F93];
	_ =	sdelay $0x3  }
0x34: {  	[smem:$0x3F93] =	sst s10  }
0x35: {  	s10 =	sld [smem:$0x3F92];
	_ =	sdelay $0x3  }
0x36: {  	p1 =	seq.s32 s10, $0x1;
	s10 =	sld [smem:$0x3F93];
	_ =	sdelay $0x3  }
0x37: {  	[smem:$0x3F93] =	sst s10  }
0x38: {  	s10 =	sld [smem:$0x3F94]  }
0x39: {  	_ = 	snop;
	(pc) =	sbr.ind lr, $3  }
0x3a: {  	_ = 	snop  }
0x3b: {  	_ = 	snop  }
0x3c: {  	p2 =	seq.s32 s10, $0x1;
	s10 =	sld [smem:$0x3F93]  }
0x3d: {  	_ =	shalt  }
0x3e: {  	_ =	shalt  }
0x3f: {  	_ =	shalt  }
0x40: {  	_ =	shalt  }
0x41: {  	_ =	shalt  }
0x42: {  	_ =	shalt  }
0x43: {  	_ =	shalt  }
0x44: {  	_ =	shalt  }
0x45: {  	_ =	shalt  }
0x46: {  	_ =	shalt  }
0x47: {  	_ =	shalt  }
0x48: {  	_ =	shalt  }
0x49: {  	_ =	shalt  }
0x4a: {  	_ =	shalt  }
0x4b: {  	_ =	shalt  }
0x4c: {  	_ =	shalt  }
0x4d: {  	_ =	shalt  }
0x4e: {  	_ =	shalt  }
0x4f: {  	_ =	shalt  }
0x50: {  	_ =	shalt  }
0x51: {  	_ =	shalt  }
0x52: {  	_ =	shalt  }
0x53: {  	_ =	shalt  }
0x54: {  	_ =	shalt  }
0x55: {  	_ =	shalt  }
0x56: {  	_ =	shalt  }
0x57: {  	_ =	shalt  }
0x58: {  	_ =	shalt  }
0x59: {  	_ =	shalt  }
0x5a: {  	_ =	shalt  }
0x5b: {  	_ =	shalt  }
0x5c: {  	_ =	shalt  }
0x5d: {  	_ =	shalt  }
0x5e: {  	_ =	shalt  }
0x5f: {  	_ =	shalt  }
0x60: {  	_ =	shalt  }
0x61: {  	_ =	shalt  }
0x62: {  	_ =	shalt  }
0x63: {  	_ =	shalt  }
0x64: {  	_ =	shalt  }
0x65: {  	_ =	shalt  }
0x66: {  	_ =	shalt  }
0x67: {  	_ =	shalt  }
0x68: {  	_ =	shalt  }
0x69: {  	_ =	shalt  }
0x6a: {  	_ =	shalt  }
0x6b: {  	_ =	shalt  }
0x6c: {  	_ =	shalt  }
0x6d: {  	_ =	shalt  }
0x6e: {  	_ =	shalt  }
0x6f: {  	_ =	shalt  }
0x70: {  	_ =	shalt  }
0x71: {  	_ =	shalt  }
0x72: {  	_ =	shalt  }
0x73: {  	_ =	shalt  }
0x74: {  	_ =	shalt  }
0x75: {  	_ =	shalt  }
0x76: {  	_ =	shalt  }
0x77: {  	_ =	shalt  }
0x78: {  	_ =	shalt  }
0x79: {  	_ =	shalt  }
0x7a: {  	_ =	shalt  }
0x7b: {  	_ =	shalt  }
0x7c: {  	_ =	shalt  }
0x7d: {  	_ =	shalt  }
0x7e: {  	_ =	shalt  }
0x7f: {  	_ =	shalt  }
0x80: {  	_ =	shalt  }
0x81: {  	_ =	shalt  }
0x82: {  	_ =	shalt  }
0x83: {  	_ =	shalt  }
0x84: {  	_ =	shalt  }
0x85: {  	_ =	shalt  }
0x86: {  	_ =	shalt  }
0x87: {  	_ =	shalt  }
.Lfunc_end0:
.L_simem_size_0:
called_computation.6_lowered:
.L_overlay_start_0:
0x88: {  	s2 =	sld [smem:$0x3FD9]  }
0x89: {  	s3 =	sld [smem:$0x3FFE];
	_ =	sdelay $0x1  }
0x8a: {  	s1 =	srdreg.scid  }
0x8b: {  	s0 =	sand.u32 $0x1, s1  }
0x8c: {  	s17 =	sshll.u32 s0, $0xA;
	s2 =	sadd.s32 s3, s2  }
0x8d: {  	s2 =	sadd.s32 s2, s17  }
0x8e: {  	[smem:$0x3F9F] =	sst s2  }
0x8f: {  	_ = 	snop  }
0x90: {  	s2 =	sld [smem:$0x3FD0];
	(tm) =	ssettm $0x1  }
0x91: {  	s18 =	sld [smem:$0x3FFB];
	_ =	sdelay $0x3  }
0x92: {  	_ =	strace s18  }
0x93: {  	s3 =	sld [smem:$0x3FFC];
	_ =	sdelay $0x3  }
0x94: {  	_ =	strace s3  }
0x95: {  	s3 =	sld [smem:$0x3FFD];
	_ =	sdelay $0x3  }
0x96: {  	_ =	strace s3  }
0x97: {  	_ =	strace $0x8FFFFFFF  }
0x98: {  	s19 =	sld [smem:$0x3FDB];
	_ =	sdelay $0x1  }
0x99: {  	s4 =	simm.s32 $_scs_section_size  }
0x9a: {  	s5 =	simm.s32 $_size__tile_overlayer_lowered;
	s6 =	simm.s32 $_tile_overlayer_lowered  }
0x9b: {  	s22 =	simm.s32 $0x1BFF;
	s21 =	sshll.u32 s6, $0x1;
	s3 =	sadd.s32 s4, s19  }
0x9c: {  	s7 =	simm.s32 $0x0;
	s20 =	sshll.u32 s5, $0x1;
	s5 =	sadd.s32 s21, s3  }
0x9d: {  	[timem:s7], [sflag:s22] =	dma.local [hbm:s5], s20  }
0x9e: {  	_ =	swait.ge [sflag:s22], s20  }
0x9f: {  	s4 =	ssub.s32 $0x0, s20;
	[sflag:s22] =	ssyncset.done $0x0  }
0xa0: {  	[sflag:s22] =	ssyncadd.s32 s4;
	_ =	sdelay $0x1  }
0xa1: {  	s23 =	simm.s32 $0x1B8B  }
0xa2: {  	_ =	swait.ge [sflag:s23], $0x1  }
0xa3: {  	[sflag:s23] =	ssyncset.done $0x0  }
0xa4: {  	s25 =	simm.s32 $0x1B8E;
	s24 =	sld [smem:$0x3FFE];
	[sflag:s23] =	ssyncadd.s32 $0xFFFFFFFF  }
0xa5: {  	s26 =	simm.s32 $execute0_lowered;
	[smem:$0x3FD2] =	sst s25  }
0xa6: {  	s5 =	sshll.u32 s26, $0x1;
	_ =	strace $0x80000058;
	[dreg:$0x1] =	wrdreg $0xFFFFFFFF  }
0xa7: {  	s28 =	simm.s32 $_size_execute0_lowered;
	s3 =	sadd.s32 s3, s5;
	[dreg:$0x0] =	wrdreg $0x0  }
0xa8: {  	s5 =	sshll.u32 s28, $0x1;
	[dreg:$0x2] =	wrdreg s3  }
0xa9: {  	[dreg:$0x3] =	wrdreg s5  }
0xaa: {  	[dreg:$0x4] =	wrdreg $0xC0  }
0xab: {  	_ =	task [dreg:s7], $0x5FFFF  }
0xac: {  	[dreg:$0x1] =	wrdreg $0xFFFFFFFF  }
0xad: {  	[dreg:$0x0] =	wrdreg $0x60  }
0xae: {  	[dreg:$0x2] =	wrdreg s24  }
0xaf: {  	[dreg:$0x3] =	wrdreg s2  }
0xb0: {  	[dreg:$0x4] =	wrdreg $0x9  }
0xb1: {  	_ =	task.clear_ibuf [dreg:s7], $0x5FFFF;
	_ =	strace $0x90000058  }
0xb2: {  	s29 =	simm.s32 $0x9;
	_ =	strace $0x8000005A  }
0xb3: {  	_ =	swait.ge [sflag:s29], $0x1  }
0xb4: {  	[sflag:s29] =	ssyncadd.s32 $0xFFFFFFFF  }
0xb5: {  	_ =	strace $0x9000005A  }
0xb6: {  	_ =	sfence  }
0xb7: {  	s30 =	sld [smem:$0x0];
	_ =	sdelay $0x2  }
0xb8: {  	s31 =	sshll.u32 s1, $0xD;
	s1 =	sshrl.u32 s1, $0x2  }
0xb9: {  	s3 =	sand.u32 $0x4000, s31;
	s1 =	sadd.s32 s1, s30  }
0xba: {  	s0 =	sor.u32 s3, s0;
	s1 =	sshll.u32 s1, $0x11  }
0xbb: {  	s0 =	sor.u32 s1, s0  }
0xbc: {  	s0 =	sadd.s32 $0x8F2B, s0  }
0xbd: {  	[sflag:s0] =	ssyncadd.remote.s32 $0x1  }
0xbe: {  	_ =	sfence.sel $0xFFFF  }
0xbf: {  	[dreg:$0x0] =	wrdreg $0xFFFFFFFF;
	(pc) =	sbr.abs _section_cstart, $3  }
0xc0: {  	[dreg:$0x1] =	wrdreg $0xFFFFFFFF  }
0xc1: {  	_ =	task.clear_ibuf [dreg:s7], $0x2FFFF;
	_ =	strace $0x9FFFFFFF  }
0xc2: {  	(tm) =	ssettm $0x7FFFFFFF  }
0xc3: {  	_ =	shalt  }
tec
execute0_lowered:
.L_overlay_start_1:
0x0: {  	(tag) =	ssettag $0x1  }
0x1: {  	s4 =	rddreg [dreg:$0x0]  }
0x2: {  	s2 =	rddreg [dreg:$0x1]  }
0x3: {  	s0 =	rddreg [dreg:$0x2];
	s1 =	stileid.u32  }
0x4: {  	s5 =	srdreg.scid;
	s3 =	simm.s32 $0x0;
	s6 =	smul.u32 $0xD00, s1  }
0x5: {  	s10 =	simm.s32 $0x0;
	s5 =	sand.u32 $0x1, s5;
	s8 =	smul.u32 $0xD000, s1  }
0x6: {  	[smem:$0x7FF] =	sst s3;
	s7 =	smul.u32 $0x680, s5;
	s9 =	ssub.s32 $0x2, s5  }
0x7: {  	_ =	strace $0x80000059;
	s5 =	smul.u32 $0x6800, s5;
	s31 =	sshrl.u32 s9, $0x1  }
0x8: {  	s8 =	sadd.s32 s8, s4;
	s6 =	sadd.s32 s7, s6;
	s7 =	ssub.s32 s9, s31  }
0x9: {  	s5 =	sadd.s32 s5, s8;
	s8 =	simm.s32 $0x80;
	s6 =	sshrl.u32 s6, $0x3  }
0xa: {  	s9 =	simm.s32 $0x1;
	s5 =	sadd.s32 $0x1AB000, s5;
	s6 =	sadd.s32 s6, s4  }
0xb: {  	s4 =	smax.u32 s7, $0x1;
	s7 =	simm.s32 $0x2;
	s6 =	sadd.s32 $0x73600, s6  }
.LBB2_1:
0xc: {  	s11 =	sadd.s32 $0x0, s6  }
0xd: {  	[tilespmem:s3], [sflag:$0x2] =	stream.linear.gather [hbm4b:s11+s3], $0x80, $0x38;
	[tilespmem:$0x4080] =	vst v63  }
0xe: {  	_ =	swait.ge [sflag:s7], $0x80  }
0xf: {  	[sflag:s7] =	ssyncset.done $0x0  }
0x10: {  	[sflag:s7] =	ssyncadd.s32 $0xFFFFFF80  }
0x11: {  	[tilespmem:s8], [sflag:$0x1] =	stream.indirect.gather [hbm4b:s2+s8], $0x80, s3, s8, $0xb8;
	[tilespmem:$0x4080] =	vst v63  }
0x12: {  	_ =	swait.ge [sflag:s9], $0x4000  }
0x13: {  	[sflag:s9] =	ssyncset.done $0x0  }
0x14: {  	[sflag:s9] =	ssyncadd.s32 $0xFFFFC000  }
0x15: {  	[hbm4b:s5+s3] =	stream.linear.scatter [tilespmem:s8], [sflag:$0x2], $0x4000, $0x38;
	[tilespmem:$0x4080] =	vst v63  }
0x16: {  	s12 =	simm.s32 $0x10;
	_ =	swait.ge [sflag:s7], $0x4000  }
0x17: {  	s13 =	simm.s32 $0x20;
	s11 =	sadd.s32 $0x800, s5;
	[sflag:s7] =	ssyncset.done $0x0  }
.LBB2_2:
0x18: {  	s14 =	sadd.s32 s12, s6  }
0x19: {  	[sflag:s7] =	ssyncadd.s32 $0xFFFFC000;
	s12 =	smov.u32 s13;
	s15 =	sadd.s32 $0x10, s13  }
0x1a: {  	[tilespmem:s3], [sflag:$0x2] =	stream.linear.gather [hbm4b:s14+s3], $0x80, $0x38;
	[tilespmem:$0x4080] =	vst v63  }
0x1b: {  	p0 =	sne.s32 s13, $0xC0;
	_ =	swait.ge [sflag:s7], $0x80  }
0x1c: {  	[sflag:s7] =	ssyncset.done $0x0  }
0x1d: {  	[sflag:s7] =	ssyncadd.s32 $0xFFFFFF80  }
0x1e: {  	[tilespmem:s8], [sflag:$0x1] =	stream.indirect.gather [hbm4b:s2+s8], $0x80, s3, s8, $0xb8;
	[tilespmem:$0x4080] =	vst v63  }
0x1f: {  	_ =	swait.ge [sflag:s9], $0x4000  }
.Ltmp0:
0x20: {  	[sflag:s9] =	ssyncset.done $0x0;
	(pc) =	sbr.rel @p0 .LBB2_2-.Ltmp0, $4  }
0x21: {  	[sflag:s9] =	ssyncadd.s32 $0xFFFFC000  }
0x22: {  	[hbm4b:s11+s3] =	stream.linear.scatter [tilespmem:s8], [sflag:$0x2], $0x4000, $0x38;
	[tilespmem:$0x4080] =	vst v63  }
0x23: {  	_ =	swait.ge [sflag:s7], $0x4000  }
0x24: {  	s13 =	smov.u32 s15;
	s11 =	sadd.s32 $0x800, s11;
	[sflag:s7] =	ssyncset.done $0x0  }
0x25: {  	s12 =	sadd.s32 s12, s6;
	[sflag:s7] =	ssyncadd.s32 $0xFFFFC000  }
0x26: {  	[tilespmem:s3], [sflag:$0x2] =	stream.linear.gather [hbm4b:s12+s3], $0x80, $0x38;
	[tilespmem:$0x4080] =	vst v63  }
0x27: {  	_ =	swait.ge [sflag:s7], $0x80  }
0x28: {  	[sflag:s7] =	ssyncset.done $0x0  }
0x29: {  	[sflag:s7] =	ssyncadd.s32 $0xFFFFFF80  }
0x2a: {  	[tilespmem:s8], [sflag:$0x1] =	stream.indirect.gather [hbm4b:s2+s8], $0x80, s3, s8, $0xb8;
	[tilespmem:$0x4080] =	vst v63  }
0x2b: {  	s10 =	sadd.s32 $0x1, s10;
	_ =	swait.ge [sflag:s9], $0x4000  }
0x2c: {  	p0 =	sne.s32 s10, s4;
	[sflag:s9] =	ssyncset.done $0x0  }
.Ltmp1:
0x2d: {  	[sflag:s9] =	ssyncadd.s32 $0xFFFFC000;
	(pc) =	sbr.rel @p0 .LBB2_1-.Ltmp1, $4  }
0x2e: {  	[hbm4b:s11+s3] =	stream.linear.scatter [tilespmem:s8], [sflag:$0x2], $0x4000, $0x38;
	[tilespmem:$0x4080] =	vst v63  }
0x2f: {  	_ =	swait.ge [sflag:s7], $0x4000  }
0x30: {  	[sflag:s7] =	ssyncset.done $0x0  }
0x31: {  	[sflag:s7] =	ssyncadd.s32 $0xFFFFC000  }
0x32: {  	_ =	sfence.sel $0x180000  }
0x33: {  	[bflag:$0x0] =	sbarrier.arrive $0xFFFF  }
0x34: {  	p0 =	sne.s32 s1, $0x0;
	_ =	strace $0x90000059  }
0x35: {  	s0 =	sadd.s32 @!p0 $0x100000, s0;
	[bflag:$0x2] =	sbarrier.arrive $0xFFFF  }
0x36: {  	[sflag:s0] =	ssyncadd.tile.s32 @!p0 $0x1;
	_ =	shalt  }
.Lfunc_end2:
_tile_overlayer_lowered:
.L_overlay_start_2:
0x37: {  	(tag) =	ssettag $0x2  }
0x38: {  	s0 =	rddreg [dreg:$0x0];
	s2 =	stileid.u32  }
0x39: {  	s1 =	rddreg [dreg:$0x1];
	p0 =	sne.s32 s2, $0x0  }
0x3a: {  	s3 =	rddreg [dreg:$0x2];
	[bflag:$0x3] =	sbarrier.arrive $0xFFFF;
	s2 =	simm.s32 @!p0 $0x1C02  }
0x3b: {  	[timem:s3], [sflag:s2] =	dma.local @!p0 [hbm:s0], s1  }
0x3c: {  	s0 =	simm.s32 @!p0 $0x2  }
0x3d: {  	_ =	swait.ge @!p0 [sflag:s0], s1  }
0x3e: {  	s1 =	ssub.s32 @!p0 $0x0, s1;
	[sflag:s0] =	ssyncset.done @!p0 $0x0  }
0x3f: {  	[sflag:s0] =	ssyncadd.s32 @!p0 s1  }
0x40: {  	[bflag:$0x3] =	sbarrier.arrive $0xFFFF  }
0x41: {  	_ =	shalt  }

// kernel: kernel.49.cloned.1.call-start
scs
__scs_entry_jumppad:
0x0: {  	(pc) =	sbr.rel $0x88, $3  }
0x1: {  	(tag) =	ssettag $0x0;
	lr =	simm.s32 $0x1  }
0x2: {  	[smem:$0x3F78] =	sst lr;
	_ =	strace $0xD0000000  }
0x3: {  	_ = 	snop  }
0x4: {  	_ = 	snop  }
0x5: {  	_ = 	snop  }
0x6: {  	_ = 	snop  }
0x7: {  	_ = 	snop  }
__scs_overlays_trampoline_lowered:
0x8: {  	[smem:$0x3F87] =	sst s0  }
0x9: {  	[smem:$0x3F88] =	sst s1  }
0xa: {  	[smem:$0x3F89] =	sst s2  }
0xb: {  	[smem:$0x3F8A] =	sst s3  }
0xc: {  	[smem:$0x3F8B] =	sst s4  }
0xd: {  	[smem:$0x3F8C] =	sst s5  }
0xe: {  	[smem:$0x3F8D] =	sst s6  }
0xf: {  	[smem:$0x3F8E] =	sst s7  }
0x10: {  	[smem:$0x3F8F] =	sst s8  }
0x11: {  	[smem:$0x3F90] =	sst s9;
	s0 =	simm.s32 @!p0 $0x0  }
0x12: {  	s1 =	sld [smem:$0x3F76];
	s0 =	simm.s32 @p0 $0x1  }
0x13: {  	[smem:$0x3F91] =	sst s0;
	s0 =	simm.s32 @!p1 $0x0  }
0x14: {  	s2 =	sld [smem:$0x3F75];
	s0 =	simm.s32 @p1 $0x1  }
0x15: {  	[smem:$0x3F92] =	sst s0;
	s0 =	simm.s32 @!p2 $0x0  }
0x16: {  	s3 =	sld [smem:$0x3FDB];
	s0 =	simm.s32 @p2 $0x1  }
0x17: {  	s4 =	simm.s32 $0x1BF5;
	[smem:$0x3F94] =	sst s0  }
0x18: {  	s0 =	sld [smem:$0x3F77];
	_ =	swait.ge [sflag:s4], $0x0  }
0x19: {  	s7 =	sld [smem:$0x3F78]  }
0x1a: {  	s8 =	sadd.s32 $0xFFFFE003, lr  }
0x1b: {  	s9 =	sadd.s32 $0xFFFFFEF7, lr;
	s5 =	simm.s32 $0xFFFFFFFF;
	p2 =	slt.u32 s8, $0xFFFFF086  }
0x1c: {  	p1 =	slt.u32 s9, $0xF7A;
	s5 =	simm.s32 @!p2 $0x0  }
0x1d: {  	s5 =	simm.s32 @p1 $0x1;
	p0 =	seq.s32 s7, s2  }
0x1e: {  	s7 =	smul.u32 @!p0 $0xF7A, s2;
	p2 =	seq.s32 @!p0 s5, $0x0  }
0x1f: {  	s9 =	smul.u32 $0xF7A, s1;
	s8 =	simm.s32 @!p0 $0x1BF5;
	p2 =	por !p2, p0  }
0x20: {  	[sflag:s8] =	ssyncset.s32 @!p0 $0xFFFFF086;
	s6 =	sadd.s32 @!p0 s3, s7;
	s7 =	simm.s32 @!p0 $0x108  }
0x21: {  	s3 =	sadd.s32 s3, s9;
	s6 =	sadd.s32 @!p0 $0x88, s6;
	s7 =	simm.s32 @p2 $0x1082  }
0x22: {  	[simem:s7], [sflag:s8] =	dma.local @!p0 [hbm:s6], $0xF7A  }
0x23: {  	s9 =	sor.u32 $0xD0000000, s2;
	s6 =	simm.s32 $0x108;
	_ =	swait.ge @!p0 [sflag:s8], $0x0  }
0x24: {  	s3 =	sadd.s32 $0x88, s3;
	s6 =	simm.s32 @!p1 $0x1082;
	[sflag:s4] =	ssyncset.s32 $0xFFFFF086  }
0x25: {  	[simem:s6], [sflag:s4] =	dma.local [hbm:s3], $0xF7A  }
0x26: {  	[smem:$0x3F78] =	sst s1;
	(tag) =	ssettag s2;
	_ =	strace s9  }
0x27: {  	s1 =	sld [smem:$0x3F88]  }
0x28: {  	s2 =	sld [smem:$0x3F89]  }
0x29: {  	s4 =	sld [smem:$0x3F8B]  }
0x2a: {  	p0 =	seq.s32 s5, $0x0;
	s5 =	sld [smem:$0x3F8C]  }
0x2b: {  	s6 =	sld [smem:$0x3F8D]  }
0x2c: {  	s7 =	sld [smem:$0x3F8E]  }
0x2d: {  	s3 =	simm.s32 $0x108;
	s8 =	sld [smem:$0x3F8F]  }
0x2e: {  	s3 =	simm.s32 @!p0 $0x1082;
	s9 =	sld [smem:$0x3F90]  }
0x2f: {  	lr =	sadd.s32 s0, s3;
	s0 =	sld [smem:$0x3F87]  }
0x30: {  	s3 =	sld [smem:$0x3F8A]  }
0x31: {  	[smem:$0x3F93] =	sst s10  }
0x32: {  	s10 =	sld [smem:$0x3F91];
	_ =	sdelay $0x3  }
0x33: {  	p0 =	seq.s32 s10, $0x1;
	s10 =	sld [smem:$0x3F93];
	_ =	sdelay $0x3  }
0x34: {  	[smem:$0x3F93] =	sst s10  }
0x35: {  	s10 =	sld [smem:$0x3F92];
	_ =	sdelay $0x3  }
0x36: {  	p1 =	seq.s32 s10, $0x1;
	s10 =	sld [smem:$0x3F93];
	_ =	sdelay $0x3  }
0x37: {  	[smem:$0x3F93] =	sst s10  }
0x38: {  	s10 =	sld [smem:$0x3F94]  }
0x39: {  	_ = 	snop;
	(pc) =	sbr.ind lr, $3  }
0x3a: {  	_ = 	snop  }
0x3b: {  	_ = 	snop  }
0x3c: {  	p2 =	seq.s32 s10, $0x1;
	s10 =	sld [smem:$0x3F93]  }
0x3d: {  	_ =	shalt  }
0x3e: {  	_ =	shalt  }
0x3f: {  	_ =	shalt  }
0x40: {  	_ =	shalt  }
0x41: {  	_ =	shalt  }
0x42: {  	_ =	shalt  }
0x43: {  	_ =	shalt  }
0x44: {  	_ =	shalt  }
0x45: {  	_ =	shalt  }
0x46: {  	_ =	shalt  }
0x47: {  	_ =	shalt  }
0x48: {  	_ =	shalt  }
0x49: {  	_ =	shalt  }
0x4a: {  	_ =	shalt  }
0x4b: {  	_ =	shalt  }
0x4c: {  	_ =	shalt  }
0x4d: {  	_ =	shalt  }
0x4e: {  	_ =	shalt  }
0x4f: {  	_ =	shalt  }
0x50: {  	_ =	shalt  }
0x51: {  	_ =	shalt  }
0x52: {  	_ =	shalt  }
0x53: {  	_ =	shalt  }
0x54: {  	_ =	shalt  }
0x55: {  	_ =	shalt  }
0x56: {  	_ =	shalt  }
0x57: {  	_ =	shalt  }
0x58: {  	_ =	shalt  }
0x59: {  	_ =	shalt  }
0x5a: {  	_ =	shalt  }
0x5b: {  	_ =	shalt  }
0x5c: {  	_ =	shalt  }
0x5d: {  	_ =	shalt  }
0x5e: {  	_ =	shalt  }
0x5f: {  	_ =	shalt  }
0x60: {  	_ =	shalt  }
0x61: {  	_ =	shalt  }
0x62: {  	_ =	shalt  }
0x63: {  	_ =	shalt  }
0x64: {  	_ =	shalt  }
0x65: {  	_ =	shalt  }
0x66: {  	_ =	shalt  }
0x67: {  	_ =	shalt  }
0x68: {  	_ =	shalt  }
0x69: {  	_ =	shalt  }
0x6a: {  	_ =	shalt  }
0x6b: {  	_ =	shalt  }
0x6c: {  	_ =	shalt  }
0x6d: {  	_ =	shalt  }
0x6e: {  	_ =	shalt  }
0x6f: {  	_ =	shalt  }
0x70: {  	_ =	shalt  }
0x71: {  	_ =	shalt  }
0x72: {  	_ =	shalt  }
0x73: {  	_ =	shalt  }
0x74: {  	_ =	shalt  }
0x75: {  	_ =	shalt  }
0x76: {  	_ =	shalt  }
0x77: {  	_ =	shalt  }
0x78: {  	_ =	shalt  }
0x79: {  	_ =	shalt  }
0x7a: {  	_ =	shalt  }
0x7b: {  	_ =	shalt  }
0x7c: {  	_ =	shalt  }
0x7d: {  	_ =	shalt  }
0x7e: {  	_ =	shalt  }
0x7f: {  	_ =	shalt  }
0x80: {  	_ =	shalt  }
0x81: {  	_ =	shalt  }
0x82: {  	_ =	shalt  }
0x83: {  	_ =	shalt  }
0x84: {  	_ =	shalt  }
0x85: {  	_ =	shalt  }
0x86: {  	_ =	shalt  }
0x87: {  	_ =	shalt  }
.Lfunc_end0:
.L_simem_size_0:
called_computation.7_lowered:
.L_overlay_start_0:
0x88: {  	s2 =	sld [smem:$0x3FD9]  }
0x89: {  	s3 =	sld [smem:$0x3FFE];
	_ =	sdelay $0x1  }
0x8a: {  	s1 =	srdreg.scid  }
0x8b: {  	s0 =	sand.u32 $0x1, s1  }
0x8c: {  	s17 =	sshll.u32 s0, $0xA;
	s2 =	sadd.s32 s3, s2  }
0x8d: {  	s2 =	sadd.s32 s2, s17  }
0x8e: {  	[smem:$0x3F9F] =	sst s2  }
0x8f: {  	_ = 	snop  }
0x90: {  	s2 =	sld [smem:$0x3FD0];
	(tm) =	ssettm $0x1  }
0x91: {  	s18 =	sld [smem:$0x3FFB];
	_ =	sdelay $0x3  }
0x92: {  	_ =	strace s18  }
0x93: {  	s3 =	sld [smem:$0x3FFC];
	_ =	sdelay $0x3  }
0x94: {  	_ =	strace s3  }
0x95: {  	s3 =	sld [smem:$0x3FFD];
	_ =	sdelay $0x3  }
0x96: {  	_ =	strace s3  }
0x97: {  	_ =	strace $0x8FFFFFFF  }
0x98: {  	s19 =	sld [smem:$0x3FDB];
	_ =	sdelay $0x1  }
0x99: {  	s4 =	simm.s32 $_scs_section_size  }
0x9a: {  	s5 =	simm.s32 $_size__tile_overlayer_lowered;
	s6 =	simm.s32 $_tile_overlayer_lowered  }
0x9b: {  	s22 =	simm.s32 $0x1BFF;
	s21 =	sshll.u32 s6, $0x1;
	s3 =	sadd.s32 s4, s19  }
0x9c: {  	s7 =	simm.s32 $0x0;
	s20 =	sshll.u32 s5, $0x1;
	s5 =	sadd.s32 s21, s3  }
0x9d: {  	[timem:s7], [sflag:s22] =	dma.local [hbm:s5], s20  }
0x9e: {  	_ =	swait.ge [sflag:s22], s20  }
0x9f: {  	s4 =	ssub.s32 $0x0, s20;
	[sflag:s22] =	ssyncset.done $0x0  }
0xa0: {  	[sflag:s22] =	ssyncadd.s32 s4;
	_ =	sdelay $0x1  }
0xa1: {  	s23 =	simm.s32 $0x1B8B  }
0xa2: {  	_ =	swait.ge [sflag:s23], $0x1  }
0xa3: {  	[sflag:s23] =	ssyncset.done $0x0  }
0xa4: {  	s25 =	simm.s32 $0x1B8E;
	s24 =	sld [smem:$0x3FFE];
	[sflag:s23] =	ssyncadd.s32 $0xFFFFFFFF  }
0xa5: {  	s26 =	simm.s32 $execute0_lowered;
	[smem:$0x3FD2] =	sst s25  }
0xa6: {  	s5 =	sshll.u32 s26, $0x1;
	_ =	strace $0x8000005B;
	[dreg:$0x1] =	wrdreg $0xFFFFFFFF  }
0xa7: {  	s28 =	simm.s32 $_size_execute0_lowered;
	s3 =	sadd.s32 s3, s5;
	[dreg:$0x0] =	wrdreg $0x0  }
0xa8: {  	s5 =	sshll.u32 s28, $0x1;
	[dreg:$0x2] =	wrdreg s3  }
0xa9: {  	[dreg:$0x3] =	wrdreg s5  }
0xaa: {  	[dreg:$0x4] =	wrdreg $0xC0  }
0xab: {  	_ =	task [dreg:s7], $0x5FFFF  }
0xac: {  	[dreg:$0x1] =	wrdreg $0xFFFFFFFF  }
0xad: {  	[dreg:$0x0] =	wrdreg $0x60  }
0xae: {  	[dreg:$0x2] =	wrdreg s24  }
0xaf: {  	[dreg:$0x3] =	wrdreg s2  }
0xb0: {  	[dreg:$0x4] =	wrdreg $0x9  }
0xb1: {  	_ =	task.clear_ibuf [dreg:s7], $0x5FFFF;
	_ =	strace $0x9000005B  }
0xb2: {  	s29 =	simm.s32 $0x9;
	_ =	strace $0x8000005D  }
0xb3: {  	_ =	swait.ge [sflag:s29], $0x1  }
0xb4: {  	[sflag:s29] =	ssyncadd.s32 $0xFFFFFFFF  }
0xb5: {  	_ =	strace $0x9000005D  }
0xb6: {  	_ =	sfence  }
0xb7: {  	s30 =	sld [smem:$0x0];
	_ =	sdelay $0x2  }
0xb8: {  	s31 =	sshll.u32 s1, $0xD;
	s1 =	sshrl.u32 s1, $0x2  }
0xb9: {  	s3 =	sand.u32 $0x4000, s31;
	s1 =	sadd.s32 s1, s30  }
0xba: {  	s0 =	sor.u32 s3, s0;
	s1 =	sshll.u32 s1, $0x11  }
0xbb: {  	s0 =	sor.u32 s1, s0  }
0xbc: {  	s0 =	sadd.s32 $0x8F2B, s0  }
0xbd: {  	[sflag:s0] =	ssyncadd.remote.s32 $0x1  }
0xbe: {  	_ =	sfence.sel $0xFFFF  }
0xbf: {  	[dreg:$0x0] =	wrdreg $0xFFFFFFFF;
	(pc) =	sbr.abs _section_cstart, $3  }
0xc0: {  	[dreg:$0x1] =	wrdreg $0xFFFFFFFF  }
0xc1: {  	_ =	task.clear_ibuf [dreg:s7], $0x2FFFF;
	_ =	strace $0x9FFFFFFF  }
0xc2: {  	(tm) =	ssettm $0x7FFFFFFF  }
0xc3: {  	_ =	shalt  }
tec
execute0_lowered:
.L_overlay_start_1:
0x0: {  	(tag) =	ssettag $0x1  }
0x1: {  	s4 =	rddreg [dreg:$0x0]  }
0x2: {  	s2 =	rddreg [dreg:$0x1]  }
0x3: {  	s0 =	rddreg [dreg:$0x2];
	s1 =	stileid.u32  }
0x4: {  	s5 =	srdreg.scid;
	s3 =	simm.s32 $0x0;
	s6 =	smul.u32 $0xD00, s1  }
0x5: {  	s10 =	simm.s32 $0x0;
	s5 =	sand.u32 $0x1, s5;
	s8 =	smul.u32 $0xD000, s1  }
0x6: {  	[smem:$0x7FF] =	sst s3;
	s7 =	smul.u32 $0x680, s5;
	s9 =	ssub.s32 $0x2, s5  }
0x7: {  	_ =	strace $0x8000005C;
	s5 =	smul.u32 $0x6800, s5;
	s31 =	sshrl.u32 s9, $0x1  }
0x8: {  	s8 =	sadd.s32 s8, s4;
	s6 =	sadd.s32 s7, s6;
	s7 =	ssub.s32 s9, s31  }
0x9: {  	s5 =	sadd.s32 s5, s8;
	s8 =	simm.s32 $0x80;
	s6 =	sshrl.u32 s6, $0x3  }
0xa: {  	s9 =	simm.s32 $0x1;
	s5 =	sadd.s32 $0x1AB000, s5;
	s6 =	sadd.s32 s6, s4  }
0xb: {  	s4 =	smax.u32 s7, $0x1;
	s7 =	simm.s32 $0x2;
	s6 =	sadd.s32 $0x73600, s6  }
.LBB2_1:
0xc: {  	s11 =	sadd.s32 $0x0, s6  }
0xd: {  	[tilespmem:s3], [sflag:$0x2] =	stream.linear.gather [hbm4b:s11+s3], $0x80, $0x38;
	[tilespmem:$0x4080] =	vst v63  }
0xe: {  	_ =	swait.ge [sflag:s7], $0x80  }
0xf: {  	[sflag:s7] =	ssyncset.done $0x0  }
0x10: {  	[sflag:s7] =	ssyncadd.s32 $0xFFFFFF80  }
0x11: {  	[tilespmem:s8], [sflag:$0x1] =	stream.indirect.gather [hbm4b:s2+s8], $0x80, s3, s8, $0xb8;
	[tilespmem:$0x4080] =	vst v63  }
0x12: {  	_ =	swait.ge [sflag:s9], $0x4000  }
0x13: {  	[sflag:s9] =	ssyncset.done $0x0  }
0x14: {  	[sflag:s9] =	ssyncadd.s32 $0xFFFFC000  }
0x15: {  	[hbm4b:s5+s3] =	stream.linear.scatter [tilespmem:s8], [sflag:$0x2], $0x4000, $0x38;
	[tilespmem:$0x4080] =	vst v63  }
0x16: {  	s12 =	simm.s32 $0x10;
	_ =	swait.ge [sflag:s7], $0x4000  }
0x17: {  	s13 =	simm.s32 $0x20;
	s11 =	sadd.s32 $0x800, s5;
	[sflag:s7] =	ssyncset.done $0x0  }
.LBB2_2:
0x18: {  	s14 =	sadd.s32 s12, s6  }
0x19: {  	[sflag:s7] =	ssyncadd.s32 $0xFFFFC000;
	s12 =	smov.u32 s13;
	s15 =	sadd.s32 $0x10, s13  }
0x1a: {  	[tilespmem:s3], [sflag:$0x2] =	stream.linear.gather [hbm4b:s14+s3], $0x80, $0x38;
	[tilespmem:$0x4080] =	vst v63  }
0x1b: {  	p0 =	sne.s32 s13, $0xC0;
	_ =	swait.ge [sflag:s7], $0x80  }
0x1c: {  	[sflag:s7] =	ssyncset.done $0x0  }
0x1d: {  	[sflag:s7] =	ssyncadd.s32 $0xFFFFFF80  }
0x1e: {  	[tilespmem:s8], [sflag:$0x1] =	stream.indirect.gather [hbm4b:s2+s8], $0x80, s3, s8, $0xb8;
	[tilespmem:$0x4080] =	vst v63  }
0x1f: {  	_ =	swait.ge [sflag:s9], $0x4000  }
.Ltmp0:
0x20: {  	[sflag:s9] =	ssyncset.done $0x0;
	(pc) =	sbr.rel @p0 .LBB2_2-.Ltmp0, $4  }
0x21: {  	[sflag:s9] =	ssyncadd.s32 $0xFFFFC000  }
0x22: {  	[hbm4b:s11+s3] =	stream.linear.scatter [tilespmem:s8], [sflag:$0x2], $0x4000, $0x38;
	[tilespmem:$0x4080] =	vst v63  }
0x23: {  	_ =	swait.ge [sflag:s7], $0x4000  }
0x24: {  	s13 =	smov.u32 s15;
	s11 =	sadd.s32 $0x800, s11;
	[sflag:s7] =	ssyncset.done $0x0  }
0x25: {  	s12 =	sadd.s32 s12, s6;
	[sflag:s7] =	ssyncadd.s32 $0xFFFFC000  }
0x26: {  	[tilespmem:s3], [sflag:$0x2] =	stream.linear.gather [hbm4b:s12+s3], $0x80, $0x38;
	[tilespmem:$0x4080] =	vst v63  }
0x27: {  	_ =	swait.ge [sflag:s7], $0x80  }
0x28: {  	[sflag:s7] =	ssyncset.done $0x0  }
0x29: {  	[sflag:s7] =	ssyncadd.s32 $0xFFFFFF80  }
0x2a: {  	[tilespmem:s8], [sflag:$0x1] =	stream.indirect.gather [hbm4b:s2+s8], $0x80, s3, s8, $0xb8;
	[tilespmem:$0x4080] =	vst v63  }
0x2b: {  	s10 =	sadd.s32 $0x1, s10;
	_ =	swait.ge [sflag:s9], $0x4000  }
0x2c: {  	p0 =	sne.s32 s10, s4;
	[sflag:s9] =	ssyncset.done $0x0  }
.Ltmp1:
0x2d: {  	[sflag:s9] =	ssyncadd.s32 $0xFFFFC000;
	(pc) =	sbr.rel @p0 .LBB2_1-.Ltmp1, $4  }
0x2e: {  	[hbm4b:s11+s3] =	stream.linear.scatter [tilespmem:s8], [sflag:$0x2], $0x4000, $0x38;
	[tilespmem:$0x4080] =	vst v63  }
0x2f: {  	_ =	swait.ge [sflag:s7], $0x4000  }
0x30: {  	[sflag:s7] =	ssyncset.done $0x0  }
0x31: {  	[sflag:s7] =	ssyncadd.s32 $0xFFFFC000  }
0x32: {  	_ =	sfence.sel $0x180000  }
0x33: {  	[bflag:$0x0] =	sbarrier.arrive $0xFFFF  }
0x34: {  	p0 =	sne.s32 s1, $0x0;
	_ =	strace $0x9000005C  }
0x35: {  	s0 =	sadd.s32 @!p0 $0x100000, s0;
	[bflag:$0x2] =	sbarrier.arrive $0xFFFF  }
0x36: {  	[sflag:s0] =	ssyncadd.tile.s32 @!p0 $0x1;
	_ =	shalt  }
.Lfunc_end2:
_tile_overlayer_lowered:
.L_overlay_start_2:
0x37: {  	(tag) =	ssettag $0x2  }
0x38: {  	s0 =	rddreg [dreg:$0x0];
	s2 =	stileid.u32  }
0x39: {  	s1 =	rddreg [dreg:$0x1];
	p0 =	sne.s32 s2, $0x0  }
0x3a: {  	s3 =	rddreg [dreg:$0x2];
	[bflag:$0x3] =	sbarrier.arrive $0xFFFF;
	s2 =	simm.s32 @!p0 $0x1C02  }
0x3b: {  	[timem:s3], [sflag:s2] =	dma.local @!p0 [hbm:s0], s1  }
0x3c: {  	s0 =	simm.s32 @!p0 $0x2  }
0x3d: {  	_ =	swait.ge @!p0 [sflag:s0], s1  }
0x3e: {  	s1 =	ssub.s32 @!p0 $0x0, s1;
	[sflag:s0] =	ssyncset.done @!p0 $0x0  }
0x3f: {  	[sflag:s0] =	ssyncadd.s32 @!p0 s1  }
0x40: {  	[bflag:$0x3] =	sbarrier.arrive $0xFFFF  }
0x41: {  	_ =	shalt  }

// kernel: kernel.52.cloned.1.call-start
scs
__scs_entry_jumppad:
0x0: {  	(pc) =	sbr.rel $0x88, $3  }
0x1: {  	(tag) =	ssettag $0x0;
	lr =	simm.s32 $0x1  }
0x2: {  	[smem:$0x3F78] =	sst lr;
	_ =	strace $0xD0000000  }
0x3: {  	_ = 	snop  }
0x4: {  	_ = 	snop  }
0x5: {  	_ = 	snop  }
0x6: {  	_ = 	snop  }
0x7: {  	_ = 	snop  }
__scs_overlays_trampoline_lowered:
0x8: {  	[smem:$0x3F87] =	sst s0  }
0x9: {  	[smem:$0x3F88] =	sst s1  }
0xa: {  	[smem:$0x3F89] =	sst s2  }
0xb: {  	[smem:$0x3F8A] =	sst s3  }
0xc: {  	[smem:$0x3F8B] =	sst s4  }
0xd: {  	[smem:$0x3F8C] =	sst s5  }
0xe: {  	[smem:$0x3F8D] =	sst s6  }
0xf: {  	[smem:$0x3F8E] =	sst s7  }
0x10: {  	[smem:$0x3F8F] =	sst s8  }
0x11: {  	[smem:$0x3F90] =	sst s9;
	s0 =	simm.s32 @!p0 $0x0  }
0x12: {  	s1 =	sld [smem:$0x3F76];
	s0 =	simm.s32 @p0 $0x1  }
0x13: {  	[smem:$0x3F91] =	sst s0;
	s0 =	simm.s32 @!p1 $0x0  }
0x14: {  	s2 =	sld [smem:$0x3F75];
	s0 =	simm.s32 @p1 $0x1  }
0x15: {  	[smem:$0x3F92] =	sst s0;
	s0 =	simm.s32 @!p2 $0x0  }
0x16: {  	s3 =	sld [smem:$0x3FDB];
	s0 =	simm.s32 @p2 $0x1  }
0x17: {  	s4 =	simm.s32 $0x1BF5;
	[smem:$0x3F94] =	sst s0  }
0x18: {  	s0 =	sld [smem:$0x3F77];
	_ =	swait.ge [sflag:s4], $0x0  }
0x19: {  	s7 =	sld [smem:$0x3F78]  }
0x1a: {  	s8 =	sadd.s32 $0xFFFFE003, lr  }
0x1b: {  	s9 =	sadd.s32 $0xFFFFFEF7, lr;
	s5 =	simm.s32 $0xFFFFFFFF;
	p2 =	slt.u32 s8, $0xFFFFF086  }
0x1c: {  	p1 =	slt.u32 s9, $0xF7A;
	s5 =	simm.s32 @!p2 $0x0  }
0x1d: {  	s5 =	simm.s32 @p1 $0x1;
	p0 =	seq.s32 s7, s2  }
0x1e: {  	s7 =	smul.u32 @!p0 $0xF7A, s2;
	p2 =	seq.s32 @!p0 s5, $0x0  }
0x1f: {  	s9 =	smul.u32 $0xF7A, s1;
	s8 =	simm.s32 @!p0 $0x1BF5;
	p2 =	por !p2, p0  }
0x20: {  	[sflag:s8] =	ssyncset.s32 @!p0 $0xFFFFF086;
	s6 =	sadd.s32 @!p0 s3, s7;
	s7 =	simm.s32 @!p0 $0x108  }
0x21: {  	s3 =	sadd.s32 s3, s9;
	s6 =	sadd.s32 @!p0 $0x88, s6;
	s7 =	simm.s32 @p2 $0x1082  }
0x22: {  	[simem:s7], [sflag:s8] =	dma.local @!p0 [hbm:s6], $0xF7A  }
0x23: {  	s9 =	sor.u32 $0xD0000000, s2;
	s6 =	simm.s32 $0x108;
	_ =	swait.ge @!p0 [sflag:s8], $0x0  }
0x24: {  	s3 =	sadd.s32 $0x88, s3;
	s6 =	simm.s32 @!p1 $0x1082;
	[sflag:s4] =	ssyncset.s32 $0xFFFFF086  }
0x25: {  	[simem:s6], [sflag:s4] =	dma.local [hbm:s3], $0xF7A  }
0x26: {  	[smem:$0x3F78] =	sst s1;
	(tag) =	ssettag s2;
	_ =	strace s9  }
0x27: {  	s1 =	sld [smem:$0x3F88]  }
0x28: {  	s2 =	sld [smem:$0x3F89]  }
0x29: {  	s4 =	sld [smem:$0x3F8B]  }
0x2a: {  	p0 =	seq.s32 s5, $0x0;
	s5 =	sld [smem:$0x3F8C]  }
0x2b: {  	s6 =	sld [smem:$0x3F8D]  }
0x2c: {  	s7 =	sld [smem:$0x3F8E]  }
0x2d: {  	s3 =	simm.s32 $0x108;
	s8 =	sld [smem:$0x3F8F]  }
0x2e: {  	s3 =	simm.s32 @!p0 $0x1082;
	s9 =	sld [smem:$0x3F90]  }
0x2f: {  	lr =	sadd.s32 s0, s3;
	s0 =	sld [smem:$0x3F87]  }
0x30: {  	s3 =	sld [smem:$0x3F8A]  }
0x31: {  	[smem:$0x3F93] =	sst s10  }
0x32: {  	s10 =	sld [smem:$0x3F91];
	_ =	sdelay $0x3  }
0x33: {  	p0 =	seq.s32 s10, $0x1;
	s10 =	sld [smem:$0x3F93];
	_ =	sdelay $0x3  }
0x34: {  	[smem:$0x3F93] =	sst s10  }
0x35: {  	s10 =	sld [smem:$0x3F92];
	_ =	sdelay $0x3  }
0x36: {  	p1 =	seq.s32 s10, $0x1;
	s10 =	sld [smem:$0x3F93];
	_ =	sdelay $0x3  }
0x37: {  	[smem:$0x3F93] =	sst s10  }
0x38: {  	s10 =	sld [smem:$0x3F94]  }
0x39: {  	_ = 	snop;
	(pc) =	sbr.ind lr, $3  }
0x3a: {  	_ = 	snop  }
0x3b: {  	_ = 	snop  }
0x3c: {  	p2 =	seq.s32 s10, $0x1;
	s10 =	sld [smem:$0x3F93]  }
0x3d: {  	_ =	shalt  }
0x3e: {  	_ =	shalt  }
0x3f: {  	_ =	shalt  }
0x40: {  	_ =	shalt  }
0x41: {  	_ =	shalt  }
0x42: {  	_ =	shalt  }
0x43: {  	_ =	shalt  }
0x44: {  	_ =	shalt  }
0x45: {  	_ =	shalt  }
0x46: {  	_ =	shalt  }
0x47: {  	_ =	shalt  }
0x48: {  	_ =	shalt  }
0x49: {  	_ =	shalt  }
0x4a: {  	_ =	shalt  }
0x4b: {  	_ =	shalt  }
0x4c: {  	_ =	shalt  }
0x4d: {  	_ =	shalt  }
0x4e: {  	_ =	shalt  }
0x4f: {  	_ =	shalt  }
0x50: {  	_ =	shalt  }
0x51: {  	_ =	shalt  }
0x52: {  	_ =	shalt  }
0x53: {  	_ =	shalt  }
0x54: {  	_ =	shalt  }
0x55: {  	_ =	shalt  }
0x56: {  	_ =	shalt  }
0x57: {  	_ =	shalt  }
0x58: {  	_ =	shalt  }
0x59: {  	_ =	shalt  }
0x5a: {  	_ =	shalt  }
0x5b: {  	_ =	shalt  }
0x5c: {  	_ =	shalt  }
0x5d: {  	_ =	shalt  }
0x5e: {  	_ =	shalt  }
0x5f: {  	_ =	shalt  }
0x60: {  	_ =	shalt  }
0x61: {  	_ =	shalt  }
0x62: {  	_ =	shalt  }
0x63: {  	_ =	shalt  }
0x64: {  	_ =	shalt  }
0x65: {  	_ =	shalt  }
0x66: {  	_ =	shalt  }
0x67: {  	_ =	shalt  }
0x68: {  	_ =	shalt  }
0x69: {  	_ =	shalt  }
0x6a: {  	_ =	shalt  }
0x6b: {  	_ =	shalt  }
0x6c: {  	_ =	shalt  }
0x6d: {  	_ =	shalt  }
0x6e: {  	_ =	shalt  }
0x6f: {  	_ =	shalt  }
0x70: {  	_ =	shalt  }
0x71: {  	_ =	shalt  }
0x72: {  	_ =	shalt  }
0x73: {  	_ =	shalt  }
0x74: {  	_ =	shalt  }
0x75: {  	_ =	shalt  }
0x76: {  	_ =	shalt  }
0x77: {  	_ =	shalt  }
0x78: {  	_ =	shalt  }
0x79: {  	_ =	shalt  }
0x7a: {  	_ =	shalt  }
0x7b: {  	_ =	shalt  }
0x7c: {  	_ =	shalt  }
0x7d: {  	_ =	shalt  }
0x7e: {  	_ =	shalt  }
0x7f: {  	_ =	shalt  }
0x80: {  	_ =	shalt  }
0x81: {  	_ =	shalt  }
0x82: {  	_ =	shalt  }
0x83: {  	_ =	shalt  }
0x84: {  	_ =	shalt  }
0x85: {  	_ =	shalt  }
0x86: {  	_ =	shalt  }
0x87: {  	_ =	shalt  }
.Lfunc_end0:
.L_simem_size_0:
called_computation.8_lowered:
.L_overlay_start_0:
0x88: {  	s2 =	sld [smem:$0x3FD9]  }
0x89: {  	s3 =	sld [smem:$0x3FFE];
	_ =	sdelay $0x1  }
0x8a: {  	s1 =	srdreg.scid  }
0x8b: {  	s0 =	sand.u32 $0x1, s1  }
0x8c: {  	s17 =	sshll.u32 s0, $0xA;
	s2 =	sadd.s32 s3, s2  }
0x8d: {  	s2 =	sadd.s32 s2, s17  }
0x8e: {  	[smem:$0x3F9F] =	sst s2  }
0x8f: {  	_ = 	snop  }
0x90: {  	s2 =	sld [smem:$0x3FD0];
	(tm) =	ssettm $0x1  }
0x91: {  	s18 =	sld [smem:$0x3FFB];
	_ =	sdelay $0x3  }
0x92: {  	_ =	strace s18  }
0x93: {  	s3 =	sld [smem:$0x3FFC];
	_ =	sdelay $0x3  }
0x94: {  	_ =	strace s3  }
0x95: {  	s3 =	sld [smem:$0x3FFD];
	_ =	sdelay $0x3  }
0x96: {  	_ =	strace s3  }
0x97: {  	_ =	strace $0x8FFFFFFF  }
0x98: {  	s19 =	sld [smem:$0x3FDB];
	_ =	sdelay $0x1  }
0x99: {  	s4 =	simm.s32 $_scs_section_size  }
0x9a: {  	s5 =	simm.s32 $_size__tile_overlayer_lowered;
	s6 =	simm.s32 $_tile_overlayer_lowered  }
0x9b: {  	s22 =	simm.s32 $0x1BFF;
	s21 =	sshll.u32 s6, $0x1;
	s3 =	sadd.s32 s4, s19  }
0x9c: {  	s7 =	simm.s32 $0x0;
	s20 =	sshll.u32 s5, $0x1;
	s5 =	sadd.s32 s21, s3  }
0x9d: {  	[timem:s7], [sflag:s22] =	dma.local [hbm:s5], s20  }
0x9e: {  	_ =	swait.ge [sflag:s22], s20  }
0x9f: {  	s4 =	ssub.s32 $0x0, s20;
	[sflag:s22] =	ssyncset.done $0x0  }
0xa0: {  	[sflag:s22] =	ssyncadd.s32 s4;
	_ =	sdelay $0x1  }
0xa1: {  	s23 =	simm.s32 $0x1B8B  }
0xa2: {  	_ =	swait.ge [sflag:s23], $0x1  }
0xa3: {  	[sflag:s23] =	ssyncset.done $0x0  }
0xa4: {  	s25 =	simm.s32 $0x1B8E;
	s24 =	sld [smem:$0x3FFE];
	[sflag:s23] =	ssyncadd.s32 $0xFFFFFFFF  }
0xa5: {  	s26 =	simm.s32 $execute0_lowered;
	[smem:$0x3FD2] =	sst s25  }
0xa6: {  	s5 =	sshll.u32 s26, $0x1;
	_ =	strace $0x8000005E;
	[dreg:$0x1] =	wrdreg $0xFFFFFFFF  }
0xa7: {  	s28 =	simm.s32 $_size_execute0_lowered;
	s3 =	sadd.s32 s3, s5;
	[dreg:$0x0] =	wrdreg $0x0  }
0xa8: {  	s5 =	sshll.u32 s28, $0x1;
	[dreg:$0x2] =	wrdreg s3  }
0xa9: {  	[dreg:$0x3] =	wrdreg s5  }
0xaa: {  	[dreg:$0x4] =	wrdreg $0xC0  }
0xab: {  	_ =	task [dreg:s7], $0x5FFFF  }
0xac: {  	[dreg:$0x1] =	wrdreg $0xFFFFFFFF  }
0xad: {  	[dreg:$0x0] =	wrdreg $0x60  }
0xae: {  	[dreg:$0x2] =	wrdreg s24  }
0xaf: {  	[dreg:$0x3] =	wrdreg s2  }
0xb0: {  	[dreg:$0x4] =	wrdreg $0x9  }
0xb1: {  	_ =	task.clear_ibuf [dreg:s7], $0x5FFFF;
	_ =	strace $0x9000005E  }
0xb2: {  	s29 =	simm.s32 $0x9;
	_ =	strace $0x80000060  }
0xb3: {  	_ =	swait.ge [sflag:s29], $0x1  }
0xb4: {  	[sflag:s29] =	ssyncadd.s32 $0xFFFFFFFF  }
0xb5: {  	_ =	strace $0x90000060  }
0xb6: {  	_ =	sfence  }
0xb7: {  	s30 =	sld [smem:$0x0];
	_ =	sdelay $0x2  }
0xb8: {  	s31 =	sshll.u32 s1, $0xD;
	s1 =	sshrl.u32 s1, $0x2  }
0xb9: {  	s3 =	sand.u32 $0x4000, s31;
	s1 =	sadd.s32 s1, s30  }
0xba: {  	s0 =	sor.u32 s3, s0;
	s1 =	sshll.u32 s1, $0x11  }
0xbb: {  	s0 =	sor.u32 s1, s0  }
0xbc: {  	s0 =	sadd.s32 $0x8F2B, s0  }
0xbd: {  	[sflag:s0] =	ssyncadd.remote.s32 $0x1  }
0xbe: {  	_ =	sfence.sel $0xFFFF  }
0xbf: {  	[dreg:$0x0] =	wrdreg $0xFFFFFFFF;
	(pc) =	sbr.abs _section_cstart, $3  }
0xc0: {  	[dreg:$0x1] =	wrdreg $0xFFFFFFFF  }
0xc1: {  	_ =	task.clear_ibuf [dreg:s7], $0x2FFFF;
	_ =	strace $0x9FFFFFFF  }
0xc2: {  	(tm) =	ssettm $0x7FFFFFFF  }
0xc3: {  	_ =	shalt  }
tec
execute0_lowered:
.L_overlay_start_1:
0x0: {  	(tag) =	ssettag $0x1  }
0x1: {  	s4 =	rddreg [dreg:$0x0]  }
0x2: {  	s2 =	rddreg [dreg:$0x1]  }
0x3: {  	s0 =	rddreg [dreg:$0x2];
	s1 =	stileid.u32  }
0x4: {  	s5 =	srdreg.scid;
	s3 =	simm.s32 $0x0;
	s6 =	smul.u32 $0xA00, s1  }
0x5: {  	s10 =	simm.s32 $0x0;
	s5 =	sand.u32 $0x1, s5;
	s8 =	smul.u32 $0xA000, s1  }
0x6: {  	[smem:$0x7FF] =	sst s3;
	s7 =	smul.u32 $0x500, s5;
	s9 =	ssub.s32 $0x2, s5  }
0x7: {  	_ =	strace $0x8000005F;
	s5 =	smul.u32 $0x5000, s5;
	s31 =	sshrl.u32 s9, $0x1  }
0x8: {  	s8 =	sadd.s32 s8, s4;
	s6 =	sadd.s32 s7, s6;
	s7 =	ssub.s32 s9, s31  }
0x9: {  	s5 =	sadd.s32 s5, s8;
	s8 =	simm.s32 $0x80;
	s6 =	sshrl.u32 s6, $0x3  }
0xa: {  	s9 =	simm.s32 $0x1;
	s5 =	sadd.s32 $0x1AB000, s5;
	s6 =	sadd.s32 s6, s4  }
0xb: {  	s4 =	smax.u32 s7, $0x1;
	s7 =	simm.s32 $0x2;
	s6 =	sadd.s32 $0x75000, s6  }
.LBB2_1:
0xc: {  	s11 =	sadd.s32 $0x0, s6  }
0xd: {  	[tilespmem:s3], [sflag:$0x2] =	stream.linear.gather [hbm4b:s11+s3], $0x80, $0x38;
	[tilespmem:$0x4080] =	vst v63  }
0xe: {  	_ =	swait.ge [sflag:s7], $0x80  }
0xf: {  	[sflag:s7] =	ssyncset.done $0x0  }
0x10: {  	[sflag:s7] =	ssyncadd.s32 $0xFFFFFF80  }
0x11: {  	[tilespmem:s8], [sflag:$0x1] =	stream.indirect.gather [hbm4b:s2+s8], $0x80, s3, s8, $0xb8;
	[tilespmem:$0x4080] =	vst v63  }
0x12: {  	_ =	swait.ge [sflag:s9], $0x4000  }
0x13: {  	[sflag:s9] =	ssyncset.done $0x0  }
0x14: {  	[sflag:s9] =	ssyncadd.s32 $0xFFFFC000  }
0x15: {  	[hbm4b:s5+s3] =	stream.linear.scatter [tilespmem:s8], [sflag:$0x2], $0x4000, $0x38;
	[tilespmem:$0x4080] =	vst v63  }
0x16: {  	s12 =	simm.s32 $0x10;
	_ =	swait.ge [sflag:s7], $0x4000  }
0x17: {  	s13 =	simm.s32 $0x20;
	s11 =	sadd.s32 $0x800, s5;
	[sflag:s7] =	ssyncset.done $0x0  }
.LBB2_2:
0x18: {  	s14 =	sadd.s32 s12, s6  }
0x19: {  	[sflag:s7] =	ssyncadd.s32 $0xFFFFC000;
	s12 =	smov.u32 s13;
	s15 =	sadd.s32 $0x10, s13  }
0x1a: {  	[tilespmem:s3], [sflag:$0x2] =	stream.linear.gather [hbm4b:s14+s3], $0x80, $0x38;
	[tilespmem:$0x4080] =	vst v63  }
0x1b: {  	p0 =	sne.s32 s13, $0x90;
	_ =	swait.ge [sflag:s7], $0x80  }
0x1c: {  	[sflag:s7] =	ssyncset.done $0x0  }
0x1d: {  	[sflag:s7] =	ssyncadd.s32 $0xFFFFFF80  }
0x1e: {  	[tilespmem:s8], [sflag:$0x1] =	stream.indirect.gather [hbm4b:s2+s8], $0x80, s3, s8, $0xb8;
	[tilespmem:$0x4080] =	vst v63  }
0x1f: {  	_ =	swait.ge [sflag:s9], $0x4000  }
.Ltmp0:
0x20: {  	[sflag:s9] =	ssyncset.done $0x0;
	(pc) =	sbr.rel @p0 .LBB2_2-.Ltmp0, $4  }
0x21: {  	[sflag:s9] =	ssyncadd.s32 $0xFFFFC000  }
0x22: {  	[hbm4b:s11+s3] =	stream.linear.scatter [tilespmem:s8], [sflag:$0x2], $0x4000, $0x38;
	[tilespmem:$0x4080] =	vst v63  }
0x23: {  	_ =	swait.ge [sflag:s7], $0x4000  }
0x24: {  	s13 =	smov.u32 s15;
	s11 =	sadd.s32 $0x800, s11;
	[sflag:s7] =	ssyncset.done $0x0  }
0x25: {  	s12 =	sadd.s32 s12, s6;
	[sflag:s7] =	ssyncadd.s32 $0xFFFFC000  }
0x26: {  	[tilespmem:s3], [sflag:$0x2] =	stream.linear.gather [hbm4b:s12+s3], $0x80, $0x38;
	[tilespmem:$0x4080] =	vst v63  }
0x27: {  	_ =	swait.ge [sflag:s7], $0x80  }
0x28: {  	[sflag:s7] =	ssyncset.done $0x0  }
0x29: {  	[sflag:s7] =	ssyncadd.s32 $0xFFFFFF80  }
0x2a: {  	[tilespmem:s8], [sflag:$0x1] =	stream.indirect.gather [hbm4b:s2+s8], $0x80, s3, s8, $0xb8;
	[tilespmem:$0x4080] =	vst v63  }
0x2b: {  	s10 =	sadd.s32 $0x1, s10;
	_ =	swait.ge [sflag:s9], $0x4000  }
0x2c: {  	p0 =	sne.s32 s10, s4;
	[sflag:s9] =	ssyncset.done $0x0  }
.Ltmp1:
0x2d: {  	[sflag:s9] =	ssyncadd.s32 $0xFFFFC000;
	(pc) =	sbr.rel @p0 .LBB2_1-.Ltmp1, $4  }
0x2e: {  	[hbm4b:s11+s3] =	stream.linear.scatter [tilespmem:s8], [sflag:$0x2], $0x4000, $0x38;
	[tilespmem:$0x4080] =	vst v63  }
0x2f: {  	_ =	swait.ge [sflag:s7], $0x4000  }
0x30: {  	[sflag:s7] =	ssyncset.done $0x0  }
0x31: {  	[sflag:s7] =	ssyncadd.s32 $0xFFFFC000  }
0x32: {  	_ =	sfence.sel $0x180000  }
0x33: {  	[bflag:$0x0] =	sbarrier.arrive $0xFFFF  }
0x34: {  	p0 =	sne.s32 s1, $0x0;
	_ =	strace $0x9000005F  }
0x35: {  	s0 =	sadd.s32 @!p0 $0x100000, s0;
	[bflag:$0x2] =	sbarrier.arrive $0xFFFF  }
0x36: {  	[sflag:s0] =	ssyncadd.tile.s32 @!p0 $0x1;
	_ =	shalt  }
.Lfunc_end2:
_tile_overlayer_lowered:
.L_overlay_start_2:
0x37: {  	(tag) =	ssettag $0x2  }
0x38: {  	s0 =	rddreg [dreg:$0x0];
	s2 =	stileid.u32  }
0x39: {  	s1 =	rddreg [dreg:$0x1];
	p0 =	sne.s32 s2, $0x0  }
0x3a: {  	s3 =	rddreg [dreg:$0x2];
	[bflag:$0x3] =	sbarrier.arrive $0xFFFF;
	s2 =	simm.s32 @!p0 $0x1C02  }
0x3b: {  	[timem:s3], [sflag:s2] =	dma.local @!p0 [hbm:s0], s1  }
0x3c: {  	s0 =	simm.s32 @!p0 $0x2  }
0x3d: {  	_ =	swait.ge @!p0 [sflag:s0], s1  }
0x3e: {  	s1 =	ssub.s32 @!p0 $0x0, s1;
	[sflag:s0] =	ssyncset.done @!p0 $0x0  }
0x3f: {  	[sflag:s0] =	ssyncadd.s32 @!p0 s1  }
0x40: {  	[bflag:$0x3] =	sbarrier.arrive $0xFFFF  }
0x41: {  	_ =	shalt  }

// kernel: kernel.55.cloned.1.call-start
scs
__scs_entry_jumppad:
0x0: {  	(pc) =	sbr.rel $0x88, $3  }
0x1: {  	(tag) =	ssettag $0x0;
	lr =	simm.s32 $0x1  }
0x2: {  	[smem:$0x3F78] =	sst lr;
	_ =	strace $0xD0000000  }
0x3: {  	_ = 	snop  }
0x4: {  	_ = 	snop  }
0x5: {  	_ = 	snop  }
0x6: {  	_ = 	snop  }
0x7: {  	_ = 	snop  }
__scs_overlays_trampoline_lowered:
0x8: {  	[smem:$0x3F87] =	sst s0  }
0x9: {  	[smem:$0x3F88] =	sst s1  }
0xa: {  	[smem:$0x3F89] =	sst s2  }
0xb: {  	[smem:$0x3F8A] =	sst s3  }
0xc: {  	[smem:$0x3F8B] =	sst s4  }
0xd: {  	[smem:$0x3F8C] =	sst s5  }
0xe: {  	[smem:$0x3F8D] =	sst s6  }
0xf: {  	[smem:$0x3F8E] =	sst s7  }
0x10: {  	[smem:$0x3F8F] =	sst s8  }
0x11: {  	[smem:$0x3F90] =	sst s9;
	s0 =	simm.s32 @!p0 $0x0  }
0x12: {  	s1 =	sld [smem:$0x3F76];
	s0 =	simm.s32 @p0 $0x1  }
0x13: {  	[smem:$0x3F91] =	sst s0;
	s0 =	simm.s32 @!p1 $0x0  }
0x14: {  	s2 =	sld [smem:$0x3F75];
	s0 =	simm.s32 @p1 $0x1  }
0x15: {  	[smem:$0x3F92] =	sst s0;
	s0 =	simm.s32 @!p2 $0x0  }
0x16: {  	s3 =	sld [smem:$0x3FDB];
	s0 =	simm.s32 @p2 $0x1  }
0x17: {  	s4 =	simm.s32 $0x1BF5;
	[smem:$0x3F94] =	sst s0  }
0x18: {  	s0 =	sld [smem:$0x3F77];
	_ =	swait.ge [sflag:s4], $0x0  }
0x19: {  	s7 =	sld [smem:$0x3F78]  }
0x1a: {  	s8 =	sadd.s32 $0xFFFFE003, lr  }
0x1b: {  	s9 =	sadd.s32 $0xFFFFFEF7, lr;
	s5 =	simm.s32 $0xFFFFFFFF;
	p2 =	slt.u32 s8, $0xFFFFF086  }
0x1c: {  	p1 =	slt.u32 s9, $0xF7A;
	s5 =	simm.s32 @!p2 $0x0  }
0x1d: {  	s5 =	simm.s32 @p1 $0x1;
	p0 =	seq.s32 s7, s2  }
0x1e: {  	s7 =	smul.u32 @!p0 $0xF7A, s2;
	p2 =	seq.s32 @!p0 s5, $0x0  }
0x1f: {  	s9 =	smul.u32 $0xF7A, s1;
	s8 =	simm.s32 @!p0 $0x1BF5;
	p2 =	por !p2, p0  }
0x20: {  	[sflag:s8] =	ssyncset.s32 @!p0 $0xFFFFF086;
	s6 =	sadd.s32 @!p0 s3, s7;
	s7 =	simm.s32 @!p0 $0x108  }
0x21: {  	s3 =	sadd.s32 s3, s9;
	s6 =	sadd.s32 @!p0 $0x88, s6;
	s7 =	simm.s32 @p2 $0x1082  }
0x22: {  	[simem:s7], [sflag:s8] =	dma.local @!p0 [hbm:s6], $0xF7A  }
0x23: {  	s9 =	sor.u32 $0xD0000000, s2;
	s6 =	simm.s32 $0x108;
	_ =	swait.ge @!p0 [sflag:s8], $0x0  }
0x24: {  	s3 =	sadd.s32 $0x88, s3;
	s6 =	simm.s32 @!p1 $0x1082;
	[sflag:s4] =	ssyncset.s32 $0xFFFFF086  }
0x25: {  	[simem:s6], [sflag:s4] =	dma.local [hbm:s3], $0xF7A  }
0x26: {  	[smem:$0x3F78] =	sst s1;
	(tag) =	ssettag s2;
	_ =	strace s9  }
0x27: {  	s1 =	sld [smem:$0x3F88]  }
0x28: {  	s2 =	sld [smem:$0x3F89]  }
0x29: {  	s4 =	sld [smem:$0x3F8B]  }
0x2a: {  	p0 =	seq.s32 s5, $0x0;
	s5 =	sld [smem:$0x3F8C]  }
0x2b: {  	s6 =	sld [smem:$0x3F8D]  }
0x2c: {  	s7 =	sld [smem:$0x3F8E]  }
0x2d: {  	s3 =	simm.s32 $0x108;
	s8 =	sld [smem:$0x3F8F]  }
0x2e: {  	s3 =	simm.s32 @!p0 $0x1082;
	s9 =	sld [smem:$0x3F90]  }
0x2f: {  	lr =	sadd.s32 s0, s3;
	s0 =	sld [smem:$0x3F87]  }
0x30: {  	s3 =	sld [smem:$0x3F8A]  }
0x31: {  	[smem:$0x3F93] =	sst s10  }
0x32: {  	s10 =	sld [smem:$0x3F91];
	_ =	sdelay $0x3  }
0x33: {  	p0 =	seq.s32 s10, $0x1;
	s10 =	sld [smem:$0x3F93];
	_ =	sdelay $0x3  }
0x34: {  	[smem:$0x3F93] =	sst s10  }
0x35: {  	s10 =	sld [smem:$0x3F92];
	_ =	sdelay $0x3  }
0x36: {  	p1 =	seq.s32 s10, $0x1;
	s10 =	sld [smem:$0x3F93];
	_ =	sdelay $0x3  }
0x37: {  	[smem:$0x3F93] =	sst s10  }
0x38: {  	s10 =	sld [smem:$0x3F94]  }
0x39: {  	_ = 	snop;
	(pc) =	sbr.ind lr, $3  }
0x3a: {  	_ = 	snop  }
0x3b: {  	_ = 	snop  }
0x3c: {  	p2 =	seq.s32 s10, $0x1;
	s10 =	sld [smem:$0x3F93]  }
0x3d: {  	_ =	shalt  }
0x3e: {  	_ =	shalt  }
0x3f: {  	_ =	shalt  }
0x40: {  	_ =	shalt  }
0x41: {  	_ =	shalt  }
0x42: {  	_ =	shalt  }
0x43: {  	_ =	shalt  }
0x44: {  	_ =	shalt  }
0x45: {  	_ =	shalt  }
0x46: {  	_ =	shalt  }
0x47: {  	_ =	shalt  }
0x48: {  	_ =	shalt  }
0x49: {  	_ =	shalt  }
0x4a: {  	_ =	shalt  }
0x4b: {  	_ =	shalt  }
0x4c: {  	_ =	shalt  }
0x4d: {  	_ =	shalt  }
0x4e: {  	_ =	shalt  }
0x4f: {  	_ =	shalt  }
0x50: {  	_ =	shalt  }
0x51: {  	_ =	shalt  }
0x52: {  	_ =	shalt  }
0x53: {  	_ =	shalt  }
0x54: {  	_ =	shalt  }
0x55: {  	_ =	shalt  }
0x56: {  	_ =	shalt  }
0x57: {  	_ =	shalt  }
0x58: {  	_ =	shalt  }
0x59: {  	_ =	shalt  }
0x5a: {  	_ =	shalt  }
0x5b: {  	_ =	shalt  }
0x5c: {  	_ =	shalt  }
0x5d: {  	_ =	shalt  }
0x5e: {  	_ =	shalt  }
0x5f: {  	_ =	shalt  }
0x60: {  	_ =	shalt  }
0x61: {  	_ =	shalt  }
0x62: {  	_ =	shalt  }
0x63: {  	_ =	shalt  }
0x64: {  	_ =	shalt  }
0x65: {  	_ =	shalt  }
0x66: {  	_ =	shalt  }
0x67: {  	_ =	shalt  }
0x68: {  	_ =	shalt  }
0x69: {  	_ =	shalt  }
0x6a: {  	_ =	shalt  }
0x6b: {  	_ =	shalt  }
0x6c: {  	_ =	shalt  }
0x6d: {  	_ =	shalt  }
0x6e: {  	_ =	shalt  }
0x6f: {  	_ =	shalt  }
0x70: {  	_ =	shalt  }
0x71: {  	_ =	shalt  }
0x72: {  	_ =	shalt  }
0x73: {  	_ =	shalt  }
0x74: {  	_ =	shalt  }
0x75: {  	_ =	shalt  }
0x76: {  	_ =	shalt  }
0x77: {  	_ =	shalt  }
0x78: {  	_ =	shalt  }
0x79: {  	_ =	shalt  }
0x7a: {  	_ =	shalt  }
0x7b: {  	_ =	shalt  }
0x7c: {  	_ =	shalt  }
0x7d: {  	_ =	shalt  }
0x7e: {  	_ =	shalt  }
0x7f: {  	_ =	shalt  }
0x80: {  	_ =	shalt  }
0x81: {  	_ =	shalt  }
0x82: {  	_ =	shalt  }
0x83: {  	_ =	shalt  }
0x84: {  	_ =	shalt  }
0x85: {  	_ =	shalt  }
0x86: {  	_ =	shalt  }
0x87: {  	_ =	shalt  }
.Lfunc_end0:
.L_simem_size_0:
called_computation.9_lowered:
.L_overlay_start_0:
0x88: {  	s2 =	sld [smem:$0x3FD9]  }
0x89: {  	s3 =	sld [smem:$0x3FFE];
	_ =	sdelay $0x1  }
0x8a: {  	s1 =	srdreg.scid  }
0x8b: {  	s0 =	sand.u32 $0x1, s1  }
0x8c: {  	s16 =	sshll.u32 s0, $0xA;
	s2 =	sadd.s32 s3, s2  }
0x8d: {  	s2 =	sadd.s32 s2, s16  }
0x8e: {  	[smem:$0x3F9F] =	sst s2  }
0x8f: {  	_ = 	snop  }
0x90: {  	(tm) =	ssettm $0x1  }
0x91: {  	s17 =	sld [smem:$0x3FFB];
	_ =	sdelay $0x3  }
0x92: {  	_ =	strace s17  }
0x93: {  	s2 =	sld [smem:$0x3FFC];
	_ =	sdelay $0x3  }
0x94: {  	_ =	strace s2  }
0x95: {  	s2 =	sld [smem:$0x3FFD];
	_ =	sdelay $0x3  }
0x96: {  	_ =	strace s2  }
0x97: {  	_ =	strace $0x8FFFFFFF  }
0x98: {  	s18 =	sld [smem:$0x3FDB];
	_ =	sdelay $0x1  }
0x99: {  	s19 =	simm.s32 $_scs_section_size  }
0x9a: {  	s4 =	simm.s32 $_size__tile_overlayer_lowered;
	s5 =	simm.s32 $_tile_overlayer_lowered  }
0x9b: {  	s22 =	simm.s32 $0x1BFF;
	s21 =	sshll.u32 s5, $0x1;
	s2 =	sadd.s32 s19, s18  }
0x9c: {  	s6 =	simm.s32 $0x0;
	s20 =	sshll.u32 s4, $0x1;
	s4 =	sadd.s32 s21, s2  }
0x9d: {  	[timem:s6], [sflag:s22] =	dma.local [hbm:s4], s20  }
0x9e: {  	_ =	swait.ge [sflag:s22], s20  }
0x9f: {  	s3 =	ssub.s32 $0x0, s20;
	[sflag:s22] =	ssyncset.done $0x0  }
0xa0: {  	[sflag:s22] =	ssyncadd.s32 s3;
	_ =	sdelay $0x1  }
0xa1: {  	s23 =	simm.s32 $0x1B8B  }
0xa2: {  	_ =	swait.ge [sflag:s23], $0x1  }
0xa3: {  	[sflag:s23] =	ssyncset.done $0x0  }
0xa4: {  	s25 =	simm.s32 $0x1B8E;
	s24 =	sld [smem:$0x3FFE];
	[sflag:s23] =	ssyncadd.s32 $0xFFFFFFFF  }
0xa5: {  	s26 =	simm.s32 $execute0_lowered;
	[smem:$0x3FD2] =	sst s25  }
0xa6: {  	s4 =	sshll.u32 s26, $0x1;
	_ =	strace $0x80000061;
	[dreg:$0x1] =	wrdreg $0xFFFFFFFF  }
0xa7: {  	s28 =	simm.s32 $_size_execute0_lowered;
	s2 =	sadd.s32 s2, s4;
	[dreg:$0x0] =	wrdreg $0x0  }
0xa8: {  	s4 =	sshll.u32 s28, $0x1;
	[dreg:$0x2] =	wrdreg s2  }
0xa9: {  	[dreg:$0x3] =	wrdreg s4  }
0xaa: {  	[dreg:$0x4] =	wrdreg $0xC0  }
0xab: {  	_ =	task [dreg:s6], $0x5FFFF  }
0xac: {  	[dreg:$0x1] =	wrdreg $0xFFFFFFFF  }
0xad: {  	[dreg:$0x0] =	wrdreg $0x60  }
0xae: {  	[dreg:$0x2] =	wrdreg s24  }
0xaf: {  	[dreg:$0x3] =	wrdreg $0x9  }
0xb0: {  	_ =	task.clear_ibuf [dreg:s6], $0x4FFFF;
	_ =	strace $0x90000061  }
0xb1: {  	s29 =	simm.s32 $0x9;
	_ =	strace $0x80000063  }
0xb2: {  	_ =	swait.ge [sflag:s29], $0x1  }
0xb3: {  	[sflag:s29] =	ssyncadd.s32 $0xFFFFFFFF  }
0xb4: {  	_ =	strace $0x90000063  }
0xb5: {  	_ =	sfence  }
0xb6: {  	s30 =	sld [smem:$0x0];
	_ =	sdelay $0x2  }
0xb7: {  	s31 =	sshll.u32 s1, $0xD;
	s1 =	sshrl.u32 s1, $0x2  }
0xb8: {  	s3 =	sand.u32 $0x4000, s31;
	s1 =	sadd.s32 s1, s30  }
0xb9: {  	s0 =	sor.u32 s3, s0;
	s1 =	sshll.u32 s1, $0x11  }
0xba: {  	s0 =	sor.u32 s1, s0  }
0xbb: {  	s0 =	sadd.s32 $0x8F2B, s0  }
0xbc: {  	[sflag:s0] =	ssyncadd.remote.s32 $0x1  }
0xbd: {  	_ =	sfence.sel $0xFFFF  }
0xbe: {  	[dreg:$0x0] =	wrdreg $0xFFFFFFFF;
	(pc) =	sbr.abs _section_cstart, $3  }
0xbf: {  	[dreg:$0x1] =	wrdreg $0xFFFFFFFF  }
0xc0: {  	_ =	task.clear_ibuf [dreg:s6], $0x2FFFF;
	_ =	strace $0x9FFFFFFF  }
0xc1: {  	(tm) =	ssettm $0x7FFFFFFF  }
tec
execute0_lowered:
.L_overlay_start_1:
0x0: {  	(tag) =	ssettag $0x1  }
0x1: {  	s3 =	rddreg [dreg:$0x0]  }
0x2: {  	s0 =	rddreg [dreg:$0x1];
	s1 =	stileid.u32  }
0x3: {  	s4 =	srdreg.scid;
	s5 =	smul.u32 $0x3100, s1  }
0x4: {  	s2 =	simm.s32 $0x0;
	s4 =	sand.u32 $0x1, s4;
	s29 =	smul.u32 $0x31000, s1  }
0x5: {  	[smem:$0x7FF] =	sst s2;
	s6 =	smul.u32 $0x1880, s4  }
0x6: {  	_ =	strace $0x80000062;
	s7 =	ssub.s32 $0x2, s4;
	s9 =	smul.u32 $0x18800, s4  }
0x7: {  	s8 =	sshrl.u32 s7, $0x1;
	s30 =	sadd.s32 s29, s3;
	s5 =	sadd.s32 s6, s5  }
0x8: {  	s31 =	ssub.s32 s7, s8;
	s7 =	simm.s32 $0x2;
	s5 =	sshrl.u32 s5, $0x3  }
0x9: {  	s8 =	simm.s32 $0x80;
	s4 =	smax.u32 s31, $0x1;
	s10 =	sadd.s32 s5, s3  }
0xa: {  	s3 =	sadd.s32 $0x42600, s3;
	s5 =	sadd.s32 s9, s30;
	s9 =	simm.s32 $0x1  }
0xb: {  	s5 =	sadd.s32 $0x1AB000, s5;
	s6 =	sadd.s32 $0x3C400, s10;
	s10 =	simm.s32 $0x0  }
.LBB2_1:
0xc: {  	s11 =	sadd.s32 $0x0, s6  }
0xd: {  	[tilespmem:s2], [sflag:$0x2] =	stream.linear.gather [hbm4b:s11+s2], $0x80, $0x38;
	[tilespmem:$0x4080] =	vst v63  }
0xe: {  	_ =	swait.ge [sflag:s7], $0x80  }
0xf: {  	[sflag:s7] =	ssyncset.done $0x0  }
0x10: {  	[sflag:s7] =	ssyncadd.s32 $0xFFFFFF80  }
0x11: {  	[tilespmem:s8], [sflag:$0x1] =	stream.indirect.gather [hbm4b:s3+s8], $0x80, s2, s8, $0xb8;
	[tilespmem:$0x4080] =	vst v63  }
0x12: {  	_ =	swait.ge [sflag:s9], $0x4000  }
0x13: {  	[sflag:s9] =	ssyncset.done $0x0  }
0x14: {  	[sflag:s9] =	ssyncadd.s32 $0xFFFFC000  }
0x15: {  	[hbm4b:s5+s2] =	stream.linear.scatter [tilespmem:s8], [sflag:$0x2], $0x4000, $0x38;
	[tilespmem:$0x4080] =	vst v63  }
0x16: {  	s12 =	simm.s32 $0x10;
	_ =	swait.ge [sflag:s7], $0x4000  }
0x17: {  	s13 =	simm.s32 $0x20;
	s11 =	sadd.s32 $0x800, s5;
	[sflag:s7] =	ssyncset.done $0x0  }
.LBB2_2:
0x18: {  	s14 =	sadd.s32 s12, s6  }
0x19: {  	[sflag:s7] =	ssyncadd.s32 $0xFFFFC000;
	s12 =	smov.u32 s13;
	s15 =	sadd.s32 $0x10, s13  }
0x1a: {  	[tilespmem:s2], [sflag:$0x2] =	stream.linear.gather [hbm4b:s14+s2], $0x80, $0x38;
	[tilespmem:$0x4080] =	vst v63  }
0x1b: {  	p0 =	sne.s32 s13, $0x300;
	_ =	swait.ge [sflag:s7], $0x80  }
0x1c: {  	[sflag:s7] =	ssyncset.done $0x0  }
0x1d: {  	[sflag:s7] =	ssyncadd.s32 $0xFFFFFF80  }
0x1e: {  	[tilespmem:s8], [sflag:$0x1] =	stream.indirect.gather [hbm4b:s3+s8], $0x80, s2, s8, $0xb8;
	[tilespmem:$0x4080] =	vst v63  }
0x1f: {  	_ =	swait.ge [sflag:s9], $0x4000  }
.Ltmp0:
0x20: {  	[sflag:s9] =	ssyncset.done $0x0;
	(pc) =	sbr.rel @p0 .LBB2_2-.Ltmp0, $4  }
0x21: {  	[sflag:s9] =	ssyncadd.s32 $0xFFFFC000  }
0x22: {  	[hbm4b:s11+s2] =	stream.linear.scatter [tilespmem:s8], [sflag:$0x2], $0x4000, $0x38;
	[tilespmem:$0x4080] =	vst v63  }
0x23: {  	_ =	swait.ge [sflag:s7], $0x4000  }
0x24: {  	s13 =	smov.u32 s15;
	s11 =	sadd.s32 $0x800, s11;
	[sflag:s7] =	ssyncset.done $0x0  }
0x25: {  	s12 =	sadd.s32 s12, s6;
	[sflag:s7] =	ssyncadd.s32 $0xFFFFC000  }
0x26: {  	[tilespmem:s2], [sflag:$0x2] =	stream.linear.gather [hbm4b:s12+s2], $0x80, $0x38;
	[tilespmem:$0x4080] =	vst v63  }
0x27: {  	_ =	swait.ge [sflag:s7], $0x80  }
0x28: {  	[sflag:s7] =	ssyncset.done $0x0  }
0x29: {  	[sflag:s7] =	ssyncadd.s32 $0xFFFFFF80  }
0x2a: {  	[tilespmem:s8], [sflag:$0x1] =	stream.indirect.gather [hbm4b:s3+s8], $0x80, s2, s8, $0xb8;
	[tilespmem:$0x4080] =	vst v63  }
0x2b: {  	s10 =	sadd.s32 $0x1, s10;
	_ =	swait.ge [sflag:s9], $0x4000  }
0x2c: {  	p0 =	sne.s32 s10, s4;
	[sflag:s9] =	ssyncset.done $0x0  }
.Ltmp1:
0x2d: {  	[sflag:s9] =	ssyncadd.s32 $0xFFFFC000;
	(pc) =	sbr.rel @p0 .LBB2_1-.Ltmp1, $4  }
0x2e: {  	[hbm4b:s11+s2] =	stream.linear.scatter [tilespmem:s8], [sflag:$0x2], $0x4000, $0x38;
	[tilespmem:$0x4080] =	vst v63  }
0x2f: {  	_ =	swait.ge [sflag:s7], $0x4000  }
0x30: {  	[sflag:s7] =	ssyncset.done $0x0  }
0x31: {  	[sflag:s7] =	ssyncadd.s32 $0xFFFFC000  }
0x32: {  	_ =	sfence.sel $0x180000  }
0x33: {  	[bflag:$0x0] =	sbarrier.arrive $0xFFFF  }
0x34: {  	p0 =	sne.s32 s1, $0x0;
	_ =	strace $0x90000062  }
0x35: {  	s0 =	sadd.s32 @!p0 $0x100000, s0;
	[bflag:$0x2] =	sbarrier.arrive $0xFFFF  }
0x36: {  	[sflag:s0] =	ssyncadd.tile.s32 @!p0 $0x1;
	_ =	shalt  }
.Lfunc_end2:
_tile_overlayer_lowered:
.L_overlay_start_2:
0x37: {  	(tag) =	ssettag $0x2  }
0x38: {  	s0 =	rddreg [dreg:$0x0];
	s2 =	stileid.u32  }
0x39: {  	s1 =	rddreg [dreg:$0x1];
	p0 =	sne.s32 s2, $0x0  }
0x3a: {  	s3 =	rddreg [dreg:$0x2];
	[bflag:$0x3] =	sbarrier.arrive $0xFFFF;
	s2 =	simm.s32 @!p0 $0x1C02  }
0x3b: {  	[timem:s3], [sflag:s2] =	dma.local @!p0 [hbm:s0], s1  }
0x3c: {  	s0 =	simm.s32 @!p0 $0x2  }
0x3d: {  	_ =	swait.ge @!p0 [sflag:s0], s1  }
0x3e: {  	s1 =	ssub.s32 @!p0 $0x0, s1;
	[sflag:s0] =	ssyncset.done @!p0 $0x0  }
0x3f: {  	[sflag:s0] =	ssyncadd.s32 @!p0 s1  }
0x40: {  	[bflag:$0x3] =	sbarrier.arrive $0xFFFF  }
0x41: {  	_ =	shalt  }

// kernel: kernel.58.cloned.1.call-start
scs
__scs_entry_jumppad:
0x0: {  	(pc) =	sbr.rel $0x88, $3  }
0x1: {  	(tag) =	ssettag $0x0;
	lr =	simm.s32 $0x1  }
0x2: {  	[smem:$0x3F78] =	sst lr;
	_ =	strace $0xD0000000  }
0x3: {  	_ = 	snop  }
0x4: {  	_ = 	snop  }
0x5: {  	_ = 	snop  }
0x6: {  	_ = 	snop  }
0x7: {  	_ = 	snop  }
__scs_overlays_trampoline_lowered:
0x8: {  	[smem:$0x3F87] =	sst s0  }
0x9: {  	[smem:$0x3F88] =	sst s1  }
0xa: {  	[smem:$0x3F89] =	sst s2  }
0xb: {  	[smem:$0x3F8A] =	sst s3  }
0xc: {  	[smem:$0x3F8B] =	sst s4  }
0xd: {  	[smem:$0x3F8C] =	sst s5  }
0xe: {  	[smem:$0x3F8D] =	sst s6  }
0xf: {  	[smem:$0x3F8E] =	sst s7  }
0x10: {  	[smem:$0x3F8F] =	sst s8  }
0x11: {  	[smem:$0x3F90] =	sst s9;
	s0 =	simm.s32 @!p0 $0x0  }
0x12: {  	s1 =	sld [smem:$0x3F76];
	s0 =	simm.s32 @p0 $0x1  }
0x13: {  	[smem:$0x3F91] =	sst s0;
	s0 =	simm.s32 @!p1 $0x0  }
0x14: {  	s2 =	sld [smem:$0x3F75];
	s0 =	simm.s32 @p1 $0x1  }
0x15: {  	[smem:$0x3F92] =	sst s0;
	s0 =	simm.s32 @!p2 $0x0  }
0x16: {  	s3 =	sld [smem:$0x3FDB];
	s0 =	simm.s32 @p2 $0x1  }
0x17: {  	s4 =	simm.s32 $0x1BF5;
	[smem:$0x3F94] =	sst s0  }
0x18: {  	s0 =	sld [smem:$0x3F77];
	_ =	swait.ge [sflag:s4], $0x0  }
0x19: {  	s7 =	sld [smem:$0x3F78]  }
0x1a: {  	s8 =	sadd.s32 $0xFFFFE003, lr  }
0x1b: {  	s9 =	sadd.s32 $0xFFFFFEF7, lr;
	s5 =	simm.s32 $0xFFFFFFFF;
	p2 =	slt.u32 s8, $0xFFFFF086  }
0x1c: {  	p1 =	slt.u32 s9, $0xF7A;
	s5 =	simm.s32 @!p2 $0x0  }
0x1d: {  	s5 =	simm.s32 @p1 $0x1;
	p0 =	seq.s32 s7, s2  }
0x1e: {  	s7 =	smul.u32 @!p0 $0xF7A, s2;
	p2 =	seq.s32 @!p0 s5, $0x0  }
0x1f: {  	s9 =	smul.u32 $0xF7A, s1;
	s8 =	simm.s32 @!p0 $0x1BF5;
	p2 =	por !p2, p0  }
0x20: {  	[sflag:s8] =	ssyncset.s32 @!p0 $0xFFFFF086;
	s6 =	sadd.s32 @!p0 s3, s7;
	s7 =	simm.s32 @!p0 $0x108  }
0x21: {  	s3 =	sadd.s32 s3, s9;
	s6 =	sadd.s32 @!p0 $0x88, s6;
	s7 =	simm.s32 @p2 $0x1082  }
0x22: {  	[simem:s7], [sflag:s8] =	dma.local @!p0 [hbm:s6], $0xF7A  }
0x23: {  	s9 =	sor.u32 $0xD0000000, s2;
	s6 =	simm.s32 $0x108;
	_ =	swait.ge @!p0 [sflag:s8], $0x0  }
0x24: {  	s3 =	sadd.s32 $0x88, s3;
	s6 =	simm.s32 @!p1 $0x1082;
	[sflag:s4] =	ssyncset.s32 $0xFFFFF086  }
0x25: {  	[simem:s6], [sflag:s4] =	dma.local [hbm:s3], $0xF7A  }
0x26: {  	[smem:$0x3F78] =	sst s1;
	(tag) =	ssettag s2;
	_ =	strace s9  }
0x27: {  	s1 =	sld [smem:$0x3F88]  }
0x28: {  	s2 =	sld [smem:$0x3F89]  }
0x29: {  	s4 =	sld [smem:$0x3F8B]  }
0x2a: {  	p0 =	seq.s32 s5, $0x0;
	s5 =	sld [smem:$0x3F8C]  }
0x2b: {  	s6 =	sld [smem:$0x3F8D]  }
0x2c: {  	s7 =	sld [smem:$0x3F8E]  }
0x2d: {  	s3 =	simm.s32 $0x108;
	s8 =	sld [smem:$0x3F8F]  }
0x2e: {  	s3 =	simm.s32 @!p0 $0x1082;
	s9 =	sld [smem:$0x3F90]  }
0x2f: {  	lr =	sadd.s32 s0, s3;
	s0 =	sld [smem:$0x3F87]  }
0x30: {  	s3 =	sld [smem:$0x3F8A]  }
0x31: {  	[smem:$0x3F93] =	sst s10  }
0x32: {  	s10 =	sld [smem:$0x3F91];
	_ =	sdelay $0x3  }
0x33: {  	p0 =	seq.s32 s10, $0x1;
	s10 =	sld [smem:$0x3F93];
	_ =	sdelay $0x3  }
0x34: {  	[smem:$0x3F93] =	sst s10  }
0x35: {  	s10 =	sld [smem:$0x3F92];
	_ =	sdelay $0x3  }
0x36: {  	p1 =	seq.s32 s10, $0x1;
	s10 =	sld [smem:$0x3F93];
	_ =	sdelay $0x3  }
0x37: {  	[smem:$0x3F93] =	sst s10  }
0x38: {  	s10 =	sld [smem:$0x3F94]  }
0x39: {  	_ = 	snop;
	(pc) =	sbr.ind lr, $3  }
0x3a: {  	_ = 	snop  }
0x3b: {  	_ = 	snop  }
0x3c: {  	p2 =	seq.s32 s10, $0x1;
	s10 =	sld [smem:$0x3F93]  }
0x3d: {  	_ =	shalt  }
0x3e: {  	_ =	shalt  }
0x3f: {  	_ =	shalt  }
0x40: {  	_ =	shalt  }
0x41: {  	_ =	shalt  }
0x42: {  	_ =	shalt  }
0x43: {  	_ =	shalt  }
0x44: {  	_ =	shalt  }
0x45: {  	_ =	shalt  }
0x46: {  	_ =	shalt  }
0x47: {  	_ =	shalt  }
0x48: {  	_ =	shalt  }
0x49: {  	_ =	shalt  }
0x4a: {  	_ =	shalt  }
0x4b: {  	_ =	shalt  }
0x4c: {  	_ =	shalt  }
0x4d: {  	_ =	shalt  }
0x4e: {  	_ =	shalt  }
0x4f: {  	_ =	shalt  }
0x50: {  	_ =	shalt  }
0x51: {  	_ =	shalt  }
0x52: {  	_ =	shalt  }
0x53: {  	_ =	shalt  }
0x54: {  	_ =	shalt  }
0x55: {  	_ =	shalt  }
0x56: {  	_ =	shalt  }
0x57: {  	_ =	shalt  }
0x58: {  	_ =	shalt  }
0x59: {  	_ =	shalt  }
0x5a: {  	_ =	shalt  }
0x5b: {  	_ =	shalt  }
0x5c: {  	_ =	shalt  }
0x5d: {  	_ =	shalt  }
0x5e: {  	_ =	shalt  }
0x5f: {  	_ =	shalt  }
0x60: {  	_ =	shalt  }
0x61: {  	_ =	shalt  }
0x62: {  	_ =	shalt  }
0x63: {  	_ =	shalt  }
0x64: {  	_ =	shalt  }
0x65: {  	_ =	shalt  }
0x66: {  	_ =	shalt  }
0x67: {  	_ =	shalt  }
0x68: {  	_ =	shalt  }
0x69: {  	_ =	shalt  }
0x6a: {  	_ =	shalt  }
0x6b: {  	_ =	shalt  }
0x6c: {  	_ =	shalt  }
0x6d: {  	_ =	shalt  }
0x6e: {  	_ =	shalt  }
0x6f: {  	_ =	shalt  }
0x70: {  	_ =	shalt  }
0x71: {  	_ =	shalt  }
0x72: {  	_ =	shalt  }
0x73: {  	_ =	shalt  }
0x74: {  	_ =	shalt  }
0x75: {  	_ =	shalt  }
0x76: {  	_ =	shalt  }
0x77: {  	_ =	shalt  }
0x78: {  	_ =	shalt  }
0x79: {  	_ =	shalt  }
0x7a: {  	_ =	shalt  }
0x7b: {  	_ =	shalt  }
0x7c: {  	_ =	shalt  }
0x7d: {  	_ =	shalt  }
0x7e: {  	_ =	shalt  }
0x7f: {  	_ =	shalt  }
0x80: {  	_ =	shalt  }
0x81: {  	_ =	shalt  }
0x82: {  	_ =	shalt  }
0x83: {  	_ =	shalt  }
0x84: {  	_ =	shalt  }
0x85: {  	_ =	shalt  }
0x86: {  	_ =	shalt  }
0x87: {  	_ =	shalt  }
.Lfunc_end0:
.L_simem_size_0:
called_computation.10_lowered:
.L_overlay_start_0:
0x88: {  	s2 =	sld [smem:$0x3FD9]  }
0x89: {  	s3 =	sld [smem:$0x3FFE];
	_ =	sdelay $0x1  }
0x8a: {  	s1 =	srdreg.scid  }
0x8b: {  	s0 =	sand.u32 $0x1, s1  }
0x8c: {  	s17 =	sshll.u32 s0, $0xA;
	s2 =	sadd.s32 s3, s2  }
0x8d: {  	s2 =	sadd.s32 s2, s17  }
0x8e: {  	[smem:$0x3F9F] =	sst s2  }
0x8f: {  	_ = 	snop  }
0x90: {  	s2 =	sld [smem:$0x3FD0];
	(tm) =	ssettm $0x1  }
0x91: {  	s18 =	sld [smem:$0x3FFB];
	_ =	sdelay $0x3  }
0x92: {  	_ =	strace s18  }
0x93: {  	s3 =	sld [smem:$0x3FFC];
	_ =	sdelay $0x3  }
0x94: {  	_ =	strace s3  }
0x95: {  	s3 =	sld [smem:$0x3FFD];
	_ =	sdelay $0x3  }
0x96: {  	_ =	strace s3  }
0x97: {  	_ =	strace $0x8FFFFFFF  }
0x98: {  	s19 =	sld [smem:$0x3FDB];
	_ =	sdelay $0x1  }
0x99: {  	s4 =	simm.s32 $_scs_section_size  }
0x9a: {  	s5 =	simm.s32 $_size__tile_overlayer_lowered;
	s6 =	simm.s32 $_tile_overlayer_lowered  }
0x9b: {  	s22 =	simm.s32 $0x1BFF;
	s21 =	sshll.u32 s6, $0x1;
	s3 =	sadd.s32 s4, s19  }
0x9c: {  	s7 =	simm.s32 $0x0;
	s20 =	sshll.u32 s5, $0x1;
	s5 =	sadd.s32 s21, s3  }
0x9d: {  	[timem:s7], [sflag:s22] =	dma.local [hbm:s5], s20  }
0x9e: {  	_ =	swait.ge [sflag:s22], s20  }
0x9f: {  	s4 =	ssub.s32 $0x0, s20;
	[sflag:s22] =	ssyncset.done $0x0  }
0xa0: {  	[sflag:s22] =	ssyncadd.s32 s4;
	_ =	sdelay $0x1  }
0xa1: {  	s23 =	simm.s32 $0x1B8B  }
0xa2: {  	_ =	swait.ge [sflag:s23], $0x1  }
0xa3: {  	[sflag:s23] =	ssyncset.done $0x0  }
0xa4: {  	s25 =	simm.s32 $0x1B8E;
	s24 =	sld [smem:$0x3FFE];
	[sflag:s23] =	ssyncadd.s32 $0xFFFFFFFF  }
0xa5: {  	s26 =	simm.s32 $execute0_lowered;
	[smem:$0x3FD2] =	sst s25  }
0xa6: {  	s5 =	sshll.u32 s26, $0x1;
	_ =	strace $0x80000064;
	[dreg:$0x1] =	wrdreg $0xFFFFFFFF  }
0xa7: {  	s28 =	simm.s32 $_size_execute0_lowered;
	s3 =	sadd.s32 s3, s5;
	[dreg:$0x0] =	wrdreg $0x0  }
0xa8: {  	s5 =	sshll.u32 s28, $0x1;
	[dreg:$0x2] =	wrdreg s3  }
0xa9: {  	[dreg:$0x3] =	wrdreg s5  }
0xaa: {  	[dreg:$0x4] =	wrdreg $0xC0  }
0xab: {  	_ =	task [dreg:s7], $0x5FFFF  }
0xac: {  	[dreg:$0x1] =	wrdreg $0xFFFFFFFF  }
0xad: {  	[dreg:$0x0] =	wrdreg $0x60  }
0xae: {  	[dreg:$0x2] =	wrdreg s2  }
0xaf: {  	[dreg:$0x3] =	wrdreg s24  }
0xb0: {  	[dreg:$0x4] =	wrdreg $0x9  }
0xb1: {  	_ =	task.clear_ibuf [dreg:s7], $0x5FFFF;
	_ =	strace $0x90000064  }
0xb2: {  	s29 =	simm.s32 $0x9;
	_ =	strace $0x80000066  }
0xb3: {  	_ =	swait.ge [sflag:s29], $0x1  }
0xb4: {  	[sflag:s29] =	ssyncadd.s32 $0xFFFFFFFF  }
0xb5: {  	_ =	strace $0x90000066  }
0xb6: {  	_ =	sfence  }
0xb7: {  	s30 =	sld [smem:$0x0];
	_ =	sdelay $0x2  }
0xb8: {  	s31 =	sshll.u32 s1, $0xD;
	s1 =	sshrl.u32 s1, $0x2  }
0xb9: {  	s3 =	sand.u32 $0x4000, s31;
	s1 =	sadd.s32 s1, s30  }
0xba: {  	s0 =	sor.u32 s3, s0;
	s1 =	sshll.u32 s1, $0x11  }
0xbb: {  	s0 =	sor.u32 s1, s0  }
0xbc: {  	s0 =	sadd.s32 $0x8F2B, s0  }
0xbd: {  	[sflag:s0] =	ssyncadd.remote.s32 $0x1  }
0xbe: {  	_ =	sfence.sel $0xFFFF  }
0xbf: {  	[dreg:$0x0] =	wrdreg $0xFFFFFFFF;
	(pc) =	sbr.abs _section_cstart, $3  }
0xc0: {  	[dreg:$0x1] =	wrdreg $0xFFFFFFFF  }
0xc1: {  	_ =	task.clear_ibuf [dreg:s7], $0x2FFFF;
	_ =	strace $0x9FFFFFFF  }
0xc2: {  	(tm) =	ssettm $0x7FFFFFFF  }
0xc3: {  	_ =	shalt  }
tec
execute0_lowered:
.L_overlay_start_1:
0x0: {  	(tag) =	ssettag $0x1  }
0x1: {  	s6 =	rddreg [dreg:$0x0]  }
0x2: {  	s3 =	rddreg [dreg:$0x1]  }
0x3: {  	s0 =	rddreg [dreg:$0x2];
	s1 =	stileid.u32  }
0x4: {  	s2 =	simm.s32 $0x0;
	s5 =	srdreg.scid;
	s4 =	smul.u32 $0x25000, s1  }
0x5: {  	[smem:$0x7FF] =	sst s2;
	s5 =	sand.u32 $0x1, s5;
	s7 =	smul.u32 $0x2500, s1  }
0x6: {  	_ =	strace $0x80000065;
	s8 =	ssub.s32 $0x2, s5;
	s9 =	smul.u32 $0x1280, s5  }
0x7: {  	s5 =	smul.u32 $0x12800, s5;
	s10 =	sadd.s32 s4, s3;
	s31 =	sshrl.u32 s8, $0x1  }
0x8: {  	s3 =	sadd.s32 $0xB400, s3;
	s4 =	ssub.s32 s8, s31;
	s7 =	sadd.s32 s9, s7  }
0x9: {  	s5 =	sadd.s32 s5, s10;
	s8 =	simm.s32 $0x80;
	s9 =	simm.s32 $0x1  }
0xa: {  	s10 =	simm.s32 $0x0;
	s4 =	smax.u32 s4, $0x1;
	s7 =	sshrl.u32 s7, $0x3  }
0xb: {  	s5 =	sadd.s32 $0x1AB000, s5;
	s6 =	sadd.s32 s7, s6;
	s7 =	simm.s32 $0x2  }
.LBB2_1:
0xc: {  	s11 =	sadd.s32 $0x0, s6  }
0xd: {  	[tilespmem:s2], [sflag:$0x2] =	stream.linear.gather [hbm4b:s11+s2], $0x80, $0x38;
	[tilespmem:$0x4080] =	vst v63  }
0xe: {  	_ =	swait.ge [sflag:s7], $0x80  }
0xf: {  	[sflag:s7] =	ssyncset.done $0x0  }
0x10: {  	[sflag:s7] =	ssyncadd.s32 $0xFFFFFF80  }
0x11: {  	[tilespmem:s8], [sflag:$0x1] =	stream.indirect.gather [hbm4b:s3+s8], $0x80, s2, s8, $0xb8;
	[tilespmem:$0x4080] =	vst v63  }
0x12: {  	_ =	swait.ge [sflag:s9], $0x4000  }
0x13: {  	[sflag:s9] =	ssyncset.done $0x0  }
0x14: {  	[sflag:s9] =	ssyncadd.s32 $0xFFFFC000  }
0x15: {  	[hbm4b:s5+s2] =	stream.linear.scatter [tilespmem:s8], [sflag:$0x2], $0x4000, $0x38;
	[tilespmem:$0x4080] =	vst v63  }
0x16: {  	s12 =	simm.s32 $0x10;
	_ =	swait.ge [sflag:s7], $0x4000  }
0x17: {  	s13 =	simm.s32 $0x20;
	s11 =	sadd.s32 $0x800, s5;
	[sflag:s7] =	ssyncset.done $0x0  }
.LBB2_2:
0x18: {  	s14 =	sadd.s32 s12, s6  }
0x19: {  	[sflag:s7] =	ssyncadd.s32 $0xFFFFC000;
	s12 =	smov.u32 s13;
	s15 =	sadd.s32 $0x10, s13  }
0x1a: {  	[tilespmem:s2], [sflag:$0x2] =	stream.linear.gather [hbm4b:s14+s2], $0x80, $0x38;
	[tilespmem:$0x4080] =	vst v63  }
0x1b: {  	p0 =	sne.s32 s13, $0x240;
	_ =	swait.ge [sflag:s7], $0x80  }
0x1c: {  	[sflag:s7] =	ssyncset.done $0x0  }
0x1d: {  	[sflag:s7] =	ssyncadd.s32 $0xFFFFFF80  }
0x1e: {  	[tilespmem:s8], [sflag:$0x1] =	stream.indirect.gather [hbm4b:s3+s8], $0x80, s2, s8, $0xb8;
	[tilespmem:$0x4080] =	vst v63  }
0x1f: {  	_ =	swait.ge [sflag:s9], $0x4000  }
.Ltmp0:
0x20: {  	[sflag:s9] =	ssyncset.done $0x0;
	(pc) =	sbr.rel @p0 .LBB2_2-.Ltmp0, $4  }
0x21: {  	[sflag:s9] =	ssyncadd.s32 $0xFFFFC000  }
0x22: {  	[hbm4b:s11+s2] =	stream.linear.scatter [tilespmem:s8], [sflag:$0x2], $0x4000, $0x38;
	[tilespmem:$0x4080] =	vst v63  }
0x23: {  	_ =	swait.ge [sflag:s7], $0x4000  }
0x24: {  	s13 =	smov.u32 s15;
	s11 =	sadd.s32 $0x800, s11;
	[sflag:s7] =	ssyncset.done $0x0  }
0x25: {  	s12 =	sadd.s32 s12, s6;
	[sflag:s7] =	ssyncadd.s32 $0xFFFFC000  }
0x26: {  	[tilespmem:s2], [sflag:$0x2] =	stream.linear.gather [hbm4b:s12+s2], $0x80, $0x38;
	[tilespmem:$0x4080] =	vst v63  }
0x27: {  	_ =	swait.ge [sflag:s7], $0x80  }
0x28: {  	[sflag:s7] =	ssyncset.done $0x0  }
0x29: {  	[sflag:s7] =	ssyncadd.s32 $0xFFFFFF80  }
0x2a: {  	[tilespmem:s8], [sflag:$0x1] =	stream.indirect.gather [hbm4b:s3+s8], $0x80, s2, s8, $0xb8;
	[tilespmem:$0x4080] =	vst v63  }
0x2b: {  	s10 =	sadd.s32 $0x1, s10;
	_ =	swait.ge [sflag:s9], $0x4000  }
0x2c: {  	p0 =	sne.s32 s10, s4;
	[sflag:s9] =	ssyncset.done $0x0  }
.Ltmp1:
0x2d: {  	[sflag:s9] =	ssyncadd.s32 $0xFFFFC000;
	(pc) =	sbr.rel @p0 .LBB2_1-.Ltmp1, $4  }
0x2e: {  	[hbm4b:s11+s2] =	stream.linear.scatter [tilespmem:s8], [sflag:$0x2], $0x4000, $0x38;
	[tilespmem:$0x4080] =	vst v63  }
0x2f: {  	_ =	swait.ge [sflag:s7], $0x4000  }
0x30: {  	[sflag:s7] =	ssyncset.done $0x0  }
0x31: {  	[sflag:s7] =	ssyncadd.s32 $0xFFFFC000  }
0x32: {  	_ =	sfence.sel $0x180000  }
0x33: {  	[bflag:$0x0] =	sbarrier.arrive $0xFFFF  }
0x34: {  	p0 =	sne.s32 s1, $0x0;
	_ =	strace $0x90000065  }
0x35: {  	s0 =	sadd.s32 @!p0 $0x100000, s0;
	[bflag:$0x2] =	sbarrier.arrive $0xFFFF  }
0x36: {  	[sflag:s0] =	ssyncadd.tile.s32 @!p0 $0x1;
	_ =	shalt  }
.Lfunc_end2:
_tile_overlayer_lowered:
.L_overlay_start_2:
0x37: {  	(tag) =	ssettag $0x2  }
0x38: {  	s0 =	rddreg [dreg:$0x0];
	s2 =	stileid.u32  }
0x39: {  	s1 =	rddreg [dreg:$0x1];
	p0 =	sne.s32 s2, $0x0  }
0x3a: {  	s3 =	rddreg [dreg:$0x2];
	[bflag:$0x3] =	sbarrier.arrive $0xFFFF;
	s2 =	simm.s32 @!p0 $0x1C02  }
0x3b: {  	[timem:s3], [sflag:s2] =	dma.local @!p0 [hbm:s0], s1  }
0x3c: {  	s0 =	simm.s32 @!p0 $0x2  }
0x3d: {  	_ =	swait.ge @!p0 [sflag:s0], s1  }
0x3e: {  	s1 =	ssub.s32 @!p0 $0x0, s1;
	[sflag:s0] =	ssyncset.done @!p0 $0x0  }
0x3f: {  	[sflag:s0] =	ssyncadd.s32 @!p0 s1  }
0x40: {  	[bflag:$0x3] =	sbarrier.arrive $0xFFFF  }
0x41: {  	_ =	shalt  }

// kernel: kernel.61.cloned.1.call-start
scs
__scs_entry_jumppad:
0x0: {  	(pc) =	sbr.rel $0x88, $3  }
0x1: {  	(tag) =	ssettag $0x0;
	lr =	simm.s32 $0x1  }
0x2: {  	[smem:$0x3F78] =	sst lr;
	_ =	strace $0xD0000000  }
0x3: {  	_ = 	snop  }
0x4: {  	_ = 	snop  }
0x5: {  	_ = 	snop  }
0x6: {  	_ = 	snop  }
0x7: {  	_ = 	snop  }
__scs_overlays_trampoline_lowered:
0x8: {  	[smem:$0x3F87] =	sst s0  }
0x9: {  	[smem:$0x3F88] =	sst s1  }
0xa: {  	[smem:$0x3F89] =	sst s2  }
0xb: {  	[smem:$0x3F8A] =	sst s3  }
0xc: {  	[smem:$0x3F8B] =	sst s4  }
0xd: {  	[smem:$0x3F8C] =	sst s5  }
0xe: {  	[smem:$0x3F8D] =	sst s6  }
0xf: {  	[smem:$0x3F8E] =	sst s7  }
0x10: {  	[smem:$0x3F8F] =	sst s8  }
0x11: {  	[smem:$0x3F90] =	sst s9;
	s0 =	simm.s32 @!p0 $0x0  }
0x12: {  	s1 =	sld [smem:$0x3F76];
	s0 =	simm.s32 @p0 $0x1  }
0x13: {  	[smem:$0x3F91] =	sst s0;
	s0 =	simm.s32 @!p1 $0x0  }
0x14: {  	s2 =	sld [smem:$0x3F75];
	s0 =	simm.s32 @p1 $0x1  }
0x15: {  	[smem:$0x3F92] =	sst s0;
	s0 =	simm.s32 @!p2 $0x0  }
0x16: {  	s3 =	sld [smem:$0x3FDB];
	s0 =	simm.s32 @p2 $0x1  }
0x17: {  	s4 =	simm.s32 $0x1BF5;
	[smem:$0x3F94] =	sst s0  }
0x18: {  	s0 =	sld [smem:$0x3F77];
	_ =	swait.ge [sflag:s4], $0x0  }
0x19: {  	s7 =	sld [smem:$0x3F78]  }
0x1a: {  	s8 =	sadd.s32 $0xFFFFE003, lr  }
0x1b: {  	s9 =	sadd.s32 $0xFFFFFEF7, lr;
	s5 =	simm.s32 $0xFFFFFFFF;
	p2 =	slt.u32 s8, $0xFFFFF086  }
0x1c: {  	p1 =	slt.u32 s9, $0xF7A;
	s5 =	simm.s32 @!p2 $0x0  }
0x1d: {  	s5 =	simm.s32 @p1 $0x1;
	p0 =	seq.s32 s7, s2  }
0x1e: {  	s7 =	smul.u32 @!p0 $0xF7A, s2;
	p2 =	seq.s32 @!p0 s5, $0x0  }
0x1f: {  	s9 =	smul.u32 $0xF7A, s1;
	s8 =	simm.s32 @!p0 $0x1BF5;
	p2 =	por !p2, p0  }
0x20: {  	[sflag:s8] =	ssyncset.s32 @!p0 $0xFFFFF086;
	s6 =	sadd.s32 @!p0 s3, s7;
	s7 =	simm.s32 @!p0 $0x108  }
0x21: {  	s3 =	sadd.s32 s3, s9;
	s6 =	sadd.s32 @!p0 $0x88, s6;
	s7 =	simm.s32 @p2 $0x1082  }
0x22: {  	[simem:s7], [sflag:s8] =	dma.local @!p0 [hbm:s6], $0xF7A  }
0x23: {  	s9 =	sor.u32 $0xD0000000, s2;
	s6 =	simm.s32 $0x108;
	_ =	swait.ge @!p0 [sflag:s8], $0x0  }
0x24: {  	s3 =	sadd.s32 $0x88, s3;
	s6 =	simm.s32 @!p1 $0x1082;
	[sflag:s4] =	ssyncset.s32 $0xFFFFF086  }
0x25: {  	[simem:s6], [sflag:s4] =	dma.local [hbm:s3], $0xF7A  }
0x26: {  	[smem:$0x3F78] =	sst s1;
	(tag) =	ssettag s2;
	_ =	strace s9  }
0x27: {  	s1 =	sld [smem:$0x3F88]  }
0x28: {  	s2 =	sld [smem:$0x3F89]  }
0x29: {  	s4 =	sld [smem:$0x3F8B]  }
0x2a: {  	p0 =	seq.s32 s5, $0x0;
	s5 =	sld [smem:$0x3F8C]  }
0x2b: {  	s6 =	sld [smem:$0x3F8D]  }
0x2c: {  	s7 =	sld [smem:$0x3F8E]  }
0x2d: {  	s3 =	simm.s32 $0x108;
	s8 =	sld [smem:$0x3F8F]  }
0x2e: {  	s3 =	simm.s32 @!p0 $0x1082;
	s9 =	sld [smem:$0x3F90]  }
0x2f: {  	lr =	sadd.s32 s0, s3;
	s0 =	sld [smem:$0x3F87]  }
0x30: {  	s3 =	sld [smem:$0x3F8A]  }
0x31: {  	[smem:$0x3F93] =	sst s10  }
0x32: {  	s10 =	sld [smem:$0x3F91];
	_ =	sdelay $0x3  }
0x33: {  	p0 =	seq.s32 s10, $0x1;
	s10 =	sld [smem:$0x3F93];
	_ =	sdelay $0x3  }
0x34: {  	[smem:$0x3F93] =	sst s10  }
0x35: {  	s10 =	sld [smem:$0x3F92];
	_ =	sdelay $0x3  }
0x36: {  	p1 =	seq.s32 s10, $0x1;
	s10 =	sld [smem:$0x3F93];
	_ =	sdelay $0x3  }
0x37: {  	[smem:$0x3F93] =	sst s10  }
0x38: {  	s10 =	sld [smem:$0x3F94]  }
0x39: {  	_ = 	snop;
	(pc) =	sbr.ind lr, $3  }
0x3a: {  	_ = 	snop  }
0x3b: {  	_ = 	snop  }
0x3c: {  	p2 =	seq.s32 s10, $0x1;
	s10 =	sld [smem:$0x3F93]  }
0x3d: {  	_ =	shalt  }
0x3e: {  	_ =	shalt  }
0x3f: {  	_ =	shalt  }
0x40: {  	_ =	shalt  }
0x41: {  	_ =	shalt  }
0x42: {  	_ =	shalt  }
0x43: {  	_ =	shalt  }
0x44: {  	_ =	shalt  }
0x45: {  	_ =	shalt  }
0x46: {  	_ =	shalt  }
0x47: {  	_ =	shalt  }
0x48: {  	_ =	shalt  }
0x49: {  	_ =	shalt  }
0x4a: {  	_ =	shalt  }
0x4b: {  	_ =	shalt  }
0x4c: {  	_ =	shalt  }
0x4d: {  	_ =	shalt  }
0x4e: {  	_ =	shalt  }
0x4f: {  	_ =	shalt  }
0x50: {  	_ =	shalt  }
0x51: {  	_ =	shalt  }
0x52: {  	_ =	shalt  }
0x53: {  	_ =	shalt  }
0x54: {  	_ =	shalt  }
0x55: {  	_ =	shalt  }
0x56: {  	_ =	shalt  }
0x57: {  	_ =	shalt  }
0x58: {  	_ =	shalt  }
0x59: {  	_ =	shalt  }
0x5a: {  	_ =	shalt  }
0x5b: {  	_ =	shalt  }
0x5c: {  	_ =	shalt  }
0x5d: {  	_ =	shalt  }
0x5e: {  	_ =	shalt  }
0x5f: {  	_ =	shalt  }
0x60: {  	_ =	shalt  }
0x61: {  	_ =	shalt  }
0x62: {  	_ =	shalt  }
0x63: {  	_ =	shalt  }
0x64: {  	_ =	shalt  }
0x65: {  	_ =	shalt  }
0x66: {  	_ =	shalt  }
0x67: {  	_ =	shalt  }
0x68: {  	_ =	shalt  }
0x69: {  	_ =	shalt  }
0x6a: {  	_ =	shalt  }
0x6b: {  	_ =	shalt  }
0x6c: {  	_ =	shalt  }
0x6d: {  	_ =	shalt  }
0x6e: {  	_ =	shalt  }
0x6f: {  	_ =	shalt  }
0x70: {  	_ =	shalt  }
0x71: {  	_ =	shalt  }
0x72: {  	_ =	shalt  }
0x73: {  	_ =	shalt  }
0x74: {  	_ =	shalt  }
0x75: {  	_ =	shalt  }
0x76: {  	_ =	shalt  }
0x77: {  	_ =	shalt  }
0x78: {  	_ =	shalt  }
0x79: {  	_ =	shalt  }
0x7a: {  	_ =	shalt  }
0x7b: {  	_ =	shalt  }
0x7c: {  	_ =	shalt  }
0x7d: {  	_ =	shalt  }
0x7e: {  	_ =	shalt  }
0x7f: {  	_ =	shalt  }
0x80: {  	_ =	shalt  }
0x81: {  	_ =	shalt  }
0x82: {  	_ =	shalt  }
0x83: {  	_ =	shalt  }
0x84: {  	_ =	shalt  }
0x85: {  	_ =	shalt  }
0x86: {  	_ =	shalt  }
0x87: {  	_ =	shalt  }
.Lfunc_end0:
.L_simem_size_0:
called_computation.11_lowered:
.L_overlay_start_0:
0x88: {  	s2 =	sld [smem:$0x3FD9]  }
0x89: {  	s3 =	sld [smem:$0x3FFE];
	_ =	sdelay $0x1  }
0x8a: {  	s1 =	srdreg.scid  }
0x8b: {  	s0 =	sand.u32 $0x1, s1  }
0x8c: {  	s16 =	sshll.u32 s0, $0xA;
	s2 =	sadd.s32 s3, s2  }
0x8d: {  	s2 =	sadd.s32 s2, s16  }
0x8e: {  	[smem:$0x3F9F] =	sst s2  }
0x8f: {  	_ = 	snop  }
0x90: {  	(tm) =	ssettm $0x1  }
0x91: {  	s17 =	sld [smem:$0x3FFB];
	_ =	sdelay $0x3  }
0x92: {  	_ =	strace s17  }
0x93: {  	s2 =	sld [smem:$0x3FFC];
	_ =	sdelay $0x3  }
0x94: {  	_ =	strace s2  }
0x95: {  	s2 =	sld [smem:$0x3FFD];
	_ =	sdelay $0x3  }
0x96: {  	_ =	strace s2  }
0x97: {  	_ =	strace $0x8FFFFFFF  }
0x98: {  	s18 =	sld [smem:$0x3FDB];
	_ =	sdelay $0x1  }
0x99: {  	s19 =	simm.s32 $_scs_section_size  }
0x9a: {  	s4 =	simm.s32 $_size__tile_overlayer_lowered;
	s5 =	simm.s32 $_tile_overlayer_lowered  }
0x9b: {  	s22 =	simm.s32 $0x1BFF;
	s21 =	sshll.u32 s5, $0x1;
	s2 =	sadd.s32 s19, s18  }
0x9c: {  	s6 =	simm.s32 $0x0;
	s20 =	sshll.u32 s4, $0x1;
	s4 =	sadd.s32 s21, s2  }
0x9d: {  	[timem:s6], [sflag:s22] =	dma.local [hbm:s4], s20  }
0x9e: {  	_ =	swait.ge [sflag:s22], s20  }
0x9f: {  	s3 =	ssub.s32 $0x0, s20;
	[sflag:s22] =	ssyncset.done $0x0  }
0xa0: {  	[sflag:s22] =	ssyncadd.s32 s3;
	_ =	sdelay $0x1  }
0xa1: {  	s23 =	simm.s32 $0x1B8B  }
0xa2: {  	_ =	swait.ge [sflag:s23], $0x1  }
0xa3: {  	[sflag:s23] =	ssyncset.done $0x0  }
0xa4: {  	s25 =	simm.s32 $0x1B8E;
	s24 =	sld [smem:$0x3FFE];
	[sflag:s23] =	ssyncadd.s32 $0xFFFFFFFF  }
0xa5: {  	s26 =	simm.s32 $execute0_lowered;
	[smem:$0x3FD2] =	sst s25  }
0xa6: {  	s4 =	sshll.u32 s26, $0x1;
	_ =	strace $0x80000067;
	[dreg:$0x1] =	wrdreg $0xFFFFFFFF  }
0xa7: {  	s28 =	simm.s32 $_size_execute0_lowered;
	s2 =	sadd.s32 s2, s4;
	[dreg:$0x0] =	wrdreg $0x0  }
0xa8: {  	s4 =	sshll.u32 s28, $0x1;
	[dreg:$0x2] =	wrdreg s2  }
0xa9: {  	[dreg:$0x3] =	wrdreg s4  }
0xaa: {  	[dreg:$0x4] =	wrdreg $0xC0  }
0xab: {  	_ =	task [dreg:s6], $0x5FFFF  }
0xac: {  	[dreg:$0x1] =	wrdreg $0xFFFFFFFF  }
0xad: {  	[dreg:$0x0] =	wrdreg $0x60  }
0xae: {  	[dreg:$0x2] =	wrdreg s24  }
0xaf: {  	[dreg:$0x3] =	wrdreg $0x9  }
0xb0: {  	_ =	task.clear_ibuf [dreg:s6], $0x4FFFF;
	_ =	strace $0x90000067  }
0xb1: {  	s29 =	simm.s32 $0x9;
	_ =	strace $0x80000069  }
0xb2: {  	_ =	swait.ge [sflag:s29], $0x1  }
0xb3: {  	[sflag:s29] =	ssyncadd.s32 $0xFFFFFFFF  }
0xb4: {  	_ =	strace $0x90000069  }
0xb5: {  	_ =	sfence  }
0xb6: {  	s30 =	sld [smem:$0x0];
	_ =	sdelay $0x2  }
0xb7: {  	s31 =	sshll.u32 s1, $0xD;
	s1 =	sshrl.u32 s1, $0x2  }
0xb8: {  	s3 =	sand.u32 $0x4000, s31;
	s1 =	sadd.s32 s1, s30  }
0xb9: {  	s0 =	sor.u32 s3, s0;
	s1 =	sshll.u32 s1, $0x11  }
0xba: {  	s0 =	sor.u32 s1, s0  }
0xbb: {  	s0 =	sadd.s32 $0x8F2B, s0  }
0xbc: {  	[sflag:s0] =	ssyncadd.remote.s32 $0x1  }
0xbd: {  	_ =	sfence.sel $0xFFFF  }
0xbe: {  	[dreg:$0x0] =	wrdreg $0xFFFFFFFF;
	(pc) =	sbr.abs _section_cstart, $3  }
0xbf: {  	[dreg:$0x1] =	wrdreg $0xFFFFFFFF  }
0xc0: {  	_ =	task.clear_ibuf [dreg:s6], $0x2FFFF;
	_ =	strace $0x9FFFFFFF  }
0xc1: {  	(tm) =	ssettm $0x7FFFFFFF  }
tec
execute0_lowered:
.L_overlay_start_1:
0x0: {  	(tag) =	ssettag $0x1  }
0x1: {  	s3 =	rddreg [dreg:$0x0]  }
0x2: {  	s0 =	rddreg [dreg:$0x1];
	s1 =	stileid.u32  }
0x3: {  	s4 =	srdreg.scid;
	s5 =	smul.u32 $0xC400, s1  }
0x4: {  	s2 =	simm.s32 $0x0;
	s4 =	sand.u32 $0x1, s4;
	s29 =	smul.u32 $0xC4000, s1  }
0x5: {  	[smem:$0x7FF] =	sst s2;
	s6 =	smul.u32 $0x6200, s4  }
0x6: {  	_ =	strace $0x80000068;
	s7 =	ssub.s32 $0x2, s4;
	s9 =	smul.u32 $0x62000, s4  }
0x7: {  	s8 =	sshrl.u32 s7, $0x1;
	s30 =	sadd.s32 s29, s3;
	s5 =	sadd.s32 s6, s5  }
0x8: {  	s31 =	ssub.s32 s7, s8;
	s7 =	simm.s32 $0x2;
	s5 =	sshrl.u32 s5, $0x3  }
0x9: {  	s8 =	simm.s32 $0x80;
	s4 =	smax.u32 s31, $0x1;
	s10 =	sadd.s32 s5, s3  }
0xa: {  	s3 =	sadd.s32 $0x3FB000, s3;
	s5 =	sadd.s32 s9, s30;
	s9 =	simm.s32 $0x1  }
0xb: {  	s5 =	sadd.s32 $0x4BF000, s5;
	s6 =	sadd.s32 $0xCE800, s10;
	s10 =	simm.s32 $0x0  }
.LBB2_1:
0xc: {  	s11 =	sadd.s32 $0x0, s6  }
0xd: {  	[tilespmem:s2], [sflag:$0x2] =	stream.linear.gather [hbm4b:s11+s2], $0x80, $0x38;
	[tilespmem:$0x4080] =	vst v63  }
0xe: {  	_ =	swait.ge [sflag:s7], $0x80  }
0xf: {  	[sflag:s7] =	ssyncset.done $0x0  }
0x10: {  	[sflag:s7] =	ssyncadd.s32 $0xFFFFFF80  }
0x11: {  	[tilespmem:s8], [sflag:$0x1] =	stream.indirect.gather [hbm4b:s3+s8], $0x80, s2, s8, $0xb8;
	[tilespmem:$0x4080] =	vst v63  }
0x12: {  	_ =	swait.ge [sflag:s9], $0x4000  }
0x13: {  	[sflag:s9] =	ssyncset.done $0x0  }
0x14: {  	[sflag:s9] =	ssyncadd.s32 $0xFFFFC000  }
0x15: {  	[hbm4b:s5+s2] =	stream.linear.scatter [tilespmem:s8], [sflag:$0x2], $0x4000, $0x38;
	[tilespmem:$0x4080] =	vst v63  }
0x16: {  	s12 =	simm.s32 $0x10;
	_ =	swait.ge [sflag:s7], $0x4000  }
0x17: {  	s13 =	simm.s32 $0x20;
	s11 =	sadd.s32 $0x800, s5;
	[sflag:s7] =	ssyncset.done $0x0  }
.LBB2_2:
0x18: {  	s14 =	sadd.s32 s12, s6  }
0x19: {  	[sflag:s7] =	ssyncadd.s32 $0xFFFFC000;
	s12 =	smov.u32 s13;
	s15 =	sadd.s32 $0x10, s13  }
0x1a: {  	[tilespmem:s2], [sflag:$0x2] =	stream.linear.gather [hbm4b:s14+s2], $0x80, $0x38;
	[tilespmem:$0x4080] =	vst v63  }
0x1b: {  	p0 =	sne.s32 s13, $0xC30;
	_ =	swait.ge [sflag:s7], $0x80  }
0x1c: {  	[sflag:s7] =	ssyncset.done $0x0  }
0x1d: {  	[sflag:s7] =	ssyncadd.s32 $0xFFFFFF80  }
0x1e: {  	[tilespmem:s8], [sflag:$0x1] =	stream.indirect.gather [hbm4b:s3+s8], $0x80, s2, s8, $0xb8;
	[tilespmem:$0x4080] =	vst v63  }
0x1f: {  	_ =	swait.ge [sflag:s9], $0x4000  }
.Ltmp0:
0x20: {  	[sflag:s9] =	ssyncset.done $0x0;
	(pc) =	sbr.rel @p0 .LBB2_2-.Ltmp0, $4  }
0x21: {  	[sflag:s9] =	ssyncadd.s32 $0xFFFFC000  }
0x22: {  	[hbm4b:s11+s2] =	stream.linear.scatter [tilespmem:s8], [sflag:$0x2], $0x4000, $0x38;
	[tilespmem:$0x4080] =	vst v63  }
0x23: {  	_ =	swait.ge [sflag:s7], $0x4000  }
0x24: {  	s13 =	smov.u32 s15;
	s11 =	sadd.s32 $0x800, s11;
	[sflag:s7] =	ssyncset.done $0x0  }
0x25: {  	s12 =	sadd.s32 s12, s6;
	[sflag:s7] =	ssyncadd.s32 $0xFFFFC000  }
0x26: {  	[tilespmem:s2], [sflag:$0x2] =	stream.linear.gather [hbm4b:s12+s2], $0x80, $0x38;
	[tilespmem:$0x4080] =	vst v63  }
0x27: {  	_ =	swait.ge [sflag:s7], $0x80  }
0x28: {  	[sflag:s7] =	ssyncset.done $0x0  }
0x29: {  	[sflag:s7] =	ssyncadd.s32 $0xFFFFFF80  }
0x2a: {  	[tilespmem:s8], [sflag:$0x1] =	stream.indirect.gather [hbm4b:s3+s8], $0x80, s2, s8, $0xb8;
	[tilespmem:$0x4080] =	vst v63  }
0x2b: {  	s10 =	sadd.s32 $0x1, s10;
	_ =	swait.ge [sflag:s9], $0x4000  }
0x2c: {  	p0 =	sne.s32 s10, s4;
	[sflag:s9] =	ssyncset.done $0x0  }
.Ltmp1:
0x2d: {  	[sflag:s9] =	ssyncadd.s32 $0xFFFFC000;
	(pc) =	sbr.rel @p0 .LBB2_1-.Ltmp1, $4  }
0x2e: {  	[hbm4b:s11+s2] =	stream.linear.scatter [tilespmem:s8], [sflag:$0x2], $0x4000, $0x38;
	[tilespmem:$0x4080] =	vst v63  }
0x2f: {  	_ =	swait.ge [sflag:s7], $0x4000  }
0x30: {  	[sflag:s7] =	ssyncset.done $0x0  }
0x31: {  	[sflag:s7] =	ssyncadd.s32 $0xFFFFC000  }
0x32: {  	_ =	sfence.sel $0x180000  }
0x33: {  	[bflag:$0x0] =	sbarrier.arrive $0xFFFF  }
0x34: {  	p0 =	sne.s32 s1, $0x0;
	_ =	strace $0x90000068  }
0x35: {  	s0 =	sadd.s32 @!p0 $0x100000, s0;
	[bflag:$0x2] =	sbarrier.arrive $0xFFFF  }
0x36: {  	[sflag:s0] =	ssyncadd.tile.s32 @!p0 $0x1;
	_ =	shalt  }
.Lfunc_end2:
_tile_overlayer_lowered:
.L_overlay_start_2:
0x37: {  	(tag) =	ssettag $0x2  }
0x38: {  	s0 =	rddreg [dreg:$0x0];
	s2 =	stileid.u32  }
0x39: {  	s1 =	rddreg [dreg:$0x1];
	p0 =	sne.s32 s2, $0x0  }
0x3a: {  	s3 =	rddreg [dreg:$0x2];
	[bflag:$0x3] =	sbarrier.arrive $0xFFFF;
	s2 =	simm.s32 @!p0 $0x1C02  }
0x3b: {  	[timem:s3], [sflag:s2] =	dma.local @!p0 [hbm:s0], s1  }
0x3c: {  	s0 =	simm.s32 @!p0 $0x2  }
0x3d: {  	_ =	swait.ge @!p0 [sflag:s0], s1  }
0x3e: {  	s1 =	ssub.s32 @!p0 $0x0, s1;
	[sflag:s0] =	ssyncset.done @!p0 $0x0  }
0x3f: {  	[sflag:s0] =	ssyncadd.s32 @!p0 s1  }
0x40: {  	[bflag:$0x3] =	sbarrier.arrive $0xFFFF  }
0x41: {  	_ =	shalt  }

</sc_bundles>
